<compile_context>
chip_gen: v7x
topology: tpu7x:2x2x1
jax: 0.10.2.dev20260603
libtpu: 0.0.44.dev20260713+nightly
codegen_flags: <defaults>
</compile_context>

<pallas_src>
import functools

import jax
import jax.numpy as jnp
from jax import lax
from jax.experimental import pallas as pl
from jax.experimental.pallas import tpu as pltpu
from jax.experimental.pallas import tpu_sc as plsc

N_NODES = 100000
DIM = 416
NOUT = 160
NC = 2
NS = 16
NW = NC * NS
R = 80


def _sqrt16(x):
    i = lax.bitcast_convert_type(x, jnp.int32)
    i = jnp.int32(0x5F3759DF) - lax.shift_right_arithmetic(i, 1)
    y = lax.bitcast_convert_type(i, jnp.float32)
    xh = x * jnp.float32(0.5)
    y = y * (jnp.float32(1.5) - xh * y * y)
    return x * y


def _make_norm_kernel(n_rows, row0):
    nchunk = n_rows // R
    chunk0 = row0 // R
    niter = -(-nchunk // NW)
    assert n_rows % R == 0 and row0 % R == 0 and niter >= 2
    mesh = plsc.VectorSubcoreMesh(core_axis_name="c", subcore_axis_name="s")

    @functools.partial(
        pl.kernel,
        mesh=mesh,
        out_type=jax.ShapeDtypeStruct((n_rows, NOUT), jnp.float32),
        compiler_params=pltpu.CompilerParams(needs_layout_passes=False),
        scratch_types=[
            pltpu.VMEM((R, DIM), jnp.float32),
            pltpu.VMEM((R, DIM), jnp.float32),
            pltpu.VMEM((R, NOUT), jnp.float32),
            pltpu.VMEM((R, NOUT), jnp.float32),
            pltpu.SemaphoreType.DMA,
            pltpu.SemaphoreType.DMA,
            pltpu.SemaphoreType.DMA,
            pltpu.SemaphoreType.DMA,
        ],
    )
    def norm_kernel(feat_hbm, out_hbm, in_a, in_b, out_a, out_b,
                    in_sem_a, in_sem_b, out_sem_a, out_sem_b):
        wid = lax.axis_index("s") * NC + lax.axis_index("c")
        lanes = lax.iota(jnp.int32, 16)
        l3 = [lanes * jnp.int32(3) + jnp.int32(k) for k in range(3)]
        l5 = [lanes * jnp.int32(5) + jnp.int32(k) for k in range(5)]

        def chunk_of(i):
            return jnp.minimum(i * NW + wid, nchunk - 1)

        def start_in(buf, sem, i):
            r0 = (chunk0 + chunk_of(i)) * R
            pltpu.async_copy(feat_hbm.at[pl.ds(r0, R), :], buf, sem)

        def wait_in(buf, sem):
            pltpu.make_async_copy(feat_hbm.at[pl.ds(0, R), :], buf, sem).wait()

        def start_out(buf, sem, i):
            r0 = chunk_of(i) * R
            pltpu.async_copy(buf, out_hbm.at[pl.ds(r0, R), :], sem)

        def wait_out(buf, sem):
            pltpu.make_async_copy(buf, out_hbm.at[pl.ds(0, R), :], sem).wait()

        g3 = [[l3[k] + jnp.int32(64 + 48 * j) for k in range(3)]
              for j in range(4)]
        g5 = [[l5[k] + jnp.int32(256 + 80 * j) for k in range(5)]
              for j in range(2)]

        def compute(in_v, out_v):
            @plsc.parallel_loop(0, R, unroll=4)
            def row_body(r):
                splat_r = lanes * jnp.int32(0) + r
                for j in range(4):
                    v = in_v[r, pl.ds(j * 16, 16)]
                    out_v[r, pl.ds(j * 16, 16)] = lax.abs(v)
                for j in range(4):
                    g = [plsc.load_gather(in_v, [splat_r, g3[j][k]])
                         for k in range(3)]
                    acc = (g[0] * g[0] + g[1] * g[1]) + g[2] * g[2]
                    out_v[r, pl.ds(64 + j * 16, 16)] = _sqrt16(acc)
                for j in range(2):
                    g = [plsc.load_gather(in_v, [splat_r, g5[j][k]])
                         for k in range(5)]
                    acc = ((g[0] * g[0] + g[1] * g[1])
                           + (g[2] * g[2] + g[3] * g[3])) + g[4] * g[4]
                    out_v[r, pl.ds(128 + j * 16, 16)] = _sqrt16(acc)

        start_in(in_a, in_sem_a, 0)
        start_in(in_b, in_sem_b, 1)
        wait_in(in_a, in_sem_a)
        compute(in_a, out_a)
        start_out(out_a, out_sem_a, 0)
        start_in(in_a, in_sem_a, 2)
        wait_in(in_b, in_sem_b)
        compute(in_b, out_b)
        start_out(out_b, out_sem_b, 1)

        def chunk_pair(h, carry):
            i0 = h * 2
            start_in(in_b, in_sem_b, i0 + 1)
            wait_in(in_a, in_sem_a)
            wait_out(out_a, out_sem_a)
            compute(in_a, out_a)
            start_out(out_a, out_sem_a, i0)
            start_in(in_a, in_sem_a, i0 + 2)
            wait_in(in_b, in_sem_b)
            wait_out(out_b, out_sem_b)
            compute(in_b, out_b)
            start_out(out_b, out_sem_b, i0 + 1)
            return carry

        if niter % 2:
            lax.fori_loop(1, (niter - 1) // 2, chunk_pair, 0)
            wait_in(in_a, in_sem_a)
            wait_out(out_a, out_sem_a)
            compute(in_a, out_a)
            start_out(out_a, out_sem_a, niter - 1)
        else:
            lax.fori_loop(1, niter // 2, chunk_pair, 0)
            wait_in(in_a, in_sem_a)
        wait_out(out_a, out_sem_a)
        wait_out(out_b, out_sem_b)

    return norm_kernel


_norm_kernel = _make_norm_kernel(N_NODES, 0)


def kernel(features):
    return _norm_kernel(features)

# --- scband reference (transcript-rebuilt; emitter-appended) ---
"""Pipeline reference for scband-norm-19585050869974 (READ-ONLY COPY).

The authoritative reference and input builder live on the scoring server;
editing this copy changes nothing except your own understanding.
"""

import jax, jax.numpy as jnp
import numpy as np

# irreps_in = 64x0e + 64x1o + 32x2e
IRREPS = [(64, 1), (64, 3), (32, 5)]  # (mul, ir.dim)
DIM = sum(m * d for m, d in IRREPS)           # 416
NUM_IRREPS = sum(m for m, _ in IRREPS)        # 160
# segment id for each channel of the flattened irrep vector (equivalent to CSR indptr)
SEG_IDS = np.repeat(np.arange(NUM_IRREPS), np.concatenate([np.full(m, d, dtype=np.int64) for m, d in IRREPS]))

N_NODES = 100000

def setup_inputs(seed: int = 0) -> dict:
    key = jax.random.key(seed)
    features = jax.random.normal(key, (N_NODES, DIM), dtype=jnp.float32)
    return {"features": features}

def reference(features):
    # Norm of each irrep in a direct sum of irreps.
    size = features.shape[:-1]
    outsize = size + (NUM_IRREPS,)
    x = features.reshape(-1, DIM)
    xsq = jnp.square(x)
    # segment_sum_csr over the last (channel) axis -> segment_sum over transposed rows
    seg = jnp.asarray(SEG_IDS)
    sums = jax.ops.segment_sum(xsq.T, seg, num_segments=NUM_IRREPS).T
    out = jnp.sqrt(sums)
    return out.reshape(outsize)

if __name__ == "__main__":
    import jax
    _d = setup_inputs()
    print(jax.jit(kernel)(*tuple(_d.values())))

</pallas_src>

<mosaic_0001>
#map = affine_map<(d0, d1) -> (0, 0)>
module attributes {stable_mosaic.version = 14 : i64} {
  func.func @norm_kernel(%arg0: i32, %arg1: i32, %arg2: memref<100000x416xf32, #tpu.memory_space<hbm>>, %arg3: memref<100000x160xf32, #tpu.memory_space<hbm>>, %arg4: memref<80x416xf32, #tpu.memory_space<vmem>>, %arg5: memref<80x416xf32, #tpu.memory_space<vmem>>, %arg6: memref<80x160xf32, #tpu.memory_space<vmem>>, %arg7: memref<80x160xf32, #tpu.memory_space<vmem>>, %arg8: memref<!tpu.dma_semaphore, #tpu.memory_space<semaphore_mem>>, %arg9: memref<!tpu.dma_semaphore, #tpu.memory_space<semaphore_mem>>, %arg10: memref<!tpu.dma_semaphore, #tpu.memory_space<semaphore_mem>>, %arg11: memref<!tpu.dma_semaphore, #tpu.memory_space<semaphore_mem>>) attributes {dimension_semantics = [#tpu.dimension_semantics<core_parallel>, #tpu.dimension_semantics<subcore_parallel>], iteration_bounds = array<i64: 2, 16>, scalar_prefetch = 0 : i64, scratch_operands = 8 : i64, tpu.core_type = #tpu.core_type<sc_vector_subcore>, window_params = [{transform_indices = #map}, {transform_indices = #map}]} {
    %mul3A = arith.constant 2 : i32
    %mul3A_0 = arith.muli %arg1, %mul3A : i32
    %add3A = arith.addi %mul3A_0, %arg0 : i32
    %iota3A = tpu.iota {dimensions = array<i32: 0>} : vector<16xi32>
    %mul3A_1 = arith.constant 3 : i32
    %mul3A_2 = vector.broadcast %mul3A_1 : i32 to vector<16xi32>
    %mul3A_3 = arith.muli %iota3A, %mul3A_2 : vector<16xi32>
    %add3A_4 = arith.constant 0 : i32
    %add3A_5 = vector.broadcast %add3A_4 : i32 to vector<16xi32>
    %add3A_6 = arith.addi %mul3A_3, %add3A_5 : vector<16xi32>
    %mul3A_7 = arith.constant 3 : i32
    %mul3A_8 = vector.broadcast %mul3A_7 : i32 to vector<16xi32>
    %mul3A_9 = arith.muli %iota3A, %mul3A_8 : vector<16xi32>
    %add3A_10 = arith.constant 1 : i32
    %add3A_11 = vector.broadcast %add3A_10 : i32 to vector<16xi32>
    %add3A_12 = arith.addi %mul3A_9, %add3A_11 : vector<16xi32>
    %mul3A_13 = arith.constant 3 : i32
    %mul3A_14 = vector.broadcast %mul3A_13 : i32 to vector<16xi32>
    %mul3A_15 = arith.muli %iota3A, %mul3A_14 : vector<16xi32>
    %add3A_16 = arith.constant 2 : i32
    %add3A_17 = vector.broadcast %add3A_16 : i32 to vector<16xi32>
    %add3A_18 = arith.addi %mul3A_15, %add3A_17 : vector<16xi32>
    %mul3A_19 = arith.constant 5 : i32
    %mul3A_20 = vector.broadcast %mul3A_19 : i32 to vector<16xi32>
    %mul3A_21 = arith.muli %iota3A, %mul3A_20 : vector<16xi32>
    %add3A_22 = arith.constant 0 : i32
    %add3A_23 = vector.broadcast %add3A_22 : i32 to vector<16xi32>
    %add3A_24 = arith.addi %mul3A_21, %add3A_23 : vector<16xi32>
    %mul3A_25 = arith.constant 5 : i32
    %mul3A_26 = vector.broadcast %mul3A_25 : i32 to vector<16xi32>
    %mul3A_27 = arith.muli %iota3A, %mul3A_26 : vector<16xi32>
    %add3A_28 = arith.constant 1 : i32
    %add3A_29 = vector.broadcast %add3A_28 : i32 to vector<16xi32>
    %add3A_30 = arith.addi %mul3A_27, %add3A_29 : vector<16xi32>
    %mul3A_31 = arith.constant 5 : i32
    %mul3A_32 = vector.broadcast %mul3A_31 : i32 to vector<16xi32>
    %mul3A_33 = arith.muli %iota3A, %mul3A_32 : vector<16xi32>
    %add3A_34 = arith.constant 2 : i32
    %add3A_35 = vector.broadcast %add3A_34 : i32 to vector<16xi32>
    %add3A_36 = arith.addi %mul3A_33, %add3A_35 : vector<16xi32>
    %mul3A_37 = arith.constant 5 : i32
    %mul3A_38 = vector.broadcast %mul3A_37 : i32 to vector<16xi32>
    %mul3A_39 = arith.muli %iota3A, %mul3A_38 : vector<16xi32>
    %add3A_40 = arith.constant 3 : i32
    %add3A_41 = vector.broadcast %add3A_40 : i32 to vector<16xi32>
    %add3A_42 = arith.addi %mul3A_39, %add3A_41 : vector<16xi32>
    %mul3A_43 = arith.constant 5 : i32
    %mul3A_44 = vector.broadcast %mul3A_43 : i32 to vector<16xi32>
    %mul3A_45 = arith.muli %iota3A, %mul3A_44 : vector<16xi32>
    %add3A_46 = arith.constant 4 : i32
    %add3A_47 = vector.broadcast %add3A_46 : i32 to vector<16xi32>
    %add3A_48 = arith.addi %mul3A_45, %add3A_47 : vector<16xi32>
    %add3A_49 = arith.constant 64 : i32
    %add3A_50 = vector.broadcast %add3A_49 : i32 to vector<16xi32>
    %add3A_51 = arith.addi %add3A_6, %add3A_50 : vector<16xi32>
    %add3A_52 = arith.constant 64 : i32
    %add3A_53 = vector.broadcast %add3A_52 : i32 to vector<16xi32>
    %add3A_54 = arith.addi %add3A_12, %add3A_53 : vector<16xi32>
    %add3A_55 = arith.constant 64 : i32
    %add3A_56 = vector.broadcast %add3A_55 : i32 to vector<16xi32>
    %add3A_57 = arith.addi %add3A_18, %add3A_56 : vector<16xi32>
    %add3A_58 = arith.constant 112 : i32
    %add3A_59 = vector.broadcast %add3A_58 : i32 to vector<16xi32>
    %add3A_60 = arith.addi %add3A_6, %add3A_59 : vector<16xi32>
    %add3A_61 = arith.constant 112 : i32
    %add3A_62 = vector.broadcast %add3A_61 : i32 to vector<16xi32>
    %add3A_63 = arith.addi %add3A_12, %add3A_62 : vector<16xi32>
    %add3A_64 = arith.constant 112 : i32
    %add3A_65 = vector.broadcast %add3A_64 : i32 to vector<16xi32>
    %add3A_66 = arith.addi %add3A_18, %add3A_65 : vector<16xi32>
    %add3A_67 = arith.constant 160 : i32
    %add3A_68 = vector.broadcast %add3A_67 : i32 to vector<16xi32>
    %add3A_69 = arith.addi %add3A_6, %add3A_68 : vector<16xi32>
    %add3A_70 = arith.constant 160 : i32
    %add3A_71 = vector.broadcast %add3A_70 : i32 to vector<16xi32>
    %add3A_72 = arith.addi %add3A_12, %add3A_71 : vector<16xi32>
    %add3A_73 = arith.constant 160 : i32
    %add3A_74 = vector.broadcast %add3A_73 : i32 to vector<16xi32>
    %add3A_75 = arith.addi %add3A_18, %add3A_74 : vector<16xi32>
    %add3A_76 = arith.constant 208 : i32
    %add3A_77 = vector.broadcast %add3A_76 : i32 to vector<16xi32>
    %add3A_78 = arith.addi %add3A_6, %add3A_77 : vector<16xi32>
    %add3A_79 = arith.constant 208 : i32
    %add3A_80 = vector.broadcast %add3A_79 : i32 to vector<16xi32>
    %add3A_81 = arith.addi %add3A_12, %add3A_80 : vector<16xi32>
    %add3A_82 = arith.constant 208 : i32
    %add3A_83 = vector.broadcast %add3A_82 : i32 to vector<16xi32>
    %add3A_84 = arith.addi %add3A_18, %add3A_83 : vector<16xi32>
    %add3A_85 = arith.constant 256 : i32
    %add3A_86 = vector.broadcast %add3A_85 : i32 to vector<16xi32>
    %add3A_87 = arith.addi %add3A_24, %add3A_86 : vector<16xi32>
    %add3A_88 = arith.constant 256 : i32
    %add3A_89 = vector.broadcast %add3A_88 : i32 to vector<16xi32>
    %add3A_90 = arith.addi %add3A_30, %add3A_89 : vector<16xi32>
    %add3A_91 = arith.constant 256 : i32
    %add3A_92 = vector.broadcast %add3A_91 : i32 to vector<16xi32>
    %add3A_93 = arith.addi %add3A_36, %add3A_92 : vector<16xi32>
    %add3A_94 = arith.constant 256 : i32
    %add3A_95 = vector.broadcast %add3A_94 : i32 to vector<16xi32>
    %add3A_96 = arith.addi %add3A_42, %add3A_95 : vector<16xi32>
    %add3A_97 = arith.constant 256 : i32
    %add3A_98 = vector.broadcast %add3A_97 : i32 to vector<16xi32>
    %add3A_99 = arith.addi %add3A_48, %add3A_98 : vector<16xi32>
    %add3A_100 = arith.constant 336 : i32
    %add3A_101 = vector.broadcast %add3A_100 : i32 to vector<16xi32>
    %add3A_102 = arith.addi %add3A_24, %add3A_101 : vector<16xi32>
    %add3A_103 = arith.constant 336 : i32
    %add3A_104 = vector.broadcast %add3A_103 : i32 to vector<16xi32>
    %add3A_105 = arith.addi %add3A_30, %add3A_104 : vector<16xi32>
    %add3A_106 = arith.constant 336 : i32
    %add3A_107 = vector.broadcast %add3A_106 : i32 to vector<16xi32>
    %add3A_108 = arith.addi %add3A_36, %add3A_107 : vector<16xi32>
    %add3A_109 = arith.constant 336 : i32
    %add3A_110 = vector.broadcast %add3A_109 : i32 to vector<16xi32>
    %add3A_111 = arith.addi %add3A_42, %add3A_110 : vector<16xi32>
    %add3A_112 = arith.constant 336 : i32
    %add3A_113 = vector.broadcast %add3A_112 : i32 to vector<16xi32>
    %add3A_114 = arith.addi %add3A_48, %add3A_113 : vector<16xi32>
    %add3A_115 = arith.constant 0 : i32
    %add3A_116 = arith.addi %add3A_115, %add3A : i32
    %min3A = arith.constant 1249 : i32
    %min3A_117 = arith.minsi %add3A_116, %min3A : i32
    %add3A_118 = arith.constant 0 : i32
    %add3A_119 = arith.addi %add3A_118, %min3A_117 : i32
    %mul3A_120 = arith.constant 80 : i32
    %mul3A_121 = arith.muli %add3A_119, %mul3A_120 : i32
    %dma_start3A = arith.constant 0 : i32
    %dma_start3A_122 = tpu.memref_slice %arg2[%mul3A_121, %dma_start3A] : memref<100000x416xf32, #tpu.memory_space<hbm>> -> memref<80x416xf32, #tpu.memory_space<hbm>>
    %dma_start3A_123 = arith.constant 0 : i32
    %dma_start3A_124 = tpu.memref_slice %arg2[%mul3A_121, %dma_start3A_123] : memref<100000x416xf32, #tpu.memory_space<hbm>> -> memref<80x416xf32, #tpu.memory_space<hbm>>
    tpu.enqueue_dma source(%dma_start3A_124 : memref<80x416xf32, #tpu.memory_space<hbm>>) target(%arg4 : memref<80x416xf32, #tpu.memory_space<vmem>>) target_semaphore(%arg8 : memref<!tpu.dma_semaphore, #tpu.memory_space<semaphore_mem>>)
    %add3A_125 = arith.constant 32 : i32
    %add3A_126 = arith.addi %add3A_125, %add3A : i32
    %min3A_127 = arith.constant 1249 : i32
    %min3A_128 = arith.minsi %add3A_126, %min3A_127 : i32
    %add3A_129 = arith.constant 0 : i32
    %add3A_130 = arith.addi %add3A_129, %min3A_128 : i32
    %mul3A_131 = arith.constant 80 : i32
    %mul3A_132 = arith.muli %add3A_130, %mul3A_131 : i32
    %dma_start3A_133 = arith.constant 0 : i32
    %dma_start3A_134 = tpu.memref_slice %arg2[%mul3A_132, %dma_start3A_133] : memref<100000x416xf32, #tpu.memory_space<hbm>> -> memref<80x416xf32, #tpu.memory_space<hbm>>
    %dma_start3A_135 = arith.constant 0 : i32
    %dma_start3A_136 = tpu.memref_slice %arg2[%mul3A_132, %dma_start3A_135] : memref<100000x416xf32, #tpu.memory_space<hbm>> -> memref<80x416xf32, #tpu.memory_space<hbm>>
    tpu.enqueue_dma source(%dma_start3A_136 : memref<80x416xf32, #tpu.memory_space<hbm>>) target(%arg5 : memref<80x416xf32, #tpu.memory_space<vmem>>) target_semaphore(%arg9 : memref<!tpu.dma_semaphore, #tpu.memory_space<semaphore_mem>>)
    %dma_wait3A = arith.constant 0 : i32
    %dma_wait3A_137 = arith.constant 0 : i32
    %dma_wait3A_138 = tpu.memref_slice %arg2[%dma_wait3A, %dma_wait3A_137] : memref<100000x416xf32, #tpu.memory_space<hbm>> -> memref<80x416xf32, #tpu.memory_space<hbm>>
    %dma_wait3A_139 = arith.constant 0 : i32
    %dma_wait3A_140 = arith.constant 0 : i32
    %dma_wait3A_141 = tpu.memref_slice %arg2[%dma_wait3A_139, %dma_wait3A_140] : memref<100000x416xf32, #tpu.memory_space<hbm>> -> memref<80x416xf32, #tpu.memory_space<hbm>>
    tpu.wait_dma2 semaphore(%arg8 : memref<!tpu.dma_semaphore, #tpu.memory_space<semaphore_mem>>) src(%dma_wait3A_141 : memref<80x416xf32, #tpu.memory_space<hbm>>) dst(%arg4 : memref<80x416xf32, #tpu.memory_space<vmem>>)
    %parallel_loop3A = arith.constant 0 : i32
    %parallel_loop3A_142 = arith.constant 80 : i32
    %parallel_loop3A_143 = arith.constant 1 : i32
    scf.for %parallel_loop3A_208 = %parallel_loop3A to %parallel_loop3A_142 step %parallel_loop3A_143  : i32 {
      %parallel_loop3A_209 = arith.constant 0 : i32
      %parallel_loop3A_210 = vector.broadcast %parallel_loop3A_209 : i32 to vector<16xi32>
      %parallel_loop3A_211 = arith.muli %iota3A, %parallel_loop3A_210 : vector<16xi32>
      %parallel_loop3A_212 = vector.broadcast %parallel_loop3A_208 : i32 to vector<16xi32>
      %parallel_loop3A_213 = arith.addi %parallel_loop3A_211, %parallel_loop3A_212 : vector<16xi32>
      %parallel_loop3A_214 = arith.index_cast %parallel_loop3A_208 : i32 to index
      %parallel_loop3A_215 = arith.constant 0 : index
      %parallel_loop3A_216 = tpu.vector_load %arg4[%parallel_loop3A_214, %parallel_loop3A_215] {strides = array<i32>} : memref<80x416xf32, #tpu.memory_space<vmem>>, vector<16xf32>,
      %parallel_loop3A_217 = math.absf %parallel_loop3A_216 : vector<16xf32>
      %parallel_loop3A_218 = arith.index_cast %parallel_loop3A_208 : i32 to index
      %parallel_loop3A_219 = arith.constant 0 : index
      %parallel_loop3A_220 = tpu.vector_load %arg6[%parallel_loop3A_218, %parallel_loop3A_219] {strides = array<i32>} : memref<80x160xf32, #tpu.memory_space<vmem>>, vector<16xf32>,
      tpu.vector_store %arg6[%parallel_loop3A_218, %parallel_loop3A_219], %parallel_loop3A_217 {strides = array<i32>} : memref<80x160xf32, #tpu.memory_space<vmem>>, vector<16xf32>,
      %parallel_loop3A_221 = arith.index_cast %parallel_loop3A_208 : i32 to index
      %parallel_loop3A_222 = arith.constant 16 : index
      %parallel_loop3A_223 = tpu.vector_load %arg4[%parallel_loop3A_221, %parallel_loop3A_222] {strides = array<i32>} : memref<80x416xf32, #tpu.memory_space<vmem>>, vector<16xf32>,
      %parallel_loop3A_224 = math.absf %parallel_loop3A_223 : vector<16xf32>
      %parallel_loop3A_225 = arith.index_cast %parallel_loop3A_208 : i32 to index
      %parallel_loop3A_226 = arith.constant 16 : index
      %parallel_loop3A_227 = tpu.vector_load %arg6[%parallel_loop3A_225, %parallel_loop3A_226] {strides = array<i32>} : memref<80x160xf32, #tpu.memory_space<vmem>>, vector<16xf32>,
      tpu.vector_store %arg6[%parallel_loop3A_225, %parallel_loop3A_226], %parallel_loop3A_224 {strides = array<i32>} : memref<80x160xf32, #tpu.memory_space<vmem>>, vector<16xf32>,
      %parallel_loop3A_228 = arith.index_cast %parallel_loop3A_208 : i32 to index
      %parallel_loop3A_229 = arith.constant 32 : index
      %parallel_loop3A_230 = tpu.vector_load %arg4[%parallel_loop3A_228, %parallel_loop3A_229] {strides = array<i32>} : memref<80x416xf32, #tpu.memory_space<vmem>>, vector<16xf32>,
      %parallel_loop3A_231 = math.absf %parallel_loop3A_230 : vector<16xf32>
      %parallel_loop3A_232 = arith.index_cast %parallel_loop3A_208 : i32 to index
      %parallel_loop3A_233 = arith.constant 32 : index
      %parallel_loop3A_234 = tpu.vector_load %arg6[%parallel_loop3A_232, %parallel_loop3A_233] {strides = array<i32>} : memref<80x160xf32, #tpu.memory_space<vmem>>, vector<16xf32>,
      tpu.vector_store %arg6[%parallel_loop3A_232, %parallel_loop3A_233], %parallel_loop3A_231 {strides = array<i32>} : memref<80x160xf32, #tpu.memory_space<vmem>>, vector<16xf32>,
      %parallel_loop3A_235 = arith.index_cast %parallel_loop3A_208 : i32 to index
      %parallel_loop3A_236 = arith.constant 48 : index
      %parallel_loop3A_237 = tpu.vector_load %arg4[%parallel_loop3A_235, %parallel_loop3A_236] {strides = array<i32>} : memref<80x416xf32, #tpu.memory_space<vmem>>, vector<16xf32>,
      %parallel_loop3A_238 = math.absf %parallel_loop3A_237 : vector<16xf32>
      %parallel_loop3A_239 = arith.index_cast %parallel_loop3A_208 : i32 to index
      %parallel_loop3A_240 = arith.constant 48 : index
      %parallel_loop3A_241 = tpu.vector_load %arg6[%parallel_loop3A_239, %parallel_loop3A_240] {strides = array<i32>} : memref<80x160xf32, #tpu.memory_space<vmem>>, vector<16xf32>,
      tpu.vector_store %arg6[%parallel_loop3A_239, %parallel_loop3A_240], %parallel_loop3A_238 {strides = array<i32>} : memref<80x160xf32, #tpu.memory_space<vmem>>, vector<16xf32>,
      %parallel_loop3A_242 = tpu.vector_load_idx %arg4[%parallel_loop3A_213, %add3A_51] : memref<80x416xf32, #tpu.memory_space<vmem>>[vector<16xi32>, vector<16xi32>], vector<16xf32>,
      %parallel_loop3A_243 = tpu.vector_load_idx %arg4[%parallel_loop3A_213, %add3A_54] : memref<80x416xf32, #tpu.memory_space<vmem>>[vector<16xi32>, vector<16xi32>], vector<16xf32>,
      %parallel_loop3A_244 = tpu.vector_load_idx %arg4[%parallel_loop3A_213, %add3A_57] : memref<80x416xf32, #tpu.memory_space<vmem>>[vector<16xi32>, vector<16xi32>], vector<16xf32>,
      %parallel_loop3A_245 = arith.mulf %parallel_loop3A_242, %parallel_loop3A_242 : vector<16xf32>
      %parallel_loop3A_246 = arith.mulf %parallel_loop3A_243, %parallel_loop3A_243 : vector<16xf32>
      %parallel_loop3A_247 = arith.addf %parallel_loop3A_245, %parallel_loop3A_246 : vector<16xf32>
      %parallel_loop3A_248 = arith.mulf %parallel_loop3A_244, %parallel_loop3A_244 : vector<16xf32>
      %parallel_loop3A_249 = arith.addf %parallel_loop3A_247, %parallel_loop3A_248 : vector<16xf32>
      %parallel_loop3A_250 = tpu.bitcast %parallel_loop3A_249 : vector<16xf32> -> vector<16xi32>
      %parallel_loop3A_251 = arith.constant 1 : i32
      %parallel_loop3A_252 = vector.broadcast %parallel_loop3A_251 : i32 to vector<16xi32>
      %parallel_loop3A_253 = arith.shrsi %parallel_loop3A_250, %parallel_loop3A_252 : vector<16xi32>
      %parallel_loop3A_254 = arith.constant 1597463007 : i32
      %parallel_loop3A_255 = vector.broadcast %parallel_loop3A_254 : i32 to vector<16xi32>
      %parallel_loop3A_256 = arith.subi %parallel_loop3A_255, %parallel_loop3A_253 : vector<16xi32>
      %parallel_loop3A_257 = tpu.bitcast %parallel_loop3A_256 : vector<16xi32> -> vector<16xf32>
      %parallel_loop3A_258 = arith.constant 5.000000e-01 : f32
      %parallel_loop3A_259 = vector.broadcast %parallel_loop3A_258 : f32 to vector<16xf32>
      %parallel_loop3A_260 = arith.mulf %parallel_loop3A_249, %parallel_loop3A_259 : vector<16xf32>
      %parallel_loop3A_261 = arith.mulf %parallel_loop3A_260, %parallel_loop3A_257 : vector<16xf32>
      %parallel_loop3A_262 = arith.mulf %parallel_loop3A_261, %parallel_loop3A_257 : vector<16xf32>
      %parallel_loop3A_263 = arith.constant 1.500000e+00 : f32
      %parallel_loop3A_264 = vector.broadcast %parallel_loop3A_263 : f32 to vector<16xf32>
      %parallel_loop3A_265 = arith.subf %parallel_loop3A_264, %parallel_loop3A_262 : vector<16xf32>
      %parallel_loop3A_266 = arith.mulf %parallel_loop3A_257, %parallel_loop3A_265 : vector<16xf32>
      %parallel_loop3A_267 = arith.mulf %parallel_loop3A_249, %parallel_loop3A_266 : vector<16xf32>
      %parallel_loop3A_268 = arith.index_cast %parallel_loop3A_208 : i32 to index
      %parallel_loop3A_269 = arith.constant 64 : index
      %parallel_loop3A_270 = tpu.vector_load %arg6[%parallel_loop3A_268, %parallel_loop3A_269] {strides = array<i32>} : memref<80x160xf32, #tpu.memory_space<vmem>>, vector<16xf32>,
      tpu.vector_store %arg6[%parallel_loop3A_268, %parallel_loop3A_269], %parallel_loop3A_267 {strides = array<i32>} : memref<80x160xf32, #tpu.memory_space<vmem>>, vector<16xf32>,
      %parallel_loop3A_271 = tpu.vector_load_idx %arg4[%parallel_loop3A_213, %add3A_60] : memref<80x416xf32, #tpu.memory_space<vmem>>[vector<16xi32>, vector<16xi32>], vector<16xf32>,
      %parallel_loop3A_272 = tpu.vector_load_idx %arg4[%parallel_loop3A_213, %add3A_63] : memref<80x416xf32, #tpu.memory_space<vmem>>[vector<16xi32>, vector<16xi32>], vector<16xf32>,
      %parallel_loop3A_273 = tpu.vector_load_idx %arg4[%parallel_loop3A_213, %add3A_66] : memref<80x416xf32, #tpu.memory_space<vmem>>[vector<16xi32>, vector<16xi32>], vector<16xf32>,
      %parallel_loop3A_274 = arith.mulf %parallel_loop3A_271, %parallel_loop3A_271 : vector<16xf32>
      %parallel_loop3A_275 = arith.mulf %parallel_loop3A_272, %parallel_loop3A_272 : vector<16xf32>
      %parallel_loop3A_276 = arith.addf %parallel_loop3A_274, %parallel_loop3A_275 : vector<16xf32>
      %parallel_loop3A_277 = arith.mulf %parallel_loop3A_273, %parallel_loop3A_273 : vector<16xf32>
      %parallel_loop3A_278 = arith.addf %parallel_loop3A_276, %parallel_loop3A_277 : vector<16xf32>
      %parallel_loop3A_279 = tpu.bitcast %parallel_loop3A_278 : vector<16xf32> -> vector<16xi32>
      %parallel_loop3A_280 = arith.constant 1 : i32
      %parallel_loop3A_281 = vector.broadcast %parallel_loop3A_280 : i32 to vector<16xi32>
      %parallel_loop3A_282 = arith.shrsi %parallel_loop3A_279, %parallel_loop3A_281 : vector<16xi32>
      %parallel_loop3A_283 = arith.constant 1597463007 : i32
      %parallel_loop3A_284 = vector.broadcast %parallel_loop3A_283 : i32 to vector<16xi32>
      %parallel_loop3A_285 = arith.subi %parallel_loop3A_284, %parallel_loop3A_282 : vector<16xi32>
      %parallel_loop3A_286 = tpu.bitcast %parallel_loop3A_285 : vector<16xi32> -> vector<16xf32>
      %parallel_loop3A_287 = arith.constant 5.000000e-01 : f32
      %parallel_loop3A_288 = vector.broadcast %parallel_loop3A_287 : f32 to vector<16xf32>
      %parallel_loop3A_289 = arith.mulf %parallel_loop3A_278, %parallel_loop3A_288 : vector<16xf32>
      %parallel_loop3A_290 = arith.mulf %parallel_loop3A_289, %parallel_loop3A_286 : vector<16xf32>
      %parallel_loop3A_291 = arith.mulf %parallel_loop3A_290, %parallel_loop3A_286 : vector<16xf32>
      %parallel_loop3A_292 = arith.constant 1.500000e+00 : f32
      %parallel_loop3A_293 = vector.broadcast %parallel_loop3A_292 : f32 to vector<16xf32>
      %parallel_loop3A_294 = arith.subf %parallel_loop3A_293, %parallel_loop3A_291 : vector<16xf32>
      %parallel_loop3A_295 = arith.mulf %parallel_loop3A_286, %parallel_loop3A_294 : vector<16xf32>
      %parallel_loop3A_296 = arith.mulf %parallel_loop3A_278, %parallel_loop3A_295 : vector<16xf32>
      %parallel_loop3A_297 = arith.index_cast %parallel_loop3A_208 : i32 to index
      %parallel_loop3A_298 = arith.constant 80 : index
      %parallel_loop3A_299 = tpu.vector_load %arg6[%parallel_loop3A_297, %parallel_loop3A_298] {strides = array<i32>} : memref<80x160xf32, #tpu.memory_space<vmem>>, vector<16xf32>,
      tpu.vector_store %arg6[%parallel_loop3A_297, %parallel_loop3A_298], %parallel_loop3A_296 {strides = array<i32>} : memref<80x160xf32, #tpu.memory_space<vmem>>, vector<16xf32>,
      %parallel_loop3A_300 = tpu.vector_load_idx %arg4[%parallel_loop3A_213, %add3A_69] : memref<80x416xf32, #tpu.memory_space<vmem>>[vector<16xi32>, vector<16xi32>], vector<16xf32>,
      %parallel_loop3A_301 = tpu.vector_load_idx %arg4[%parallel_loop3A_213, %add3A_72] : memref<80x416xf32, #tpu.memory_space<vmem>>[vector<16xi32>, vector<16xi32>], vector<16xf32>,
      %parallel_loop3A_302 = tpu.vector_load_idx %arg4[%parallel_loop3A_213, %add3A_75] : memref<80x416xf32, #tpu.memory_space<vmem>>[vector<16xi32>, vector<16xi32>], vector<16xf32>,
      %parallel_loop3A_303 = arith.mulf %parallel_loop3A_300, %parallel_loop3A_300 : vector<16xf32>
      %parallel_loop3A_304 = arith.mulf %parallel_loop3A_301, %parallel_loop3A_301 : vector<16xf32>
      %parallel_loop3A_305 = arith.addf %parallel_loop3A_303, %parallel_loop3A_304 : vector<16xf32>
      %parallel_loop3A_306 = arith.mulf %parallel_loop3A_302, %parallel_loop3A_302 : vector<16xf32>
      %parallel_loop3A_307 = arith.addf %parallel_loop3A_305, %parallel_loop3A_306 : vector<16xf32>
      %parallel_loop3A_308 = tpu.bitcast %parallel_loop3A_307 : vector<16xf32> -> vector<16xi32>
      %parallel_loop3A_309 = arith.constant 1 : i32
      %parallel_loop3A_310 = vector.broadcast %parallel_loop3A_309 : i32 to vector<16xi32>
      %parallel_loop3A_311 = arith.shrsi %parallel_loop3A_308, %parallel_loop3A_310 : vector<16xi32>
      %parallel_loop3A_312 = arith.constant 1597463007 : i32
      %parallel_loop3A_313 = vector.broadcast %parallel_loop3A_312 : i32 to vector<16xi32>
      %parallel_loop3A_314 = arith.subi %parallel_loop3A_313, %parallel_loop3A_311 : vector<16xi32>
      %parallel_loop3A_315 = tpu.bitcast %parallel_loop3A_314 : vector<16xi32> -> vector<16xf32>
      %parallel_loop3A_316 = arith.constant 5.000000e-01 : f32
      %parallel_loop3A_317 = vector.broadcast %parallel_loop3A_316 : f32 to vector<16xf32>
      %parallel_loop3A_318 = arith.mulf %parallel_loop3A_307, %parallel_loop3A_317 : vector<16xf32>
      %parallel_loop3A_319 = arith.mulf %parallel_loop3A_318, %parallel_loop3A_315 : vector<16xf32>
      %parallel_loop3A_320 = arith.mulf %parallel_loop3A_319, %parallel_loop3A_315 : vector<16xf32>
      %parallel_loop3A_321 = arith.constant 1.500000e+00 : f32
      %parallel_loop3A_322 = vector.broadcast %parallel_loop3A_321 : f32 to vector<16xf32>
      %parallel_loop3A_323 = arith.subf %parallel_loop3A_322, %parallel_loop3A_320 : vector<16xf32>
      %parallel_loop3A_324 = arith.mulf %parallel_loop3A_315, %parallel_loop3A_323 : vector<16xf32>
      %parallel_loop3A_325 = arith.mulf %parallel_loop3A_307, %parallel_loop3A_324 : vector<16xf32>
      %parallel_loop3A_326 = arith.index_cast %parallel_loop3A_208 : i32 to index
      %parallel_loop3A_327 = arith.constant 96 : index
      %parallel_loop3A_328 = tpu.vector_load %arg6[%parallel_loop3A_326, %parallel_loop3A_327] {strides = array<i32>} : memref<80x160xf32, #tpu.memory_space<vmem>>, vector<16xf32>,
      tpu.vector_store %arg6[%parallel_loop3A_326, %parallel_loop3A_327], %parallel_loop3A_325 {strides = array<i32>} : memref<80x160xf32, #tpu.memory_space<vmem>>, vector<16xf32>,
      %parallel_loop3A_329 = tpu.vector_load_idx %arg4[%parallel_loop3A_213, %add3A_78] : memref<80x416xf32, #tpu.memory_space<vmem>>[vector<16xi32>, vector<16xi32>], vector<16xf32>,
      %parallel_loop3A_330 = tpu.vector_load_idx %arg4[%parallel_loop3A_213, %add3A_81] : memref<80x416xf32, #tpu.memory_space<vmem>>[vector<16xi32>, vector<16xi32>], vector<16xf32>,
      %parallel_loop3A_331 = tpu.vector_load_idx %arg4[%parallel_loop3A_213, %add3A_84] : memref<80x416xf32, #tpu.memory_space<vmem>>[vector<16xi32>, vector<16xi32>], vector<16xf32>,
      %parallel_loop3A_332 = arith.mulf %parallel_loop3A_329, %parallel_loop3A_329 : vector<16xf32>
      %parallel_loop3A_333 = arith.mulf %parallel_loop3A_330, %parallel_loop3A_330 : vector<16xf32>
      %parallel_loop3A_334 = arith.addf %parallel_loop3A_332, %parallel_loop3A_333 : vector<16xf32>
      %parallel_loop3A_335 = arith.mulf %parallel_loop3A_331, %parallel_loop3A_331 : vector<16xf32>
      %parallel_loop3A_336 = arith.addf %parallel_loop3A_334, %parallel_loop3A_335 : vector<16xf32>
      %parallel_loop3A_337 = tpu.bitcast %parallel_loop3A_336 : vector<16xf32> -> vector<16xi32>
      %parallel_loop3A_338 = arith.constant 1 : i32
      %parallel_loop3A_339 = vector.broadcast %parallel_loop3A_338 : i32 to vector<16xi32>
      %parallel_loop3A_340 = arith.shrsi %parallel_loop3A_337, %parallel_loop3A_339 : vector<16xi32>
      %parallel_loop3A_341 = arith.constant 1597463007 : i32
      %parallel_loop3A_342 = vector.broadcast %parallel_loop3A_341 : i32 to vector<16xi32>
      %parallel_loop3A_343 = arith.subi %parallel_loop3A_342, %parallel_loop3A_340 : vector<16xi32>
      %parallel_loop3A_344 = tpu.bitcast %parallel_loop3A_343 : vector<16xi32> -> vector<16xf32>
      %parallel_loop3A_345 = arith.constant 5.000000e-01 : f32
      %parallel_loop3A_346 = vector.broadcast %parallel_loop3A_345 : f32 to vector<16xf32>
      %parallel_loop3A_347 = arith.mulf %parallel_loop3A_336, %parallel_loop3A_346 : vector<16xf32>
      %parallel_loop3A_348 = arith.mulf %parallel_loop3A_347, %parallel_loop3A_344 : vector<16xf32>
      %parallel_loop3A_349 = arith.mulf %parallel_loop3A_348, %parallel_loop3A_344 : vector<16xf32>
      %parallel_loop3A_350 = arith.constant 1.500000e+00 : f32
      %parallel_loop3A_351 = vector.broadcast %parallel_loop3A_350 : f32 to vector<16xf32>
      %parallel_loop3A_352 = arith.subf %parallel_loop3A_351, %parallel_loop3A_349 : vector<16xf32>
      %parallel_loop3A_353 = arith.mulf %parallel_loop3A_344, %parallel_loop3A_352 : vector<16xf32>
      %parallel_loop3A_354 = arith.mulf %parallel_loop3A_336, %parallel_loop3A_353 : vector<16xf32>
      %parallel_loop3A_355 = arith.index_cast %parallel_loop3A_208 : i32 to index
      %parallel_loop3A_356 = arith.constant 112 : index
      %parallel_loop3A_357 = tpu.vector_load %arg6[%parallel_loop3A_355, %parallel_loop3A_356] {strides = array<i32>} : memref<80x160xf32, #tpu.memory_space<vmem>>, vector<16xf32>,
      tpu.vector_store %arg6[%parallel_loop3A_355, %parallel_loop3A_356], %parallel_loop3A_354 {strides = array<i32>} : memref<80x160xf32, #tpu.memory_space<vmem>>, vector<16xf32>,
      %parallel_loop3A_358 = tpu.vector_load_idx %arg4[%parallel_loop3A_213, %add3A_87] : memref<80x416xf32, #tpu.memory_space<vmem>>[vector<16xi32>, vector<16xi32>], vector<16xf32>,
      %parallel_loop3A_359 = tpu.vector_load_idx %arg4[%parallel_loop3A_213, %add3A_90] : memref<80x416xf32, #tpu.memory_space<vmem>>[vector<16xi32>, vector<16xi32>], vector<16xf32>,
      %parallel_loop3A_360 = tpu.vector_load_idx %arg4[%parallel_loop3A_213, %add3A_93] : memref<80x416xf32, #tpu.memory_space<vmem>>[vector<16xi32>, vector<16xi32>], vector<16xf32>,
      %parallel_loop3A_361 = tpu.vector_load_idx %arg4[%parallel_loop3A_213, %add3A_96] : memref<80x416xf32, #tpu.memory_space<vmem>>[vector<16xi32>, vector<16xi32>], vector<16xf32>,
      %parallel_loop3A_362 = tpu.vector_load_idx %arg4[%parallel_loop3A_213, %add3A_99] : memref<80x416xf32, #tpu.memory_space<vmem>>[vector<16xi32>, vector<16xi32>], vector<16xf32>,
      %parallel_loop3A_363 = arith.mulf %parallel_loop3A_358, %parallel_loop3A_358 : vector<16xf32>
      %parallel_loop3A_364 = arith.mulf %parallel_loop3A_359, %parallel_loop3A_359 : vector<16xf32>
      %parallel_loop3A_365 = arith.addf %parallel_loop3A_363, %parallel_loop3A_364 : vector<16xf32>
      %parallel_loop3A_366 = arith.mulf %parallel_loop3A_360, %parallel_loop3A_360 : vector<16xf32>
      %parallel_loop3A_367 = arith.mulf %parallel_loop3A_361, %parallel_loop3A_361 : vector<16xf32>
      %parallel_loop3A_368 = arith.addf %parallel_loop3A_366, %parallel_loop3A_367 : vector<16xf32>
      %parallel_loop3A_369 = arith.addf %parallel_loop3A_365, %parallel_loop3A_368 : vector<16xf32>
      %parallel_loop3A_370 = arith.mulf %parallel_loop3A_362, %parallel_loop3A_362 : vector<16xf32>
      %parallel_loop3A_371 = arith.addf %parallel_loop3A_369, %parallel_loop3A_370 : vector<16xf32>
      %parallel_loop3A_372 = tpu.bitcast %parallel_loop3A_371 : vector<16xf32> -> vector<16xi32>
      %parallel_loop3A_373 = arith.constant 1 : i32
      %parallel_loop3A_374 = vector.broadcast %parallel_loop3A_373 : i32 to vector<16xi32>
      %parallel_loop3A_375 = arith.shrsi %parallel_loop3A_372, %parallel_loop3A_374 : vector<16xi32>
      %parallel_loop3A_376 = arith.constant 1597463007 : i32
      %parallel_loop3A_377 = vector.broadcast %parallel_loop3A_376 : i32 to vector<16xi32>
      %parallel_loop3A_378 = arith.subi %parallel_loop3A_377, %parallel_loop3A_375 : vector<16xi32>
      %parallel_loop3A_379 = tpu.bitcast %parallel_loop3A_378 : vector<16xi32> -> vector<16xf32>
      %parallel_loop3A_380 = arith.constant 5.000000e-01 : f32
      %parallel_loop3A_381 = vector.broadcast %parallel_loop3A_380 : f32 to vector<16xf32>
      %parallel_loop3A_382 = arith.mulf %parallel_loop3A_371, %parallel_loop3A_381 : vector<16xf32>
      %parallel_loop3A_383 = arith.mulf %parallel_loop3A_382, %parallel_loop3A_379 : vector<16xf32>
      %parallel_loop3A_384 = arith.mulf %parallel_loop3A_383, %parallel_loop3A_379 : vector<16xf32>
      %parallel_loop3A_385 = arith.constant 1.500000e+00 : f32
      %parallel_loop3A_386 = vector.broadcast %parallel_loop3A_385 : f32 to vector<16xf32>
      %parallel_loop3A_387 = arith.subf %parallel_loop3A_386, %parallel_loop3A_384 : vector<16xf32>
      %parallel_loop3A_388 = arith.mulf %parallel_loop3A_379, %parallel_loop3A_387 : vector<16xf32>
      %parallel_loop3A_389 = arith.mulf %parallel_loop3A_371, %parallel_loop3A_388 : vector<16xf32>
      %parallel_loop3A_390 = arith.index_cast %parallel_loop3A_208 : i32 to index
      %parallel_loop3A_391 = arith.constant 128 : index
      %parallel_loop3A_392 = tpu.vector_load %arg6[%parallel_loop3A_390, %parallel_loop3A_391] {strides = array<i32>} : memref<80x160xf32, #tpu.memory_space<vmem>>, vector<16xf32>,
      tpu.vector_store %arg6[%parallel_loop3A_390, %parallel_loop3A_391], %parallel_loop3A_389 {strides = array<i32>} : memref<80x160xf32, #tpu.memory_space<vmem>>, vector<16xf32>,
      %parallel_loop3A_393 = tpu.vector_load_idx %arg4[%parallel_loop3A_213, %add3A_102] : memref<80x416xf32, #tpu.memory_space<vmem>>[vector<16xi32>, vector<16xi32>], vector<16xf32>,
      %parallel_loop3A_394 = tpu.vector_load_idx %arg4[%parallel_loop3A_213, %add3A_105] : memref<80x416xf32, #tpu.memory_space<vmem>>[vector<16xi32>, vector<16xi32>], vector<16xf32>,
      %parallel_loop3A_395 = tpu.vector_load_idx %arg4[%parallel_loop3A_213, %add3A_108] : memref<80x416xf32, #tpu.memory_space<vmem>>[vector<16xi32>, vector<16xi32>], vector<16xf32>,
      %parallel_loop3A_396 = tpu.vector_load_idx %arg4[%parallel_loop3A_213, %add3A_111] : memref<80x416xf32, #tpu.memory_space<vmem>>[vector<16xi32>, vector<16xi32>], vector<16xf32>,
      %parallel_loop3A_397 = tpu.vector_load_idx %arg4[%parallel_loop3A_213, %add3A_114] : memref<80x416xf32, #tpu.memory_space<vmem>>[vector<16xi32>, vector<16xi32>], vector<16xf32>,
      %parallel_loop3A_398 = arith.mulf %parallel_loop3A_393, %parallel_loop3A_393 : vector<16xf32>
      %parallel_loop3A_399 = arith.mulf %parallel_loop3A_394, %parallel_loop3A_394 : vector<16xf32>
      %parallel_loop3A_400 = arith.addf %parallel_loop3A_398, %parallel_loop3A_399 : vector<16xf32>
      %parallel_loop3A_401 = arith.mulf %parallel_loop3A_395, %parallel_loop3A_395 : vector<16xf32>
      %parallel_loop3A_402 = arith.mulf %parallel_loop3A_396, %parallel_loop3A_396 : vector<16xf32>
      %parallel_loop3A_403 = arith.addf %parallel_loop3A_401, %parallel_loop3A_402 : vector<16xf32>
      %parallel_loop3A_404 = arith.addf %parallel_loop3A_400, %parallel_loop3A_403 : vector<16xf32>
      %parallel_loop3A_405 = arith.mulf %parallel_loop3A_397, %parallel_loop3A_397 : vector<16xf32>
      %parallel_loop3A_406 = arith.addf %parallel_loop3A_404, %parallel_loop3A_405 : vector<16xf32>
      %parallel_loop3A_407 = tpu.bitcast %parallel_loop3A_406 : vector<16xf32> -> vector<16xi32>
      %parallel_loop3A_408 = arith.constant 1 : i32
      %parallel_loop3A_409 = vector.broadcast %parallel_loop3A_408 : i32 to vector<16xi32>
      %parallel_loop3A_410 = arith.shrsi %parallel_loop3A_407, %parallel_loop3A_409 : vector<16xi32>
      %parallel_loop3A_411 = arith.constant 1597463007 : i32
      %parallel_loop3A_412 = vector.broadcast %parallel_loop3A_411 : i32 to vector<16xi32>
      %parallel_loop3A_413 = arith.subi %parallel_loop3A_412, %parallel_loop3A_410 : vector<16xi32>
      %parallel_loop3A_414 = tpu.bitcast %parallel_loop3A_413 : vector<16xi32> -> vector<16xf32>
      %parallel_loop3A_415 = arith.constant 5.000000e-01 : f32
      %parallel_loop3A_416 = vector.broadcast %parallel_loop3A_415 : f32 to vector<16xf32>
      %parallel_loop3A_417 = arith.mulf %parallel_loop3A_406, %parallel_loop3A_416 : vector<16xf32>
      %parallel_loop3A_418 = arith.mulf %parallel_loop3A_417, %parallel_loop3A_414 : vector<16xf32>
      %parallel_loop3A_419 = arith.mulf %parallel_loop3A_418, %parallel_loop3A_414 : vector<16xf32>
      %parallel_loop3A_420 = arith.constant 1.500000e+00 : f32
      %parallel_loop3A_421 = vector.broadcast %parallel_loop3A_420 : f32 to vector<16xf32>
      %parallel_loop3A_422 = arith.subf %parallel_loop3A_421, %parallel_loop3A_419 : vector<16xf32>
      %parallel_loop3A_423 = arith.mulf %parallel_loop3A_414, %parallel_loop3A_422 : vector<16xf32>
      %parallel_loop3A_424 = arith.mulf %parallel_loop3A_406, %parallel_loop3A_423 : vector<16xf32>
      %parallel_loop3A_425 = arith.index_cast %parallel_loop3A_208 : i32 to index
      %parallel_loop3A_426 = arith.constant 144 : index
      %parallel_loop3A_427 = tpu.vector_load %arg6[%parallel_loop3A_425, %parallel_loop3A_426] {strides = array<i32>} : memref<80x160xf32, #tpu.memory_space<vmem>>, vector<16xf32>,
      tpu.vector_store %arg6[%parallel_loop3A_425, %parallel_loop3A_426], %parallel_loop3A_424 {strides = array<i32>} : memref<80x160xf32, #tpu.memory_space<vmem>>, vector<16xf32>,
    } {sc.loop_unroll_factor = 4 : i64, sc.parallel_access}
    %add3A_144 = arith.constant 0 : i32
    %add3A_145 = arith.addi %add3A_144, %add3A : i32
    %min3A_146 = arith.constant 1249 : i32
    %min3A_147 = arith.minsi %add3A_145, %min3A_146 : i32
    %mul3A_148 = arith.constant 80 : i32
    %mul3A_149 = arith.muli %min3A_147, %mul3A_148 : i32
    %dma_start3A_150 = arith.constant 0 : i32
    %dma_start3A_151 = tpu.memref_slice %arg3[%mul3A_149, %dma_start3A_150] : memref<100000x160xf32, #tpu.memory_space<hbm>> -> memref<80x160xf32, #tpu.memory_space<hbm>>
    %dma_start3A_152 = arith.constant 0 : i32
    %dma_start3A_153 = tpu.memref_slice %arg3[%mul3A_149, %dma_start3A_152] : memref<100000x160xf32, #tpu.memory_space<hbm>> -> memref<80x160xf32, #tpu.memory_space<hbm>>
    tpu.enqueue_dma source(%arg6 : memref<80x160xf32, #tpu.memory_space<vmem>>) target(%dma_start3A_153 : memref<80x160xf32, #tpu.memory_space<hbm>>) target_semaphore(%arg10 : memref<!tpu.dma_semaphore, #tpu.memory_space<semaphore_mem>>)
    %add3A_154 = arith.constant 64 : i32
    %add3A_155 = arith.addi %add3A_154, %add3A : i32
    %min3A_156 = arith.constant 1249 : i32
    %min3A_157 = arith.minsi %add3A_155, %min3A_156 : i32
    %add3A_158 = arith.constant 0 : i32
    %add3A_159 = arith.addi %add3A_158, %min3A_157 : i32
    %mul3A_160 = arith.constant 80 : i32
    %mul3A_161 = arith.muli %add3A_159, %mul3A_160 : i32
    %dma_start3A_162 = arith.constant 0 : i32
    %dma_start3A_163 = tpu.memref_slice %arg2[%mul3A_161, %dma_start3A_162] : memref<100000x416xf32, #tpu.memory_space<hbm>> -> memref<80x416xf32, #tpu.memory_space<hbm>>
    %dma_start3A_164 = arith.constant 0 : i32
    %dma_start3A_165 = tpu.memref_slice %arg2[%mul3A_161, %dma_start3A_164] : memref<100000x416xf32, #tpu.memory_space<hbm>> -> memref<80x416xf32, #tpu.memory_space<hbm>>
    tpu.enqueue_dma source(%dma_start3A_165 : memref<80x416xf32, #tpu.memory_space<hbm>>) target(%arg4 : memref<80x416xf32, #tpu.memory_space<vmem>>) target_semaphore(%arg8 : memref<!tpu.dma_semaphore, #tpu.memory_space<semaphore_mem>>)
    %dma_wait3A_166 = arith.constant 0 : i32
    %dma_wait3A_167 = arith.constant 0 : i32
    %dma_wait3A_168 = tpu.memref_slice %arg2[%dma_wait3A_166, %dma_wait3A_167] : memref<100000x416xf32, #tpu.memory_space<hbm>> -> memref<80x416xf32, #tpu.memory_space<hbm>>
    %dma_wait3A_169 = arith.constant 0 : i32
    %dma_wait3A_170 = arith.constant 0 : i32
    %dma_wait3A_171 = tpu.memref_slice %arg2[%dma_wait3A_169, %dma_wait3A_170] : memref<100000x416xf32, #tpu.memory_space<hbm>> -> memref<80x416xf32, #tpu.memory_space<hbm>>
    tpu.wait_dma2 semaphore(%arg9 : memref<!tpu.dma_semaphore, #tpu.memory_space<semaphore_mem>>) src(%dma_wait3A_171 : memref<80x416xf32, #tpu.memory_space<hbm>>) dst(%arg5 : memref<80x416xf32, #tpu.memory_space<vmem>>)
    %parallel_loop3A_172 = arith.constant 0 : i32
    %parallel_loop3A_173 = arith.constant 80 : i32
    %parallel_loop3A_174 = arith.constant 1 : i32
    scf.for %parallel_loop3A_208 = %parallel_loop3A_172 to %parallel_loop3A_173 step %parallel_loop3A_174  : i32 {
      %parallel_loop3A_209 = arith.constant 0 : i32
      %parallel_loop3A_210 = vector.broadcast %parallel_loop3A_209 : i32 to vector<16xi32>
      %parallel_loop3A_211 = arith.muli %iota3A, %parallel_loop3A_210 : vector<16xi32>
      %parallel_loop3A_212 = vector.broadcast %parallel_loop3A_208 : i32 to vector<16xi32>
      %parallel_loop3A_213 = arith.addi %parallel_loop3A_211, %parallel_loop3A_212 : vector<16xi32>
      %parallel_loop3A_214 = arith.index_cast %parallel_loop3A_208 : i32 to index
      %parallel_loop3A_215 = arith.constant 0 : index
      %parallel_loop3A_216 = tpu.vector_load %arg5[%parallel_loop3A_214, %parallel_loop3A_215] {strides = array<i32>} : memref<80x416xf32, #tpu.memory_space<vmem>>, vector<16xf32>,
      %parallel_loop3A_217 = math.absf %parallel_loop3A_216 : vector<16xf32>
      %parallel_loop3A_218 = arith.index_cast %parallel_loop3A_208 : i32 to index
      %parallel_loop3A_219 = arith.constant 0 : index
      %parallel_loop3A_220 = tpu.vector_load %arg7[%parallel_loop3A_218, %parallel_loop3A_219] {strides = array<i32>} : memref<80x160xf32, #tpu.memory_space<vmem>>, vector<16xf32>,
      tpu.vector_store %arg7[%parallel_loop3A_218, %parallel_loop3A_219], %parallel_loop3A_217 {strides = array<i32>} : memref<80x160xf32, #tpu.memory_space<vmem>>, vector<16xf32>,
      %parallel_loop3A_221 = arith.index_cast %parallel_loop3A_208 : i32 to index
      %parallel_loop3A_222 = arith.constant 16 : index
      %parallel_loop3A_223 = tpu.vector_load %arg5[%parallel_loop3A_221, %parallel_loop3A_222] {strides = array<i32>} : memref<80x416xf32, #tpu.memory_space<vmem>>, vector<16xf32>,
      %parallel_loop3A_224 = math.absf %parallel_loop3A_223 : vector<16xf32>
      %parallel_loop3A_225 = arith.index_cast %parallel_loop3A_208 : i32 to index
      %parallel_loop3A_226 = arith.constant 16 : index
      %parallel_loop3A_227 = tpu.vector_load %arg7[%parallel_loop3A_225, %parallel_loop3A_226] {strides = array<i32>} : memref<80x160xf32, #tpu.memory_space<vmem>>, vector<16xf32>,
      tpu.vector_store %arg7[%parallel_loop3A_225, %parallel_loop3A_226], %parallel_loop3A_224 {strides = array<i32>} : memref<80x160xf32, #tpu.memory_space<vmem>>, vector<16xf32>,
      %parallel_loop3A_228 = arith.index_cast %parallel_loop3A_208 : i32 to index
      %parallel_loop3A_229 = arith.constant 32 : index
      %parallel_loop3A_230 = tpu.vector_load %arg5[%parallel_loop3A_228, %parallel_loop3A_229] {strides = array<i32>} : memref<80x416xf32, #tpu.memory_space<vmem>>, vector<16xf32>,
      %parallel_loop3A_231 = math.absf %parallel_loop3A_230 : vector<16xf32>
      %parallel_loop3A_232 = arith.index_cast %parallel_loop3A_208 : i32 to index
      %parallel_loop3A_233 = arith.constant 32 : index
      %parallel_loop3A_234 = tpu.vector_load %arg7[%parallel_loop3A_232, %parallel_loop3A_233] {strides = array<i32>} : memref<80x160xf32, #tpu.memory_space<vmem>>, vector<16xf32>,
      tpu.vector_store %arg7[%parallel_loop3A_232, %parallel_loop3A_233], %parallel_loop3A_231 {strides = array<i32>} : memref<80x160xf32, #tpu.memory_space<vmem>>, vector<16xf32>,
      %parallel_loop3A_235 = arith.index_cast %parallel_loop3A_208 : i32 to index
      %parallel_loop3A_236 = arith.constant 48 : index
      %parallel_loop3A_237 = tpu.vector_load %arg5[%parallel_loop3A_235, %parallel_loop3A_236] {strides = array<i32>} : memref<80x416xf32, #tpu.memory_space<vmem>>, vector<16xf32>,
      %parallel_loop3A_238 = math.absf %parallel_loop3A_237 : vector<16xf32>
      %parallel_loop3A_239 = arith.index_cast %parallel_loop3A_208 : i32 to index
      %parallel_loop3A_240 = arith.constant 48 : index
      %parallel_loop3A_241 = tpu.vector_load %arg7[%parallel_loop3A_239, %parallel_loop3A_240] {strides = array<i32>} : memref<80x160xf32, #tpu.memory_space<vmem>>, vector<16xf32>,
      tpu.vector_store %arg7[%parallel_loop3A_239, %parallel_loop3A_240], %parallel_loop3A_238 {strides = array<i32>} : memref<80x160xf32, #tpu.memory_space<vmem>>, vector<16xf32>,
      %parallel_loop3A_242 = tpu.vector_load_idx %arg5[%parallel_loop3A_213, %add3A_51] : memref<80x416xf32, #tpu.memory_space<vmem>>[vector<16xi32>, vector<16xi32>], vector<16xf32>,
      %parallel_loop3A_243 = tpu.vector_load_idx %arg5[%parallel_loop3A_213, %add3A_54] : memref<80x416xf32, #tpu.memory_space<vmem>>[vector<16xi32>, vector<16xi32>], vector<16xf32>,
      %parallel_loop3A_244 = tpu.vector_load_idx %arg5[%parallel_loop3A_213, %add3A_57] : memref<80x416xf32, #tpu.memory_space<vmem>>[vector<16xi32>, vector<16xi32>], vector<16xf32>,
      %parallel_loop3A_245 = arith.mulf %parallel_loop3A_242, %parallel_loop3A_242 : vector<16xf32>
      %parallel_loop3A_246 = arith.mulf %parallel_loop3A_243, %parallel_loop3A_243 : vector<16xf32>
      %parallel_loop3A_247 = arith.addf %parallel_loop3A_245, %parallel_loop3A_246 : vector<16xf32>
      %parallel_loop3A_248 = arith.mulf %parallel_loop3A_244, %parallel_loop3A_244 : vector<16xf32>
      %parallel_loop3A_249 = arith.addf %parallel_loop3A_247, %parallel_loop3A_248 : vector<16xf32>
      %parallel_loop3A_250 = tpu.bitcast %parallel_loop3A_249 : vector<16xf32> -> vector<16xi32>
      %parallel_loop3A_251 = arith.constant 1 : i32
      %parallel_loop3A_252 = vector.broadcast %parallel_loop3A_251 : i32 to vector<16xi32>
      %parallel_loop3A_253 = arith.shrsi %parallel_loop3A_250, %parallel_loop3A_252 : vector<16xi32>
      %parallel_loop3A_254 = arith.constant 1597463007 : i32
      %parallel_loop3A_255 = vector.broadcast %parallel_loop3A_254 : i32 to vector<16xi32>
      %parallel_loop3A_256 = arith.subi %parallel_loop3A_255, %parallel_loop3A_253 : vector<16xi32>
      %parallel_loop3A_257 = tpu.bitcast %parallel_loop3A_256 : vector<16xi32> -> vector<16xf32>
      %parallel_loop3A_258 = arith.constant 5.000000e-01 : f32
      %parallel_loop3A_259 = vector.broadcast %parallel_loop3A_258 : f32 to vector<16xf32>
      %parallel_loop3A_260 = arith.mulf %parallel_loop3A_249, %parallel_loop3A_259 : vector<16xf32>
      %parallel_loop3A_261 = arith.mulf %parallel_loop3A_260, %parallel_loop3A_257 : vector<16xf32>
      %parallel_loop3A_262 = arith.mulf %parallel_loop3A_261, %parallel_loop3A_257 : vector<16xf32>
      %parallel_loop3A_263 = arith.constant 1.500000e+00 : f32
      %parallel_loop3A_264 = vector.broadcast %parallel_loop3A_263 : f32 to vector<16xf32>
      %parallel_loop3A_265 = arith.subf %parallel_loop3A_264, %parallel_loop3A_262 : vector<16xf32>
      %parallel_loop3A_266 = arith.mulf %parallel_loop3A_257, %parallel_loop3A_265 : vector<16xf32>
      %parallel_loop3A_267 = arith.mulf %parallel_loop3A_249, %parallel_loop3A_266 : vector<16xf32>
      %parallel_loop3A_268 = arith.index_cast %parallel_loop3A_208 : i32 to index
      %parallel_loop3A_269 = arith.constant 64 : index
      %parallel_loop3A_270 = tpu.vector_load %arg7[%parallel_loop3A_268, %parallel_loop3A_269] {strides = array<i32>} : memref<80x160xf32, #tpu.memory_space<vmem>>, vector<16xf32>,
      tpu.vector_store %arg7[%parallel_loop3A_268, %parallel_loop3A_269], %parallel_loop3A_267 {strides = array<i32>} : memref<80x160xf32, #tpu.memory_space<vmem>>, vector<16xf32>,
      %parallel_loop3A_271 = tpu.vector_load_idx %arg5[%parallel_loop3A_213, %add3A_60] : memref<80x416xf32, #tpu.memory_space<vmem>>[vector<16xi32>, vector<16xi32>], vector<16xf32>,
      %parallel_loop3A_272 = tpu.vector_load_idx %arg5[%parallel_loop3A_213, %add3A_63] : memref<80x416xf32, #tpu.memory_space<vmem>>[vector<16xi32>, vector<16xi32>], vector<16xf32>,
      %parallel_loop3A_273 = tpu.vector_load_idx %arg5[%parallel_loop3A_213, %add3A_66] : memref<80x416xf32, #tpu.memory_space<vmem>>[vector<16xi32>, vector<16xi32>], vector<16xf32>,
      %parallel_loop3A_274 = arith.mulf %parallel_loop3A_271, %parallel_loop3A_271 : vector<16xf32>
      %parallel_loop3A_275 = arith.mulf %parallel_loop3A_272, %parallel_loop3A_272 : vector<16xf32>
      %parallel_loop3A_276 = arith.addf %parallel_loop3A_274, %parallel_loop3A_275 : vector<16xf32>
      %parallel_loop3A_277 = arith.mulf %parallel_loop3A_273, %parallel_loop3A_273 : vector<16xf32>
      %parallel_loop3A_278 = arith.addf %parallel_loop3A_276, %parallel_loop3A_277 : vector<16xf32>
      %parallel_loop3A_279 = tpu.bitcast %parallel_loop3A_278 : vector<16xf32> -> vector<16xi32>
      %parallel_loop3A_280 = arith.constant 1 : i32
      %parallel_loop3A_281 = vector.broadcast %parallel_loop3A_280 : i32 to vector<16xi32>
      %parallel_loop3A_282 = arith.shrsi %parallel_loop3A_279, %parallel_loop3A_281 : vector<16xi32>
      %parallel_loop3A_283 = arith.constant 1597463007 : i32
      %parallel_loop3A_284 = vector.broadcast %parallel_loop3A_283 : i32 to vector<16xi32>
      %parallel_loop3A_285 = arith.subi %parallel_loop3A_284, %parallel_loop3A_282 : vector<16xi32>
      %parallel_loop3A_286 = tpu.bitcast %parallel_loop3A_285 : vector<16xi32> -> vector<16xf32>
      %parallel_loop3A_287 = arith.constant 5.000000e-01 : f32
      %parallel_loop3A_288 = vector.broadcast %parallel_loop3A_287 : f32 to vector<16xf32>
      %parallel_loop3A_289 = arith.mulf %parallel_loop3A_278, %parallel_loop3A_288 : vector<16xf32>
      %parallel_loop3A_290 = arith.mulf %parallel_loop3A_289, %parallel_loop3A_286 : vector<16xf32>
      %parallel_loop3A_291 = arith.mulf %parallel_loop3A_290, %parallel_loop3A_286 : vector<16xf32>
      %parallel_loop3A_292 = arith.constant 1.500000e+00 : f32
      %parallel_loop3A_293 = vector.broadcast %parallel_loop3A_292 : f32 to vector<16xf32>
      %parallel_loop3A_294 = arith.subf %parallel_loop3A_293, %parallel_loop3A_291 : vector<16xf32>
      %parallel_loop3A_295 = arith.mulf %parallel_loop3A_286, %parallel_loop3A_294 : vector<16xf32>
      %parallel_loop3A_296 = arith.mulf %parallel_loop3A_278, %parallel_loop3A_295 : vector<16xf32>
      %parallel_loop3A_297 = arith.index_cast %parallel_loop3A_208 : i32 to index
      %parallel_loop3A_298 = arith.constant 80 : index
      %parallel_loop3A_299 = tpu.vector_load %arg7[%parallel_loop3A_297, %parallel_loop3A_298] {strides = array<i32>} : memref<80x160xf32, #tpu.memory_space<vmem>>, vector<16xf32>,
      tpu.vector_store %arg7[%parallel_loop3A_297, %parallel_loop3A_298], %parallel_loop3A_296 {strides = array<i32>} : memref<80x160xf32, #tpu.memory_space<vmem>>, vector<16xf32>,
      %parallel_loop3A_300 = tpu.vector_load_idx %arg5[%parallel_loop3A_213, %add3A_69] : memref<80x416xf32, #tpu.memory_space<vmem>>[vector<16xi32>, vector<16xi32>], vector<16xf32>,
      %parallel_loop3A_301 = tpu.vector_load_idx %arg5[%parallel_loop3A_213, %add3A_72] : memref<80x416xf32, #tpu.memory_space<vmem>>[vector<16xi32>, vector<16xi32>], vector<16xf32>,
      %parallel_loop3A_302 = tpu.vector_load_idx %arg5[%parallel_loop3A_213, %add3A_75] : memref<80x416xf32, #tpu.memory_space<vmem>>[vector<16xi32>, vector<16xi32>], vector<16xf32>,
      %parallel_loop3A_303 = arith.mulf %parallel_loop3A_300, %parallel_loop3A_300 : vector<16xf32>
      %parallel_loop3A_304 = arith.mulf %parallel_loop3A_301, %parallel_loop3A_301 : vector<16xf32>
      %parallel_loop3A_305 = arith.addf %parallel_loop3A_303, %parallel_loop3A_304 : vector<16xf32>
      %parallel_loop3A_306 = arith.mulf %parallel_loop3A_302, %parallel_loop3A_302 : vector<16xf32>
      %parallel_loop3A_307 = arith.addf %parallel_loop3A_305, %parallel_loop3A_306 : vector<16xf32>
      %parallel_loop3A_308 = tpu.bitcast %parallel_loop3A_307 : vector<16xf32> -> vector<16xi32>
      %parallel_loop3A_309 = arith.constant 1 : i32
      %parallel_loop3A_310 = vector.broadcast %parallel_loop3A_309 : i32 to vector<16xi32>
      %parallel_loop3A_311 = arith.shrsi %parallel_loop3A_308, %parallel_loop3A_310 : vector<16xi32>
      %parallel_loop3A_312 = arith.constant 1597463007 : i32
      %parallel_loop3A_313 = vector.broadcast %parallel_loop3A_312 : i32 to vector<16xi32>
      %parallel_loop3A_314 = arith.subi %parallel_loop3A_313, %parallel_loop3A_311 : vector<16xi32>
      %parallel_loop3A_315 = tpu.bitcast %parallel_loop3A_314 : vector<16xi32> -> vector<16xf32>
      %parallel_loop3A_316 = arith.constant 5.000000e-01 : f32
      %parallel_loop3A_317 = vector.broadcast %parallel_loop3A_316 : f32 to vector<16xf32>
      %parallel_loop3A_318 = arith.mulf %parallel_loop3A_307, %parallel_loop3A_317 : vector<16xf32>
      %parallel_loop3A_319 = arith.mulf %parallel_loop3A_318, %parallel_loop3A_315 : vector<16xf32>
      %parallel_loop3A_320 = arith.mulf %parallel_loop3A_319, %parallel_loop3A_315 : vector<16xf32>
      %parallel_loop3A_321 = arith.constant 1.500000e+00 : f32
      %parallel_loop3A_322 = vector.broadcast %parallel_loop3A_321 : f32 to vector<16xf32>
      %parallel_loop3A_323 = arith.subf %parallel_loop3A_322, %parallel_loop3A_320 : vector<16xf32>
      %parallel_loop3A_324 = arith.mulf %parallel_loop3A_315, %parallel_loop3A_323 : vector<16xf32>
      %parallel_loop3A_325 = arith.mulf %parallel_loop3A_307, %parallel_loop3A_324 : vector<16xf32>
      %parallel_loop3A_326 = arith.index_cast %parallel_loop3A_208 : i32 to index
      %parallel_loop3A_327 = arith.constant 96 : index
      %parallel_loop3A_328 = tpu.vector_load %arg7[%parallel_loop3A_326, %parallel_loop3A_327] {strides = array<i32>} : memref<80x160xf32, #tpu.memory_space<vmem>>, vector<16xf32>,
      tpu.vector_store %arg7[%parallel_loop3A_326, %parallel_loop3A_327], %parallel_loop3A_325 {strides = array<i32>} : memref<80x160xf32, #tpu.memory_space<vmem>>, vector<16xf32>,
      %parallel_loop3A_329 = tpu.vector_load_idx %arg5[%parallel_loop3A_213, %add3A_78] : memref<80x416xf32, #tpu.memory_space<vmem>>[vector<16xi32>, vector<16xi32>], vector<16xf32>,
      %parallel_loop3A_330 = tpu.vector_load_idx %arg5[%parallel_loop3A_213, %add3A_81] : memref<80x416xf32, #tpu.memory_space<vmem>>[vector<16xi32>, vector<16xi32>], vector<16xf32>,
      %parallel_loop3A_331 = tpu.vector_load_idx %arg5[%parallel_loop3A_213, %add3A_84] : memref<80x416xf32, #tpu.memory_space<vmem>>[vector<16xi32>, vector<16xi32>], vector<16xf32>,
      %parallel_loop3A_332 = arith.mulf %parallel_loop3A_329, %parallel_loop3A_329 : vector<16xf32>
      %parallel_loop3A_333 = arith.mulf %parallel_loop3A_330, %parallel_loop3A_330 : vector<16xf32>
      %parallel_loop3A_334 = arith.addf %parallel_loop3A_332, %parallel_loop3A_333 : vector<16xf32>
      %parallel_loop3A_335 = arith.mulf %parallel_loop3A_331, %parallel_loop3A_331 : vector<16xf32>
      %parallel_loop3A_336 = arith.addf %parallel_loop3A_334, %parallel_loop3A_335 : vector<16xf32>
      %parallel_loop3A_337 = tpu.bitcast %parallel_loop3A_336 : vector<16xf32> -> vector<16xi32>
      %parallel_loop3A_338 = arith.constant 1 : i32
      %parallel_loop3A_339 = vector.broadcast %parallel_loop3A_338 : i32 to vector<16xi32>
      %parallel_loop3A_340 = arith.shrsi %parallel_loop3A_337, %parallel_loop3A_339 : vector<16xi32>
      %parallel_loop3A_341 = arith.constant 1597463007 : i32
      %parallel_loop3A_342 = vector.broadcast %parallel_loop3A_341 : i32 to vector<16xi32>
      %parallel_loop3A_343 = arith.subi %parallel_loop3A_342, %parallel_loop3A_340 : vector<16xi32>
      %parallel_loop3A_344 = tpu.bitcast %parallel_loop3A_343 : vector<16xi32> -> vector<16xf32>
      %parallel_loop3A_345 = arith.constant 5.000000e-01 : f32
      %parallel_loop3A_346 = vector.broadcast %parallel_loop3A_345 : f32 to vector<16xf32>
      %parallel_loop3A_347 = arith.mulf %parallel_loop3A_336, %parallel_loop3A_346 : vector<16xf32>
      %parallel_loop3A_348 = arith.mulf %parallel_loop3A_347, %parallel_loop3A_344 : vector<16xf32>
      %parallel_loop3A_349 = arith.mulf %parallel_loop3A_348, %parallel_loop3A_344 : vector<16xf32>
      %parallel_loop3A_350 = arith.constant 1.500000e+00 : f32
      %parallel_loop3A_351 = vector.broadcast %parallel_loop3A_350 : f32 to vector<16xf32>
      %parallel_loop3A_352 = arith.subf %parallel_loop3A_351, %parallel_loop3A_349 : vector<16xf32>
      %parallel_loop3A_353 = arith.mulf %parallel_loop3A_344, %parallel_loop3A_352 : vector<16xf32>
      %parallel_loop3A_354 = arith.mulf %parallel_loop3A_336, %parallel_loop3A_353 : vector<16xf32>
      %parallel_loop3A_355 = arith.index_cast %parallel_loop3A_208 : i32 to index
      %parallel_loop3A_356 = arith.constant 112 : index
      %parallel_loop3A_357 = tpu.vector_load %arg7[%parallel_loop3A_355, %parallel_loop3A_356] {strides = array<i32>} : memref<80x160xf32, #tpu.memory_space<vmem>>, vector<16xf32>,
      tpu.vector_store %arg7[%parallel_loop3A_355, %parallel_loop3A_356], %parallel_loop3A_354 {strides = array<i32>} : memref<80x160xf32, #tpu.memory_space<vmem>>, vector<16xf32>,
      %parallel_loop3A_358 = tpu.vector_load_idx %arg5[%parallel_loop3A_213, %add3A_87] : memref<80x416xf32, #tpu.memory_space<vmem>>[vector<16xi32>, vector<16xi32>], vector<16xf32>,
      %parallel_loop3A_359 = tpu.vector_load_idx %arg5[%parallel_loop3A_213, %add3A_90] : memref<80x416xf32, #tpu.memory_space<vmem>>[vector<16xi32>, vector<16xi32>], vector<16xf32>,
      %parallel_loop3A_360 = tpu.vector_load_idx %arg5[%parallel_loop3A_213, %add3A_93] : memref<80x416xf32, #tpu.memory_space<vmem>>[vector<16xi32>, vector<16xi32>], vector<16xf32>,
      %parallel_loop3A_361 = tpu.vector_load_idx %arg5[%parallel_loop3A_213, %add3A_96] : memref<80x416xf32, #tpu.memory_space<vmem>>[vector<16xi32>, vector<16xi32>], vector<16xf32>,
      %parallel_loop3A_362 = tpu.vector_load_idx %arg5[%parallel_loop3A_213, %add3A_99] : memref<80x416xf32, #tpu.memory_space<vmem>>[vector<16xi32>, vector<16xi32>], vector<16xf32>,
      %parallel_loop3A_363 = arith.mulf %parallel_loop3A_358, %parallel_loop3A_358 : vector<16xf32>
      %parallel_loop3A_364 = arith.mulf %parallel_loop3A_359, %parallel_loop3A_359 : vector<16xf32>
      %parallel_loop3A_365 = arith.addf %parallel_loop3A_363, %parallel_loop3A_364 : vector<16xf32>
      %parallel_loop3A_366 = arith.mulf %parallel_loop3A_360, %parallel_loop3A_360 : vector<16xf32>
      %parallel_loop3A_367 = arith.mulf %parallel_loop3A_361, %parallel_loop3A_361 : vector<16xf32>
      %parallel_loop3A_368 = arith.addf %parallel_loop3A_366, %parallel_loop3A_367 : vector<16xf32>
      %parallel_loop3A_369 = arith.addf %parallel_loop3A_365, %parallel_loop3A_368 : vector<16xf32>
      %parallel_loop3A_370 = arith.mulf %parallel_loop3A_362, %parallel_loop3A_362 : vector<16xf32>
      %parallel_loop3A_371 = arith.addf %parallel_loop3A_369, %parallel_loop3A_370 : vector<16xf32>
      %parallel_loop3A_372 = tpu.bitcast %parallel_loop3A_371 : vector<16xf32> -> vector<16xi32>
      %parallel_loop3A_373 = arith.constant 1 : i32
      %parallel_loop3A_374 = vector.broadcast %parallel_loop3A_373 : i32 to vector<16xi32>
      %parallel_loop3A_375 = arith.shrsi %parallel_loop3A_372, %parallel_loop3A_374 : vector<16xi32>
      %parallel_loop3A_376 = arith.constant 1597463007 : i32
      %parallel_loop3A_377 = vector.broadcast %parallel_loop3A_376 : i32 to vector<16xi32>
      %parallel_loop3A_378 = arith.subi %parallel_loop3A_377, %parallel_loop3A_375 : vector<16xi32>
      %parallel_loop3A_379 = tpu.bitcast %parallel_loop3A_378 : vector<16xi32> -> vector<16xf32>
      %parallel_loop3A_380 = arith.constant 5.000000e-01 : f32
      %parallel_loop3A_381 = vector.broadcast %parallel_loop3A_380 : f32 to vector<16xf32>
      %parallel_loop3A_382 = arith.mulf %parallel_loop3A_371, %parallel_loop3A_381 : vector<16xf32>
      %parallel_loop3A_383 = arith.mulf %parallel_loop3A_382, %parallel_loop3A_379 : vector<16xf32>
      %parallel_loop3A_384 = arith.mulf %parallel_loop3A_383, %parallel_loop3A_379 : vector<16xf32>
      %parallel_loop3A_385 = arith.constant 1.500000e+00 : f32
      %parallel_loop3A_386 = vector.broadcast %parallel_loop3A_385 : f32 to vector<16xf32>
      %parallel_loop3A_387 = arith.subf %parallel_loop3A_386, %parallel_loop3A_384 : vector<16xf32>
      %parallel_loop3A_388 = arith.mulf %parallel_loop3A_379, %parallel_loop3A_387 : vector<16xf32>
      %parallel_loop3A_389 = arith.mulf %parallel_loop3A_371, %parallel_loop3A_388 : vector<16xf32>
      %parallel_loop3A_390 = arith.index_cast %parallel_loop3A_208 : i32 to index
      %parallel_loop3A_391 = arith.constant 128 : index
      %parallel_loop3A_392 = tpu.vector_load %arg7[%parallel_loop3A_390, %parallel_loop3A_391] {strides = array<i32>} : memref<80x160xf32, #tpu.memory_space<vmem>>, vector<16xf32>,
      tpu.vector_store %arg7[%parallel_loop3A_390, %parallel_loop3A_391], %parallel_loop3A_389 {strides = array<i32>} : memref<80x160xf32, #tpu.memory_space<vmem>>, vector<16xf32>,
      %parallel_loop3A_393 = tpu.vector_load_idx %arg5[%parallel_loop3A_213, %add3A_102] : memref<80x416xf32, #tpu.memory_space<vmem>>[vector<16xi32>, vector<16xi32>], vector<16xf32>,
      %parallel_loop3A_394 = tpu.vector_load_idx %arg5[%parallel_loop3A_213, %add3A_105] : memref<80x416xf32, #tpu.memory_space<vmem>>[vector<16xi32>, vector<16xi32>], vector<16xf32>,
      %parallel_loop3A_395 = tpu.vector_load_idx %arg5[%parallel_loop3A_213, %add3A_108] : memref<80x416xf32, #tpu.memory_space<vmem>>[vector<16xi32>, vector<16xi32>], vector<16xf32>,
      %parallel_loop3A_396 = tpu.vector_load_idx %arg5[%parallel_loop3A_213, %add3A_111] : memref<80x416xf32, #tpu.memory_space<vmem>>[vector<16xi32>, vector<16xi32>], vector<16xf32>,
      %parallel_loop3A_397 = tpu.vector_load_idx %arg5[%parallel_loop3A_213, %add3A_114] : memref<80x416xf32, #tpu.memory_space<vmem>>[vector<16xi32>, vector<16xi32>], vector<16xf32>,
      %parallel_loop3A_398 = arith.mulf %parallel_loop3A_393, %parallel_loop3A_393 : vector<16xf32>
      %parallel_loop3A_399 = arith.mulf %parallel_loop3A_394, %parallel_loop3A_394 : vector<16xf32>
      %parallel_loop3A_400 = arith.addf %parallel_loop3A_398, %parallel_loop3A_399 : vector<16xf32>
      %parallel_loop3A_401 = arith.mulf %parallel_loop3A_395, %parallel_loop3A_395 : vector<16xf32>
      %parallel_loop3A_402 = arith.mulf %parallel_loop3A_396, %parallel_loop3A_396 : vector<16xf32>
      %parallel_loop3A_403 = arith.addf %parallel_loop3A_401, %parallel_loop3A_402 : vector<16xf32>
      %parallel_loop3A_404 = arith.addf %parallel_loop3A_400, %parallel_loop3A_403 : vector<16xf32>
      %parallel_loop3A_405 = arith.mulf %parallel_loop3A_397, %parallel_loop3A_397 : vector<16xf32>
      %parallel_loop3A_406 = arith.addf %parallel_loop3A_404, %parallel_loop3A_405 : vector<16xf32>
      %parallel_loop3A_407 = tpu.bitcast %parallel_loop3A_406 : vector<16xf32> -> vector<16xi32>
      %parallel_loop3A_408 = arith.constant 1 : i32
      %parallel_loop3A_409 = vector.broadcast %parallel_loop3A_408 : i32 to vector<16xi32>
      %parallel_loop3A_410 = arith.shrsi %parallel_loop3A_407, %parallel_loop3A_409 : vector<16xi32>
      %parallel_loop3A_411 = arith.constant 1597463007 : i32
      %parallel_loop3A_412 = vector.broadcast %parallel_loop3A_411 : i32 to vector<16xi32>
      %parallel_loop3A_413 = arith.subi %parallel_loop3A_412, %parallel_loop3A_410 : vector<16xi32>
      %parallel_loop3A_414 = tpu.bitcast %parallel_loop3A_413 : vector<16xi32> -> vector<16xf32>
      %parallel_loop3A_415 = arith.constant 5.000000e-01 : f32
      %parallel_loop3A_416 = vector.broadcast %parallel_loop3A_415 : f32 to vector<16xf32>
      %parallel_loop3A_417 = arith.mulf %parallel_loop3A_406, %parallel_loop3A_416 : vector<16xf32>
      %parallel_loop3A_418 = arith.mulf %parallel_loop3A_417, %parallel_loop3A_414 : vector<16xf32>
      %parallel_loop3A_419 = arith.mulf %parallel_loop3A_418, %parallel_loop3A_414 : vector<16xf32>
      %parallel_loop3A_420 = arith.constant 1.500000e+00 : f32
      %parallel_loop3A_421 = vector.broadcast %parallel_loop3A_420 : f32 to vector<16xf32>
      %parallel_loop3A_422 = arith.subf %parallel_loop3A_421, %parallel_loop3A_419 : vector<16xf32>
      %parallel_loop3A_423 = arith.mulf %parallel_loop3A_414, %parallel_loop3A_422 : vector<16xf32>
      %parallel_loop3A_424 = arith.mulf %parallel_loop3A_406, %parallel_loop3A_423 : vector<16xf32>
      %parallel_loop3A_425 = arith.index_cast %parallel_loop3A_208 : i32 to index
      %parallel_loop3A_426 = arith.constant 144 : index
      %parallel_loop3A_427 = tpu.vector_load %arg7[%parallel_loop3A_425, %parallel_loop3A_426] {strides = array<i32>} : memref<80x160xf32, #tpu.memory_space<vmem>>, vector<16xf32>,
      tpu.vector_store %arg7[%parallel_loop3A_425, %parallel_loop3A_426], %parallel_loop3A_424 {strides = array<i32>} : memref<80x160xf32, #tpu.memory_space<vmem>>, vector<16xf32>,
    } {sc.loop_unroll_factor = 4 : i64, sc.parallel_access}
    %add3A_175 = arith.constant 32 : i32
    %add3A_176 = arith.addi %add3A_175, %add3A : i32
    %min3A_177 = arith.constant 1249 : i32
    %min3A_178 = arith.minsi %add3A_176, %min3A_177 : i32
    %mul3A_179 = arith.constant 80 : i32
    %mul3A_180 = arith.muli %min3A_178, %mul3A_179 : i32
    %dma_start3A_181 = arith.constant 0 : i32
    %dma_start3A_182 = tpu.memref_slice %arg3[%mul3A_180, %dma_start3A_181] : memref<100000x160xf32, #tpu.memory_space<hbm>> -> memref<80x160xf32, #tpu.memory_space<hbm>>
    %dma_start3A_183 = arith.constant 0 : i32
    %dma_start3A_184 = tpu.memref_slice %arg3[%mul3A_180, %dma_start3A_183] : memref<100000x160xf32, #tpu.memory_space<hbm>> -> memref<80x160xf32, #tpu.memory_space<hbm>>
    tpu.enqueue_dma source(%arg7 : memref<80x160xf32, #tpu.memory_space<vmem>>) target(%dma_start3A_184 : memref<80x160xf32, #tpu.memory_space<hbm>>) target_semaphore(%arg11 : memref<!tpu.dma_semaphore, #tpu.memory_space<semaphore_mem>>)
    %scan3A = arith.constant 0 : i32
    %scan3A_185 = arith.constant 1 : i32
    %scan3A_186 = arith.constant 19 : i32
    %scan3A_187 = arith.addi %scan3A_185, %scan3A_186 : i32
    %scan3A_188 = arith.constant 1 : i32
    scf.for %scan3A_208 = %scan3A_185 to %scan3A_187 step %scan3A_188  : i32 {
      %mul3A_209 = arith.constant 2 : i32
      %mul3A_210 = arith.muli %scan3A_208, %mul3A_209 : i32
      %add3A_211 = arith.constant 1 : i32
      %add3A_212 = arith.addi %mul3A_210, %add3A_211 : i32
      %mul3A_213 = arith.constant 32 : i32
      %mul3A_214 = arith.muli %add3A_212, %mul3A_213 : i32
      %add3A_215 = arith.addi %mul3A_214, %add3A : i32
      %min3A_216 = arith.constant 1249 : i32
      %min3A_217 = arith.minsi %add3A_215, %min3A_216 : i32
      %add3A_218 = arith.constant 0 : i32
      %add3A_219 = arith.addi %add3A_218, %min3A_217 : i32
      %mul3A_220 = arith.constant 80 : i32
      %mul3A_221 = arith.muli %add3A_219, %mul3A_220 : i32
      %dma_start3A_222 = arith.constant 0 : i32
      %dma_start3A_223 = tpu.memref_slice %arg2[%mul3A_221, %dma_start3A_222] : memref<100000x416xf32, #tpu.memory_space<hbm>> -> memref<80x416xf32, #tpu.memory_space<hbm>>
      %dma_start3A_224 = arith.constant 0 : i32
      %dma_start3A_225 = tpu.memref_slice %arg2[%mul3A_221, %dma_start3A_224] : memref<100000x416xf32, #tpu.memory_space<hbm>> -> memref<80x416xf32, #tpu.memory_space<hbm>>
      tpu.enqueue_dma source(%dma_start3A_225 : memref<80x416xf32, #tpu.memory_space<hbm>>) target(%arg5 : memref<80x416xf32, #tpu.memory_space<vmem>>) target_semaphore(%arg9 : memref<!tpu.dma_semaphore, #tpu.memory_space<semaphore_mem>>)
      %dma_wait3A_226 = arith.constant 0 : i32
      %dma_wait3A_227 = arith.constant 0 : i32
      %dma_wait3A_228 = tpu.memref_slice %arg2[%dma_wait3A_226, %dma_wait3A_227] : memref<100000x416xf32, #tpu.memory_space<hbm>> -> memref<80x416xf32, #tpu.memory_space<hbm>>
      %dma_wait3A_229 = arith.constant 0 : i32
      %dma_wait3A_230 = arith.constant 0 : i32
      %dma_wait3A_231 = tpu.memref_slice %arg2[%dma_wait3A_229, %dma_wait3A_230] : memref<100000x416xf32, #tpu.memory_space<hbm>> -> memref<80x416xf32, #tpu.memory_space<hbm>>
      tpu.wait_dma2 semaphore(%arg8 : memref<!tpu.dma_semaphore, #tpu.memory_space<semaphore_mem>>) src(%dma_wait3A_231 : memref<80x416xf32, #tpu.memory_space<hbm>>) dst(%arg4 : memref<80x416xf32, #tpu.memory_space<vmem>>)
      %dma_wait3A_232 = arith.constant 0 : i32
      %dma_wait3A_233 = arith.constant 0 : i32
      %dma_wait3A_234 = tpu.memref_slice %arg3[%dma_wait3A_232, %dma_wait3A_233] : memref<100000x160xf32, #tpu.memory_space<hbm>> -> memref<80x160xf32, #tpu.memory_space<hbm>>
      %dma_wait3A_235 = arith.constant 0 : i32
      %dma_wait3A_236 = arith.constant 0 : i32
      %dma_wait3A_237 = tpu.memref_slice %arg3[%dma_wait3A_235, %dma_wait3A_236] : memref<100000x160xf32, #tpu.memory_space<hbm>> -> memref<80x160xf32, #tpu.memory_space<hbm>>
      tpu.wait_dma2 semaphore(%arg10 : memref<!tpu.dma_semaphore, #tpu.memory_space<semaphore_mem>>) src(%arg6 : memref<80x160xf32, #tpu.memory_space<vmem>>) dst(%dma_wait3A_237 : memref<80x160xf32, #tpu.memory_space<hbm>>)
      %parallel_loop3A_238 = arith.constant 0 : i32
      %parallel_loop3A_239 = arith.constant 80 : i32
      %parallel_loop3A_240 = arith.constant 1 : i32
      scf.for %parallel_loop3A_295 = %parallel_loop3A_238 to %parallel_loop3A_239 step %parallel_loop3A_240  : i32 {
        %parallel_loop3A_296 = arith.constant 0 : i32
        %parallel_loop3A_297 = vector.broadcast %parallel_loop3A_296 : i32 to vector<16xi32>
        %parallel_loop3A_298 = arith.muli %iota3A, %parallel_loop3A_297 : vector<16xi32>
        %parallel_loop3A_299 = vector.broadcast %parallel_loop3A_295 : i32 to vector<16xi32>
        %parallel_loop3A_300 = arith.addi %parallel_loop3A_298, %parallel_loop3A_299 : vector<16xi32>
        %parallel_loop3A_301 = arith.index_cast %parallel_loop3A_295 : i32 to index
        %parallel_loop3A_302 = arith.constant 0 : index
        %parallel_loop3A_303 = tpu.vector_load %arg4[%parallel_loop3A_301, %parallel_loop3A_302] {strides = array<i32>} : memref<80x416xf32, #tpu.memory_space<vmem>>, vector<16xf32>,
        %parallel_loop3A_304 = math.absf %parallel_loop3A_303 : vector<16xf32>
        %parallel_loop3A_305 = arith.index_cast %parallel_loop3A_295 : i32 to index
        %parallel_loop3A_306 = arith.constant 0 : index
        %parallel_loop3A_307 = tpu.vector_load %arg6[%parallel_loop3A_305, %parallel_loop3A_306] {strides = array<i32>} : memref<80x160xf32, #tpu.memory_space<vmem>>, vector<16xf32>,
        tpu.vector_store %arg6[%parallel_loop3A_305, %parallel_loop3A_306], %parallel_loop3A_304 {strides = array<i32>} : memref<80x160xf32, #tpu.memory_space<vmem>>, vector<16xf32>,
        %parallel_loop3A_308 = arith.index_cast %parallel_loop3A_295 : i32 to index
        %parallel_loop3A_309 = arith.constant 16 : index
        %parallel_loop3A_310 = tpu.vector_load %arg4[%parallel_loop3A_308, %parallel_loop3A_309] {strides = array<i32>} : memref<80x416xf32, #tpu.memory_space<vmem>>, vector<16xf32>,
        %parallel_loop3A_311 = math.absf %parallel_loop3A_310 : vector<16xf32>
        %parallel_loop3A_312 = arith.index_cast %parallel_loop3A_295 : i32 to index
        %parallel_loop3A_313 = arith.constant 16 : index
        %parallel_loop3A_314 = tpu.vector_load %arg6[%parallel_loop3A_312, %parallel_loop3A_313] {strides = array<i32>} : memref<80x160xf32, #tpu.memory_space<vmem>>, vector<16xf32>,
        tpu.vector_store %arg6[%parallel_loop3A_312, %parallel_loop3A_313], %parallel_loop3A_311 {strides = array<i32>} : memref<80x160xf32, #tpu.memory_space<vmem>>, vector<16xf32>,
        %parallel_loop3A_315 = arith.index_cast %parallel_loop3A_295 : i32 to index
        %parallel_loop3A_316 = arith.constant 32 : index
        %parallel_loop3A_317 = tpu.vector_load %arg4[%parallel_loop3A_315, %parallel_loop3A_316] {strides = array<i32>} : memref<80x416xf32, #tpu.memory_space<vmem>>, vector<16xf32>,
        %parallel_loop3A_318 = math.absf %parallel_loop3A_317 : vector<16xf32>
        %parallel_loop3A_319 = arith.index_cast %parallel_loop3A_295 : i32 to index
        %parallel_loop3A_320 = arith.constant 32 : index
        %parallel_loop3A_321 = tpu.vector_load %arg6[%parallel_loop3A_319, %parallel_loop3A_320] {strides = array<i32>} : memref<80x160xf32, #tpu.memory_space<vmem>>, vector<16xf32>,
        tpu.vector_store %arg6[%parallel_loop3A_319, %parallel_loop3A_320], %parallel_loop3A_318 {strides = array<i32>} : memref<80x160xf32, #tpu.memory_space<vmem>>, vector<16xf32>,
        %parallel_loop3A_322 = arith.index_cast %parallel_loop3A_295 : i32 to index
        %parallel_loop3A_323 = arith.constant 48 : index
        %parallel_loop3A_324 = tpu.vector_load %arg4[%parallel_loop3A_322, %parallel_loop3A_323] {strides = array<i32>} : memref<80x416xf32, #tpu.memory_space<vmem>>, vector<16xf32>,
        %parallel_loop3A_325 = math.absf %parallel_loop3A_324 : vector<16xf32>
        %parallel_loop3A_326 = arith.index_cast %parallel_loop3A_295 : i32 to index
        %parallel_loop3A_327 = arith.constant 48 : index
        %parallel_loop3A_328 = tpu.vector_load %arg6[%parallel_loop3A_326, %parallel_loop3A_327] {strides = array<i32>} : memref<80x160xf32, #tpu.memory_space<vmem>>, vector<16xf32>,
        tpu.vector_store %arg6[%parallel_loop3A_326, %parallel_loop3A_327], %parallel_loop3A_325 {strides = array<i32>} : memref<80x160xf32, #tpu.memory_space<vmem>>, vector<16xf32>,
        %parallel_loop3A_329 = tpu.vector_load_idx %arg4[%parallel_loop3A_300, %add3A_51] : memref<80x416xf32, #tpu.memory_space<vmem>>[vector<16xi32>, vector<16xi32>], vector<16xf32>,
        %parallel_loop3A_330 = tpu.vector_load_idx %arg4[%parallel_loop3A_300, %add3A_54] : memref<80x416xf32, #tpu.memory_space<vmem>>[vector<16xi32>, vector<16xi32>], vector<16xf32>,
        %parallel_loop3A_331 = tpu.vector_load_idx %arg4[%parallel_loop3A_300, %add3A_57] : memref<80x416xf32, #tpu.memory_space<vmem>>[vector<16xi32>, vector<16xi32>], vector<16xf32>,
        %parallel_loop3A_332 = arith.mulf %parallel_loop3A_329, %parallel_loop3A_329 : vector<16xf32>
        %parallel_loop3A_333 = arith.mulf %parallel_loop3A_330, %parallel_loop3A_330 : vector<16xf32>
        %parallel_loop3A_334 = arith.addf %parallel_loop3A_332, %parallel_loop3A_333 : vector<16xf32>
        %parallel_loop3A_335 = arith.mulf %parallel_loop3A_331, %parallel_loop3A_331 : vector<16xf32>
        %parallel_loop3A_336 = arith.addf %parallel_loop3A_334, %parallel_loop3A_335 : vector<16xf32>
        %parallel_loop3A_337 = tpu.bitcast %parallel_loop3A_336 : vector<16xf32> -> vector<16xi32>
        %parallel_loop3A_338 = arith.constant 1 : i32
        %parallel_loop3A_339 = vector.broadcast %parallel_loop3A_338 : i32 to vector<16xi32>
        %parallel_loop3A_340 = arith.shrsi %parallel_loop3A_337, %parallel_loop3A_339 : vector<16xi32>
        %parallel_loop3A_341 = arith.constant 1597463007 : i32
        %parallel_loop3A_342 = vector.broadcast %parallel_loop3A_341 : i32 to vector<16xi32>
        %parallel_loop3A_343 = arith.subi %parallel_loop3A_342, %parallel_loop3A_340 : vector<16xi32>
        %parallel_loop3A_344 = tpu.bitcast %parallel_loop3A_343 : vector<16xi32> -> vector<16xf32>
        %parallel_loop3A_345 = arith.constant 5.000000e-01 : f32
        %parallel_loop3A_346 = vector.broadcast %parallel_loop3A_345 : f32 to vector<16xf32>
        %parallel_loop3A_347 = arith.mulf %parallel_loop3A_336, %parallel_loop3A_346 : vector<16xf32>
        %parallel_loop3A_348 = arith.mulf %parallel_loop3A_347, %parallel_loop3A_344 : vector<16xf32>
        %parallel_loop3A_349 = arith.mulf %parallel_loop3A_348, %parallel_loop3A_344 : vector<16xf32>
        %parallel_loop3A_350 = arith.constant 1.500000e+00 : f32
        %parallel_loop3A_351 = vector.broadcast %parallel_loop3A_350 : f32 to vector<16xf32>
        %parallel_loop3A_352 = arith.subf %parallel_loop3A_351, %parallel_loop3A_349 : vector<16xf32>
        %parallel_loop3A_353 = arith.mulf %parallel_loop3A_344, %parallel_loop3A_352 : vector<16xf32>
        %parallel_loop3A_354 = arith.mulf %parallel_loop3A_336, %parallel_loop3A_353 : vector<16xf32>
        %parallel_loop3A_355 = arith.index_cast %parallel_loop3A_295 : i32 to index
        %parallel_loop3A_356 = arith.constant 64 : index
        %parallel_loop3A_357 = tpu.vector_load %arg6[%parallel_loop3A_355, %parallel_loop3A_356] {strides = array<i32>} : memref<80x160xf32, #tpu.memory_space<vmem>>, vector<16xf32>,
        tpu.vector_store %arg6[%parallel_loop3A_355, %parallel_loop3A_356], %parallel_loop3A_354 {strides = array<i32>} : memref<80x160xf32, #tpu.memory_space<vmem>>, vector<16xf32>,
        %parallel_loop3A_358 = tpu.vector_load_idx %arg4[%parallel_loop3A_300, %add3A_60] : memref<80x416xf32, #tpu.memory_space<vmem>>[vector<16xi32>, vector<16xi32>], vector<16xf32>,
        %parallel_loop3A_359 = tpu.vector_load_idx %arg4[%parallel_loop3A_300, %add3A_63] : memref<80x416xf32, #tpu.memory_space<vmem>>[vector<16xi32>, vector<16xi32>], vector<16xf32>,
        %parallel_loop3A_360 = tpu.vector_load_idx %arg4[%parallel_loop3A_300, %add3A_66] : memref<80x416xf32, #tpu.memory_space<vmem>>[vector<16xi32>, vector<16xi32>], vector<16xf32>,
        %parallel_loop3A_361 = arith.mulf %parallel_loop3A_358, %parallel_loop3A_358 : vector<16xf32>
        %parallel_loop3A_362 = arith.mulf %parallel_loop3A_359, %parallel_loop3A_359 : vector<16xf32>
        %parallel_loop3A_363 = arith.addf %parallel_loop3A_361, %parallel_loop3A_362 : vector<16xf32>
        %parallel_loop3A_364 = arith.mulf %parallel_loop3A_360, %parallel_loop3A_360 : vector<16xf32>
        %parallel_loop3A_365 = arith.addf %parallel_loop3A_363, %parallel_loop3A_364 : vector<16xf32>
        %parallel_loop3A_366 = tpu.bitcast %parallel_loop3A_365 : vector<16xf32> -> vector<16xi32>
        %parallel_loop3A_367 = arith.constant 1 : i32
        %parallel_loop3A_368 = vector.broadcast %parallel_loop3A_367 : i32 to vector<16xi32>
        %parallel_loop3A_369 = arith.shrsi %parallel_loop3A_366, %parallel_loop3A_368 : vector<16xi32>
        %parallel_loop3A_370 = arith.constant 1597463007 : i32
        %parallel_loop3A_371 = vector.broadcast %parallel_loop3A_370 : i32 to vector<16xi32>
        %parallel_loop3A_372 = arith.subi %parallel_loop3A_371, %parallel_loop3A_369 : vector<16xi32>
        %parallel_loop3A_373 = tpu.bitcast %parallel_loop3A_372 : vector<16xi32> -> vector<16xf32>
        %parallel_loop3A_374 = arith.constant 5.000000e-01 : f32
        %parallel_loop3A_375 = vector.broadcast %parallel_loop3A_374 : f32 to vector<16xf32>
        %parallel_loop3A_376 = arith.mulf %parallel_loop3A_365, %parallel_loop3A_375 : vector<16xf32>
        %parallel_loop3A_377 = arith.mulf %parallel_loop3A_376, %parallel_loop3A_373 : vector<16xf32>
        %parallel_loop3A_378 = arith.mulf %parallel_loop3A_377, %parallel_loop3A_373 : vector<16xf32>
        %parallel_loop3A_379 = arith.constant 1.500000e+00 : f32
        %parallel_loop3A_380 = vector.broadcast %parallel_loop3A_379 : f32 to vector<16xf32>
        %parallel_loop3A_381 = arith.subf %parallel_loop3A_380, %parallel_loop3A_378 : vector<16xf32>
        %parallel_loop3A_382 = arith.mulf %parallel_loop3A_373, %parallel_loop3A_381 : vector<16xf32>
        %parallel_loop3A_383 = arith.mulf %parallel_loop3A_365, %parallel_loop3A_382 : vector<16xf32>
        %parallel_loop3A_384 = arith.index_cast %parallel_loop3A_295 : i32 to index
        %parallel_loop3A_385 = arith.constant 80 : index
        %parallel_loop3A_386 = tpu.vector_load %arg6[%parallel_loop3A_384, %parallel_loop3A_385] {strides = array<i32>} : memref<80x160xf32, #tpu.memory_space<vmem>>, vector<16xf32>,
        tpu.vector_store %arg6[%parallel_loop3A_384, %parallel_loop3A_385], %parallel_loop3A_383 {strides = array<i32>} : memref<80x160xf32, #tpu.memory_space<vmem>>, vector<16xf32>,
        %parallel_loop3A_387 = tpu.vector_load_idx %arg4[%parallel_loop3A_300, %add3A_69] : memref<80x416xf32, #tpu.memory_space<vmem>>[vector<16xi32>, vector<16xi32>], vector<16xf32>,
        %parallel_loop3A_388 = tpu.vector_load_idx %arg4[%parallel_loop3A_300, %add3A_72] : memref<80x416xf32, #tpu.memory_space<vmem>>[vector<16xi32>, vector<16xi32>], vector<16xf32>,
        %parallel_loop3A_389 = tpu.vector_load_idx %arg4[%parallel_loop3A_300, %add3A_75] : memref<80x416xf32, #tpu.memory_space<vmem>>[vector<16xi32>, vector<16xi32>], vector<16xf32>,
        %parallel_loop3A_390 = arith.mulf %parallel_loop3A_387, %parallel_loop3A_387 : vector<16xf32>
        %parallel_loop3A_391 = arith.mulf %parallel_loop3A_388, %parallel_loop3A_388 : vector<16xf32>
        %parallel_loop3A_392 = arith.addf %parallel_loop3A_390, %parallel_loop3A_391 : vector<16xf32>
        %parallel_loop3A_393 = arith.mulf %parallel_loop3A_389, %parallel_loop3A_389 : vector<16xf32>
        %parallel_loop3A_394 = arith.addf %parallel_loop3A_392, %parallel_loop3A_393 : vector<16xf32>
        %parallel_loop3A_395 = tpu.bitcast %parallel_loop3A_394 : vector<16xf32> -> vector<16xi32>
        %parallel_loop3A_396 = arith.constant 1 : i32
        %parallel_loop3A_397 = vector.broadcast %parallel_loop3A_396 : i32 to vector<16xi32>
        %parallel_loop3A_398 = arith.shrsi %parallel_loop3A_395, %parallel_loop3A_397 : vector<16xi32>
        %parallel_loop3A_399 = arith.constant 1597463007 : i32
        %parallel_loop3A_400 = vector.broadcast %parallel_loop3A_399 : i32 to vector<16xi32>
        %parallel_loop3A_401 = arith.subi %parallel_loop3A_400, %parallel_loop3A_398 : vector<16xi32>
        %parallel_loop3A_402 = tpu.bitcast %parallel_loop3A_401 : vector<16xi32> -> vector<16xf32>
        %parallel_loop3A_403 = arith.constant 5.000000e-01 : f32
        %parallel_loop3A_404 = vector.broadcast %parallel_loop3A_403 : f32 to vector<16xf32>
        %parallel_loop3A_405 = arith.mulf %parallel_loop3A_394, %parallel_loop3A_404 : vector<16xf32>
        %parallel_loop3A_406 = arith.mulf %parallel_loop3A_405, %parallel_loop3A_402 : vector<16xf32>
        %parallel_loop3A_407 = arith.mulf %parallel_loop3A_406, %parallel_loop3A_402 : vector<16xf32>
        %parallel_loop3A_408 = arith.constant 1.500000e+00 : f32
        %parallel_loop3A_409 = vector.broadcast %parallel_loop3A_408 : f32 to vector<16xf32>
        %parallel_loop3A_410 = arith.subf %parallel_loop3A_409, %parallel_loop3A_407 : vector<16xf32>
        %parallel_loop3A_411 = arith.mulf %parallel_loop3A_402, %parallel_loop3A_410 : vector<16xf32>
        %parallel_loop3A_412 = arith.mulf %parallel_loop3A_394, %parallel_loop3A_411 : vector<16xf32>
        %parallel_loop3A_413 = arith.index_cast %parallel_loop3A_295 : i32 to index
        %parallel_loop3A_414 = arith.constant 96 : index
        %parallel_loop3A_415 = tpu.vector_load %arg6[%parallel_loop3A_413, %parallel_loop3A_414] {strides = array<i32>} : memref<80x160xf32, #tpu.memory_space<vmem>>, vector<16xf32>,
        tpu.vector_store %arg6[%parallel_loop3A_413, %parallel_loop3A_414], %parallel_loop3A_412 {strides = array<i32>} : memref<80x160xf32, #tpu.memory_space<vmem>>, vector<16xf32>,
        %parallel_loop3A_416 = tpu.vector_load_idx %arg4[%parallel_loop3A_300, %add3A_78] : memref<80x416xf32, #tpu.memory_space<vmem>>[vector<16xi32>, vector<16xi32>], vector<16xf32>,
        %parallel_loop3A_417 = tpu.vector_load_idx %arg4[%parallel_loop3A_300, %add3A_81] : memref<80x416xf32, #tpu.memory_space<vmem>>[vector<16xi32>, vector<16xi32>], vector<16xf32>,
        %parallel_loop3A_418 = tpu.vector_load_idx %arg4[%parallel_loop3A_300, %add3A_84] : memref<80x416xf32, #tpu.memory_space<vmem>>[vector<16xi32>, vector<16xi32>], vector<16xf32>,
        %parallel_loop3A_419 = arith.mulf %parallel_loop3A_416, %parallel_loop3A_416 : vector<16xf32>
        %parallel_loop3A_420 = arith.mulf %parallel_loop3A_417, %parallel_loop3A_417 : vector<16xf32>
        %parallel_loop3A_421 = arith.addf %parallel_loop3A_419, %parallel_loop3A_420 : vector<16xf32>
        %parallel_loop3A_422 = arith.mulf %parallel_loop3A_418, %parallel_loop3A_418 : vector<16xf32>
        %parallel_loop3A_423 = arith.addf %parallel_loop3A_421, %parallel_loop3A_422 : vector<16xf32>
        %parallel_loop3A_424 = tpu.bitcast %parallel_loop3A_423 : vector<16xf32> -> vector<16xi32>
        %parallel_loop3A_425 = arith.constant 1 : i32
        %parallel_loop3A_426 = vector.broadcast %parallel_loop3A_425 : i32 to vector<16xi32>
        %parallel_loop3A_427 = arith.shrsi %parallel_loop3A_424, %parallel_loop3A_426 : vector<16xi32>
        %parallel_loop3A_428 = arith.constant 1597463007 : i32
        %parallel_loop3A_429 = vector.broadcast %parallel_loop3A_428 : i32 to vector<16xi32>
        %parallel_loop3A_430 = arith.subi %parallel_loop3A_429, %parallel_loop3A_427 : vector<16xi32>
        %parallel_loop3A_431 = tpu.bitcast %parallel_loop3A_430 : vector<16xi32> -> vector<16xf32>
        %parallel_loop3A_432 = arith.constant 5.000000e-01 : f32
        %parallel_loop3A_433 = vector.broadcast %parallel_loop3A_432 : f32 to vector<16xf32>
        %parallel_loop3A_434 = arith.mulf %parallel_loop3A_423, %parallel_loop3A_433 : vector<16xf32>
        %parallel_loop3A_435 = arith.mulf %parallel_loop3A_434, %parallel_loop3A_431 : vector<16xf32>
        %parallel_loop3A_436 = arith.mulf %parallel_loop3A_435, %parallel_loop3A_431 : vector<16xf32>
        %parallel_loop3A_437 = arith.constant 1.500000e+00 : f32
        %parallel_loop3A_438 = vector.broadcast %parallel_loop3A_437 : f32 to vector<16xf32>
        %parallel_loop3A_439 = arith.subf %parallel_loop3A_438, %parallel_loop3A_436 : vector<16xf32>
        %parallel_loop3A_440 = arith.mulf %parallel_loop3A_431, %parallel_loop3A_439 : vector<16xf32>
        %parallel_loop3A_441 = arith.mulf %parallel_loop3A_423, %parallel_loop3A_440 : vector<16xf32>
        %parallel_loop3A_442 = arith.index_cast %parallel_loop3A_295 : i32 to index
        %parallel_loop3A_443 = arith.constant 112 : index
        %parallel_loop3A_444 = tpu.vector_load %arg6[%parallel_loop3A_442, %parallel_loop3A_443] {strides = array<i32>} : memref<80x160xf32, #tpu.memory_space<vmem>>, vector<16xf32>,
        tpu.vector_store %arg6[%parallel_loop3A_442, %parallel_loop3A_443], %parallel_loop3A_441 {strides = array<i32>} : memref<80x160xf32, #tpu.memory_space<vmem>>, vector<16xf32>,
        %parallel_loop3A_445 = tpu.vector_load_idx %arg4[%parallel_loop3A_300, %add3A_87] : memref<80x416xf32, #tpu.memory_space<vmem>>[vector<16xi32>, vector<16xi32>], vector<16xf32>,
        %parallel_loop3A_446 = tpu.vector_load_idx %arg4[%parallel_loop3A_300, %add3A_90] : memref<80x416xf32, #tpu.memory_space<vmem>>[vector<16xi32>, vector<16xi32>], vector<16xf32>,
        %parallel_loop3A_447 = tpu.vector_load_idx %arg4[%parallel_loop3A_300, %add3A_93] : memref<80x416xf32, #tpu.memory_space<vmem>>[vector<16xi32>, vector<16xi32>], vector<16xf32>,
        %parallel_loop3A_448 = tpu.vector_load_idx %arg4[%parallel_loop3A_300, %add3A_96] : memref<80x416xf32, #tpu.memory_space<vmem>>[vector<16xi32>, vector<16xi32>], vector<16xf32>,
        %parallel_loop3A_449 = tpu.vector_load_idx %arg4[%parallel_loop3A_300, %add3A_99] : memref<80x416xf32, #tpu.memory_space<vmem>>[vector<16xi32>, vector<16xi32>], vector<16xf32>,
        %parallel_loop3A_450 = arith.mulf %parallel_loop3A_445, %parallel_loop3A_445 : vector<16xf32>
        %parallel_loop3A_451 = arith.mulf %parallel_loop3A_446, %parallel_loop3A_446 : vector<16xf32>
        %parallel_loop3A_452 = arith.addf %parallel_loop3A_450, %parallel_loop3A_451 : vector<16xf32>
        %parallel_loop3A_453 = arith.mulf %parallel_loop3A_447, %parallel_loop3A_447 : vector<16xf32>
        %parallel_loop3A_454 = arith.mulf %parallel_loop3A_448, %parallel_loop3A_448 : vector<16xf32>
        %parallel_loop3A_455 = arith.addf %parallel_loop3A_453, %parallel_loop3A_454 : vector<16xf32>
        %parallel_loop3A_456 = arith.addf %parallel_loop3A_452, %parallel_loop3A_455 : vector<16xf32>
        %parallel_loop3A_457 = arith.mulf %parallel_loop3A_449, %parallel_loop3A_449 : vector<16xf32>
        %parallel_loop3A_458 = arith.addf %parallel_loop3A_456, %parallel_loop3A_457 : vector<16xf32>
        %parallel_loop3A_459 = tpu.bitcast %parallel_loop3A_458 : vector<16xf32> -> vector<16xi32>
        %parallel_loop3A_460 = arith.constant 1 : i32
        %parallel_loop3A_461 = vector.broadcast %parallel_loop3A_460 : i32 to vector<16xi32>
        %parallel_loop3A_462 = arith.shrsi %parallel_loop3A_459, %parallel_loop3A_461 : vector<16xi32>
        %parallel_loop3A_463 = arith.constant 1597463007 : i32
        %parallel_loop3A_464 = vector.broadcast %parallel_loop3A_463 : i32 to vector<16xi32>
        %parallel_loop3A_465 = arith.subi %parallel_loop3A_464, %parallel_loop3A_462 : vector<16xi32>
        %parallel_loop3A_466 = tpu.bitcast %parallel_loop3A_465 : vector<16xi32> -> vector<16xf32>
        %parallel_loop3A_467 = arith.constant 5.000000e-01 : f32
        %parallel_loop3A_468 = vector.broadcast %parallel_loop3A_467 : f32 to vector<16xf32>
        %parallel_loop3A_469 = arith.mulf %parallel_loop3A_458, %parallel_loop3A_468 : vector<16xf32>
        %parallel_loop3A_470 = arith.mulf %parallel_loop3A_469, %parallel_loop3A_466 : vector<16xf32>
        %parallel_loop3A_471 = arith.mulf %parallel_loop3A_470, %parallel_loop3A_466 : vector<16xf32>
        %parallel_loop3A_472 = arith.constant 1.500000e+00 : f32
        %parallel_loop3A_473 = vector.broadcast %parallel_loop3A_472 : f32 to vector<16xf32>
        %parallel_loop3A_474 = arith.subf %parallel_loop3A_473, %parallel_loop3A_471 : vector<16xf32>
        %parallel_loop3A_475 = arith.mulf %parallel_loop3A_466, %parallel_loop3A_474 : vector<16xf32>
        %parallel_loop3A_476 = arith.mulf %parallel_loop3A_458, %parallel_loop3A_475 : vector<16xf32>
        %parallel_loop3A_477 = arith.index_cast %parallel_loop3A_295 : i32 to index
        %parallel_loop3A_478 = arith.constant 128 : index
        %parallel_loop3A_479 = tpu.vector_load %arg6[%parallel_loop3A_477, %parallel_loop3A_478] {strides = array<i32>} : memref<80x160xf32, #tpu.memory_space<vmem>>, vector<16xf32>,
        tpu.vector_store %arg6[%parallel_loop3A_477, %parallel_loop3A_478], %parallel_loop3A_476 {strides = array<i32>} : memref<80x160xf32, #tpu.memory_space<vmem>>, vector<16xf32>,
        %parallel_loop3A_480 = tpu.vector_load_idx %arg4[%parallel_loop3A_300, %add3A_102] : memref<80x416xf32, #tpu.memory_space<vmem>>[vector<16xi32>, vector<16xi32>], vector<16xf32>,
        %parallel_loop3A_481 = tpu.vector_load_idx %arg4[%parallel_loop3A_300, %add3A_105] : memref<80x416xf32, #tpu.memory_space<vmem>>[vector<16xi32>, vector<16xi32>], vector<16xf32>,
        %parallel_loop3A_482 = tpu.vector_load_idx %arg4[%parallel_loop3A_300, %add3A_108] : memref<80x416xf32, #tpu.memory_space<vmem>>[vector<16xi32>, vector<16xi32>], vector<16xf32>,
        %parallel_loop3A_483 = tpu.vector_load_idx %arg4[%parallel_loop3A_300, %add3A_111] : memref<80x416xf32, #tpu.memory_space<vmem>>[vector<16xi32>, vector<16xi32>], vector<16xf32>,
        %parallel_loop3A_484 = tpu.vector_load_idx %arg4[%parallel_loop3A_300, %add3A_114] : memref<80x416xf32, #tpu.memory_space<vmem>>[vector<16xi32>, vector<16xi32>], vector<16xf32>,
        %parallel_loop3A_485 = arith.mulf %parallel_loop3A_480, %parallel_loop3A_480 : vector<16xf32>
        %parallel_loop3A_486 = arith.mulf %parallel_loop3A_481, %parallel_loop3A_481 : vector<16xf32>
        %parallel_loop3A_487 = arith.addf %parallel_loop3A_485, %parallel_loop3A_486 : vector<16xf32>
        %parallel_loop3A_488 = arith.mulf %parallel_loop3A_482, %parallel_loop3A_482 : vector<16xf32>
        %parallel_loop3A_489 = arith.mulf %parallel_loop3A_483, %parallel_loop3A_483 : vector<16xf32>
        %parallel_loop3A_490 = arith.addf %parallel_loop3A_488, %parallel_loop3A_489 : vector<16xf32>
        %parallel_loop3A_491 = arith.addf %parallel_loop3A_487, %parallel_loop3A_490 : vector<16xf32>
        %parallel_loop3A_492 = arith.mulf %parallel_loop3A_484, %parallel_loop3A_484 : vector<16xf32>
        %parallel_loop3A_493 = arith.addf %parallel_loop3A_491, %parallel_loop3A_492 : vector<16xf32>
        %parallel_loop3A_494 = tpu.bitcast %parallel_loop3A_493 : vector<16xf32> -> vector<16xi32>
        %parallel_loop3A_495 = arith.constant 1 : i32
        %parallel_loop3A_496 = vector.broadcast %parallel_loop3A_495 : i32 to vector<16xi32>
        %parallel_loop3A_497 = arith.shrsi %parallel_loop3A_494, %parallel_loop3A_496 : vector<16xi32>
        %parallel_loop3A_498 = arith.constant 1597463007 : i32
        %parallel_loop3A_499 = vector.broadcast %parallel_loop3A_498 : i32 to vector<16xi32>
        %parallel_loop3A_500 = arith.subi %parallel_loop3A_499, %parallel_loop3A_497 : vector<16xi32>
        %parallel_loop3A_501 = tpu.bitcast %parallel_loop3A_500 : vector<16xi32> -> vector<16xf32>
        %parallel_loop3A_502 = arith.constant 5.000000e-01 : f32
        %parallel_loop3A_503 = vector.broadcast %parallel_loop3A_502 : f32 to vector<16xf32>
        %parallel_loop3A_504 = arith.mulf %parallel_loop3A_493, %parallel_loop3A_503 : vector<16xf32>
        %parallel_loop3A_505 = arith.mulf %parallel_loop3A_504, %parallel_loop3A_501 : vector<16xf32>
        %parallel_loop3A_506 = arith.mulf %parallel_loop3A_505, %parallel_loop3A_501 : vector<16xf32>
        %parallel_loop3A_507 = arith.constant 1.500000e+00 : f32
        %parallel_loop3A_508 = vector.broadcast %parallel_loop3A_507 : f32 to vector<16xf32>
        %parallel_loop3A_509 = arith.subf %parallel_loop3A_508, %parallel_loop3A_506 : vector<16xf32>
        %parallel_loop3A_510 = arith.mulf %parallel_loop3A_501, %parallel_loop3A_509 : vector<16xf32>
        %parallel_loop3A_511 = arith.mulf %parallel_loop3A_493, %parallel_loop3A_510 : vector<16xf32>
        %parallel_loop3A_512 = arith.index_cast %parallel_loop3A_295 : i32 to index
        %parallel_loop3A_513 = arith.constant 144 : index
        %parallel_loop3A_514 = tpu.vector_load %arg6[%parallel_loop3A_512, %parallel_loop3A_513] {strides = array<i32>} : memref<80x160xf32, #tpu.memory_space<vmem>>, vector<16xf32>,
        tpu.vector_store %arg6[%parallel_loop3A_512, %parallel_loop3A_513], %parallel_loop3A_511 {strides = array<i32>} : memref<80x160xf32, #tpu.memory_space<vmem>>, vector<16xf32>,
      } {sc.loop_unroll_factor = 4 : i64, sc.parallel_access}
      %mul3A_241 = arith.constant 32 : i32
      %mul3A_242 = arith.muli %mul3A_210, %mul3A_241 : i32
      %add3A_243 = arith.addi %mul3A_242, %add3A : i32
      %min3A_244 = arith.constant 1249 : i32
      %min3A_245 = arith.minsi %add3A_243, %min3A_244 : i32
      %mul3A_246 = arith.constant 80 : i32
      %mul3A_247 = arith.muli %min3A_245, %mul3A_246 : i32
      %dma_start3A_248 = arith.constant 0 : i32
      %dma_start3A_249 = tpu.memref_slice %arg3[%mul3A_247, %dma_start3A_248] : memref<100000x160xf32, #tpu.memory_space<hbm>> -> memref<80x160xf32, #tpu.memory_space<hbm>>
      %dma_start3A_250 = arith.constant 0 : i32
      %dma_start3A_251 = tpu.memref_slice %arg3[%mul3A_247, %dma_start3A_250] : memref<100000x160xf32, #tpu.memory_space<hbm>> -> memref<80x160xf32, #tpu.memory_space<hbm>>
      tpu.enqueue_dma source(%arg6 : memref<80x160xf32, #tpu.memory_space<vmem>>) target(%dma_start3A_251 : memref<80x160xf32, #tpu.memory_space<hbm>>) target_semaphore(%arg10 : memref<!tpu.dma_semaphore, #tpu.memory_space<semaphore_mem>>)
      %add3A_252 = arith.constant 2 : i32
      %add3A_253 = arith.addi %mul3A_210, %add3A_252 : i32
      %mul3A_254 = arith.constant 32 : i32
      %mul3A_255 = arith.muli %add3A_253, %mul3A_254 : i32
      %add3A_256 = arith.addi %mul3A_255, %add3A : i32
      %min3A_257 = arith.constant 1249 : i32
      %min3A_258 = arith.minsi %add3A_256, %min3A_257 : i32
      %add3A_259 = arith.constant 0 : i32
      %add3A_260 = arith.addi %add3A_259, %min3A_258 : i32
      %mul3A_261 = arith.constant 80 : i32
      %mul3A_262 = arith.muli %add3A_260, %mul3A_261 : i32
      %dma_start3A_263 = arith.constant 0 : i32
      %dma_start3A_264 = tpu.memref_slice %arg2[%mul3A_262, %dma_start3A_263] : memref<100000x416xf32, #tpu.memory_space<hbm>> -> memref<80x416xf32, #tpu.memory_space<hbm>>
      %dma_start3A_265 = arith.constant 0 : i32
      %dma_start3A_266 = tpu.memref_slice %arg2[%mul3A_262, %dma_start3A_265] : memref<100000x416xf32, #tpu.memory_space<hbm>> -> memref<80x416xf32, #tpu.memory_space<hbm>>
      tpu.enqueue_dma source(%dma_start3A_266 : memref<80x416xf32, #tpu.memory_space<hbm>>) target(%arg4 : memref<80x416xf32, #tpu.memory_space<vmem>>) target_semaphore(%arg8 : memref<!tpu.dma_semaphore, #tpu.memory_space<semaphore_mem>>)
      %dma_wait3A_267 = arith.constant 0 : i32
      %dma_wait3A_268 = arith.constant 0 : i32
      %dma_wait3A_269 = tpu.memref_slice %arg2[%dma_wait3A_267, %dma_wait3A_268] : memref<100000x416xf32, #tpu.memory_space<hbm>> -> memref<80x416xf32, #tpu.memory_space<hbm>>
      %dma_wait3A_270 = arith.constant 0 : i32
      %dma_wait3A_271 = arith.constant 0 : i32
      %dma_wait3A_272 = tpu.memref_slice %arg2[%dma_wait3A_270, %dma_wait3A_271] : memref<100000x416xf32, #tpu.memory_space<hbm>> -> memref<80x416xf32, #tpu.memory_space<hbm>>
      tpu.wait_dma2 semaphore(%arg9 : memref<!tpu.dma_semaphore, #tpu.memory_space<semaphore_mem>>) src(%dma_wait3A_272 : memref<80x416xf32, #tpu.memory_space<hbm>>) dst(%arg5 : memref<80x416xf32, #tpu.memory_space<vmem>>)
      %dma_wait3A_273 = arith.constant 0 : i32
      %dma_wait3A_274 = arith.constant 0 : i32
      %dma_wait3A_275 = tpu.memref_slice %arg3[%dma_wait3A_273, %dma_wait3A_274] : memref<100000x160xf32, #tpu.memory_space<hbm>> -> memref<80x160xf32, #tpu.memory_space<hbm>>
      %dma_wait3A_276 = arith.constant 0 : i32
      %dma_wait3A_277 = arith.constant 0 : i32
      %dma_wait3A_278 = tpu.memref_slice %arg3[%dma_wait3A_276, %dma_wait3A_277] : memref<100000x160xf32, #tpu.memory_space<hbm>> -> memref<80x160xf32, #tpu.memory_space<hbm>>
      tpu.wait_dma2 semaphore(%arg11 : memref<!tpu.dma_semaphore, #tpu.memory_space<semaphore_mem>>) src(%arg7 : memref<80x160xf32, #tpu.memory_space<vmem>>) dst(%dma_wait3A_278 : memref<80x160xf32, #tpu.memory_space<hbm>>)
      %parallel_loop3A_279 = arith.constant 0 : i32
      %parallel_loop3A_280 = arith.constant 80 : i32
      %parallel_loop3A_281 = arith.constant 1 : i32
      scf.for %parallel_loop3A_295 = %parallel_loop3A_279 to %parallel_loop3A_280 step %parallel_loop3A_281  : i32 {
        %parallel_loop3A_296 = arith.constant 0 : i32
        %parallel_loop3A_297 = vector.broadcast %parallel_loop3A_296 : i32 to vector<16xi32>
        %parallel_loop3A_298 = arith.muli %iota3A, %parallel_loop3A_297 : vector<16xi32>
        %parallel_loop3A_299 = vector.broadcast %parallel_loop3A_295 : i32 to vector<16xi32>
        %parallel_loop3A_300 = arith.addi %parallel_loop3A_298, %parallel_loop3A_299 : vector<16xi32>
        %parallel_loop3A_301 = arith.index_cast %parallel_loop3A_295 : i32 to index
        %parallel_loop3A_302 = arith.constant 0 : index
        %parallel_loop3A_303 = tpu.vector_load %arg5[%parallel_loop3A_301, %parallel_loop3A_302] {strides = array<i32>} : memref<80x416xf32, #tpu.memory_space<vmem>>, vector<16xf32>,
        %parallel_loop3A_304 = math.absf %parallel_loop3A_303 : vector<16xf32>
        %parallel_loop3A_305 = arith.index_cast %parallel_loop3A_295 : i32 to index
        %parallel_loop3A_306 = arith.constant 0 : index
        %parallel_loop3A_307 = tpu.vector_load %arg7[%parallel_loop3A_305, %parallel_loop3A_306] {strides = array<i32>} : memref<80x160xf32, #tpu.memory_space<vmem>>, vector<16xf32>,
        tpu.vector_store %arg7[%parallel_loop3A_305, %parallel_loop3A_306], %parallel_loop3A_304 {strides = array<i32>} : memref<80x160xf32, #tpu.memory_space<vmem>>, vector<16xf32>,
        %parallel_loop3A_308 = arith.index_cast %parallel_loop3A_295 : i32 to index
        %parallel_loop3A_309 = arith.constant 16 : index
        %parallel_loop3A_310 = tpu.vector_load %arg5[%parallel_loop3A_308, %parallel_loop3A_309] {strides = array<i32>} : memref<80x416xf32, #tpu.memory_space<vmem>>, vector<16xf32>,
        %parallel_loop3A_311 = math.absf %parallel_loop3A_310 : vector<16xf32>
        %parallel_loop3A_312 = arith.index_cast %parallel_loop3A_295 : i32 to index
        %parallel_loop3A_313 = arith.constant 16 : index
        %parallel_loop3A_314 = tpu.vector_load %arg7[%parallel_loop3A_312, %parallel_loop3A_313] {strides = array<i32>} : memref<80x160xf32, #tpu.memory_space<vmem>>, vector<16xf32>,
        tpu.vector_store %arg7[%parallel_loop3A_312, %parallel_loop3A_313], %parallel_loop3A_311 {strides = array<i32>} : memref<80x160xf32, #tpu.memory_space<vmem>>, vector<16xf32>,
        %parallel_loop3A_315 = arith.index_cast %parallel_loop3A_295 : i32 to index
        %parallel_loop3A_316 = arith.constant 32 : index
        %parallel_loop3A_317 = tpu.vector_load %arg5[%parallel_loop3A_315, %parallel_loop3A_316] {strides = array<i32>} : memref<80x416xf32, #tpu.memory_space<vmem>>, vector<16xf32>,
        %parallel_loop3A_318 = math.absf %parallel_loop3A_317 : vector<16xf32>
        %parallel_loop3A_319 = arith.index_cast %parallel_loop3A_295 : i32 to index
        %parallel_loop3A_320 = arith.constant 32 : index
        %parallel_loop3A_321 = tpu.vector_load %arg7[%parallel_loop3A_319, %parallel_loop3A_320] {strides = array<i32>} : memref<80x160xf32, #tpu.memory_space<vmem>>, vector<16xf32>,
        tpu.vector_store %arg7[%parallel_loop3A_319, %parallel_loop3A_320], %parallel_loop3A_318 {strides = array<i32>} : memref<80x160xf32, #tpu.memory_space<vmem>>, vector<16xf32>,
        %parallel_loop3A_322 = arith.index_cast %parallel_loop3A_295 : i32 to index
        %parallel_loop3A_323 = arith.constant 48 : index
        %parallel_loop3A_324 = tpu.vector_load %arg5[%parallel_loop3A_322, %parallel_loop3A_323] {strides = array<i32>} : memref<80x416xf32, #tpu.memory_space<vmem>>, vector<16xf32>,
        %parallel_loop3A_325 = math.absf %parallel_loop3A_324 : vector<16xf32>
        %parallel_loop3A_326 = arith.index_cast %parallel_loop3A_295 : i32 to index
        %parallel_loop3A_327 = arith.constant 48 : index
        %parallel_loop3A_328 = tpu.vector_load %arg7[%parallel_loop3A_326, %parallel_loop3A_327] {strides = array<i32>} : memref<80x160xf32, #tpu.memory_space<vmem>>, vector<16xf32>,
        tpu.vector_store %arg7[%parallel_loop3A_326, %parallel_loop3A_327], %parallel_loop3A_325 {strides = array<i32>} : memref<80x160xf32, #tpu.memory_space<vmem>>, vector<16xf32>,
        %parallel_loop3A_329 = tpu.vector_load_idx %arg5[%parallel_loop3A_300, %add3A_51] : memref<80x416xf32, #tpu.memory_space<vmem>>[vector<16xi32>, vector<16xi32>], vector<16xf32>,
        %parallel_loop3A_330 = tpu.vector_load_idx %arg5[%parallel_loop3A_300, %add3A_54] : memref<80x416xf32, #tpu.memory_space<vmem>>[vector<16xi32>, vector<16xi32>], vector<16xf32>,
        %parallel_loop3A_331 = tpu.vector_load_idx %arg5[%parallel_loop3A_300, %add3A_57] : memref<80x416xf32, #tpu.memory_space<vmem>>[vector<16xi32>, vector<16xi32>], vector<16xf32>,
        %parallel_loop3A_332 = arith.mulf %parallel_loop3A_329, %parallel_loop3A_329 : vector<16xf32>
        %parallel_loop3A_333 = arith.mulf %parallel_loop3A_330, %parallel_loop3A_330 : vector<16xf32>
        %parallel_loop3A_334 = arith.addf %parallel_loop3A_332, %parallel_loop3A_333 : vector<16xf32>
        %parallel_loop3A_335 = arith.mulf %parallel_loop3A_331, %parallel_loop3A_331 : vector<16xf32>
        %parallel_loop3A_336 = arith.addf %parallel_loop3A_334, %parallel_loop3A_335 : vector<16xf32>
        %parallel_loop3A_337 = tpu.bitcast %parallel_loop3A_336 : vector<16xf32> -> vector<16xi32>
        %parallel_loop3A_338 = arith.constant 1 : i32
        %parallel_loop3A_339 = vector.broadcast %parallel_loop3A_338 : i32 to vector<16xi32>
        %parallel_loop3A_340 = arith.shrsi %parallel_loop3A_337, %parallel_loop3A_339 : vector<16xi32>
        %parallel_loop3A_341 = arith.constant 1597463007 : i32
        %parallel_loop3A_342 = vector.broadcast %parallel_loop3A_341 : i32 to vector<16xi32>
        %parallel_loop3A_343 = arith.subi %parallel_loop3A_342, %parallel_loop3A_340 : vector<16xi32>
        %parallel_loop3A_344 = tpu.bitcast %parallel_loop3A_343 : vector<16xi32> -> vector<16xf32>
        %parallel_loop3A_345 = arith.constant 5.000000e-01 : f32
        %parallel_loop3A_346 = vector.broadcast %parallel_loop3A_345 : f32 to vector<16xf32>
        %parallel_loop3A_347 = arith.mulf %parallel_loop3A_336, %parallel_loop3A_346 : vector<16xf32>
        %parallel_loop3A_348 = arith.mulf %parallel_loop3A_347, %parallel_loop3A_344 : vector<16xf32>
        %parallel_loop3A_349 = arith.mulf %parallel_loop3A_348, %parallel_loop3A_344 : vector<16xf32>
        %parallel_loop3A_350 = arith.constant 1.500000e+00 : f32
        %parallel_loop3A_351 = vector.broadcast %parallel_loop3A_350 : f32 to vector<16xf32>
        %parallel_loop3A_352 = arith.subf %parallel_loop3A_351, %parallel_loop3A_349 : vector<16xf32>
        %parallel_loop3A_353 = arith.mulf %parallel_loop3A_344, %parallel_loop3A_352 : vector<16xf32>
        %parallel_loop3A_354 = arith.mulf %parallel_loop3A_336, %parallel_loop3A_353 : vector<16xf32>
        %parallel_loop3A_355 = arith.index_cast %parallel_loop3A_295 : i32 to index
        %parallel_loop3A_356 = arith.constant 64 : index
        %parallel_loop3A_357 = tpu.vector_load %arg7[%parallel_loop3A_355, %parallel_loop3A_356] {strides = array<i32>} : memref<80x160xf32, #tpu.memory_space<vmem>>, vector<16xf32>,
        tpu.vector_store %arg7[%parallel_loop3A_355, %parallel_loop3A_356], %parallel_loop3A_354 {strides = array<i32>} : memref<80x160xf32, #tpu.memory_space<vmem>>, vector<16xf32>,
        %parallel_loop3A_358 = tpu.vector_load_idx %arg5[%parallel_loop3A_300, %add3A_60] : memref<80x416xf32, #tpu.memory_space<vmem>>[vector<16xi32>, vector<16xi32>], vector<16xf32>,
        %parallel_loop3A_359 = tpu.vector_load_idx %arg5[%parallel_loop3A_300, %add3A_63] : memref<80x416xf32, #tpu.memory_space<vmem>>[vector<16xi32>, vector<16xi32>], vector<16xf32>,
        %parallel_loop3A_360 = tpu.vector_load_idx %arg5[%parallel_loop3A_300, %add3A_66] : memref<80x416xf32, #tpu.memory_space<vmem>>[vector<16xi32>, vector<16xi32>], vector<16xf32>,
        %parallel_loop3A_361 = arith.mulf %parallel_loop3A_358, %parallel_loop3A_358 : vector<16xf32>
        %parallel_loop3A_362 = arith.mulf %parallel_loop3A_359, %parallel_loop3A_359 : vector<16xf32>
        %parallel_loop3A_363 = arith.addf %parallel_loop3A_361, %parallel_loop3A_362 : vector<16xf32>
        %parallel_loop3A_364 = arith.mulf %parallel_loop3A_360, %parallel_loop3A_360 : vector<16xf32>
        %parallel_loop3A_365 = arith.addf %parallel_loop3A_363, %parallel_loop3A_364 : vector<16xf32>
        %parallel_loop3A_366 = tpu.bitcast %parallel_loop3A_365 : vector<16xf32> -> vector<16xi32>
        %parallel_loop3A_367 = arith.constant 1 : i32
        %parallel_loop3A_368 = vector.broadcast %parallel_loop3A_367 : i32 to vector<16xi32>
        %parallel_loop3A_369 = arith.shrsi %parallel_loop3A_366, %parallel_loop3A_368 : vector<16xi32>
        %parallel_loop3A_370 = arith.constant 1597463007 : i32
        %parallel_loop3A_371 = vector.broadcast %parallel_loop3A_370 : i32 to vector<16xi32>
        %parallel_loop3A_372 = arith.subi %parallel_loop3A_371, %parallel_loop3A_369 : vector<16xi32>
        %parallel_loop3A_373 = tpu.bitcast %parallel_loop3A_372 : vector<16xi32> -> vector<16xf32>
        %parallel_loop3A_374 = arith.constant 5.000000e-01 : f32
        %parallel_loop3A_375 = vector.broadcast %parallel_loop3A_374 : f32 to vector<16xf32>
        %parallel_loop3A_376 = arith.mulf %parallel_loop3A_365, %parallel_loop3A_375 : vector<16xf32>
        %parallel_loop3A_377 = arith.mulf %parallel_loop3A_376, %parallel_loop3A_373 : vector<16xf32>
        %parallel_loop3A_378 = arith.mulf %parallel_loop3A_377, %parallel_loop3A_373 : vector<16xf32>
        %parallel_loop3A_379 = arith.constant 1.500000e+00 : f32
        %parallel_loop3A_380 = vector.broadcast %parallel_loop3A_379 : f32 to vector<16xf32>
        %parallel_loop3A_381 = arith.subf %parallel_loop3A_380, %parallel_loop3A_378 : vector<16xf32>
        %parallel_loop3A_382 = arith.mulf %parallel_loop3A_373, %parallel_loop3A_381 : vector<16xf32>
        %parallel_loop3A_383 = arith.mulf %parallel_loop3A_365, %parallel_loop3A_382 : vector<16xf32>
        %parallel_loop3A_384 = arith.index_cast %parallel_loop3A_295 : i32 to index
        %parallel_loop3A_385 = arith.constant 80 : index
        %parallel_loop3A_386 = tpu.vector_load %arg7[%parallel_loop3A_384, %parallel_loop3A_385] {strides = array<i32>} : memref<80x160xf32, #tpu.memory_space<vmem>>, vector<16xf32>,
        tpu.vector_store %arg7[%parallel_loop3A_384, %parallel_loop3A_385], %parallel_loop3A_383 {strides = array<i32>} : memref<80x160xf32, #tpu.memory_space<vmem>>, vector<16xf32>,
        %parallel_loop3A_387 = tpu.vector_load_idx %arg5[%parallel_loop3A_300, %add3A_69] : memref<80x416xf32, #tpu.memory_space<vmem>>[vector<16xi32>, vector<16xi32>], vector<16xf32>,
        %parallel_loop3A_388 = tpu.vector_load_idx %arg5[%parallel_loop3A_300, %add3A_72] : memref<80x416xf32, #tpu.memory_space<vmem>>[vector<16xi32>, vector<16xi32>], vector<16xf32>,
        %parallel_loop3A_389 = tpu.vector_load_idx %arg5[%parallel_loop3A_300, %add3A_75] : memref<80x416xf32, #tpu.memory_space<vmem>>[vector<16xi32>, vector<16xi32>], vector<16xf32>,
        %parallel_loop3A_390 = arith.mulf %parallel_loop3A_387, %parallel_loop3A_387 : vector<16xf32>
        %parallel_loop3A_391 = arith.mulf %parallel_loop3A_388, %parallel_loop3A_388 : vector<16xf32>
        %parallel_loop3A_392 = arith.addf %parallel_loop3A_390, %parallel_loop3A_391 : vector<16xf32>
        %parallel_loop3A_393 = arith.mulf %parallel_loop3A_389, %parallel_loop3A_389 : vector<16xf32>
        %parallel_loop3A_394 = arith.addf %parallel_loop3A_392, %parallel_loop3A_393 : vector<16xf32>
        %parallel_loop3A_395 = tpu.bitcast %parallel_loop3A_394 : vector<16xf32> -> vector<16xi32>
        %parallel_loop3A_396 = arith.constant 1 : i32
        %parallel_loop3A_397 = vector.broadcast %parallel_loop3A_396 : i32 to vector<16xi32>
        %parallel_loop3A_398 = arith.shrsi %parallel_loop3A_395, %parallel_loop3A_397 : vector<16xi32>
        %parallel_loop3A_399 = arith.constant 1597463007 : i32
        %parallel_loop3A_400 = vector.broadcast %parallel_loop3A_399 : i32 to vector<16xi32>
        %parallel_loop3A_401 = arith.subi %parallel_loop3A_400, %parallel_loop3A_398 : vector<16xi32>
        %parallel_loop3A_402 = tpu.bitcast %parallel_loop3A_401 : vector<16xi32> -> vector<16xf32>
        %parallel_loop3A_403 = arith.constant 5.000000e-01 : f32
        %parallel_loop3A_404 = vector.broadcast %parallel_loop3A_403 : f32 to vector<16xf32>
        %parallel_loop3A_405 = arith.mulf %parallel_loop3A_394, %parallel_loop3A_404 : vector<16xf32>
        %parallel_loop3A_406 = arith.mulf %parallel_loop3A_405, %parallel_loop3A_402 : vector<16xf32>
        %parallel_loop3A_407 = arith.mulf %parallel_loop3A_406, %parallel_loop3A_402 : vector<16xf32>
        %parallel_loop3A_408 = arith.constant 1.500000e+00 : f32
        %parallel_loop3A_409 = vector.broadcast %parallel_loop3A_408 : f32 to vector<16xf32>
        %parallel_loop3A_410 = arith.subf %parallel_loop3A_409, %parallel_loop3A_407 : vector<16xf32>
        %parallel_loop3A_411 = arith.mulf %parallel_loop3A_402, %parallel_loop3A_410 : vector<16xf32>
        %parallel_loop3A_412 = arith.mulf %parallel_loop3A_394, %parallel_loop3A_411 : vector<16xf32>
        %parallel_loop3A_413 = arith.index_cast %parallel_loop3A_295 : i32 to index
        %parallel_loop3A_414 = arith.constant 96 : index
        %parallel_loop3A_415 = tpu.vector_load %arg7[%parallel_loop3A_413, %parallel_loop3A_414] {strides = array<i32>} : memref<80x160xf32, #tpu.memory_space<vmem>>, vector<16xf32>,
        tpu.vector_store %arg7[%parallel_loop3A_413, %parallel_loop3A_414], %parallel_loop3A_412 {strides = array<i32>} : memref<80x160xf32, #tpu.memory_space<vmem>>, vector<16xf32>,
        %parallel_loop3A_416 = tpu.vector_load_idx %arg5[%parallel_loop3A_300, %add3A_78] : memref<80x416xf32, #tpu.memory_space<vmem>>[vector<16xi32>, vector<16xi32>], vector<16xf32>,
        %parallel_loop3A_417 = tpu.vector_load_idx %arg5[%parallel_loop3A_300, %add3A_81] : memref<80x416xf32, #tpu.memory_space<vmem>>[vector<16xi32>, vector<16xi32>], vector<16xf32>,
        %parallel_loop3A_418 = tpu.vector_load_idx %arg5[%parallel_loop3A_300, %add3A_84] : memref<80x416xf32, #tpu.memory_space<vmem>>[vector<16xi32>, vector<16xi32>], vector<16xf32>,
        %parallel_loop3A_419 = arith.mulf %parallel_loop3A_416, %parallel_loop3A_416 : vector<16xf32>
        %parallel_loop3A_420 = arith.mulf %parallel_loop3A_417, %parallel_loop3A_417 : vector<16xf32>
        %parallel_loop3A_421 = arith.addf %parallel_loop3A_419, %parallel_loop3A_420 : vector<16xf32>
        %parallel_loop3A_422 = arith.mulf %parallel_loop3A_418, %parallel_loop3A_418 : vector<16xf32>
        %parallel_loop3A_423 = arith.addf %parallel_loop3A_421, %parallel_loop3A_422 : vector<16xf32>
        %parallel_loop3A_424 = tpu.bitcast %parallel_loop3A_423 : vector<16xf32> -> vector<16xi32>
        %parallel_loop3A_425 = arith.constant 1 : i32
        %parallel_loop3A_426 = vector.broadcast %parallel_loop3A_425 : i32 to vector<16xi32>
        %parallel_loop3A_427 = arith.shrsi %parallel_loop3A_424, %parallel_loop3A_426 : vector<16xi32>
        %parallel_loop3A_428 = arith.constant 1597463007 : i32
        %parallel_loop3A_429 = vector.broadcast %parallel_loop3A_428 : i32 to vector<16xi32>
        %parallel_loop3A_430 = arith.subi %parallel_loop3A_429, %parallel_loop3A_427 : vector<16xi32>
        %parallel_loop3A_431 = tpu.bitcast %parallel_loop3A_430 : vector<16xi32> -> vector<16xf32>
        %parallel_loop3A_432 = arith.constant 5.000000e-01 : f32
        %parallel_loop3A_433 = vector.broadcast %parallel_loop3A_432 : f32 to vector<16xf32>
        %parallel_loop3A_434 = arith.mulf %parallel_loop3A_423, %parallel_loop3A_433 : vector<16xf32>
        %parallel_loop3A_435 = arith.mulf %parallel_loop3A_434, %parallel_loop3A_431 : vector<16xf32>
        %parallel_loop3A_436 = arith.mulf %parallel_loop3A_435, %parallel_loop3A_431 : vector<16xf32>
        %parallel_loop3A_437 = arith.constant 1.500000e+00 : f32
        %parallel_loop3A_438 = vector.broadcast %parallel_loop3A_437 : f32 to vector<16xf32>
        %parallel_loop3A_439 = arith.subf %parallel_loop3A_438, %parallel_loop3A_436 : vector<16xf32>
        %parallel_loop3A_440 = arith.mulf %parallel_loop3A_431, %parallel_loop3A_439 : vector<16xf32>
        %parallel_loop3A_441 = arith.mulf %parallel_loop3A_423, %parallel_loop3A_440 : vector<16xf32>
        %parallel_loop3A_442 = arith.index_cast %parallel_loop3A_295 : i32 to index
        %parallel_loop3A_443 = arith.constant 112 : index
        %parallel_loop3A_444 = tpu.vector_load %arg7[%parallel_loop3A_442, %parallel_loop3A_443] {strides = array<i32>} : memref<80x160xf32, #tpu.memory_space<vmem>>, vector<16xf32>,
        tpu.vector_store %arg7[%parallel_loop3A_442, %parallel_loop3A_443], %parallel_loop3A_441 {strides = array<i32>} : memref<80x160xf32, #tpu.memory_space<vmem>>, vector<16xf32>,
        %parallel_loop3A_445 = tpu.vector_load_idx %arg5[%parallel_loop3A_300, %add3A_87] : memref<80x416xf32, #tpu.memory_space<vmem>>[vector<16xi32>, vector<16xi32>], vector<16xf32>,
        %parallel_loop3A_446 = tpu.vector_load_idx %arg5[%parallel_loop3A_300, %add3A_90] : memref<80x416xf32, #tpu.memory_space<vmem>>[vector<16xi32>, vector<16xi32>], vector<16xf32>,
        %parallel_loop3A_447 = tpu.vector_load_idx %arg5[%parallel_loop3A_300, %add3A_93] : memref<80x416xf32, #tpu.memory_space<vmem>>[vector<16xi32>, vector<16xi32>], vector<16xf32>,
        %parallel_loop3A_448 = tpu.vector_load_idx %arg5[%parallel_loop3A_300, %add3A_96] : memref<80x416xf32, #tpu.memory_space<vmem>>[vector<16xi32>, vector<16xi32>], vector<16xf32>,
        %parallel_loop3A_449 = tpu.vector_load_idx %arg5[%parallel_loop3A_300, %add3A_99] : memref<80x416xf32, #tpu.memory_space<vmem>>[vector<16xi32>, vector<16xi32>], vector<16xf32>,
        %parallel_loop3A_450 = arith.mulf %parallel_loop3A_445, %parallel_loop3A_445 : vector<16xf32>
        %parallel_loop3A_451 = arith.mulf %parallel_loop3A_446, %parallel_loop3A_446 : vector<16xf32>
        %parallel_loop3A_452 = arith.addf %parallel_loop3A_450, %parallel_loop3A_451 : vector<16xf32>
        %parallel_loop3A_453 = arith.mulf %parallel_loop3A_447, %parallel_loop3A_447 : vector<16xf32>
        %parallel_loop3A_454 = arith.mulf %parallel_loop3A_448, %parallel_loop3A_448 : vector<16xf32>
        %parallel_loop3A_455 = arith.addf %parallel_loop3A_453, %parallel_loop3A_454 : vector<16xf32>
        %parallel_loop3A_456 = arith.addf %parallel_loop3A_452, %parallel_loop3A_455 : vector<16xf32>
        %parallel_loop3A_457 = arith.mulf %parallel_loop3A_449, %parallel_loop3A_449 : vector<16xf32>
        %parallel_loop3A_458 = arith.addf %parallel_loop3A_456, %parallel_loop3A_457 : vector<16xf32>
        %parallel_loop3A_459 = tpu.bitcast %parallel_loop3A_458 : vector<16xf32> -> vector<16xi32>
        %parallel_loop3A_460 = arith.constant 1 : i32
        %parallel_loop3A_461 = vector.broadcast %parallel_loop3A_460 : i32 to vector<16xi32>
        %parallel_loop3A_462 = arith.shrsi %parallel_loop3A_459, %parallel_loop3A_461 : vector<16xi32>
        %parallel_loop3A_463 = arith.constant 1597463007 : i32
        %parallel_loop3A_464 = vector.broadcast %parallel_loop3A_463 : i32 to vector<16xi32>
        %parallel_loop3A_465 = arith.subi %parallel_loop3A_464, %parallel_loop3A_462 : vector<16xi32>
        %parallel_loop3A_466 = tpu.bitcast %parallel_loop3A_465 : vector<16xi32> -> vector<16xf32>
        %parallel_loop3A_467 = arith.constant 5.000000e-01 : f32
        %parallel_loop3A_468 = vector.broadcast %parallel_loop3A_467 : f32 to vector<16xf32>
        %parallel_loop3A_469 = arith.mulf %parallel_loop3A_458, %parallel_loop3A_468 : vector<16xf32>
        %parallel_loop3A_470 = arith.mulf %parallel_loop3A_469, %parallel_loop3A_466 : vector<16xf32>
        %parallel_loop3A_471 = arith.mulf %parallel_loop3A_470, %parallel_loop3A_466 : vector<16xf32>
        %parallel_loop3A_472 = arith.constant 1.500000e+00 : f32
        %parallel_loop3A_473 = vector.broadcast %parallel_loop3A_472 : f32 to vector<16xf32>
        %parallel_loop3A_474 = arith.subf %parallel_loop3A_473, %parallel_loop3A_471 : vector<16xf32>
        %parallel_loop3A_475 = arith.mulf %parallel_loop3A_466, %parallel_loop3A_474 : vector<16xf32>
        %parallel_loop3A_476 = arith.mulf %parallel_loop3A_458, %parallel_loop3A_475 : vector<16xf32>
        %parallel_loop3A_477 = arith.index_cast %parallel_loop3A_295 : i32 to index
        %parallel_loop3A_478 = arith.constant 128 : index
        %parallel_loop3A_479 = tpu.vector_load %arg7[%parallel_loop3A_477, %parallel_loop3A_478] {strides = array<i32>} : memref<80x160xf32, #tpu.memory_space<vmem>>, vector<16xf32>,
        tpu.vector_store %arg7[%parallel_loop3A_477, %parallel_loop3A_478], %parallel_loop3A_476 {strides = array<i32>} : memref<80x160xf32, #tpu.memory_space<vmem>>, vector<16xf32>,
        %parallel_loop3A_480 = tpu.vector_load_idx %arg5[%parallel_loop3A_300, %add3A_102] : memref<80x416xf32, #tpu.memory_space<vmem>>[vector<16xi32>, vector<16xi32>], vector<16xf32>,
        %parallel_loop3A_481 = tpu.vector_load_idx %arg5[%parallel_loop3A_300, %add3A_105] : memref<80x416xf32, #tpu.memory_space<vmem>>[vector<16xi32>, vector<16xi32>], vector<16xf32>,
        %parallel_loop3A_482 = tpu.vector_load_idx %arg5[%parallel_loop3A_300, %add3A_108] : memref<80x416xf32, #tpu.memory_space<vmem>>[vector<16xi32>, vector<16xi32>], vector<16xf32>,
        %parallel_loop3A_483 = tpu.vector_load_idx %arg5[%parallel_loop3A_300, %add3A_111] : memref<80x416xf32, #tpu.memory_space<vmem>>[vector<16xi32>, vector<16xi32>], vector<16xf32>,
        %parallel_loop3A_484 = tpu.vector_load_idx %arg5[%parallel_loop3A_300, %add3A_114] : memref<80x416xf32, #tpu.memory_space<vmem>>[vector<16xi32>, vector<16xi32>], vector<16xf32>,
        %parallel_loop3A_485 = arith.mulf %parallel_loop3A_480, %parallel_loop3A_480 : vector<16xf32>
        %parallel_loop3A_486 = arith.mulf %parallel_loop3A_481, %parallel_loop3A_481 : vector<16xf32>
        %parallel_loop3A_487 = arith.addf %parallel_loop3A_485, %parallel_loop3A_486 : vector<16xf32>
        %parallel_loop3A_488 = arith.mulf %parallel_loop3A_482, %parallel_loop3A_482 : vector<16xf32>
        %parallel_loop3A_489 = arith.mulf %parallel_loop3A_483, %parallel_loop3A_483 : vector<16xf32>
        %parallel_loop3A_490 = arith.addf %parallel_loop3A_488, %parallel_loop3A_489 : vector<16xf32>
        %parallel_loop3A_491 = arith.addf %parallel_loop3A_487, %parallel_loop3A_490 : vector<16xf32>
        %parallel_loop3A_492 = arith.mulf %parallel_loop3A_484, %parallel_loop3A_484 : vector<16xf32>
        %parallel_loop3A_493 = arith.addf %parallel_loop3A_491, %parallel_loop3A_492 : vector<16xf32>
        %parallel_loop3A_494 = tpu.bitcast %parallel_loop3A_493 : vector<16xf32> -> vector<16xi32>
        %parallel_loop3A_495 = arith.constant 1 : i32
        %parallel_loop3A_496 = vector.broadcast %parallel_loop3A_495 : i32 to vector<16xi32>
        %parallel_loop3A_497 = arith.shrsi %parallel_loop3A_494, %parallel_loop3A_496 : vector<16xi32>
        %parallel_loop3A_498 = arith.constant 1597463007 : i32
        %parallel_loop3A_499 = vector.broadcast %parallel_loop3A_498 : i32 to vector<16xi32>
        %parallel_loop3A_500 = arith.subi %parallel_loop3A_499, %parallel_loop3A_497 : vector<16xi32>
        %parallel_loop3A_501 = tpu.bitcast %parallel_loop3A_500 : vector<16xi32> -> vector<16xf32>
        %parallel_loop3A_502 = arith.constant 5.000000e-01 : f32
        %parallel_loop3A_503 = vector.broadcast %parallel_loop3A_502 : f32 to vector<16xf32>
        %parallel_loop3A_504 = arith.mulf %parallel_loop3A_493, %parallel_loop3A_503 : vector<16xf32>
        %parallel_loop3A_505 = arith.mulf %parallel_loop3A_504, %parallel_loop3A_501 : vector<16xf32>
        %parallel_loop3A_506 = arith.mulf %parallel_loop3A_505, %parallel_loop3A_501 : vector<16xf32>
        %parallel_loop3A_507 = arith.constant 1.500000e+00 : f32
        %parallel_loop3A_508 = vector.broadcast %parallel_loop3A_507 : f32 to vector<16xf32>
        %parallel_loop3A_509 = arith.subf %parallel_loop3A_508, %parallel_loop3A_506 : vector<16xf32>
        %parallel_loop3A_510 = arith.mulf %parallel_loop3A_501, %parallel_loop3A_509 : vector<16xf32>
        %parallel_loop3A_511 = arith.mulf %parallel_loop3A_493, %parallel_loop3A_510 : vector<16xf32>
        %parallel_loop3A_512 = arith.index_cast %parallel_loop3A_295 : i32 to index
        %parallel_loop3A_513 = arith.constant 144 : index
        %parallel_loop3A_514 = tpu.vector_load %arg7[%parallel_loop3A_512, %parallel_loop3A_513] {strides = array<i32>} : memref<80x160xf32, #tpu.memory_space<vmem>>, vector<16xf32>,
        tpu.vector_store %arg7[%parallel_loop3A_512, %parallel_loop3A_513], %parallel_loop3A_511 {strides = array<i32>} : memref<80x160xf32, #tpu.memory_space<vmem>>, vector<16xf32>,
      } {sc.loop_unroll_factor = 4 : i64, sc.parallel_access}
      %add3A_282 = arith.constant 1 : i32
      %add3A_283 = arith.addi %mul3A_210, %add3A_282 : i32
      %mul3A_284 = arith.constant 32 : i32
      %mul3A_285 = arith.muli %add3A_283, %mul3A_284 : i32
      %add3A_286 = arith.addi %mul3A_285, %add3A : i32
      %min3A_287 = arith.constant 1249 : i32
      %min3A_288 = arith.minsi %add3A_286, %min3A_287 : i32
      %mul3A_289 = arith.constant 80 : i32
      %mul3A_290 = arith.muli %min3A_288, %mul3A_289 : i32
      %dma_start3A_291 = arith.constant 0 : i32
      %dma_start3A_292 = tpu.memref_slice %arg3[%mul3A_290, %dma_start3A_291] : memref<100000x160xf32, #tpu.memory_space<hbm>> -> memref<80x160xf32, #tpu.memory_space<hbm>>
      %dma_start3A_293 = arith.constant 0 : i32
      %dma_start3A_294 = tpu.memref_slice %arg3[%mul3A_290, %dma_start3A_293] : memref<100000x160xf32, #tpu.memory_space<hbm>> -> memref<80x160xf32, #tpu.memory_space<hbm>>
      tpu.enqueue_dma source(%arg7 : memref<80x160xf32, #tpu.memory_space<vmem>>) target(%dma_start3A_294 : memref<80x160xf32, #tpu.memory_space<hbm>>) target_semaphore(%arg11 : memref<!tpu.dma_semaphore, #tpu.memory_space<semaphore_mem>>)
    }
    %scan3A_189 = arith.constant 19 : i32
    %dma_wait3A_190 = arith.constant 0 : i32
    %dma_wait3A_191 = arith.constant 0 : i32
    %dma_wait3A_192 = tpu.memref_slice %arg2[%dma_wait3A_190, %dma_wait3A_191] : memref<100000x416xf32, #tpu.memory_space<hbm>> -> memref<80x416xf32, #tpu.memory_space<hbm>>
    %dma_wait3A_193 = arith.constant 0 : i32
    %dma_wait3A_194 = arith.constant 0 : i32
    %dma_wait3A_195 = tpu.memref_slice %arg2[%dma_wait3A_193, %dma_wait3A_194] : memref<100000x416xf32, #tpu.memory_space<hbm>> -> memref<80x416xf32, #tpu.memory_space<hbm>>
    tpu.wait_dma2 semaphore(%arg8 : memref<!tpu.dma_semaphore, #tpu.memory_space<semaphore_mem>>) src(%dma_wait3A_195 : memref<80x416xf32, #tpu.memory_space<hbm>>) dst(%arg4 : memref<80x416xf32, #tpu.memory_space<vmem>>)
    %dma_wait3A_196 = arith.constant 0 : i32
    %dma_wait3A_197 = arith.constant 0 : i32
    %dma_wait3A_198 = tpu.memref_slice %arg3[%dma_wait3A_196, %dma_wait3A_197] : memref<100000x160xf32, #tpu.memory_space<hbm>> -> memref<80x160xf32, #tpu.memory_space<hbm>>
    %dma_wait3A_199 = arith.constant 0 : i32
    %dma_wait3A_200 = arith.constant 0 : i32
    %dma_wait3A_201 = tpu.memref_slice %arg3[%dma_wait3A_199, %dma_wait3A_200] : memref<100000x160xf32, #tpu.memory_space<hbm>> -> memref<80x160xf32, #tpu.memory_space<hbm>>
    tpu.wait_dma2 semaphore(%arg10 : memref<!tpu.dma_semaphore, #tpu.memory_space<semaphore_mem>>) src(%arg6 : memref<80x160xf32, #tpu.memory_space<vmem>>) dst(%dma_wait3A_201 : memref<80x160xf32, #tpu.memory_space<hbm>>)
    %dma_wait3A_202 = arith.constant 0 : i32
    %dma_wait3A_203 = arith.constant 0 : i32
    %dma_wait3A_204 = tpu.memref_slice %arg3[%dma_wait3A_202, %dma_wait3A_203] : memref<100000x160xf32, #tpu.memory_space<hbm>> -> memref<80x160xf32, #tpu.memory_space<hbm>>
    %dma_wait3A_205 = arith.constant 0 : i32
    %dma_wait3A_206 = arith.constant 0 : i32
    %dma_wait3A_207 = tpu.memref_slice %arg3[%dma_wait3A_205, %dma_wait3A_206] : memref<100000x160xf32, #tpu.memory_space<hbm>> -> memref<80x160xf32, #tpu.memory_space<hbm>>
    tpu.wait_dma2 semaphore(%arg11 : memref<!tpu.dma_semaphore, #tpu.memory_space<semaphore_mem>>) src(%arg7 : memref<80x160xf32, #tpu.memory_space<vmem>>) dst(%dma_wait3A_207 : memref<80x160xf32, #tpu.memory_space<hbm>>)
    return
  }
}

</mosaic_0001>

<sc_bundles>
// kernel: kernel.3.cloned.1.call-start
scs
__scs_entry_jumppad:
0x0: {  	(pc) =	sbr.rel $0x88, $3  }
0x1: {  	(tag) =	ssettag $0x0;
	lr =	simm.s32 $0x1  }
0x2: {  	[smem:$0x3FA0] =	sst lr;
	_ =	strace $0xD0000000  }
0x3: {  	_ = 	snop  }
0x4: {  	_ = 	snop  }
0x5: {  	_ = 	snop  }
0x6: {  	_ = 	snop  }
0x7: {  	_ = 	snop  }
__scs_overlays_trampoline_lowered:
0x8: {  	[smem:$0x3FAF] =	sst s0  }
0x9: {  	[smem:$0x3FB0] =	sst s1  }
0xa: {  	[smem:$0x3FB1] =	sst s2  }
0xb: {  	[smem:$0x3FB2] =	sst s3  }
0xc: {  	[smem:$0x3FB3] =	sst s4  }
0xd: {  	[smem:$0x3FB4] =	sst s5  }
0xe: {  	[smem:$0x3FB5] =	sst s6  }
0xf: {  	[smem:$0x3FB6] =	sst s7  }
0x10: {  	[smem:$0x3FB7] =	sst s8  }
0x11: {  	[smem:$0x3FB8] =	sst s9;
	s0 =	simm.s32 @!p0 $0x0  }
0x12: {  	s1 =	sld [smem:$0x3F9E];
	s0 =	simm.s32 @p0 $0x1  }
0x13: {  	[smem:$0x3FB9] =	sst s0;
	s0 =	simm.s32 @!p1 $0x0  }
0x14: {  	s2 =	sld [smem:$0x3F9D];
	s0 =	simm.s32 @p1 $0x1  }
0x15: {  	[smem:$0x3FBA] =	sst s0;
	s0 =	simm.s32 @!p2 $0x0  }
0x16: {  	s3 =	sld [smem:$0x3FDB];
	s0 =	simm.s32 @p2 $0x1  }
0x17: {  	s4 =	simm.s32 $0x1BF5;
	[smem:$0x3FBC] =	sst s0  }
0x18: {  	s0 =	sld [smem:$0x3F9F];
	_ =	swait.ge [sflag:s4], $0x0  }
0x19: {  	s7 =	sld [smem:$0x3FA0]  }
0x1a: {  	s8 =	sadd.s32 $0xFFFFE003, lr  }
0x1b: {  	s9 =	sadd.s32 $0xFFFFFEF7, lr;
	s5 =	simm.s32 $0xFFFFFFFF;
	p2 =	slt.u32 s8, $0xFFFFF086  }
0x1c: {  	p1 =	slt.u32 s9, $0xF7A;
	s5 =	simm.s32 @!p2 $0x0  }
0x1d: {  	s5 =	simm.s32 @p1 $0x1;
	p0 =	seq.s32 s7, s2  }
0x1e: {  	s7 =	smul.u32 @!p0 $0xF7A, s2;
	p2 =	seq.s32 @!p0 s5, $0x0  }
0x1f: {  	s9 =	smul.u32 $0xF7A, s1;
	s8 =	simm.s32 @!p0 $0x1BF5;
	p2 =	por !p2, p0  }
0x20: {  	[sflag:s8] =	ssyncset.s32 @!p0 $0xFFFFF086;
	s6 =	sadd.s32 @!p0 s3, s7;
	s7 =	simm.s32 @!p0 $0x108  }
0x21: {  	s3 =	sadd.s32 s3, s9;
	s6 =	sadd.s32 @!p0 $0x88, s6;
	s7 =	simm.s32 @p2 $0x1082  }
0x22: {  	[simem:s7], [sflag:s8] =	dma.local @!p0 [hbm:s6], $0xF7A  }
0x23: {  	s9 =	sor.u32 $0xD0000000, s2;
	s6 =	simm.s32 $0x108;
	_ =	swait.ge @!p0 [sflag:s8], $0x0  }
0x24: {  	s3 =	sadd.s32 $0x88, s3;
	s6 =	simm.s32 @!p1 $0x1082;
	[sflag:s4] =	ssyncset.s32 $0xFFFFF086  }
0x25: {  	[simem:s6], [sflag:s4] =	dma.local [hbm:s3], $0xF7A  }
0x26: {  	[smem:$0x3FA0] =	sst s1;
	(tag) =	ssettag s2;
	_ =	strace s9  }
0x27: {  	s1 =	sld [smem:$0x3FB0]  }
0x28: {  	s2 =	sld [smem:$0x3FB1]  }
0x29: {  	s4 =	sld [smem:$0x3FB3]  }
0x2a: {  	p0 =	seq.s32 s5, $0x0;
	s5 =	sld [smem:$0x3FB4]  }
0x2b: {  	s6 =	sld [smem:$0x3FB5]  }
0x2c: {  	s7 =	sld [smem:$0x3FB6]  }
0x2d: {  	s3 =	simm.s32 $0x108;
	s8 =	sld [smem:$0x3FB7]  }
0x2e: {  	s3 =	simm.s32 @!p0 $0x1082;
	s9 =	sld [smem:$0x3FB8]  }
0x2f: {  	lr =	sadd.s32 s0, s3;
	s0 =	sld [smem:$0x3FAF]  }
0x30: {  	s3 =	sld [smem:$0x3FB2]  }
0x31: {  	[smem:$0x3FBB] =	sst s10  }
0x32: {  	s10 =	sld [smem:$0x3FB9];
	_ =	sdelay $0x3  }
0x33: {  	p0 =	seq.s32 s10, $0x1;
	s10 =	sld [smem:$0x3FBB];
	_ =	sdelay $0x3  }
0x34: {  	[smem:$0x3FBB] =	sst s10  }
0x35: {  	s10 =	sld [smem:$0x3FBA];
	_ =	sdelay $0x3  }
0x36: {  	p1 =	seq.s32 s10, $0x1;
	s10 =	sld [smem:$0x3FBB];
	_ =	sdelay $0x3  }
0x37: {  	[smem:$0x3FBB] =	sst s10  }
0x38: {  	s10 =	sld [smem:$0x3FBC]  }
0x39: {  	_ = 	snop;
	(pc) =	sbr.ind lr, $3  }
0x3a: {  	_ = 	snop  }
0x3b: {  	_ = 	snop  }
0x3c: {  	p2 =	seq.s32 s10, $0x1;
	s10 =	sld [smem:$0x3FBB]  }
0x3d: {  	_ =	shalt  }
0x3e: {  	_ =	shalt  }
0x3f: {  	_ =	shalt  }
0x40: {  	_ =	shalt  }
0x41: {  	_ =	shalt  }
0x42: {  	_ =	shalt  }
0x43: {  	_ =	shalt  }
0x44: {  	_ =	shalt  }
0x45: {  	_ =	shalt  }
0x46: {  	_ =	shalt  }
0x47: {  	_ =	shalt  }
0x48: {  	_ =	shalt  }
0x49: {  	_ =	shalt  }
0x4a: {  	_ =	shalt  }
0x4b: {  	_ =	shalt  }
0x4c: {  	_ =	shalt  }
0x4d: {  	_ =	shalt  }
0x4e: {  	_ =	shalt  }
0x4f: {  	_ =	shalt  }
0x50: {  	_ =	shalt  }
0x51: {  	_ =	shalt  }
0x52: {  	_ =	shalt  }
0x53: {  	_ =	shalt  }
0x54: {  	_ =	shalt  }
0x55: {  	_ =	shalt  }
0x56: {  	_ =	shalt  }
0x57: {  	_ =	shalt  }
0x58: {  	_ =	shalt  }
0x59: {  	_ =	shalt  }
0x5a: {  	_ =	shalt  }
0x5b: {  	_ =	shalt  }
0x5c: {  	_ =	shalt  }
0x5d: {  	_ =	shalt  }
0x5e: {  	_ =	shalt  }
0x5f: {  	_ =	shalt  }
0x60: {  	_ =	shalt  }
0x61: {  	_ =	shalt  }
0x62: {  	_ =	shalt  }
0x63: {  	_ =	shalt  }
0x64: {  	_ =	shalt  }
0x65: {  	_ =	shalt  }
0x66: {  	_ =	shalt  }
0x67: {  	_ =	shalt  }
0x68: {  	_ =	shalt  }
0x69: {  	_ =	shalt  }
0x6a: {  	_ =	shalt  }
0x6b: {  	_ =	shalt  }
0x6c: {  	_ =	shalt  }
0x6d: {  	_ =	shalt  }
0x6e: {  	_ =	shalt  }
0x6f: {  	_ =	shalt  }
0x70: {  	_ =	shalt  }
0x71: {  	_ =	shalt  }
0x72: {  	_ =	shalt  }
0x73: {  	_ =	shalt  }
0x74: {  	_ =	shalt  }
0x75: {  	_ =	shalt  }
0x76: {  	_ =	shalt  }
0x77: {  	_ =	shalt  }
0x78: {  	_ =	shalt  }
0x79: {  	_ =	shalt  }
0x7a: {  	_ =	shalt  }
0x7b: {  	_ =	shalt  }
0x7c: {  	_ =	shalt  }
0x7d: {  	_ =	shalt  }
0x7e: {  	_ =	shalt  }
0x7f: {  	_ =	shalt  }
0x80: {  	_ =	shalt  }
0x81: {  	_ =	shalt  }
0x82: {  	_ =	shalt  }
0x83: {  	_ =	shalt  }
0x84: {  	_ =	shalt  }
0x85: {  	_ =	shalt  }
0x86: {  	_ =	shalt  }
0x87: {  	_ =	shalt  }
.Lfunc_end0:
.L_simem_size_0:
called_computation_lowered:
.L_overlay_start_0:
0x88: {  	s2 =	sld [smem:$0x3FD9]  }
0x89: {  	s3 =	sld [smem:$0x3FFE];
	_ =	sdelay $0x1  }
0x8a: {  	s1 =	srdreg.scid  }
0x8b: {  	s0 =	sand.u32 $0x1, s1  }
0x8c: {  	s16 =	sshll.u32 s0, $0xA;
	s2 =	sadd.s32 s3, s2  }
0x8d: {  	s2 =	sadd.s32 s2, s16  }
0x8e: {  	[smem:$0x3FC7] =	sst s2  }
0x8f: {  	_ = 	snop  }
0x90: {  	(tm) =	ssettm $0x1  }
0x91: {  	s17 =	sld [smem:$0x3FFB];
	_ =	sdelay $0x3  }
0x92: {  	_ =	strace s17  }
0x93: {  	s2 =	sld [smem:$0x3FFC];
	_ =	sdelay $0x3  }
0x94: {  	_ =	strace s2  }
0x95: {  	s2 =	sld [smem:$0x3FFD];
	_ =	sdelay $0x3  }
0x96: {  	_ =	strace s2  }
0x97: {  	_ =	strace $0x8FFFFFFF  }
0x98: {  	s18 =	sld [smem:$0x3FDB];
	_ =	sdelay $0x1  }
0x99: {  	s19 =	simm.s32 $_scs_section_size  }
0x9a: {  	s4 =	simm.s32 $_size__tile_overlayer_lowered;
	s5 =	simm.s32 $_tile_overlayer_lowered  }
0x9b: {  	s22 =	simm.s32 $0x1BFF;
	s21 =	sshll.u32 s5, $0x1;
	s2 =	sadd.s32 s19, s18  }
0x9c: {  	s6 =	simm.s32 $0x0;
	s20 =	sshll.u32 s4, $0x1;
	s4 =	sadd.s32 s21, s2  }
0x9d: {  	[timem:s6], [sflag:s22] =	dma.local [hbm:s4], s20  }
0x9e: {  	_ =	swait.ge [sflag:s22], s20  }
0x9f: {  	s3 =	ssub.s32 $0x0, s20;
	[sflag:s22] =	ssyncset.done $0x0  }
0xa0: {  	[sflag:s22] =	ssyncadd.s32 s3;
	_ =	sdelay $0x1  }
0xa1: {  	s23 =	simm.s32 $0x1B8B  }
0xa2: {  	_ =	swait.ge [sflag:s23], $0x1  }
0xa3: {  	[sflag:s23] =	ssyncset.done $0x0  }
0xa4: {  	s25 =	simm.s32 $0x1B8E;
	s24 =	sld [smem:$0x3FFE];
	[sflag:s23] =	ssyncadd.s32 $0xFFFFFFFF  }
0xa5: {  	s26 =	simm.s32 $execute0_lowered;
	[smem:$0x3FD2] =	sst s25  }
0xa6: {  	s4 =	sshll.u32 s26, $0x1;
	_ =	strace $0x80000046;
	[dreg:$0x1] =	wrdreg $0xFFFFFFFF  }
0xa7: {  	s28 =	simm.s32 $_size_execute0_lowered;
	s2 =	sadd.s32 s2, s4;
	[dreg:$0x0] =	wrdreg $0x0  }
0xa8: {  	s4 =	sshll.u32 s28, $0x1;
	[dreg:$0x2] =	wrdreg s2  }
0xa9: {  	[dreg:$0x3] =	wrdreg s4  }
0xaa: {  	[dreg:$0x4] =	wrdreg $0xC0  }
0xab: {  	_ =	task [dreg:s6], $0x5FFFF  }
0xac: {  	[dreg:$0x1] =	wrdreg $0xFFFFFFFF  }
0xad: {  	[dreg:$0x0] =	wrdreg $0x60  }
0xae: {  	[dreg:$0x2] =	wrdreg s24  }
0xaf: {  	[dreg:$0x3] =	wrdreg $0x9  }
0xb0: {  	_ =	task.clear_ibuf [dreg:s6], $0x4FFFF;
	_ =	strace $0x90000046  }
0xb1: {  	s29 =	simm.s32 $0x9;
	_ =	strace $0x80000048  }
0xb2: {  	_ =	swait.ge [sflag:s29], $0x1  }
0xb3: {  	[sflag:s29] =	ssyncadd.s32 $0xFFFFFFFF  }
0xb4: {  	_ =	strace $0x90000048  }
0xb5: {  	_ =	sfence  }
0xb6: {  	s30 =	sld [smem:$0x0];
	_ =	sdelay $0x2  }
0xb7: {  	s31 =	sshll.u32 s1, $0xD;
	s1 =	sshrl.u32 s1, $0x2  }
0xb8: {  	s3 =	sand.u32 $0x4000, s31;
	s1 =	sadd.s32 s1, s30  }
0xb9: {  	s0 =	sor.u32 s3, s0;
	s1 =	sshll.u32 s1, $0x11  }
0xba: {  	s0 =	sor.u32 s1, s0  }
0xbb: {  	s0 =	sadd.s32 $0x8F2B, s0  }
0xbc: {  	[sflag:s0] =	ssyncadd.remote.s32 $0x1  }
0xbd: {  	_ =	sfence.sel $0xFFFF  }
0xbe: {  	[dreg:$0x0] =	wrdreg $0xFFFFFFFF;
	(pc) =	sbr.abs _section_cstart, $3  }
0xbf: {  	[dreg:$0x1] =	wrdreg $0xFFFFFFFF  }
0xc0: {  	_ =	task.clear_ibuf [dreg:s6], $0x2FFFF;
	_ =	strace $0x9FFFFFFF  }
0xc1: {  	(tm) =	ssettm $0x7FFFFFFF  }
tec
execute0_lowered:
.L_overlay_start_1:
0x0: {  	(tag) =	ssettag $0x1  }
0x1: {  	v0 =	vimm.s32 $0x79767370;
	v1 =	vimm.s32 $0x7F7C  }
0x2: {  	vm3 =	vcmask $0xF00;
	v11 =	vlaneseq.u32;
	vm0 =	vcmask $0x1710  }
0x3: {  	vm6 =	vcmask $0x1B18;
	vm2 =	vcmask $0x1F1C;
	vm1 =	vcmask $0x2320  }
0x4: {  	v2 =	vimm.s32 $0x7B787572;
	vm10 =	vcmask $0x1310;
	vm9 =	vcmask $0x1714  }
0x5: {  	vm4 =	vcmask $0x2F2C;
	vm5 =	vcmask $0x3330;
	vm7 =	vcmask $0x3734  }
0x6: {  	vm8 =	vcmask $0x3B38;
	v6 =	vimm.s32 $0xC1B;
	vm13 =	vcmask $0x300  }
0x7: {  	v7 =	vimm.s32 $0xC1C;
	vm14 =	vcmask $0x704;
	vm12 =	vcmask $0xB08  }
0x8: {  	vm11 =	vcmask $0xF0C;
	v19 =	vimm.s32 $0xC1D;
	v20 =	vimm.s32 $0xC1E  }
0x9: {  	v21 =	vimm.s32 $0xC1F;
	v0 =	vunpack.c.0.s8.s32 v0;
	v1 =	vunpack.c.0.s8.s32 v1  }
0xa: {  	v12 =	vmul.u32 $0x3, v11;
	v5 =	vunpack.c.0.s8.s32 v2;
	v6 =	vsel vm13, $0x850, v6  }
0xb: {  	v7 =	vsel vm13, $0x851, v7;
	v16 =	vmul.u32 $0x5, v11;
	v19 =	vsel vm13, $0x852, v19  }
0xc: {  	v20 =	vsel vm13, $0x853, v20;
	v21 =	vsel vm13, $0x854, v21;
	v6 =	vsel vm14, $0x855, v6  }
0xd: {  	v7 =	vsel vm14, $0x856, v7;
	v19 =	vsel vm14, $0x857, v19;
	v20 =	vsel vm14, $0x858, v20  }
0xe: {  	v21 =	vsel vm14, $0x859, v21;
	v0 =	vnsel vm3, $0x41D, v0;
	v51 =	vor.u32 $0x40, v12  }
0xf: {  	v54 =	vadd.s32 $0x41, v12;
	v2 =	vadd.s32 $0x42, v12;
	v5 =	vnsel vm3, $0x41F, v5  }
0x10: {  	v8 =	vsel vm12, $0x85A, v6;
	v7 =	vsel vm12, $0x85B, v7;
	v62 =	vadd.s32 $0x802, v16  }
0x11: {  	v61 =	vadd.s32 $0x803, v16;
	v19 =	vsel vm12, $0x85C, v19;
	v20 =	vsel vm12, $0x85D, v20  }
0x12: {  	v21 =	vsel vm12, $0x85E, v21;
	v0 =	vsel vm0, v1, v0;
	vm0 =	vcmask $0x2724  }
0x13: {  	[tilespmem:$0x1FEA0] =	vst v2;
	v5 =	vsel vm10, $0x7E, v5;
	v2 =	vadd.s32 $0x420, v12;
	v8 =	vsel vm11, $0x85F, v8  }
0x14: {  	v9 =	vsel vm11, $0x860, v7;
	v7 =	vadd.s32 $0x421, v12;
	v19 =	vsel vm11, $0x861, v19  }
0x15: {  	v20 =	vsel vm11, $0x862, v20;
	v21 =	vsel vm11, $0x863, v21;
	v1 =	vsel vm6, $0x402, v0  }
0x16: {  	v5 =	vsel vm9, $0x401, v5;
	v10 =	vsel vm10, $0x864, v8;
	v1 =	vsel vm2, $0x405, v1  }
0x17: {  	v9 =	vsel vm10, $0x865, v9;
	v3 =	vsel vm1, $0x408, v1;
	v1 =	vimm.s32 $0x7A777471  }
0x18: {  	v0 =	vadd.s32 $0x422, v12;
	v19 =	vsel vm10, $0x866, v19;
	v4 =	vunpack.c.0.s8.s32 v1  }
0x19: {  	v20 =	vsel vm10, $0x867, v20;
	v21 =	vsel vm10, $0x868, v21;
	v5 =	vsel vm6, $0x404, v5  }
0x1a: {  	[tilespmem:$0x1FEB0] =	vst v0;
	v10 =	vsel vm9, $0x869, v10;
	v0 =	vadd.s32 $0x450, v12;
	v4 =	vnsel vm3, $0x41E, v4  }
0x1b: {  	v19 =	vsel vm9, $0x86B, v19;
	v5 =	vsel vm2, $0x407, v5;
	v4 =	vsel vm10, $0x7D, v4  }
0x1c: {  	[tilespmem:$0x1FEC0] =	vst v0;
	v14 =	vsel vm6, $0x86E, v10;
	v0 =	vadd.s32 $0x451, v12;
	v4 =	vsel vm9, $0x400, v4  }
0x1d: {  	v19 =	vsel vm6, $0x870, v19;
	v5 =	vsel vm1, $0x40A, v5;
	v4 =	vsel vm6, $0x403, v4  }
0x1e: {  	[tilespmem:$0x1FED0] =	vst v0;
	v14 =	vsel vm2, $0x873, v14;
	v0 =	vadd.s32 $0x452, v12;
	v4 =	vsel vm2, $0x406, v4  }
0x1f: {  	v5 =	vsel vm0, $0x40D, v5;
	vm3 =	vcmask $0x2B28;
	v4 =	vsel vm1, $0x409, v4  }
0x20: {  	v19 =	vsel vm2, $0x875, v19;
	v5 =	vsel vm3, $0x410, v5;
	v4 =	vsel vm0, $0x40C, v4  }
0x21: {  	v19 =	vsel vm1, $0x87A, v19;
	v5 =	vsel vm4, $0x413, v5;
	v4 =	vsel vm3, $0x40F, v4  }
0x22: {  	v19 =	vsel vm0, $0x87F, v19;
	v5 =	vsel vm5, $0x416, v5;
	v4 =	vsel vm4, $0x412, v4  }
0x23: {  	v19 =	vsel vm3, $0xC04, v19;
	v5 =	vsel vm7, $0x419, v5;
	v4 =	vsel vm5, $0x415, v4  }
0x24: {  	v14 =	vsel vm1, $0x878, v14;
	v19 =	vsel vm4, $0xC09, v19;
	v4 =	vsel vm7, $0x418, v4  }
0x25: {  	s2 =	stileid.u32;
	v14 =	vsel vm0, $0x87D, v14;
	v19 =	vsel vm5, $0xC0E, v19;
	v4 =	vsel vm8, $0x41B, v4  }
0x26: {  	s3 =	sshll.u32 s2, $0x1;
	s2 =	simm.s32 $0x0;
	[tilespmem:$0x1FEE0] =	vst v0;
	v19 =	vsel vm7, $0xC13, v19;
	v63 =	vsel vm8, $0x41C, v5;
	v5 =	vmovc v4;
	v4 =	vor.u32 $0x800, v16  }
0x27: {  	[smem:$0x7FF] =	sst s2;
	v3 =	vsel vm0, $0x40B, v3;
	v14 =	vsel vm3, $0xC02, v14;
	v0 =	vsel vm8, $0xC18, v19;
	[tilespmem:$0x1FEF0] =	vst v4  }
0x28: {  	s1 =	rddreg [dreg:$0x0];
	v13 =	vsel vm9, $0x86A, v9;
	v3 =	vsel vm3, $0x40E, v3;
	v17 =	vsel vm4, $0xC07, v14;
	_ =	strace $0x80000047;
	[tilespmem:$0x1FF00] =	vst v0  }
0x29: {  	v20 =	vsel vm9, $0x86C, v20;
	v3 =	vsel vm4, $0x411, v3;
	v17 =	vsel vm5, $0xC0C, v17;
	[tilespmem:$0x1FF30] =	vst v62  }
0x2a: {  	s0 =	srdreg.scid;
	v12 =	vadd.s32 $0x804, v16;
	v3 =	vsel vm5, $0x414, v3;
	v17 =	vsel vm7, $0xC11, v17;
	[tilespmem:$0x1FF40] =	vst v61  }
0x2b: {  	s0 =	sand.u32 $0x1, s0;
	v21 =	vsel vm9, $0x86D, v21;
	v3 =	vsel vm7, $0x417, v3;
	v18 =	vsel vm8, $0xC16, v17;
	[tilespmem:$0x1FF50] =	vst v12  }
0x2c: {  	s5 =	sadd.s32 $0x61AC00, s1;
	s3 =	sor.u32 s0, s3;
	v13 =	vsel vm6, $0x86F, v13;
	v20 =	vsel vm6, $0x871, v20;
	v3 =	vsel vm8, $0x41A, v3;
	[tilespmem:$0x1FF60] =	vst v18  }
0x2d: {  	s13 =	simm.s32 $0xA000;
	s6 =	smul.u32 $0x1400, s3;
	s7 =	sor.u32 $0x20, s3;
	v21 =	vsel vm6, $0x872, v21;
	v13 =	vsel vm2, $0x874, v13;
	v20 =	vsel vm2, $0x876, v20;
	[tilespmem:$0x1FF80] =	vst v3  }
0x2e: {  	s4 =	sadd.s32 $0x400, s1;
	s8 =	smul.u32 $0x1400, s7;
	v21 =	vsel vm2, $0x877, v21;
	v13 =	vsel vm1, $0x879, v13;
	v20 =	vsel vm1, $0x87B, v20;
	[tilespmem:$0x1FF90] =	vst v5  }
0x2f: {  	s14 =	simm.s32 $0x1;
	s26 =	smul.u32 $0xA00, s3;
	s6 =	sadd.s32 s4, s6;
	v21 =	vsel vm1, $0x87C, v21;
	v13 =	vsel vm0, $0x87E, v13;
	v20 =	vsel vm0, $0xC00, v20;
	[tilespmem:$0x1FFA0] =	vst v2  }
0x30: {  	s7 =	smul.u32 $0xA00, s7;
	s8 =	sadd.s32 s4, s8;
	v21 =	vsel vm0, $0xC01, v21;
	v15 =	vsel vm3, $0xC03, v13;
	v20 =	vsel vm3, $0xC05, v20;
	[dreg:$0x3] =	wrdreg s6;
	[tilespmem:$0x1FFB0] =	vst v7  }
0x31: {  	s0 =	ssub.s32 $0x2, s0;
	s1 =	sadd.s32 s5, s26;
	v13 =	vadd.s32 $0x801, v16;
	v21 =	vsel vm3, $0xC06, v21;
	v20 =	vsel vm4, $0xC0A, v20;
	[dreg:$0x4] =	wrdreg s8;
	[tilespmem:$0x1FFC0] =	vst v63  }
0x32: {  	s10 =	smul.u32 $0xA000, s3;
	s30 =	sadd.s32 s5, s7;
	v21 =	vsel vm4, $0xC0B, v21;
	v20 =	vsel vm5, $0xC0F, v20;
	[dreg:$0x5] =	wrdreg s1;
	[tilespmem:$0x1FFD0] =	vst v13  }
0x33: {  	s9 =	sshrl.u32 s0, $0x1;
	s31 =	sor.u32 $0x40, s3;
	v15 =	vsel vm4, $0xC08, v15;
	v21 =	vsel vm5, $0xC10, v21;
	v20 =	vsel vm7, $0xC14, v20;
	[dreg:$0x7] =	wrdreg s30;
	[tilespmem:$0x1FFE0] =	vst v51  }
0x34: {  	s0 =	ssub.s32 s0, s9;
	s28 =	sshrl.u32 s10, $0x3;
	v21 =	vsel vm7, $0xC15, v21;
	v4 =	vsel vm5, $0xC0D, v15;
	[dreg:$0x2] =	wrdreg s3;
	v0 =	vsel vm8, $0xC19, v20;
	[tilespmem:$0x1FFF0] =	vst v54  }
0x35: {  	s0 =	smax.u32 s0, $0x1;
	s29 =	sadd.s32 s4, s28;
	v14 =	vsel vm7, $0xC12, v4;
	[dreg:$0x8] =	wrdreg s31;
	[tilespmem:$0x1FF10] =	vst v0;
	v0 =	vsel vm8, $0xC1A, v21  }
0x36: {  	s18 =	simm.s32 $0x3;
	s1 =	sadd.s32 $0x50000, s29;
	[dreg:$0x9] =	wrdreg s0;
	v4 =	vsel vm8, $0xC17, v14;
	[tilespmem:$0x1FF20] =	vst v0  }
0x37: {  	s19 =	simm.s32 $0x4;
	v1 =	vmov v3;
	[dreg:$0x6] =	wrdreg s1;
	s1 =	simm.s32 $0x0;
	[tilespmem:$0x1FF70] =	vst v4  }
.LBB2_1:
0x38: {  	[dreg:$0xa] =	wrdreg s1  }
0x39: {  	s0 =	rddreg [dreg:$0x3]  }
0x3a: {  	[tilespmem:s2], [sflag:$0x1] =	stream.linear.gather [hbm4b:s0+s2], $0xA000, $0x38;
	[tilespmem:$0x1E000] =	vst v63  }
0x3b: {  	s20 =	rddreg [dreg:$0x4]  }
0x3c: {  	[tilespmem:s13], [sflag:$0x2] =	stream.linear.gather [hbm4b:s20+s2], $0xA000, $0x38;
	[tilespmem:$0x1E000] =	vst v63  }
0x3d: {  	s21 =	simm.s32 $0x180;
	s22 =	simm.s32 $0x0;
	_ =	swait.ge [sflag:s14], $0xA000  }
0x3e: {  	s6 =	sand.u32 $0x3FFFF000, s22;
	s0 =	sand.u32 $0x380, s21;
	[sflag:s14] =	ssyncset.done $0x0  }
0x3f: {  	s7 =	sor.u32 s0, s6;
	[sflag:s14] =	ssyncadd.s32 $0xFFFF6000  }
0x40: {  	v22 =	vld [tilespmem:s7+$0x0]  }
0x41: {  	s23 =	simm.s32 $0x0  }
0x42: {  	s8 =	simm.s32 $0x0;
	s9 =	simm.s32 $0x80;
	s10 =	sand.u32 $0x200, s23  }
0x43: {  	s24 =	sand.u32 $0x3FFFF800, s8;
	s25 =	sand.u32 $0x280, s9;
	s26 =	sor.u32 s10, s6  }
0x44: {  	s12 =	sadd.s32 $0x14000, s24;
	s29 =	sor.u32 s25, s6;
	v23 =	vld [tilespmem:s26+$0x0]  }
0x45: {  	s21 =	sor.u32 s0, s12;
	v24 =	vld [tilespmem:s29+$0x0];
	v22 =	vand.u32 $0x7FFFFFFF, v22  }
0x46: {  	[tilespmem:s21+$0x0] =	vst v22  }
0x47: {  	s30 =	simm.s32 $0x100;
	v22 =	vld [tilespmem:s7+$0x10]  }
0x48: {  	s20 =	sand.u32 $0x300, s30  }
0x49: {  	s22 =	sor.u32 s10, s12;
	s0 =	sor.u32 s20, s6;
	v23 =	vand.u32 $0x7FFFFFFF, v23  }
0x4a: {  	s23 =	sor.u32 s25, s12;
	v25 =	vld [tilespmem:s0+$0x0];
	[tilespmem:s22+$0x0] =	vst v23;
	v23 =	vand.u32 $0x7FFFFFFF, v24  }
0x4b: {  	[tilespmem:s23+$0x0] =	vst v23;
	v23 =	vld [tilespmem:s26+$0x10]  }
0x4c: {  	v39 =	vld [tilespmem:s29+$0x10];
	v22 =	vand.u32 $0x7FFFFFFF, v22  }
0x4d: {  	[tilespmem:s21+$0x10] =	vst v22  }
0x4e: {  	v22 =	vld [tilespmem:s7+$0x20]  }
0x4f: {  	s24 =	sor.u32 s20, s12;
	v25 =	vand.u32 $0x7FFFFFFF, v25  }
0x50: {  	[tilespmem:s24+$0x0] =	vst v25;
	v23 =	vand.u32 $0x7FFFFFFF, v23  }
0x51: {  	v25 =	vld [tilespmem:s0+$0x10];
	[tilespmem:s22+$0x10] =	vst v23;
	v23 =	vand.u32 $0x7FFFFFFF, v39  }
0x52: {  	s31 =	simm.s32 $0x3;
	v40 =	vld [tilespmem:s26+$0x20];
	[tilespmem:s23+$0x10] =	vst v23  }
0x53: {  	v23 =	vmov s31;
	v26 =	vld [tilespmem:s29+$0x20];
	v22 =	vand.u32 $0x7FFFFFFF, v22  }
0x54: {  	v27 =	vshll.u32 v23, $0x9;
	[tilespmem:s21+$0x20] =	vst v22;
	v22 =	vshll.u32 v23, $0x7  }
0x55: {  	v23 =	vand.u32 $0xF000, v27;
	v22 =	vand.u32 $0x380, v22  }
0x56: {  	v28 =	vor.u32 v22, v23;
	v23 =	vand.u32 $0x7FFFFFFF, v25  }
0x57: {  	[tilespmem:s24+$0x10] =	vst v23;
	v23 =	vand.u32 $0x7FFFFFFF, v40  }
0x58: {  	v41 =	vld [tilespmem:s7+$0x30];
	[tilespmem:s22+$0x20] =	vst v23;
	v23 =	vand.u32 $0x7FFFFFFF, v26  }
0x59: {  	[tilespmem:s23+$0x20] =	vst v23  }
0x5a: {  	v22 =	vmov s2;
	v15 =	vld [tilespmem:$0x1FEA0]  }
0x5b: {  	v29 =	vor.u32 v51, v28;
	v25 =	vshll.u32 v22, $0x9;
	v22 =	vshll.u32 v22, $0x7;
	v31 =	vld [tilespmem:s0+$0x20]  }
0x5c: {  	s3 =	simm.s32 $0x1;
	v30 =	vor.u32 v54, v28;
	v34 =	vand.u32 $0xF000, v25;
	v26 =	vand.u32 $0x200, v22;
	v33 =	vld [tilespmem:s26+$0x30]  }
0x5d: {  	v42 =	vmov s3;
	v24 =	vor.u32 v26, v34;
	v23 =	vand.u32 $0x7FFFFFFF, v41  }
0x5e: {  	v22 =	vshll.u32 v42, $0x9;
	v45 =	vor.u32 v51, v24;
	[tilespmem:s21+$0x30] =	vst v23;
	v23 =	vshll.u32 v42, $0x7  }
0x5f: {  	v22 =	vand.u32 $0xF000, v22;
	v35 =	vld [tilespmem:s29+$0x30];
	v23 =	vand.u32 $0x280, v23;
	v43 =	vor.u32 v15, v28  }
0x60: {  	s7 =	simm.s32 $0x2;
	v37 =	vor.u32 v54, v24;
	v29 =	vld.idx.msk [tilespmem:v29+s2+$0x0], $0xffff;
	v31 =	vand.u32 $0x7FFFFFFF, v31;
	v22 =	vor.u32 v23, v22  }
0x61: {  	v32 =	vmov s7;
	v30 =	vld.idx.msk [tilespmem:v30+s2+$0x0], $0xffff;
	[tilespmem:s24+$0x20] =	vst v31;
	v46 =	vor.u32 v51, v22;
	v33 =	vand.u32 $0x7FFFFFFF, v33  }
0x62: {  	v36 =	vshll.u32 v32, $0x9;
	v32 =	vshll.u32 v32, $0x7;
	v48 =	vor.u32 v54, v22;
	v47 =	vld [tilespmem:s0+$0x30];
	[tilespmem:s22+$0x30] =	vst v33  }
0x63: {  	v44 =	vand.u32 $0xF000, v36;
	v32 =	vand.u32 $0x300, v32;
	v38 =	vor.u32 v15, v24;
	v36 =	vld.idx.msk [tilespmem:v45+s2+$0x0], $0xffff  }
0x64: {  	v23 =	vor.u32 v32, v44;
	v35 =	vand.u32 $0x7FFFFFFF, v35;
	v52 =	vor.u32 v15, v22;
	v27 =	vld.idx.msk [tilespmem:v43+s2+$0x0], $0xffff  }
0x65: {  	v49 =	vor.u32 v51, v23;
	[tilespmem:s23+$0x30] =	vst v35;
	v37 =	vld.idx.msk [tilespmem:v37+s2+$0x0], $0xffff  }
0x66: {  	v50 =	vor.u32 v54, v23;
	v31 =	vld.idx.msk [tilespmem:v46+s2+$0x0], $0xffff  }
0x67: {  	v29 =	vmul.f32 v29, v29;
	v30 =	vmul.f32 v30, v30;
	v53 =	vld.idx.msk [tilespmem:v48+s2+$0x0], $0xffff  }
0x68: {  	v51 =	vand.u32 $0x7FFFFFFF, v47;
	v38 =	vld.idx.msk [tilespmem:v38+s2+$0x0], $0xffff  }
0x69: {  	v29 =	vadd.f32 v30, v29;
	v32 =	vld.idx.msk [tilespmem:v52+s2+$0x0], $0xffff;
	[tilespmem:s24+$0x30] =	vst v51;
	v27 =	vmul.f32 v27, v27  }
0x6a: {  	v54 =	vor.u32 v15, v23;
	v36 =	vmul.f32 v36, v36;
	v37 =	vmul.f32 v37, v37;
	v33 =	vld.idx.msk [tilespmem:v49+s2+$0x0], $0xffff  }
0x6b: {  	v55 =	vld.idx.msk [tilespmem:v50+s2+$0x0], $0xffff;
	v27 =	vadd.f32 v27, v29  }
0x6c: {  	v36 =	vadd.f32 v37, v36;
	v31 =	vmul.f32 v31, v31;
	v30 =	vmul.f32 v53, v53  }
0x6d: {  	v57 =	vmul.f32 v38, v38;
	v56 =	vshra.s32 v27, $0x1;
	v39 =	vmul.f32 $5.000000000e-01, v27  }
0x6e: {  	v59 =	vmul.f32 v32, v32;
	v35 =	vsub.s32 $0x5F3759DF, v56  }
0x6f: {  	v30 =	vadd.f32 v30, v31;
	v29 =	vld.idx.msk [tilespmem:v54+s2+$0x0], $0xffff;
	v6 =	vadd.f32 v57, v36;
	v39 =	vmul.f32 v35, v39  }
0x70: {  	v33 =	vmul.f32 v33, v33;
	v34 =	vmul.f32 v55, v55  }
0x71: {  	v30 =	vadd.f32 v59, v30;
	v36 =	vshra.s32 v6, $0x1;
	v39 =	vmul.f32 v35, v39  }
0x72: {  	v60 =	vadd.f32 v34, v33;
	v37 =	vmul.f32 $5.000000000e-01, v6;
	v47 =	vsub.s32 $0x5F3759DF, v36  }
0x73: {  	v49 =	vshra.s32 v30, $0x1;
	v50 =	vmul.f32 $5.000000000e-01, v30;
	v58 =	vsub.f32 $1.500000000e+00, v39  }
0x74: {  	v37 =	vmul.f32 v47, v37;
	v36 =	vsub.s32 $0x5F3759DF, v49;
	v29 =	vmul.f32 v29, v29  }
0x75: {  	v45 =	vor.u32 v1, v28;
	v38 =	vmul.f32 v36, v50;
	v44 =	vmul.f32 v35, v58  }
0x76: {  	v46 =	vor.u32 v5, v28;
	v37 =	vmul.f32 v47, v37;
	v29 =	vadd.f32 v29, v60  }
0x77: {  	v48 =	vor.u32 v63, v28;
	v38 =	vmul.f32 v36, v38;
	v27 =	vmul.f32 v44, v27  }
0x78: {  	v37 =	vsub.f32 $1.500000000e+00, v37;
	v51 =	vmul.f32 $5.000000000e-01, v29;
	v52 =	vshra.s32 v29, $0x1  }
0x79: {  	v38 =	vsub.f32 $1.500000000e+00, v38;
	v39 =	vsub.s32 $0x5F3759DF, v52;
	[tilespmem:s21+$0x40] =	vst v27  }
0x7a: {  	v40 =	vor.u32 v1, v24;
	v32 =	vmul.f32 v47, v37;
	v27 =	vmul.f32 v39, v51;
	v35 =	vld.idx.msk [tilespmem:v45+s2+$0x0], $0xffff  }
0x7b: {  	v41 =	vor.u32 v5, v24;
	v36 =	vmul.f32 v36, v38;
	v31 =	vld.idx.msk [tilespmem:v46+s2+$0x0], $0xffff  }
0x7c: {  	v53 =	vor.u32 v1, v22;
	v32 =	vmul.f32 v32, v6;
	v27 =	vmul.f32 v39, v27  }
0x7d: {  	v54 =	vor.u32 v5, v22;
	v34 =	vld.idx.msk [tilespmem:v48+s2+$0x0], $0xffff  }
0x7e: {  	v60 =	vor.u32 v63, v22;
	v30 =	vmul.f32 v36, v30;
	[tilespmem:s22+$0x40] =	vst v32;
	v27 =	vsub.f32 $1.500000000e+00, v27  }
0x7f: {  	v55 =	vor.u32 v1, v23;
	v58 =	vor.u32 v63, v24;
	v57 =	vld.idx.msk [tilespmem:v40+s2+$0x0], $0xffff;
	v35 =	vmul.f32 v35, v35  }
0x80: {  	[tilespmem:s23+$0x40] =	vst v30;
	v59 =	vld.idx.msk [tilespmem:v41+s2+$0x0], $0xffff;
	v31 =	vmul.f32 v31, v31;
	v27 =	vmul.f32 v39, v27  }
0x81: {  	v43 =	vor.u32 v63, v23;
	v56 =	vor.u32 v5, v23;
	v37 =	vld.idx.msk [tilespmem:v53+s2+$0x0], $0xffff  }
0x82: {  	v42 =	vld.idx.msk [tilespmem:v54+s2+$0x0], $0xffff;
	v34 =	vmul.f32 v34, v34;
	v31 =	vadd.f32 v31, v35;
	v27 =	vmul.f32 v27, v29  }
0x83: {  	v30 =	vld.idx.msk [tilespmem:v60+s2+$0x0], $0xffff  }
0x84: {  	v31 =	vadd.f32 v34, v31;
	[tilespmem:s24+$0x40] =	vst v27;
	v34 =	vld.idx.msk [tilespmem:v58+s2+$0x0], $0xffff  }
0x85: {  	v35 =	vld.idx.msk [tilespmem:v55+s2+$0x0], $0xffff  }
0x86: {  	v36 =	vmul.f32 v57, v57;
	v32 =	vld.idx.msk [tilespmem:v56+s2+$0x0], $0xffff;
	v5 =	vshra.s32 v31, $0x1;
	v6 =	vmul.f32 $5.000000000e-01, v31  }
0x87: {  	v37 =	vmul.f32 v37, v37;
	v27 =	vmul.f32 v42, v42;
	v33 =	vld.idx.msk [tilespmem:v43+s2+$0x0], $0xffff;
	v38 =	vsub.s32 $0x5F3759DF, v5  }
0x88: {  	v29 =	vmul.f32 v59, v59;
	v39 =	vmul.f32 v38, v6  }
0x89: {  	v30 =	vmul.f32 v30, v30;
	v27 =	vadd.f32 v27, v37  }
0x8a: {  	v45 =	vor.u32 v2, v28;
	v29 =	vadd.f32 v29, v36;
	v39 =	vmul.f32 v38, v39  }
0x8b: {  	v27 =	vadd.f32 v30, v27;
	v34 =	vmul.f32 v34, v34;
	v35 =	vmul.f32 v35, v35  }
0x8c: {  	v3 =	vld [tilespmem:$0x1FEB0];
	v32 =	vmul.f32 v32, v32;
	v33 =	vmul.f32 v33, v33;
	v39 =	vsub.f32 $1.500000000e+00, v39  }
0x8d: {  	v51 =	vshra.s32 v27, $0x1;
	v52 =	vmul.f32 $5.000000000e-01, v27;
	v29 =	vadd.f32 v34, v29  }
0x8e: {  	v32 =	vadd.f32 v32, v35;
	v35 =	vsub.s32 $0x5F3759DF, v51;
	v44 =	vmul.f32 v38, v39  }
0x8f: {  	v46 =	vor.u32 v7, v28;
	v48 =	vshra.s32 v29, $0x1;
	v36 =	vmul.f32 v35, v52  }
0x90: {  	v49 =	vmul.f32 $5.000000000e-01, v29;
	v32 =	vadd.f32 v33, v32;
	v31 =	vmul.f32 v44, v31  }
0x91: {  	v47 =	vor.u32 v3, v28;
	v30 =	vsub.s32 $0x5F3759DF, v48;
	v36 =	vmul.f32 v35, v36  }
0x92: {  	v53 =	vshra.s32 v32, $0x1;
	v54 =	vmul.f32 $5.000000000e-01, v32;
	[tilespmem:s21+$0x50] =	vst v31;
	v31 =	vmul.f32 v30, v49  }
0x93: {  	v38 =	vsub.s32 $0x5F3759DF, v53;
	v50 =	vld.idx.msk [tilespmem:v45+s2+$0x0], $0xffff  }
0x94: {  	v36 =	vsub.f32 $1.500000000e+00, v36;
	v39 =	vmul.f32 v38, v54;
	v37 =	vld.idx.msk [tilespmem:v46+s2+$0x0], $0xffff;
	v31 =	vmul.f32 v30, v31  }
0x95: {  	v59 =	vor.u32 v2, v22  }
0x96: {  	v34 =	vld.idx.msk [tilespmem:v47+s2+$0x0], $0xffff;
	v35 =	vmul.f32 v35, v36;
	v39 =	vmul.f32 v38, v39;
	v31 =	vsub.f32 $1.500000000e+00, v31  }
0x97: {  	v63 =	vor.u32 v7, v22;
	v55 =	vor.u32 v2, v24  }
0x98: {  	v27 =	vmul.f32 v35, v27;
	v39 =	vsub.f32 $1.500000000e+00, v39;
	v30 =	vmul.f32 v30, v31  }
0x99: {  	v58 =	vor.u32 v7, v24;
	v33 =	vmul.f32 v50, v50;
	v37 =	vmul.f32 v37, v37  }
0x9a: {  	v5 =	vor.u32 v2, v23;
	[tilespmem:s23+$0x50] =	vst v27;
	v6 =	vmul.f32 v38, v39;
	v29 =	vmul.f32 v30, v29  }
0x9b: {  	v46 =	vor.u32 v3, v24;
	v47 =	vor.u32 v7, v23;
	v57 =	vmul.f32 v34, v34;
	v51 =	vld.idx.msk [tilespmem:v59+s2+$0x0], $0xffff  }
0x9c: {  	v31 =	vld.idx.msk [tilespmem:v63+s2+$0x0], $0xffff;
	v56 =	vadd.f32 v37, v33;
	v32 =	vmul.f32 v6, v32;
	[tilespmem:s22+$0x50] =	vst v29  }
0x9d: {  	v40 =	vld.idx.msk [tilespmem:v55+s2+$0x0], $0xffff  }
0x9e: {  	v52 =	vor.u32 v3, v23;
	v60 =	vadd.f32 v57, v56;
	[tilespmem:s24+$0x50] =	vst v32;
	v48 =	vld.idx.msk [tilespmem:v58+s2+$0x0], $0xffff  }
0x9f: {  	v33 =	vld.idx.msk [tilespmem:v5+s2+$0x0], $0xffff  }
0xa0: {  	v50 =	vor.u32 v3, v22;
	v54 =	vld.idx.msk [tilespmem:v47+s2+$0x0], $0xffff;
	v44 =	vshra.s32 v60, $0x1;
	v45 =	vmul.f32 $5.000000000e-01, v60  }
0xa1: {  	v38 =	vld.idx.msk [tilespmem:v46+s2+$0x0], $0xffff;
	v29 =	vsub.s32 $0x5F3759DF, v44  }
0xa2: {  	v2 =	vld [tilespmem:$0x1FEC0];
	v49 =	vmul.f32 v29, v45  }
0xa3: {  	v37 =	vld.idx.msk [tilespmem:v52+s2+$0x0], $0xffff  }
0xa4: {  	v1 =	vld [tilespmem:$0x1FED0];
	v53 =	vmul.f32 v29, v49  }
0xa5: {  	v35 =	vld.idx.msk [tilespmem:v50+s2+$0x0], $0xffff;
	v36 =	vmul.f32 v51, v51  }
0xa6: {  	v0 =	vld [tilespmem:$0x1FEE0];
	v56 =	vmul.f32 v40, v40;
	v27 =	vmul.f32 v48, v48;
	v32 =	vsub.f32 $1.500000000e+00, v53  }
0xa7: {  	v55 =	vor.u32 v2, v28;
	v59 =	vmul.f32 v33, v33;
	v34 =	vmul.f32 v54, v54  }
0xa8: {  	v38 =	vmul.f32 v38, v38;
	v27 =	vadd.f32 v27, v56;
	v29 =	vmul.f32 v29, v32  }
0xa9: {  	v58 =	vmul.f32 v31, v31;
	v57 =	vor.u32 v1, v28;
	v6 =	vmul.f32 v37, v37  }
0xaa: {  	v31 =	vadd.f32 v34, v59;
	v27 =	vadd.f32 v38, v27;
	v29 =	vmul.f32 v29, v60  }
0xab: {  	v63 =	vadd.f32 v58, v36;
	v5 =	vmul.f32 v35, v35;
	v60 =	vor.u32 v0, v28  }
0xac: {  	v31 =	vadd.f32 v6, v31;
	v42 =	vshra.s32 v27, $0x1;
	v43 =	vmul.f32 $5.000000000e-01, v27;
	[tilespmem:s21+$0x60] =	vst v29  }
0xad: {  	v30 =	vsub.s32 $0x5F3759DF, v42;
	v29 =	vadd.f32 v5, v63;
	v32 =	vld.idx.msk [tilespmem:v55+s2+$0x0], $0xffff  }
0xae: {  	v46 =	vmul.f32 $5.000000000e-01, v31;
	v47 =	vshra.s32 v31, $0x1;
	v36 =	vmul.f32 v30, v43;
	v7 =	vld.idx.msk [tilespmem:v57+s2+$0x0], $0xffff  }
0xaf: {  	v39 =	vsub.s32 $0x5F3759DF, v47;
	v44 =	vshra.s32 v29, $0x1;
	v45 =	vmul.f32 $5.000000000e-01, v29  }
0xb0: {  	v38 =	vmul.f32 v39, v46;
	v36 =	vmul.f32 v30, v36;
	v33 =	vld.idx.msk [tilespmem:v60+s2+$0x0], $0xffff;
	v34 =	vsub.s32 $0x5F3759DF, v44  }
0xb1: {  	v37 =	vmul.f32 v34, v45  }
0xb2: {  	v38 =	vmul.f32 v39, v38;
	v36 =	vsub.f32 $1.500000000e+00, v36;
	v32 =	vmul.f32 v32, v32  }
0xb3: {  	v35 =	vmul.f32 v7, v7;
	v37 =	vmul.f32 v34, v37  }
0xb4: {  	v48 =	vor.u32 v2, v24;
	v51 =	vsub.f32 $1.500000000e+00, v38;
	v30 =	vmul.f32 v30, v36  }
0xb5: {  	v32 =	vadd.f32 v35, v32;
	v33 =	vmul.f32 v33, v33;
	v37 =	vsub.f32 $1.500000000e+00, v37  }
0xb6: {  	v49 =	vor.u32 v1, v24;
	v36 =	vmul.f32 v39, v51  }
0xb7: {  	v27 =	vmul.f32 v30, v27;
	v32 =	vadd.f32 v33, v32;
	v34 =	vmul.f32 v34, v37  }
0xb8: {  	v56 =	vor.u32 v2, v23;
	v57 =	vor.u32 v1, v23;
	v31 =	vmul.f32 v36, v31  }
0xb9: {  	[tilespmem:s22+$0x60] =	vst v27;
	v52 =	vshra.s32 v32, $0x1;
	v53 =	vmul.f32 $5.000000000e-01, v32;
	v29 =	vmul.f32 v34, v29  }
0xba: {  	v24 =	vor.u32 v0, v24;
	[tilespmem:s24+$0x60] =	vst v31;
	v58 =	vld.idx.msk [tilespmem:v48+s2+$0x0], $0xffff;
	v54 =	vsub.s32 $0x5F3759DF, v52  }
0xbb: {  	v50 =	vor.u32 v2, v22;
	v60 =	vld.idx.msk [tilespmem:v49+s2+$0x0], $0xffff;
	v38 =	vmul.f32 v54, v53;
	[tilespmem:s23+$0x60] =	vst v29  }
0xbc: {  	v55 =	vor.u32 v1, v22;
	v14 =	vld [tilespmem:$0x1FEF0]  }
0xbd: {  	v63 =	vor.u32 v0, v22;
	v7 =	vld.idx.msk [tilespmem:v56+s2+$0x0], $0xffff;
	v59 =	vmul.f32 v54, v38  }
0xbe: {  	v5 =	vor.u32 v0, v23;
	v27 =	vld.idx.msk [tilespmem:v57+s2+$0x0], $0xffff  }
0xbf: {  	v46 =	vld.idx.msk [tilespmem:v24+s2+$0x0], $0xffff;
	v35 =	vsub.f32 $1.500000000e+00, v59  }
0xc0: {  	v33 =	vld.idx.msk [tilespmem:v50+s2+$0x0], $0xffff  }
0xc1: {  	v6 =	vld.idx.msk [tilespmem:v55+s2+$0x0], $0xffff;
	v30 =	vmul.f32 v54, v35;
	v44 =	vor.u32 v14, v28  }
0xc2: {  	v45 =	vor.u32 v13, v28;
	v49 =	vld.idx.msk [tilespmem:v63+s2+$0x0], $0xffff;
	v34 =	vmul.f32 v58, v58  }
0xc3: {  	v48 =	vor.u32 v62, v28;
	v38 =	vld.idx.msk [tilespmem:v5+s2+$0x0], $0xffff;
	v29 =	vmul.f32 v60, v60;
	v47 =	vmul.f32 v30, v32  }
0xc4: {  	v50 =	vor.u32 v61, v28;
	v40 =	vmul.f32 v46, v46  }
0xc5: {  	v37 =	vmul.f32 v7, v7;
	v27 =	vmul.f32 v27, v27;
	v29 =	vadd.f32 v29, v34;
	[tilespmem:s21+$0x70] =	vst v47  }
0xc6: {  	v33 =	vmul.f32 v33, v33;
	v31 =	vmul.f32 v6, v6;
	v35 =	vld.idx.msk [tilespmem:v44+s2+$0x0], $0xffff  }
0xc7: {  	v52 =	vor.u32 v12, v28;
	v27 =	vadd.f32 v27, v37;
	v29 =	vadd.f32 v40, v29;
	v39 =	vld.idx.msk [tilespmem:v45+s2+$0x0], $0xffff  }
0xc8: {  	v53 =	vmul.f32 v38, v38;
	v31 =	vadd.f32 v31, v33;
	v32 =	vmul.f32 v49, v49;
	v30 =	vld.idx.msk [tilespmem:v48+s2+$0x0], $0xffff  }
0xc9: {  	v54 =	vmul.f32 $5.000000000e-01, v29;
	v59 =	vshra.s32 v29, $0x1;
	v36 =	vld.idx.msk [tilespmem:v50+s2+$0x0], $0xffff  }
0xca: {  	v27 =	vadd.f32 v53, v27;
	v38 =	vsub.s32 $0x5F3759DF, v59;
	v31 =	vadd.f32 v32, v31  }
0xcb: {  	v37 =	vmul.f32 v38, v54  }
0xcc: {  	v6 =	vmul.f32 $5.000000000e-01, v27;
	v63 =	vmul.f32 $5.000000000e-01, v31  }
0xcd: {  	v56 =	vld.idx.msk [tilespmem:v52+s2+$0x0], $0xffff;
	v60 =	vshra.s32 v31, $0x1;
	v57 =	vmul.f32 v35, v35;
	v58 =	vmul.f32 v39, v39  }
0xce: {  	v33 =	vsub.s32 $0x5F3759DF, v60;
	v30 =	vmul.f32 v30, v30;
	v36 =	vmul.f32 v36, v36  }
0xcf: {  	v5 =	vshra.s32 v27, $0x1;
	v37 =	vmul.f32 v38, v37;
	v7 =	vmul.f32 v33, v63  }
0xd0: {  	v35 =	vsub.s32 $0x5F3759DF, v5;
	v34 =	vadd.f32 v58, v57;
	v30 =	vadd.f32 v36, v30  }
0xd1: {  	v63 =	vsub.f32 $1.500000000e+00, v37;
	v45 =	vmul.f32 v35, v6  }
0xd2: {  	v32 =	vmul.f32 v56, v56;
	v60 =	vmul.f32 v33, v7;
	v30 =	vadd.f32 v30, v34  }
0xd3: {  	s10 =	simm.s32 $0x800;
	s6 =	simm.s32 $0x380;
	v46 =	vor.u32 v25, v26;
	v36 =	vmul.f32 v35, v45  }
0xd4: {  	s11 =	sand.u32 $0x380, s6;
	s0 =	sand.u32 $0x3FFFF000, s10;
	v34 =	vmul.f32 v38, v63;
	v26 =	vadd.f32 v30, v32;
	v32 =	vsub.f32 $1.500000000e+00, v60  }
0xd5: {  	s8 =	simm.s32 $0x5;
	s10 =	sor.u32 s11, s0;
	v36 =	vsub.f32 $1.500000000e+00, v36  }
0xd6: {  	v42 =	vmov s8;
	v52 =	vld [tilespmem:s10+$0x0];
	v29 =	vmul.f32 v34, v29;
	v32 =	vmul.f32 v33, v32  }
0xd7: {  	s28 =	simm.s32 $0x4;
	s15 =	simm.s32 $0x280;
	s12 =	simm.s32 $0x200;
	v49 =	vmul.f32 v35, v36;
	v5 =	vshra.s32 v26, $0x1;
	v6 =	vmul.f32 $5.000000000e-01, v26  }
0xd8: {  	s16 =	simm.s32 $0x300;
	s25 =	simm.s32 $0x400;
	s7 =	sand.u32 $0x200, s12;
	v51 =	vmov s28;
	v7 =	vsub.s32 $0x5F3759DF, v5;
	v31 =	vmul.f32 v32, v31  }
0xd9: {  	s9 =	simm.s32 $0x6;
	s31 =	sand.u32 $0x3FFFF800, s25;
	s12 =	sor.u32 s7, s0;
	v47 =	vor.u32 v14, v46;
	[tilespmem:s22+$0x70] =	vst v29;
	v27 =	vmul.f32 v49, v27;
	v37 =	vmul.f32 v7, v6  }
0xda: {  	s17 =	sand.u32 $0x280, s15;
	s30 =	sadd.s32 $0x14000, s31;
	s29 =	sand.u32 $0x300, s16;
	v43 =	vmov s9;
	v41 =	vshll.u32 v51, $0x7;
	v55 =	vshll.u32 v51, $0x9;
	v44 =	vld [tilespmem:s12+$0x0];
	[tilespmem:s23+$0x70] =	vst v31  }
0xdb: {  	s8 =	sor.u32 s29, s0;
	s9 =	sor.u32 s17, s0;
	s0 =	sor.u32 s11, s30;
	v53 =	vor.u32 v13, v46;
	v54 =	vand.u32 $0x7FFFFFFF, v52;
	v51 =	vmul.f32 v7, v37;
	v5 =	vld [tilespmem:$0x1FF20];
	[tilespmem:s24+$0x70] =	vst v27  }
0xdc: {  	v9 =	vor.u32 v18, v46;
	v10 =	vor.u32 v4, v46;
	v40 =	vand.u32 $0xF000, v55;
	v6 =	vld [tilespmem:$0x1FF00];
	[tilespmem:s0+$0x0] =	vst v54  }
0xdd: {  	v48 =	vshll.u32 v42, $0x9;
	v34 =	vor.u32 v62, v46;
	v60 =	vsub.f32 $1.500000000e+00, v51;
	v58 =	vld [tilespmem:$0x1FF10]  }
0xde: {  	v50 =	vshll.u32 v42, $0x7;
	v42 =	vor.u32 v12, v46;
	v56 =	vand.u32 $0x200, v41;
	v30 =	vld.idx.msk [tilespmem:v47+s2+$0x0], $0xffff  }
0xdf: {  	v52 =	vor.u32 v61, v46;
	v63 =	vor.u32 v18, v28;
	v47 =	vld [tilespmem:s9+$0x0];
	v62 =	vmul.f32 v7, v60  }
0xe0: {  	v39 =	vor.u32 v56, v40;
	v36 =	vand.u32 $0xF000, v48;
	v48 =	vor.u32 v4, v28;
	v24 =	vld.idx.msk [tilespmem:v53+s2+$0x0], $0xffff  }
0xe1: {  	v0 =	vor.u32 v0, v39;
	v31 =	vld [tilespmem:s8+$0x0];
	v26 =	vmul.f32 v62, v26;
	v51 =	vor.u32 v6, v28  }
0xe2: {  	v14 =	vor.u32 v2, v39;
	v11 =	vor.u32 v3, v39;
	v40 =	vld.idx.msk [tilespmem:v34+s2+$0x0], $0xffff;
	v59 =	vor.u32 v58, v28  }
0xe3: {  	v16 =	vor.u32 v1, v39;
	v32 =	vshll.u32 v43, $0x9;
	v37 =	vand.u32 $0x280, v50;
	v50 =	vld [tilespmem:s10+$0x10];
	[tilespmem:s21+$0x400] =	vst v26  }
0xe4: {  	s26 =	sor.u32 s7, s30;
	v43 =	vshll.u32 v43, $0x7;
	v60 =	vand.u32 $0x7FFFFFFF, v44;
	v62 =	vand.u32 $0x7FFFFFFF, v47;
	v47 =	vld.idx.msk [tilespmem:v63+s2+$0x0], $0xffff  }
0xe5: {  	s25 =	sor.u32 s17, s30;
	v45 =	vand.u32 $0xF000, v32;
	v44 =	vmul.f32 v30, v30;
	[tilespmem:s26+$0x0] =	vst v60;
	v57 =	vor.u32 v5, v46;
	v49 =	vld.idx.msk [tilespmem:v48+s2+$0x0], $0xffff  }
0xe6: {  	s1 =	sor.u32 s29, s30;
	v53 =	vor.u32 v5, v28;
	v18 =	vor.u32 v6, v46;
	[tilespmem:s25+$0x0] =	vst v62;
	v63 =	vand.u32 $0x7FFFFFFF, v31;
	v48 =	vld.idx.msk [tilespmem:v51+s2+$0x0], $0xffff  }
0xe7: {  	s7 =	simm.s32 $0x8;
	v34 =	vor.u32 v58, v46;
	v46 =	vand.u32 $0x300, v43;
	[tilespmem:s1+$0x0] =	vst v63;
	v51 =	vmul.f32 v24, v24;
	v35 =	vld.idx.msk [tilespmem:v59+s2+$0x0], $0xffff  }
.LBB2_2:
0xe8: {  	v54 =	vld [tilespmem:s12+$0x10]  }
0xe9: {  	v4 =	vld [tilespmem:$0x1FFA0]  }
0xea: {  	v15 =	vmov v14;
	v14 =	vld [tilespmem:$0x1FEF0]  }
0xeb: {  	v5 =	vld [tilespmem:$0x1FFC0]  }
0xec: {  	v7 =	vld [tilespmem:$0x1FFB0]  }
0xed: {  	v41 =	vld [tilespmem:s9+$0x10]  }
0xee: {  	v6 =	vld [tilespmem:$0x1FFE0]  }
0xef: {  	v19 =	vmov v16;
	v16 =	vld [tilespmem:$0x1FFF0]  }
0xf0: {  	v3 =	vld [tilespmem:$0x1FF80]  }
0xf1: {  	v60 =	vld [tilespmem:s8+$0x10]  }
0xf2: {  	v13 =	vld [tilespmem:$0x1FFD0]  }
0xf3: {  	v38 =	vor.u32 v37, v36;
	v37 =	vor.u32 v46, v45;
	v45 =	vld.idx.msk [tilespmem:v53+s2+$0x0], $0xffff  }
0xf4: {  	v24 =	vld.idx.msk [tilespmem:v52+s2+$0x0], $0xffff  }
0xf5: {  	v2 =	vld [tilespmem:$0x1FF30]  }
0xf6: {  	v12 =	vld [tilespmem:$0x1FF40]  }
0xf7: {  	v17 =	vld [tilespmem:$0x1FF60];
	v63 =	vand.u32 $0x7FFFFFFF, v50  }
0xf8: {  	v20 =	vmov v0;
	v0 =	vld [tilespmem:$0x1FF70];
	[tilespmem:s0+$0x10] =	vst v63;
	v1 =	vor.u32 v4, v39;
	v33 =	vor.u32 v14, v22  }
0xf9: {  	v47 =	vmul.f32 v47, v47;
	v49 =	vmul.f32 v49, v49;
	v25 =	vand.u32 $0x7FFFFFFF, v54;
	v27 =	vld [tilespmem:s10+$0x20];
	[tilespmem:$0x1FE70] =	vst v1  }
0xfa: {  	v48 =	vmul.f32 v48, v48;
	v36 =	vor.u32 v13, v22;
	v30 =	vand.u32 $0x7FFFFFFF, v60;
	[tilespmem:s26+$0x10] =	vst v25;
	v1 =	vld [tilespmem:$0x1FF00]  }
0xfb: {  	v35 =	vmul.f32 v35, v35;
	v26 =	vand.u32 $0x7FFFFFFF, v41;
	v41 =	vor.u32 v2, v22;
	[tilespmem:s1+$0x10] =	vst v30;
	v29 =	vld [tilespmem:s12+$0x20]  }
0xfc: {  	v28 =	vor.u32 v12, v22;
	v47 =	vadd.f32 v49, v47;
	v62 =	vld [tilespmem:s8+$0x20]  }
0xfd: {  	v35 =	vadd.f32 v35, v48;
	v49 =	vor.u32 v14, v23;
	v46 =	vld.idx.msk [tilespmem:v33+s2+$0x0], $0xffff;
	[tilespmem:s25+$0x10] =	vst v26  }
0xfe: {  	v31 =	vld [tilespmem:s9+$0x20]  }
0xff: {  	s20 =	sadd.s32 $0x3, s28;
	v45 =	vmul.f32 v45, v45;
	v35 =	vadd.f32 v35, v47;
	v36 =	vld.idx.msk [tilespmem:v36+s2+$0x0], $0xffff  }
0x100: {  	v63 =	vmov s20;
	v52 =	vor.u32 v13, v23;
	v53 =	vand.u32 $0x7FFFFFFF, v27;
	v54 =	vld.idx.msk [tilespmem:v41+s2+$0x0], $0xffff  }
0x101: {  	v50 =	vmul.f32 v24, v24;
	v24 =	vshll.u32 v63, $0x9;
	v25 =	vadd.f32 v35, v45;
	[tilespmem:s0+$0x20] =	vst v53;
	v53 =	vld.idx.msk [tilespmem:v28+s2+$0x0], $0xffff  }
0x102: {  	[tilespmem:$0x1FE90] =	vst v56;
	v60 =	vor.u32 v2, v23;
	v24 =	vand.u32 $0xF000, v24;
	v27 =	vshll.u32 v63, $0x7;
	v49 =	vld.idx.msk [tilespmem:v49+s2+$0x0], $0xffff  }
0x103: {  	[tilespmem:$0x1FE80] =	vst v55;
	v8 =	vmovc v57;
	v28 =	vand.u32 $0x380, v27;
	v57 =	vand.u32 $0x7FFFFFFF, v29;
	v56 =	vld [tilespmem:s10+$0x30];
	v29 =	vshra.s32 v25, $0x1  }
0x104: {  	v30 =	vmul.f32 $5.000000000e-01, v25;
	v35 =	vor.u32 v28, v24;
	v28 =	vld [tilespmem:$0x1FEA0];
	[tilespmem:s26+$0x20] =	vst v57;
	v48 =	vand.u32 $0x7FFFFFFF, v31  }
0x105: {  	v55 =	vmul.f32 v40, v40;
	v24 =	vsub.s32 $0x5F3759DF, v29;
	v41 =	vld [tilespmem:s12+$0x30];
	v31 =	vand.u32 $0x7FFFFFFF, v62;
	[tilespmem:s25+$0x20] =	vst v48  }
0x106: {  	v58 =	vor.u32 v6, v39;
	v45 =	vor.u32 v16, v35;
	v57 =	vmul.f32 v24, v30;
	[tilespmem:s1+$0x20] =	vst v31;
	v62 =	vld [tilespmem:s9+$0x30]  }
0x107: {  	v59 =	vor.u32 v16, v39;
	v61 =	vor.u32 v6, v38;
	v50 =	vadd.f32 v50, v55;
	v26 =	vld [tilespmem:s8+$0x30]  }
0x108: {  	v54 =	vmul.f32 v54, v54;
	v32 =	vmul.f32 v24, v57;
	v48 =	vor.u32 v6, v35;
	v27 =	vld.idx.msk [tilespmem:v52+s2+$0x0], $0xffff  }
0x109: {  	v53 =	vmul.f32 v53, v53;
	v56 =	vand.u32 $0x7FFFFFFF, v56;
	v33 =	vor.u32 v28, v35;
	v63 =	vld.idx.msk [tilespmem:v60+s2+$0x0], $0xffff  }
0x10a: {  	[tilespmem:s0+$0x30] =	vst v56;
	v55 =	vsub.f32 $1.500000000e+00, v32;
	v32 =	vor.u32 v6, v37;
	v6 =	vld [tilespmem:$0x1FF90];
	v41 =	vand.u32 $0x7FFFFFFF, v41  }
0x10b: {  	v57 =	vor.u32 v28, v39;
	v30 =	vadd.f32 v53, v54;
	v54 =	vld.idx.msk [tilespmem:v45+s2+$0x0], $0xffff;
	[tilespmem:s26+$0x30] =	vst v41  }
0x10c: {  	v51 =	vadd.f32 v51, v44;
	v24 =	vmul.f32 v24, v55;
	v55 =	vld.idx.msk [tilespmem:v58+s2+$0x0], $0xffff  }
0x10d: {  	v47 =	vor.u32 v16, v38;
	v48 =	vld.idx.msk [tilespmem:v48+s2+$0x0], $0xffff  }
0x10e: {  	v46 =	vmul.f32 v46, v46;
	v36 =	vmul.f32 v36, v36;
	v52 =	vadd.f32 v50, v51;
	v50 =	vld.idx.msk [tilespmem:v33+s2+$0x0], $0xffff  }
0x10f: {  	v43 =	vor.u32 v5, v39;
	v24 =	vmul.f32 v24, v25;
	v25 =	vld.idx.msk [tilespmem:v59+s2+$0x0], $0xffff;
	v31 =	vand.u32 $0x7FFFFFFF, v62  }
0x110: {  	v36 =	vadd.f32 v36, v46;
	v59 =	vor.u32 v28, v38;
	v57 =	vld.idx.msk [tilespmem:v57+s2+$0x0], $0xffff;
	v26 =	vand.u32 $0x7FFFFFFF, v26;
	[tilespmem:s25+$0x30] =	vst v31  }
0x111: {  	v40 =	vor.u32 v7, v39;
	v44 =	vor.u32 v3, v39;
	[tilespmem:s1+$0x30] =	vst v26;
	v26 =	vor.u32 v16, v37;
	v16 =	vld [tilespmem:$0x1FF50]  }
0x112: {  	v49 =	vmul.f32 v49, v49;
	v46 =	vor.u32 v1, v22;
	v53 =	vadd.f32 v30, v36;
	v58 =	vld.idx.msk [tilespmem:v61+s2+$0x0], $0xffff  }
0x113: {  	v30 =	vor.u32 v28, v37;
	v51 =	vor.u32 v6, v39;
	v27 =	vmul.f32 v27, v27;
	v33 =	vld.idx.msk [tilespmem:v47+s2+$0x0], $0xffff  }
0x114: {  	v60 =	vmul.f32 v63, v63;
	v39 =	vor.u32 v17, v22;
	v54 =	vmul.f32 v54, v54;
	v56 =	vld.idx.msk [tilespmem:v32+s2+$0x0], $0xffff  }
0x115: {  	v27 =	vadd.f32 v27, v49;
	v32 =	vor.u32 v12, v23;
	v31 =	vmul.f32 v48, v48;
	v59 =	vld.idx.msk [tilespmem:v59+s2+$0x0], $0xffff  }
0x116: {  	[tilespmem:s21+$0x410] =	vst v24;
	v47 =	vor.u32 v0, v23;
	v55 =	vmul.f32 v55, v55;
	v50 =	vmul.f32 v50, v50  }
0x117: {  	v25 =	vmul.f32 v25, v25;
	v57 =	vmul.f32 v57, v57;
	v26 =	vld.idx.msk [tilespmem:v26+s2+$0x0], $0xffff;
	v54 =	vadd.f32 v54, v31  }
0x118: {  	v28 =	vld.idx.msk [tilespmem:v30+s2+$0x0], $0xffff;
	v30 =	vor.u32 v3, v38;
	v58 =	vmul.f32 v58, v58;
	v24 =	vmul.f32 v33, v33  }
0x119: {  	v62 =	vor.u32 v16, v22;
	v63 =	vor.u32 v16, v23;
	v54 =	vadd.f32 v50, v54  }
0x11a: {  	v25 =	vadd.f32 v25, v55;
	v24 =	vadd.f32 v24, v58;
	v59 =	vmul.f32 v59, v59  }
0x11b: {  	v33 =	vld.idx.msk [tilespmem:v32+s2+$0x0], $0xffff;
	v56 =	vmul.f32 v56, v56;
	v32 =	vshra.s32 v54, $0x1;
	v29 =	vmul.f32 $5.000000000e-01, v54  }
0x11c: {  	v26 =	vmul.f32 v26, v26;
	v58 =	vsub.s32 $0x5F3759DF, v32;
	v24 =	vadd.f32 v59, v24  }
0x11d: {  	v28 =	vmul.f32 v28, v28;
	v25 =	vadd.f32 v57, v25;
	v29 =	vmul.f32 v58, v29  }
0x11e: {  	v26 =	vadd.f32 v26, v56;
	v59 =	vshra.s32 v24, $0x1;
	v41 =	vmul.f32 $5.000000000e-01, v24  }
0x11f: {  	v57 =	vshra.s32 v25, $0x1;
	v29 =	vmul.f32 v58, v29;
	v59 =	vsub.s32 $0x5F3759DF, v59  }
0x120: {  	v57 =	vsub.s32 $0x5F3759DF, v57;
	v26 =	vadd.f32 v28, v26;
	v41 =	vmul.f32 v59, v41  }
0x121: {  	v55 =	vmul.f32 v33, v33;
	v33 =	vsub.f32 $1.500000000e+00, v29;
	v29 =	vmul.f32 $5.000000000e-01, v25  }
0x122: {  	v42 =	vld.idx.msk [tilespmem:v42+s2+$0x0], $0xffff;
	v31 =	vshra.s32 v26, $0x1;
	v32 =	vmul.f32 $5.000000000e-01, v26;
	v41 =	vmul.f32 v59, v41  }
0x123: {  	v61 =	vld.idx.msk [tilespmem:v62+s2+$0x0], $0xffff;
	v28 =	vmul.f32 v58, v33;
	v58 =	vor.u32 v3, v35;
	v31 =	vsub.s32 $0x5F3759DF, v31  }
0x124: {  	v33 =	vor.u32 v6, v35;
	v29 =	vmul.f32 v57, v29;
	v32 =	vmul.f32 v31, v32  }
0x125: {  	v63 =	vld.idx.msk [tilespmem:v63+s2+$0x0], $0xffff;
	v56 =	vor.u32 v6, v38;
	v41 =	vsub.f32 $1.500000000e+00, v41;
	v28 =	vmul.f32 v28, v54  }
0x126: {  	s21 =	smov.u32 s0;
	v54 =	vor.u32 v5, v35;
	v29 =	vmul.f32 v57, v29;
	v32 =	vmul.f32 v31, v32  }
0x127: {  	v41 =	vmul.f32 v59, v41;
	[tilespmem:s21+$0x40] =	vst v28;
	v28 =	vmul.f32 v42, v42;
	v42 =	vadd.f32 v55, v60  }
0x128: {  	v55 =	vor.u32 v3, v37;
	v60 =	vmul.f32 v61, v61;
	v29 =	vsub.f32 $1.500000000e+00, v29;
	v58 =	vld.idx.msk [tilespmem:v58+s2+$0x0], $0xffff  }
0x129: {  	v61 =	vor.u32 v6, v37;
	v33 =	vld.idx.msk [tilespmem:v33+s2+$0x0], $0xffff;
	v32 =	vsub.f32 $1.500000000e+00, v32;
	v27 =	vadd.f32 v42, v27  }
0x12a: {  	v42 =	vmul.f32 v63, v63;
	v28 =	vadd.f32 v52, v28;
	v29 =	vmul.f32 v57, v29  }
0x12b: {  	v24 =	vmul.f32 v41, v24;
	v52 =	vadd.f32 v53, v60;
	v54 =	vld.idx.msk [tilespmem:v54+s2+$0x0], $0xffff;
	v31 =	vmul.f32 v31, v32  }
0x12c: {  	v59 =	vshra.s32 v28, $0x1;
	v27 =	vadd.f32 v27, v42;
	v25 =	vmul.f32 v29, v25  }
0x12d: {  	[tilespmem:s25+$0x40] =	vst v24;
	v60 =	vshra.s32 v52, $0x1;
	v53 =	vmul.f32 $5.000000000e-01, v28;
	v6 =	vmul.f32 v31, v26  }
0x12e: {  	v30 =	vld.idx.msk [tilespmem:v30+s2+$0x0], $0xffff;
	v26 =	vsub.s32 $0x5F3759DF, v59;
	v63 =	vmul.f32 v58, v58;
	v33 =	vmul.f32 v33, v33  }
0x12f: {  	v41 =	vld.idx.msk [tilespmem:v56+s2+$0x0], $0xffff;
	v59 =	vmul.f32 $5.000000000e-01, v52;
	v42 =	vshra.s32 v27, $0x1;
	[tilespmem:s26+$0x40] =	vst v25;
	v25 =	vsub.s32 $0x5F3759DF, v60  }
0x130: {  	v60 =	vmul.f32 $5.000000000e-01, v27;
	v32 =	vld.idx.msk [tilespmem:v44+s2+$0x0], $0xffff;
	v57 =	vadd.f32 v33, v63;
	v58 =	vmul.f32 v54, v54  }
0x131: {  	v62 =	vor.u32 v5, v38;
	v31 =	vmul.f32 v26, v53;
	v44 =	vld.idx.msk [tilespmem:v51+s2+$0x0], $0xffff;
	v29 =	vsub.s32 $0x5F3759DF, v42  }
0x132: {  	[tilespmem:s1+$0x40] =	vst v6;
	v33 =	vmul.f32 v25, v59;
	v63 =	vmul.f32 v29, v60;
	v24 =	vadd.f32 v58, v57  }
0x133: {  	v51 =	vor.u32 v5, v37;
	v31 =	vmul.f32 v26, v31;
	v60 =	vld.idx.msk [tilespmem:v61+s2+$0x0], $0xffff;
	v30 =	vmul.f32 v30, v30  }
0x134: {  	v61 =	vld.idx.msk [tilespmem:v43+s2+$0x0], $0xffff;
	v41 =	vmul.f32 v41, v41;
	v5 =	vshra.s32 v24, $0x1;
	v6 =	vmul.f32 $5.000000000e-01, v24  }
0x135: {  	v54 =	vld.idx.msk [tilespmem:v55+s2+$0x0], $0xffff;
	v33 =	vmul.f32 v25, v33;
	v53 =	vmul.f32 v29, v63;
	v55 =	vsub.s32 $0x5F3759DF, v5  }
0x136: {  	v31 =	vsub.f32 $1.500000000e+00, v31;
	v63 =	vld.idx.msk [tilespmem:v62+s2+$0x0], $0xffff;
	v62 =	vor.u32 v7, v35;
	v56 =	vmul.f32 v55, v6  }
0x137: {  	v30 =	vadd.f32 v41, v30;
	v32 =	vmul.f32 v32, v32;
	v44 =	vmul.f32 v44, v44  }
0x138: {  	v33 =	vsub.f32 $1.500000000e+00, v33;
	v51 =	vld.idx.msk [tilespmem:v51+s2+$0x0], $0xffff;
	v26 =	vmul.f32 v26, v31;
	v56 =	vmul.f32 v55, v56  }
0x139: {  	v5 =	vld [tilespmem:$0x1FEB0];
	v57 =	vmul.f32 v60, v60;
	v58 =	vmul.f32 v61, v61;
	v60 =	vor.u32 v4, v35  }
0x13a: {  	v6 =	vmul.f32 v54, v54;
	v25 =	vmul.f32 v25, v33;
	v56 =	vsub.f32 $1.500000000e+00, v56  }
0x13b: {  	v32 =	vadd.f32 v44, v32;
	v26 =	vmul.f32 v26, v28;
	v61 =	vmul.f32 v63, v63  }
0x13c: {  	v21 =	vld [tilespmem:$0x1FF10];
	v31 =	vadd.f32 v57, v6;
	v25 =	vmul.f32 v25, v52;
	v44 =	vmul.f32 v55, v56  }
0x13d: {  	v3 =	vld [tilespmem:$0x1FE70];
	v41 =	vadd.f32 v58, v32;
	[tilespmem:s22+$0x400] =	vst v26;
	v63 =	vmul.f32 v51, v51;
	v30 =	vadd.f32 v61, v30  }
0x13e: {  	v53 =	vsub.f32 $1.500000000e+00, v53;
	v34 =	vld.idx.msk [tilespmem:v34+s2+$0x0], $0xffff;
	v6 =	vor.u32 v5, v35;
	[tilespmem:s23+$0x400] =	vst v25;
	v24 =	vmul.f32 v44, v24  }
0x13f: {  	v57 =	vmul.f32 $5.000000000e-01, v41;
	v58 =	vshra.s32 v30, $0x1;
	v59 =	vmul.f32 $5.000000000e-01, v30;
	v39 =	vld.idx.msk [tilespmem:v39+s2+$0x0], $0xffff  }
0x140: {  	v31 =	vadd.f32 v63, v31;
	v52 =	vld.idx.msk [tilespmem:v46+s2+$0x0], $0xffff;
	v56 =	vshra.s32 v41, $0x1;
	v26 =	vsub.s32 $0x5F3759DF, v58;
	[tilespmem:s21+$0x50] =	vst v24  }
0x141: {  	v29 =	vmul.f32 v29, v53;
	v32 =	vmul.f32 v26, v59;
	v24 =	vsub.s32 $0x5F3759DF, v56;
	v53 =	vld.idx.msk [tilespmem:v60+s2+$0x0], $0xffff  }
0x142: {  	v45 =	vmov s7;
	v61 =	vmul.f32 $5.000000000e-01, v31;
	v33 =	vld.idx.msk [tilespmem:v62+s2+$0x0], $0xffff;
	v51 =	vmul.f32 v24, v57  }
0x143: {  	v60 =	vshra.s32 v31, $0x1;
	v44 =	vld.idx.msk [tilespmem:v6+s2+$0x0], $0xffff;
	v62 =	vmul.f32 v26, v32;
	v6 =	vmul.f32 v29, v27  }
0x144: {  	v49 =	vor.u32 v21, v22;
	v55 =	vld.idx.msk [tilespmem:v9+s2+$0x0], $0xffff;
	v28 =	vsub.s32 $0x5F3759DF, v60;
	v51 =	vmul.f32 v24, v51  }
0x145: {  	v48 =	vor.u32 v0, v22;
	v58 =	vld.idx.msk [tilespmem:v10+s2+$0x0], $0xffff;
	v54 =	vmul.f32 v28, v61;
	v60 =	vsub.f32 $1.500000000e+00, v62;
	[tilespmem:s24+$0x400] =	vst v6  }
0x146: {  	v36 =	vshll.u32 v45, $0x9;
	v50 =	vor.u32 v17, v23;
	v47 =	vld.idx.msk [tilespmem:v47+s2+$0x0], $0xffff;
	v59 =	vsub.f32 $1.500000000e+00, v51  }
0x147: {  	v63 =	vmul.f32 v28, v54;
	v54 =	vld.idx.msk [tilespmem:v18+s2+$0x0], $0xffff;
	v51 =	vor.u32 v7, v38;
	v62 =	vmul.f32 v26, v60  }
0x148: {  	v57 =	vor.u32 v4, v38;
	v26 =	vor.u32 v4, v37;
	v4 =	vld [tilespmem:$0x1FEC0];
	v24 =	vmul.f32 v24, v59  }
0x149: {  	v32 =	vshll.u32 v45, $0x7;
	v61 =	vmul.f32 v53, v53;
	v53 =	vld.idx.msk [tilespmem:v49+s2+$0x0], $0xffff;
	v25 =	vmul.f32 v62, v30  }
0x14a: {  	v33 =	vmul.f32 v33, v33;
	v45 =	vsub.f32 $1.500000000e+00, v63;
	v63 =	vld.idx.msk [tilespmem:v48+s2+$0x0], $0xffff;
	v24 =	vmul.f32 v24, v41  }
0x14b: {  	v30 =	vor.u32 v7, v37;
	v7 =	vld.idx.msk [tilespmem:v50+s2+$0x0], $0xffff;
	[tilespmem:s25+$0x50] =	vst v25  }
0x14c: {  	v48 =	vmul.f32 v44, v44;
	v6 =	vadd.f32 v33, v61;
	v44 =	vld.idx.msk [tilespmem:v51+s2+$0x0], $0xffff;
	[tilespmem:s26+$0x50] =	vst v24  }
0x14d: {  	v34 =	vmul.f32 v34, v34;
	v59 =	vld.idx.msk [tilespmem:v3+s2+$0x0], $0xffff  }
0x14e: {  	v29 =	vadd.f32 v48, v6;
	v6 =	vmul.f32 v55, v55;
	v55 =	vmul.f32 v58, v58;
	v40 =	vld.idx.msk [tilespmem:v40+s2+$0x0], $0xffff  }
0x14f: {  	v43 =	vor.u32 v5, v38;
	v62 =	vmul.f32 v39, v39;
	v27 =	vmul.f32 v63, v63;
	v63 =	vld.idx.msk [tilespmem:v57+s2+$0x0], $0xffff  }
0x150: {  	v50 =	vmul.f32 v52, v52;
	v28 =	vmul.f32 v28, v45;
	v24 =	vadd.f32 v55, v6;
	v55 =	vld.idx.msk [tilespmem:v11+s2+$0x0], $0xffff  }
0x151: {  	v42 =	vor.u32 v1, v23;
	v58 =	vmul.f32 v54, v54;
	v45 =	vmul.f32 v7, v7;
	v7 =	vld [tilespmem:$0x1FF20]  }
0x152: {  	v56 =	vor.u32 v5, v37;
	v54 =	vmul.f32 v47, v47;
	v28 =	vmul.f32 v28, v31;
	v3 =	vld [tilespmem:$0x1FED0]  }
0x153: {  	v51 =	vmul.f32 v53, v53;
	v60 =	vshra.s32 v29, $0x1;
	v61 =	vmul.f32 $5.000000000e-01, v29;
	v6 =	vld [tilespmem:$0x1FEE0]  }
0x154: {  	v53 =	vor.u32 v21, v23;
	v34 =	vadd.f32 v34, v58;
	[tilespmem:s1+$0x50] =	vst v28;
	v25 =	vsub.s32 $0x5F3759DF, v60;
	v60 =	vld.idx.msk [tilespmem:v43+s2+$0x0], $0xffff  }
0x155: {  	v28 =	vadd.f32 v51, v50;
	v49 =	vmul.f32 v25, v61;
	v27 =	vadd.f32 v27, v62;
	v26 =	vld.idx.msk [tilespmem:v26+s2+$0x0], $0xffff  }
0x156: {  	v32 =	vand.u32 $0x200, v32;
	v30 =	vld.idx.msk [tilespmem:v30+s2+$0x0], $0xffff;
	v24 =	vadd.f32 v34, v24;
	v51 =	vmul.f32 v44, v44  }
0x157: {  	v62 =	vld.idx.msk [tilespmem:v56+s2+$0x0], $0xffff;
	v52 =	vmul.f32 v25, v49;
	v27 =	vadd.f32 v28, v27;
	v28 =	vadd.f32 v54, v45  }
0x158: {  	v42 =	vld.idx.msk [tilespmem:v42+s2+$0x0], $0xffff;
	v57 =	vmul.f32 v59, v59;
	v58 =	vor.u32 v7, v22;
	v59 =	vmul.f32 v40, v40  }
0x159: {  	v45 =	vld.idx.msk [tilespmem:v53+s2+$0x0], $0xffff;
	v61 =	vmul.f32 v63, v63;
	v63 =	vor.u32 v4, v35;
	v41 =	vsub.f32 $1.500000000e+00, v52  }
0x15a: {  	v22 =	vmovc v38;
	v53 =	vor.u32 v7, v23;
	v54 =	vor.u32 v6, v35;
	v34 =	vmul.f32 v55, v55  }
0x15b: {  	v23 =	vmovc v37;
	v52 =	vor.u32 v3, v35;
	v49 =	vor.u32 v6, v22;
	v25 =	vmul.f32 v25, v41  }
0x15c: {  	v55 =	vmul.f32 v60, v60;
	v40 =	vor.u32 v6, v23;
	v37 =	vor.u32 v3, v22  }
0x15d: {  	v26 =	vmul.f32 v26, v26;
	v33 =	vadd.f32 v51, v61;
	v25 =	vmul.f32 v25, v29  }
0x15e: {  	s31 =	sadd.s32 $0x1, s7;
	v38 =	vadd.f32 v59, v57;
	v30 =	vmul.f32 v30, v30;
	v39 =	vmul.f32 v62, v62  }
0x15f: {  	v31 =	vmov s31;
	v42 =	vmul.f32 v42, v42;
	v33 =	vadd.f32 v55, v33;
	v44 =	vld.idx.msk [tilespmem:v53+s2+$0x0], $0xffff;
	[tilespmem:s21+$0x60] =	vst v25  }
0x160: {  	v26 =	vadd.f32 v30, v26;
	v34 =	vadd.f32 v34, v38;
	v38 =	vor.u32 v4, v22;
	v30 =	vld.idx.msk [tilespmem:v63+s2+$0x0], $0xffff  }
0x161: {  	v45 =	vmul.f32 v45, v45;
	v60 =	vshra.s32 v33, $0x1;
	v61 =	vmul.f32 $5.000000000e-01, v33;
	v41 =	vld.idx.msk [tilespmem:v52+s2+$0x0], $0xffff  }
0x162: {  	v53 =	vor.u32 v4, v23;
	v26 =	vadd.f32 v39, v26;
	v25 =	vld.idx.msk [tilespmem:v58+s2+$0x0], $0xffff;
	v46 =	vsub.s32 $0x5F3759DF, v60  }
0x163: {  	v56 =	vshra.s32 v34, $0x1;
	v57 =	vmul.f32 $5.000000000e-01, v34;
	v58 =	vld.idx.msk [tilespmem:v54+s2+$0x0], $0xffff;
	v50 =	vmul.f32 v46, v61  }
0x164: {  	v42 =	vadd.f32 v45, v42;
	v59 =	vsub.s32 $0x5F3759DF, v56;
	v63 =	vmul.f32 $5.000000000e-01, v26  }
0x165: {  	v47 =	vld.idx.msk [tilespmem:v8+s2+$0x0], $0xffff;
	v62 =	vshra.s32 v26, $0x1;
	v48 =	vmul.f32 v59, v57;
	v50 =	vmul.f32 v46, v50  }
0x166: {  	v51 =	vsub.s32 $0x5F3759DF, v62;
	v30 =	vmul.f32 v30, v30;
	v41 =	vmul.f32 v41, v41  }
0x167: {  	v48 =	vmul.f32 v59, v48;
	v52 =	vmul.f32 v51, v63;
	v50 =	vsub.f32 $1.500000000e+00, v50  }
0x168: {  	v54 =	vor.u32 v3, v23;
	v39 =	vmul.f32 v58, v58;
	v30 =	vadd.f32 v41, v30  }
0x169: {  	v56 =	vsub.f32 $1.500000000e+00, v48;
	v57 =	vmul.f32 v51, v52;
	v60 =	vmul.f32 v46, v50  }
0x16a: {  	v52 =	vmul.f32 v44, v44;
	v58 =	vmul.f32 v47, v47;
	v39 =	vadd.f32 v39, v30  }
0x16b: {  	v28 =	vadd.f32 v42, v28;
	v41 =	vmul.f32 v59, v56;
	v45 =	vmul.f32 v60, v33  }
0x16c: {  	v59 =	vsub.f32 $1.500000000e+00, v57;
	v61 =	vshra.s32 v39, $0x1;
	v62 =	vmul.f32 $5.000000000e-01, v39  }
0x16d: {  	v47 =	vor.u32 v16, v35;
	v34 =	vmul.f32 v41, v34;
	[tilespmem:s25+$0x60] =	vst v45;
	v48 =	vsub.s32 $0x5F3759DF, v61  }
0x16e: {  	v33 =	vadd.f32 v24, v58;
	v63 =	vmul.f32 v51, v59;
	v24 =	vld.idx.msk [tilespmem:v38+s2+$0x0], $0xffff;
	v46 =	vmul.f32 v48, v62  }
0x16f: {  	s3 =	sadd.s32 $0x2, s7;
	v50 =	vmul.f32 v25, v25;
	v28 =	vadd.f32 v28, v52;
	v56 =	vor.u32 v13, v35;
	v37 =	vld.idx.msk [tilespmem:v37+s2+$0x0], $0xffff  }
0x170: {  	v29 =	vmov s3;
	[tilespmem:s26+$0x60] =	vst v34;
	v26 =	vmul.f32 v63, v26;
	v49 =	vld.idx.msk [tilespmem:v49+s2+$0x0], $0xffff;
	v51 =	vmul.f32 v48, v46  }
0x171: {  	v30 =	vand.u32 $0xF000, v36;
	v57 =	vshra.s32 v33, $0x1;
	v34 =	vadd.f32 v27, v50;
	v25 =	vld.idx.msk [tilespmem:v15+s2+$0x0], $0xffff  }
0x172: {  	v58 =	vmul.f32 $5.000000000e-01, v33;
	v55 =	vld.idx.msk [tilespmem:v19+s2+$0x0], $0xffff;
	v61 =	vor.u32 v14, v35;
	[tilespmem:s1+$0x60] =	vst v26;
	v59 =	vsub.f32 $1.500000000e+00, v51  }
0x173: {  	v26 =	vsub.s32 $0x5F3759DF, v57;
	v60 =	vshra.s32 v34, $0x1;
	v42 =	vmul.f32 $5.000000000e-01, v34;
	v45 =	vld.idx.msk [tilespmem:v53+s2+$0x0], $0xffff  }
0x174: {  	v38 =	vmul.f32 v26, v58;
	v63 =	vld.idx.msk [tilespmem:v54+s2+$0x0], $0xffff;
	v41 =	vsub.s32 $0x5F3759DF, v60;
	v27 =	vmul.f32 v48, v59  }
0x175: {  	v62 =	vshra.s32 v28, $0x1;
	v58 =	vld.idx.msk [tilespmem:v20+s2+$0x0], $0xffff;
	v42 =	vmul.f32 v41, v42;
	v24 =	vmul.f32 v24, v24  }
0x176: {  	v9 =	vld [tilespmem:$0x1FE90];
	v37 =	vmul.f32 v37, v37;
	v59 =	vor.u32 v2, v35;
	v27 =	vmul.f32 v27, v39  }
0x177: {  	v8 =	vld [tilespmem:$0x1FE80];
	v60 =	vor.u32 v12, v35;
	v38 =	vmul.f32 v26, v38;
	v53 =	vmul.f32 v49, v49  }
0x178: {  	v40 =	vld.idx.msk [tilespmem:v40+s2+$0x0], $0xffff;
	v46 =	vsub.s32 $0x5F3759DF, v62;
	v25 =	vmul.f32 v25, v25;
	v44 =	vmul.f32 v55, v55;
	[tilespmem:s21+$0x70] =	vst v27  }
0x179: {  	v24 =	vadd.f32 v37, v24;
	v38 =	vsub.f32 $1.500000000e+00, v38;
	v45 =	vmul.f32 v45, v45;
	v43 =	vld.idx.msk [tilespmem:v61+s2+$0x0], $0xffff  }
0x17a: {  	v25 =	vadd.f32 v44, v25;
	v62 =	vmul.f32 v63, v63;
	v63 =	vmul.f32 v58, v58;
	v48 =	vld.idx.msk [tilespmem:v56+s2+$0x0], $0xffff  }
0x17b: {  	v57 =	vmul.f32 $5.000000000e-01, v28;
	v42 =	vmul.f32 v41, v42;
	v24 =	vadd.f32 v53, v24;
	v39 =	vld.idx.msk [tilespmem:v59+s2+$0x0], $0xffff  }
0x17c: {  	v26 =	vmul.f32 v26, v38;
	v37 =	vadd.f32 v62, v45;
	v25 =	vadd.f32 v63, v25;
	v51 =	vld.idx.msk [tilespmem:v60+s2+$0x0], $0xffff  }
0x17d: {  	v52 =	vshra.s32 v24, $0x1;
	v58 =	vmul.f32 $5.000000000e-01, v24;
	v61 =	vmul.f32 v46, v57  }
0x17e: {  	v26 =	vmul.f32 v26, v33;
	v27 =	vor.u32 v8, v9;
	v60 =	vmul.f32 v40, v40  }
0x17f: {  	v62 =	vmul.f32 $5.000000000e-01, v25;
	v56 =	vmovc v32;
	v40 =	vsub.f32 $1.500000000e+00, v42;
	v44 =	vmul.f32 v46, v61  }
0x180: {  	v63 =	vld.idx.msk [tilespmem:v47+s2+$0x0], $0xffff;
	v32 =	vadd.f32 v60, v37;
	v43 =	vmul.f32 v43, v43;
	v53 =	vmul.f32 v48, v48  }
0x181: {  	v61 =	vshra.s32 v25, $0x1;
	v39 =	vmul.f32 v39, v39;
	v57 =	vmul.f32 v51, v51  }
0x182: {  	v55 =	vmovc v36;
	v38 =	vsub.s32 $0x5F3759DF, v61;
	v36 =	vsub.f32 $1.500000000e+00, v44;
	v59 =	vmul.f32 $5.000000000e-01, v32  }
0x183: {  	v44 =	vsub.s32 $0x5F3759DF, v52;
	v43 =	vadd.f32 v53, v43;
	v39 =	vadd.f32 v57, v39  }
0x184: {  	v54 =	vshra.s32 v32, $0x1;
	v42 =	vmul.f32 v38, v62;
	v60 =	vmul.f32 v44, v58  }
0x185: {  	v47 =	vsub.s32 $0x5F3759DF, v54;
	v37 =	vmul.f32 v63, v63;
	v39 =	vadd.f32 v39, v43  }
0x186: {  	v9 =	vor.u32 v17, v27;
	v61 =	vmul.f32 v47, v59;
	v42 =	vmul.f32 v38, v42  }
0x187: {  	v10 =	vor.u32 v0, v27;
	v36 =	vmul.f32 v46, v36;
	v49 =	vadd.f32 v39, v37  }
0x188: {  	v45 =	vmul.f32 v44, v60;
	v48 =	vmul.f32 v47, v61;
	v62 =	vsub.f32 $1.500000000e+00, v42  }
0x189: {  	v43 =	vor.u32 v14, v27;
	v51 =	vshra.s32 v49, $0x1;
	v52 =	vmul.f32 $5.000000000e-01, v49  }
0x18a: {  	v63 =	vsub.f32 $1.500000000e+00, v45;
	v38 =	vmul.f32 v38, v62;
	v54 =	vsub.s32 $0x5F3759DF, v51  }
0x18b: {  	s6 =	sadd.s32 $0x200, s6;
	s8 =	sshll.u32 s7, $0x9;
	v18 =	vor.u32 v1, v27;
	v28 =	vmul.f32 v36, v28;
	v58 =	vmul.f32 v54, v52  }
0x18c: {  	s11 =	sand.u32 $0x380, s6;
	s0 =	sand.u32 $0x3FFFF000, s8;
	v50 =	vsub.f32 $1.500000000e+00, v48;
	v53 =	vmul.f32 v44, v63;
	v25 =	vmul.f32 v38, v25  }
0x18d: {  	s9 =	sadd.s32 $0xFFFFFE80, s6;
	s10 =	sor.u32 s11, s0;
	v61 =	vor.u32 v13, v27;
	v37 =	vmul.f32 v41, v40;
	v59 =	vmul.f32 v54, v58  }
0x18e: {  	s15 =	sadd.s32 $0xFFFFFF00, s6;
	s29 =	sand.u32 $0x200, s9;
	v57 =	vshll.u32 v31, $0x9;
	v60 =	vld [tilespmem:s10+$0x0];
	v41 =	vmul.f32 v47, v50;
	v24 =	vmul.f32 v53, v24;
	[tilespmem:s26+$0x70] =	vst v25  }
0x18f: {  	s16 =	sadd.s32 $0xFFFFFF80, s6;
	s30 =	sand.u32 $0x280, s15;
	s12 =	sor.u32 s29, s0;
	v36 =	vand.u32 $0xF000, v57;
	v48 =	vor.u32 v2, v27;
	v63 =	vld.idx.msk [tilespmem:v43+s2+$0x0], $0xffff;
	v50 =	vsub.f32 $1.500000000e+00, v59  }
0x190: {  	s17 =	sshll.u32 s7, $0x8;
	s9 =	sor.u32 s30, s0;
	s31 =	sand.u32 $0x300, s16;
	v57 =	vor.u32 v7, v27;
	v42 =	vor.u32 v16, v27;
	v32 =	vmul.f32 v41, v32;
	[tilespmem:s25+$0x70] =	vst v24;
	v51 =	vld [tilespmem:s12+$0x0]  }
0x191: {  	s8 =	sor.u32 s31, s0;
	s0 =	sand.u32 $0x3FFFF800, s17;
	v62 =	vmul.f32 v37, v34;
	v53 =	vor.u32 v17, v35;
	[tilespmem:s22+$0x410] =	vst v26;
	v52 =	vld [tilespmem:s9+$0x0];
	v24 =	vmul.f32 v54, v50  }
0x192: {  	s15 =	sadd.s32 $0x14000, s0;
	v31 =	vshll.u32 v31, $0x7;
	v39 =	vor.u32 v56, v30;
	[tilespmem:s1+$0x70] =	vst v32;
	v32 =	vor.u32 v0, v35;
	v25 =	vld.idx.msk [tilespmem:v61+s2+$0x0], $0xffff  }
0x193: {  	s0 =	sor.u32 s11, s15;
	[tilespmem:s23+$0x410] =	vst v62;
	v58 =	vand.u32 $0x7FFFFFFF, v60;
	v59 =	vor.u32 v1, v35;
	v54 =	vld [tilespmem:s8+$0x0];
	v24 =	vmul.f32 v24, v49  }
0x194: {  	p0 =	slt.u32 s7, $0x4C;
	v38 =	vshll.u32 v29, $0x9;
	v29 =	vshll.u32 v29, $0x7;
	v40 =	vld.idx.msk [tilespmem:v48+s2+$0x0], $0xffff;
	v60 =	vor.u32 v21, v35;
	[tilespmem:s0+$0x0] =	vst v58  }
.Ltmp0:
0x195: {  	v14 =	vor.u32 v4, v39;
	v11 =	vor.u32 v5, v39;
	v16 =	vor.u32 v3, v39;
	v50 =	vld [tilespmem:s10+$0x10];
	[tilespmem:s21+$0x400] =	vst v24;
	(pc) =	sbr.rel @p0 .LBB2_2-.Ltmp0, $4  }
0x196: {  	v37 =	vand.u32 $0x280, v31;
	v45 =	vand.u32 $0xF000, v38;
	s22 =	smov.u32 s26;
	s26 =	sor.u32 s29, s15;
	v61 =	vand.u32 $0x7FFFFFFF, v51;
	[tilespmem:s24+$0x410] =	vst v28;
	v47 =	vld.idx.msk [tilespmem:v53+s2+$0x0], $0xffff  }
0x197: {  	v34 =	vor.u32 v21, v27;
	s23 =	smov.u32 s25;
	s25 =	sor.u32 s30, s15;
	v0 =	vor.u32 v6, v39;
	[tilespmem:s26+$0x0] =	vst v61;
	v62 =	vand.u32 $0x7FFFFFFF, v52;
	v49 =	vld.idx.msk [tilespmem:v32+s2+$0x0], $0xffff  }
0x198: {  	v44 =	vmul.f32 v63, v63;
	s24 =	smov.u32 s1;
	s1 =	sor.u32 s31, s15;
	v52 =	vor.u32 v12, v27;
	[tilespmem:s25+$0x0] =	vst v62;
	v63 =	vand.u32 $0x7FFFFFFF, v54;
	v48 =	vld.idx.msk [tilespmem:v59+s2+$0x0], $0xffff  }
0x199: {  	s28 =	smov.u32 s7;
	s7 =	sadd.s32 $0x4, s7;
	v46 =	vand.u32 $0x300, v29;
	v51 =	vmul.f32 v25, v25;
	v53 =	vor.u32 v7, v35;
	v35 =	vld.idx.msk [tilespmem:v60+s2+$0x0], $0xffff;
	[tilespmem:s1+$0x0] =	vst v63  }
0x19a: {  	v24 =	vld [tilespmem:s12+$0x10]  }
0x19b: {  	v26 =	vld [tilespmem:s9+$0x10];
	_ =	sdelay $0x1  }
0x19c: {  	v21 =	vld [tilespmem:$0x1FEF0];
	v27 =	vand.u32 $0x7FFFFFFF, v50  }
0x19d: {  	v28 =	vld [tilespmem:s8+$0x10];
	[tilespmem:s0+$0x10] =	vst v27  }
0x19e: {  	v27 =	vld [tilespmem:s10+$0x20];
	v24 =	vand.u32 $0x7FFFFFFF, v24  }
0x19f: {  	v2 =	vld [tilespmem:$0x1FFD0];
	v54 =	vand.u32 $0x7FFFFFFF, v26;
	[tilespmem:s26+$0x10] =	vst v24  }
0x1a0: {  	v62 =	vld [tilespmem:$0x1FF30];
	[tilespmem:s25+$0x10] =	vst v54  }
0x1a1: {  	v61 =	vld [tilespmem:$0x1FF40]  }
0x1a2: {  	v29 =	vld.idx.msk [tilespmem:v53+s2+$0x0], $0xffff  }
0x1a3: {  	v32 =	vld [tilespmem:s12+$0x20];
	v27 =	vand.u32 $0x7FFFFFFF, v27  }
0x1a4: {  	v25 =	vor.u32 v21, v22;
	v59 =	vand.u32 $0x7FFFFFFF, v28;
	v33 =	vld [tilespmem:s9+$0x20];
	[tilespmem:s0+$0x20] =	vst v27  }
0x1a5: {  	[tilespmem:s1+$0x10] =	vst v59;
	v43 =	vld [tilespmem:s10+$0x30]  }
0x1a6: {  	v41 =	vld [tilespmem:s8+$0x20];
	v60 =	vor.u32 v61, v22  }
0x1a7: {  	v30 =	vld.idx.msk [tilespmem:v52+s2+$0x0], $0xffff;
	s6 =	sadd.s32 $0x3, s28  }
0x1a8: {  	v63 =	vmov s6;
	v3 =	vld [tilespmem:$0x1FFE0];
	v53 =	vand.u32 $0x7FFFFFFF, v32  }
0x1a9: {  	v38 =	vshll.u32 v63, $0x9;
	v31 =	vor.u32 v2, v22;
	v25 =	vld.idx.msk [tilespmem:v25+s2+$0x0], $0xffff;
	[tilespmem:s26+$0x20] =	vst v53;
	v59 =	vand.u32 $0x7FFFFFFF, v33  }
0x1aa: {  	v50 =	vand.u32 $0xF000, v38;
	v24 =	vshll.u32 v63, $0x7;
	v6 =	vld [tilespmem:$0x1FFF0];
	[tilespmem:s25+$0x20] =	vst v59;
	v43 =	vand.u32 $0x7FFFFFFF, v43  }
0x1ab: {  	v24 =	vand.u32 $0x380, v24;
	v58 =	vor.u32 v62, v22;
	[tilespmem:s0+$0x30] =	vst v43;
	v28 =	vld.idx.msk [tilespmem:v60+s2+$0x0], $0xffff;
	v60 =	vand.u32 $0x7FFFFFFF, v41  }
0x1ac: {  	v63 =	vor.u32 v2, v23;
	v38 =	vor.u32 v24, v50;
	v50 =	vld [tilespmem:s12+$0x30];
	[tilespmem:s1+$0x20] =	vst v60  }
0x1ad: {  	v54 =	vor.u32 v3, v38;
	v1 =	vld [tilespmem:$0x1FEA0]  }
0x1ae: {  	v31 =	vld.idx.msk [tilespmem:v31+s2+$0x0], $0xffff  }
0x1af: {  	v40 =	vmul.f32 v40, v40;
	v52 =	vmul.f32 v47, v47;
	v59 =	vor.u32 v3, v39;
	v27 =	vld [tilespmem:s9+$0x30]  }
0x1b0: {  	v48 =	vmul.f32 v48, v48;
	v26 =	vld.idx.msk [tilespmem:v58+s2+$0x0], $0xffff;
	v58 =	vmul.f32 v49, v49;
	v33 =	vor.u32 v6, v38  }
0x1b1: {  	v35 =	vmul.f32 v35, v35;
	v30 =	vmul.f32 v30, v30;
	v49 =	vor.u32 v21, v23;
	v41 =	vld.idx.msk [tilespmem:v63+s2+$0x0], $0xffff  }
0x1b2: {  	v24 =	vadd.f32 v58, v52;
	v32 =	vld.idx.msk [tilespmem:v54+s2+$0x0], $0xffff;
	v63 =	vand.u32 $0x7FFFFFFF, v50;
	v58 =	vor.u32 v1, v38  }
0x1b3: {  	v36 =	vor.u32 v37, v36;
	v48 =	vadd.f32 v35, v48;
	v60 =	vor.u32 v6, v39;
	v47 =	vld [tilespmem:s8+$0x30];
	[tilespmem:s26+$0x30] =	vst v63  }
0x1b4: {  	v35 =	vor.u32 v46, v45;
	v30 =	vadd.f32 v30, v40;
	v45 =	vor.u32 v3, v36;
	v40 =	vld.idx.msk [tilespmem:v59+s2+$0x0], $0xffff  }
0x1b5: {  	v24 =	vadd.f32 v48, v24;
	v48 =	vor.u32 v6, v36;
	v33 =	vld.idx.msk [tilespmem:v33+s2+$0x0], $0xffff  }
0x1b6: {  	v44 =	vadd.f32 v51, v44;
	v29 =	vmul.f32 v29, v29;
	v25 =	vmul.f32 v25, v25;
	v46 =	vld.idx.msk [tilespmem:v49+s2+$0x0], $0xffff  }
0x1b7: {  	v31 =	vmul.f32 v31, v31;
	v50 =	vand.u32 $0x7FFFFFFF, v27;
	v63 =	vor.u32 v1, v36;
	v53 =	vld.idx.msk [tilespmem:v58+s2+$0x0], $0xffff  }
0x1b8: {  	v30 =	vadd.f32 v30, v44;
	[tilespmem:s25+$0x30] =	vst v50;
	v59 =	vld.idx.msk [tilespmem:v60+s2+$0x0], $0xffff;
	v60 =	vor.u32 v1, v39  }
0x1b9: {  	v25 =	vadd.f32 v31, v25;
	v37 =	vadd.f32 v24, v29;
	v24 =	vld.idx.msk [tilespmem:v45+s2+$0x0], $0xffff  }
0x1ba: {  	v27 =	vor.u32 v3, v35;
	v32 =	vmul.f32 v32, v32;
	v48 =	vld.idx.msk [tilespmem:v48+s2+$0x0], $0xffff;
	v33 =	vmul.f32 v33, v33  }
0x1bb: {  	v26 =	vmul.f32 v26, v26;
	v28 =	vmul.f32 v28, v28;
	v58 =	vor.u32 v6, v35  }
0x1bc: {  	v54 =	vand.u32 $0x7FFFFFFF, v47;
	v45 =	vld.idx.msk [tilespmem:v63+s2+$0x0], $0xffff;
	v32 =	vadd.f32 v33, v32;
	v29 =	vmul.f32 v53, v53  }
0x1bd: {  	v31 =	vor.u32 v1, v35;
	[tilespmem:s1+$0x30] =	vst v54;
	v54 =	vmul.f32 v41, v41;
	v53 =	vld.idx.msk [tilespmem:v60+s2+$0x0], $0xffff  }
0x1be: {  	v40 =	vmul.f32 v40, v40;
	v52 =	vmul.f32 v46, v46;
	v29 =	vadd.f32 v29, v32  }
0x1bf: {  	v26 =	vadd.f32 v28, v26;
	v27 =	vld.idx.msk [tilespmem:v27+s2+$0x0], $0xffff;
	v24 =	vmul.f32 v24, v24;
	v48 =	vmul.f32 v48, v48  }
0x1c0: {  	v59 =	vmul.f32 v59, v59;
	v43 =	vld.idx.msk [tilespmem:v58+s2+$0x0], $0xffff;
	v60 =	vshra.s32 v29, $0x1;
	v63 =	vmul.f32 $5.000000000e-01, v29  }
0x1c1: {  	v24 =	vadd.f32 v48, v24;
	v45 =	vmul.f32 v45, v45;
	v47 =	vsub.s32 $0x5F3759DF, v60  }
0x1c2: {  	v40 =	vadd.f32 v59, v40;
	v44 =	vmul.f32 v53, v53;
	v51 =	vmul.f32 v47, v63  }
0x1c3: {  	v28 =	vadd.f32 v54, v52;
	v33 =	vor.u32 v62, v23;
	v24 =	vadd.f32 v45, v24  }
0x1c4: {  	v5 =	vld [tilespmem:$0x1FF80];
	v58 =	vor.u32 v61, v23;
	v40 =	vadd.f32 v44, v40;
	v32 =	vmul.f32 v47, v51  }
0x1c5: {  	v27 =	vmul.f32 v27, v27;
	v45 =	vshra.s32 v24, $0x1;
	v43 =	vmul.f32 v43, v43;
	v63 =	vld [tilespmem:$0x1FFC0]  }
0x1c6: {  	v31 =	vld.idx.msk [tilespmem:v31+s2+$0x0], $0xffff;
	v52 =	vshra.s32 v40, $0x1;
	v44 =	vmul.f32 $5.000000000e-01, v40;
	v32 =	vsub.f32 $1.500000000e+00, v32  }
0x1c7: {  	v13 =	vld [tilespmem:$0x1FF90];
	v53 =	vmul.f32 $5.000000000e-01, v24;
	v27 =	vadd.f32 v43, v27;
	v43 =	vsub.s32 $0x5F3759DF, v52  }
0x1c8: {  	v33 =	vld.idx.msk [tilespmem:v33+s2+$0x0], $0xffff;
	v45 =	vsub.s32 $0x5F3759DF, v45;
	v59 =	vmul.f32 v43, v44;
	v32 =	vmul.f32 v47, v32  }
0x1c9: {  	v54 =	vor.u32 v5, v38;
	v41 =	vld.idx.msk [tilespmem:v58+s2+$0x0], $0xffff;
	v46 =	vmul.f32 v45, v53  }
0x1ca: {  	v60 =	vor.u32 v63, v38;
	v29 =	vmul.f32 v32, v29;
	v32 =	vmul.f32 v43, v59  }
0x1cb: {  	v31 =	vmul.f32 v31, v31;
	v46 =	vmul.f32 v45, v46  }
0x1cc: {  	v25 =	vadd.f32 v26, v25;
	v58 =	vor.u32 v13, v38;
	[tilespmem:s0+$0x40] =	vst v29;
	v32 =	vsub.f32 $1.500000000e+00, v32  }
0x1cd: {  	v33 =	vmul.f32 v33, v33;
	v27 =	vadd.f32 v31, v27;
	v46 =	vsub.f32 $1.500000000e+00, v46;
	v17 =	vld [tilespmem:$0x1FF50]  }
0x1ce: {  	v41 =	vmul.f32 v41, v41;
	v59 =	vor.u32 v5, v39;
	v47 =	vld.idx.msk [tilespmem:v54+s2+$0x0], $0xffff;
	v32 =	vmul.f32 v43, v32  }
0x1cf: {  	v45 =	vmul.f32 v45, v46;
	v54 =	vshra.s32 v27, $0x1;
	v31 =	vld.idx.msk [tilespmem:v60+s2+$0x0], $0xffff;
	v60 =	vor.u32 v13, v39  }
0x1d0: {  	v26 =	vsub.s32 $0x5F3759DF, v54;
	v54 =	vor.u32 v13, v36;
	v32 =	vmul.f32 v32, v40  }
0x1d1: {  	v44 =	vor.u32 v63, v39;
	v33 =	vadd.f32 v41, v33;
	v48 =	vld.idx.msk [tilespmem:v58+s2+$0x0], $0xffff;
	v58 =	vmul.f32 $5.000000000e-01, v27  }
0x1d2: {  	v42 =	vld.idx.msk [tilespmem:v42+s2+$0x0], $0xffff;
	v24 =	vmul.f32 v45, v24;
	v52 =	vor.u32 v17, v22;
	[tilespmem:s26+$0x40] =	vst v32  }
0x1d3: {  	v28 =	vadd.f32 v33, v28;
	v33 =	vmul.f32 v26, v58;
	v53 =	vor.u32 v17, v23;
	v43 =	vld.idx.msk [tilespmem:v59+s2+$0x0], $0xffff  }
0x1d4: {  	[tilespmem:s25+$0x40] =	vst v24;
	v46 =	vld.idx.msk [tilespmem:v60+s2+$0x0], $0xffff  }
0x1d5: {  	v33 =	vmul.f32 v26, v33;
	v60 =	vld.idx.msk [tilespmem:v54+s2+$0x0], $0xffff  }
0x1d6: {  	v32 =	vor.u32 v63, v36;
	v44 =	vld.idx.msk [tilespmem:v44+s2+$0x0], $0xffff  }
0x1d7: {  	v47 =	vmul.f32 v47, v47;
	v48 =	vmul.f32 v48, v48;
	v33 =	vsub.f32 $1.500000000e+00, v33;
	v29 =	vld.idx.msk [tilespmem:v52+s2+$0x0], $0xffff  }
0x1d8: {  	v42 =	vmul.f32 v42, v42;
	v52 =	vld.idx.msk [tilespmem:v53+s2+$0x0], $0xffff  }
0x1d9: {  	v47 =	vadd.f32 v48, v47;
	v48 =	vor.u32 v5, v35;
	v26 =	vmul.f32 v26, v33  }
0x1da: {  	v30 =	vadd.f32 v30, v42;
	v31 =	vmul.f32 v31, v31;
	v53 =	vor.u32 v5, v36  }
0x1db: {  	v40 =	vor.u32 v13, v35;
	v26 =	vmul.f32 v26, v27;
	v32 =	vld.idx.msk [tilespmem:v32+s2+$0x0], $0xffff;
	v43 =	vmul.f32 v43, v43  }
0x1dc: {  	v31 =	vadd.f32 v31, v47;
	v46 =	vmul.f32 v46, v46;
	v33 =	vmul.f32 v60, v60  }
0x1dd: {  	v59 =	vshra.s32 v30, $0x1;
	v44 =	vmul.f32 v44, v44;
	[tilespmem:s1+$0x40] =	vst v26;
	v58 =	vmul.f32 v52, v52  }
0x1de: {  	v51 =	vshra.s32 v31, $0x1;
	v48 =	vld.idx.msk [tilespmem:v48+s2+$0x0], $0xffff;
	v29 =	vmul.f32 v29, v29;
	v52 =	vmul.f32 $5.000000000e-01, v31  }
0x1df: {  	v41 =	vld.idx.msk [tilespmem:v53+s2+$0x0], $0xffff;
	v53 =	vmul.f32 $5.000000000e-01, v30;
	v24 =	vadd.f32 v28, v58;
	v28 =	vsub.s32 $0x5F3759DF, v51  }
0x1e0: {  	v43 =	vadd.f32 v46, v43;
	v32 =	vmul.f32 v32, v32;
	v45 =	vmul.f32 v28, v52  }
0x1e1: {  	v12 =	vld [tilespmem:$0x1FFA0];
	v25 =	vadd.f32 v25, v29;
	v58 =	vor.u32 v63, v35;
	v29 =	vsub.s32 $0x5F3759DF, v59  }
0x1e2: {  	v60 =	vld.idx.msk [tilespmem:v40+s2+$0x0], $0xffff;
	v43 =	vadd.f32 v44, v43;
	v27 =	vmul.f32 v29, v53;
	v45 =	vmul.f32 v28, v45  }
0x1e3: {  	v7 =	vld [tilespmem:$0x1FFB0];
	v52 =	vshra.s32 v37, $0x1;
	v48 =	vmul.f32 v48, v48;
	v54 =	vshra.s32 v25, $0x1  }
0x1e4: {  	v59 =	vmul.f32 $5.000000000e-01, v25;
	v40 =	vsub.s32 $0x5F3759DF, v52;
	v51 =	vsub.f32 $1.500000000e+00, v45  }
0x1e5: {  	v52 =	vmul.f32 $5.000000000e-01, v43;
	v47 =	vsub.s32 $0x5F3759DF, v54;
	v27 =	vmul.f32 v29, v27  }
0x1e6: {  	v54 =	vor.u32 v12, v38;
	v53 =	vmul.f32 v47, v59;
	v26 =	vld.idx.msk [tilespmem:v58+s2+$0x0], $0xffff;
	v28 =	vmul.f32 v28, v51  }
0x1e7: {  	v41 =	vmul.f32 v41, v41;
	v59 =	vmul.f32 v60, v60;
	v27 =	vsub.f32 $1.500000000e+00, v27  }
0x1e8: {  	v58 =	vor.u32 v7, v38;
	v45 =	vmul.f32 v47, v53;
	v28 =	vmul.f32 v28, v31  }
0x1e9: {  	v60 =	vshra.s32 v43, $0x1;
	v33 =	vadd.f32 v33, v41;
	v27 =	vmul.f32 v29, v27  }
0x1ea: {  	v41 =	vadd.f32 v59, v48;
	v48 =	vsub.s32 $0x5F3759DF, v60;
	v45 =	vsub.f32 $1.500000000e+00, v45;
	[tilespmem:s0+$0x50] =	vst v28  }
0x1eb: {  	v32 =	vadd.f32 v32, v33;
	v27 =	vmul.f32 v27, v30;
	v26 =	vmul.f32 v26, v26;
	v46 =	vld.idx.msk [tilespmem:v54+s2+$0x0], $0xffff  }
0x1ec: {  	v31 =	vshra.s32 v24, $0x1;
	v45 =	vmul.f32 v47, v45;
	v28 =	vmul.f32 v48, v52;
	v8 =	vld [tilespmem:$0x1FEB0]  }
0x1ed: {  	v44 =	vld.idx.msk [tilespmem:v58+s2+$0x0], $0xffff;
	v26 =	vadd.f32 v26, v41;
	v54 =	vshra.s32 v32, $0x1;
	v58 =	vmul.f32 $5.000000000e-01, v32  }
0x1ee: {  	v31 =	vsub.s32 $0x5F3759DF, v31;
	v28 =	vmul.f32 v48, v28;
	v29 =	vsub.s32 $0x5F3759DF, v54  }
0x1ef: {  	v59 =	vmul.f32 $5.000000000e-01, v26;
	v41 =	vmul.f32 v29, v58;
	v60 =	vshra.s32 v26, $0x1  }
0x1f0: {  	v52 =	vmul.f32 $5.000000000e-01, v24;
	v28 =	vsub.f32 $1.500000000e+00, v28;
	v47 =	vsub.s32 $0x5F3759DF, v60  }
0x1f1: {  	v30 =	vmul.f32 v47, v59;
	v41 =	vmul.f32 v29, v41;
	v53 =	vor.u32 v8, v38  }
0x1f2: {  	[tilespmem:s22+$0x400] =	vst v27;
	v28 =	vmul.f32 v48, v28;
	v48 =	vmul.f32 v31, v52  }
0x1f3: {  	v49 =	vld.idx.msk [tilespmem:v10+s2+$0x0], $0xffff;
	v30 =	vmul.f32 v47, v30;
	v41 =	vsub.f32 $1.500000000e+00, v41  }
0x1f4: {  	v54 =	vor.u32 v7, v39;
	v34 =	vld.idx.msk [tilespmem:v34+s2+$0x0], $0xffff;
	v59 =	vor.u32 v12, v36;
	v58 =	vmul.f32 v31, v48  }
0x1f5: {  	v48 =	vld.idx.msk [tilespmem:v9+s2+$0x0], $0xffff;
	v28 =	vmul.f32 v28, v43;
	v30 =	vsub.f32 $1.500000000e+00, v30;
	v29 =	vmul.f32 v29, v41  }
0x1f6: {  	v33 =	vld.idx.msk [tilespmem:v53+s2+$0x0], $0xffff;
	v53 =	vor.u32 v12, v39  }
0x1f7: {  	v43 =	vld.idx.msk [tilespmem:v18+s2+$0x0], $0xffff;
	[tilespmem:s26+$0x50] =	vst v28;
	v30 =	vmul.f32 v47, v30;
	v29 =	vmul.f32 v29, v32  }
0x1f8: {  	v18 =	vld [tilespmem:$0x1FF60]  }
0x1f9: {  	v60 =	vor.u32 v12, v35;
	v27 =	vld.idx.msk [tilespmem:v54+s2+$0x0], $0xffff;
	v26 =	vmul.f32 v30, v26;
	[tilespmem:s25+$0x50] =	vst v29  }
0x1fa: {  	v46 =	vmul.f32 v46, v46;
	v47 =	vor.u32 v7, v35;
	v41 =	vld.idx.msk [tilespmem:v59+s2+$0x0], $0xffff  }
0x1fb: {  	v44 =	vmul.f32 v44, v44;
	v54 =	vsub.f32 $1.500000000e+00, v58;
	v58 =	vor.u32 v8, v36;
	[tilespmem:s1+$0x50] =	vst v26;
	v30 =	vld.idx.msk [tilespmem:v53+s2+$0x0], $0xffff  }
0x1fc: {  	v42 =	vmul.f32 $5.000000000e-01, v37;
	v4 =	vld [tilespmem:$0x1FF70]  }
0x1fd: {  	v44 =	vadd.f32 v44, v46;
	v33 =	vmul.f32 v33, v33;
	v19 =	vld [tilespmem:$0x1FF00]  }
0x1fe: {  	v42 =	vmul.f32 v40, v42;
	v25 =	vmul.f32 v45, v25;
	v50 =	vld.idx.msk [tilespmem:v60+s2+$0x0], $0xffff  }
0x1ff: {  	v34 =	vmul.f32 v34, v34;
	v47 =	vld.idx.msk [tilespmem:v47+s2+$0x0], $0xffff;
	v33 =	vadd.f32 v33, v44;
	v44 =	vor.u32 v7, v36  }
0x200: {  	v39 =	vmul.f32 v40, v42;
	v31 =	vmul.f32 v31, v54;
	[tilespmem:s23+$0x400] =	vst v25;
	v42 =	vld.idx.msk [tilespmem:v58+s2+$0x0], $0xffff  }
0x201: {  	v59 =	vor.u32 v8, v35;
	v20 =	vld [tilespmem:$0x1FF10];
	v51 =	vshra.s32 v33, $0x1;
	v52 =	vmul.f32 $5.000000000e-01, v33  }
0x202: {  	v43 =	vmul.f32 v43, v43;
	v46 =	vor.u32 v18, v22;
	v9 =	vld [tilespmem:$0x1FEC0];
	v28 =	vsub.s32 $0x5F3759DF, v51  }
0x203: {  	v24 =	vmul.f32 v31, v24;
	v10 =	vld [tilespmem:$0x1FED0];
	v53 =	vmul.f32 v28, v52  }
0x204: {  	v60 =	vmul.f32 v48, v48;
	v27 =	vmul.f32 v27, v27;
	v26 =	vld.idx.msk [tilespmem:v44+s2+$0x0], $0xffff  }
0x205: {  	v34 =	vadd.f32 v34, v43;
	v41 =	vmul.f32 v41, v41;
	v29 =	vmul.f32 v28, v53;
	v53 =	vld.idx.msk [tilespmem:v11+s2+$0x0], $0xffff  }
0x206: {  	v32 =	vor.u32 v19, v22;
	v54 =	vmul.f32 v30, v30;
	v30 =	vld.idx.msk [tilespmem:v59+s2+$0x0], $0xffff;
	v50 =	vmul.f32 v50, v50  }
0x207: {  	v46 =	vld.idx.msk [tilespmem:v46+s2+$0x0], $0xffff;
	v52 =	vmul.f32 v49, v49;
	v31 =	vor.u32 v20, v22;
	v29 =	vsub.f32 $1.500000000e+00, v29  }
0x208: {  	v58 =	vor.u32 v9, v38;
	v59 =	vor.u32 v10, v38;
	v27 =	vadd.f32 v27, v54;
	v54 =	vld [tilespmem:$0x1FEE0]  }
0x209: {  	v25 =	vadd.f32 v52, v60;
	v60 =	vmul.f32 v47, v47;
	v28 =	vmul.f32 v28, v29  }
0x20a: {  	v44 =	vor.u32 v4, v22;
	v26 =	vmul.f32 v26, v26;
	v49 =	vmul.f32 v53, v53  }
0x20b: {  	v30 =	vmul.f32 v30, v30;
	v29 =	vadd.f32 v60, v50;
	v28 =	vmul.f32 v28, v33  }
0x20c: {  	v52 =	vmul.f32 v42, v42;
	v26 =	vadd.f32 v26, v41;
	v27 =	vadd.f32 v49, v27  }
0x20d: {  	v45 =	vmul.f32 v46, v46;
	v51 =	vor.u32 v54, v38;
	v29 =	vadd.f32 v30, v29;
	[tilespmem:s0+$0x60] =	vst v28  }
0x20e: {  	v26 =	vadd.f32 v52, v26;
	v42 =	vld.idx.msk [tilespmem:v58+s2+$0x0], $0xffff;
	v53 =	vshra.s32 v27, $0x1;
	v58 =	vmul.f32 $5.000000000e-01, v27  }
0x20f: {  	v50 =	vor.u32 v4, v23;
	v33 =	vor.u32 v18, v23;
	v43 =	vld.idx.msk [tilespmem:v59+s2+$0x0], $0xffff;
	v30 =	vsub.s32 $0x5F3759DF, v53  }
0x210: {  	v28 =	vld.idx.msk [tilespmem:v44+s2+$0x0], $0xffff;
	v52 =	vmul.f32 $5.000000000e-01, v29;
	v59 =	vshra.s32 v26, $0x1;
	v46 =	vmul.f32 v30, v58  }
0x211: {  	v60 =	vmul.f32 $5.000000000e-01, v26;
	v53 =	vshra.s32 v29, $0x1;
	v44 =	vsub.s32 $0x5F3759DF, v59  }
0x212: {  	v41 =	vld.idx.msk [tilespmem:v51+s2+$0x0], $0xffff;
	v49 =	vsub.s32 $0x5F3759DF, v53;
	v59 =	vor.u32 v19, v23;
	v46 =	vmul.f32 v30, v46  }
0x213: {  	v32 =	vld.idx.msk [tilespmem:v32+s2+$0x0], $0xffff;
	v47 =	vmul.f32 v44, v60;
	v48 =	vmul.f32 v49, v52;
	v60 =	vor.u32 v20, v23  }
0x214: {  	[tilespmem:s24+$0x400] =	vst v24;
	v31 =	vld.idx.msk [tilespmem:v31+s2+$0x0], $0xffff;
	v42 =	vmul.f32 v42, v42;
	v43 =	vmul.f32 v43, v43;
	v58 =	vsub.f32 $1.500000000e+00, v46  }
0x215: {  	v39 =	vsub.f32 $1.500000000e+00, v39;
	v33 =	vld.idx.msk [tilespmem:v33+s2+$0x0], $0xffff;
	v28 =	vmul.f32 v28, v28;
	v47 =	vmul.f32 v44, v47  }
0x216: {  	v53 =	vld.idx.msk [tilespmem:v50+s2+$0x0], $0xffff;
	v48 =	vmul.f32 v49, v48;
	v42 =	vadd.f32 v43, v42;
	v43 =	vmul.f32 v30, v58  }
0x217: {  	v41 =	vmul.f32 v41, v41;
	v28 =	vadd.f32 v28, v45;
	v46 =	vld.idx.msk [tilespmem:v57+s2+$0x0], $0xffff;
	v47 =	vsub.f32 $1.500000000e+00, v47  }
0x218: {  	v48 =	vsub.f32 $1.500000000e+00, v48;
	v30 =	vmul.f32 v40, v39;
	v45 =	vld.idx.msk [tilespmem:v60+s2+$0x0], $0xffff;
	v27 =	vmul.f32 v43, v27  }
0x219: {  	v24 =	vadd.f32 v41, v42;
	v52 =	vmul.f32 v44, v47;
	v44 =	vld.idx.msk [tilespmem:v59+s2+$0x0], $0xffff;
	v59 =	vor.u32 v9, v36  }
0x21a: {  	v60 =	vor.u32 v10, v36;
	v39 =	vmul.f32 v49, v48;
	v49 =	vmul.f32 v31, v31;
	[tilespmem:s26+$0x60] =	vst v27  }
0x21b: {  	v42 =	vshra.s32 v24, $0x1;
	v58 =	vmul.f32 $5.000000000e-01, v24;
	v26 =	vmul.f32 v52, v26;
	v31 =	vld.idx.msk [tilespmem:v14+s2+$0x0], $0xffff  }
0x21c: {  	v50 =	vor.u32 v10, v35;
	v48 =	vor.u32 v9, v35;
	v42 =	vsub.s32 $0x5F3759DF, v42;
	v47 =	vld.idx.msk [tilespmem:v16+s2+$0x0], $0xffff  }
0x21d: {  	v29 =	vmul.f32 v39, v29;
	v43 =	vmul.f32 v42, v58;
	[tilespmem:s25+$0x60] =	vst v26;
	v58 =	vld.idx.msk [tilespmem:v0+s2+$0x0], $0xffff  }
0x21e: {  	v34 =	vadd.f32 v34, v25;
	v32 =	vmul.f32 v32, v32;
	v51 =	vor.u32 v54, v36;
	v40 =	vld.idx.msk [tilespmem:v59+s2+$0x0], $0xffff  }
0x21f: {  	v33 =	vmul.f32 v33, v33;
	v41 =	vmul.f32 v53, v53;
	[tilespmem:s1+$0x60] =	vst v29;
	v27 =	vld.idx.msk [tilespmem:v60+s2+$0x0], $0xffff  }
0x220: {  	v25 =	vadd.f32 v49, v32;
	v29 =	vor.u32 v54, v35;
	v14 =	vld [tilespmem:$0x1FF20];
	v43 =	vmul.f32 v42, v43  }
0x221: {  	v57 =	vor.u32 v2, v38;
	v52 =	vor.u32 v21, v38;
	v53 =	vadd.f32 v41, v33;
	v39 =	vld.idx.msk [tilespmem:v48+s2+$0x0], $0xffff  }
0x222: {  	v28 =	vadd.f32 v25, v28;
	v45 =	vmul.f32 v45, v45;
	v26 =	vld.idx.msk [tilespmem:v50+s2+$0x0], $0xffff;
	v43 =	vsub.f32 $1.500000000e+00, v43  }
0x223: {  	v59 =	vor.u32 v62, v38;
	v44 =	vmul.f32 v44, v44;
	v32 =	vld.idx.msk [tilespmem:v51+s2+$0x0], $0xffff;
	v31 =	vmul.f32 v31, v31  }
0x224: {  	v60 =	vor.u32 v61, v38;
	v47 =	vmul.f32 v47, v47;
	v42 =	vmul.f32 v42, v43  }
0x225: {  	v44 =	vadd.f32 v45, v44;
	v29 =	vld.idx.msk [tilespmem:v29+s2+$0x0], $0xffff;
	v41 =	vmul.f32 v58, v58;
	v40 =	vmul.f32 v40, v40  }
0x226: {  	v22 =	vor.u32 v14, v22;
	v14 =	vld [tilespmem:$0x1FF20];
	v27 =	vmul.f32 v27, v27;
	v24 =	vmul.f32 v42, v24  }
0x227: {  	v49 =	vmul.f32 v39, v39;
	v26 =	vmul.f32 v26, v26;
	v31 =	vadd.f32 v47, v31  }
0x228: {  	v44 =	vadd.f32 v44, v53;
	v32 =	vmul.f32 v32, v32;
	v27 =	vadd.f32 v27, v40;
	[tilespmem:s0+$0x70] =	vst v24  }
0x229: {  	v25 =	vadd.f32 v26, v49;
	v31 =	vadd.f32 v41, v31;
	v43 =	vld.idx.msk [tilespmem:v52+s2+$0x0], $0xffff  }
0x22a: {  	v24 =	vmul.f32 v46, v46;
	v53 =	vmul.f32 v29, v29;
	v27 =	vadd.f32 v32, v27;
	v33 =	vld.idx.msk [tilespmem:v57+s2+$0x0], $0xffff  }
0x22b: {  	v23 =	vor.u32 v14, v23;
	v50 =	vld.idx.msk [tilespmem:v59+s2+$0x0], $0xffff;
	v57 =	vshra.s32 v31, $0x1;
	v58 =	vmul.f32 $5.000000000e-01, v31  }
0x22c: {  	v52 =	vor.u32 v17, v38;
	v29 =	vsub.s32 $0x5F3759DF, v57;
	v26 =	vadd.f32 v53, v25  }
0x22d: {  	v51 =	vld.idx.msk [tilespmem:v60+s2+$0x0], $0xffff;
	v48 =	vshra.s32 v27, $0x1;
	v25 =	vor.u32 v55, v56;
	v32 =	vmul.f32 v29, v58  }
0x22e: {  	v49 =	vmul.f32 $5.000000000e-01, v27;
	v39 =	vsub.s32 $0x5F3759DF, v48;
	v53 =	vor.u32 v21, v25  }
0x22f: {  	v57 =	vor.u32 v2, v25;
	v32 =	vmul.f32 v29, v32;
	v59 =	vmul.f32 v43, v43  }
0x230: {  	v58 =	vld.idx.msk [tilespmem:v22+s2+$0x0], $0xffff;
	v22 =	vadd.f32 v34, v24;
	v33 =	vmul.f32 v33, v33;
	v60 =	vmul.f32 v50, v50  }
0x231: {  	v41 =	vld.idx.msk [tilespmem:v52+s2+$0x0], $0xffff;
	v50 =	vshra.s32 v26, $0x1;
	v52 =	vmul.f32 v39, v49;
	v32 =	vsub.f32 $1.500000000e+00, v32  }
0x232: {  	v40 =	vmul.f32 v51, v51;
	v51 =	vmul.f32 $5.000000000e-01, v26;
	v43 =	vsub.s32 $0x5F3759DF, v50  }
0x233: {  	v33 =	vadd.f32 v33, v59;
	v42 =	vmul.f32 v39, v52;
	v29 =	vmul.f32 v29, v32  }
0x234: {  	v40 =	vadd.f32 v40, v60;
	v45 =	vmul.f32 v43, v51;
	v59 =	vor.u32 v62, v25  }
0x235: {  	v60 =	vor.u32 v61, v25;
	v42 =	vsub.f32 $1.500000000e+00, v42;
	v29 =	vmul.f32 v29, v31  }
0x236: {  	v33 =	vadd.f32 v40, v33;
	v56 =	vmul.f32 v43, v45;
	v55 =	vmul.f32 v41, v41  }
0x237: {  	v23 =	vld.idx.msk [tilespmem:v23+s2+$0x0], $0xffff;
	v50 =	vor.u32 v21, v36;
	v49 =	vmul.f32 v39, v42;
	[tilespmem:s26+$0x70] =	vst v29  }
0x238: {  	v48 =	vsub.f32 $1.500000000e+00, v56;
	v32 =	vadd.f32 v33, v55;
	v55 =	vor.u32 v62, v36;
	v40 =	vld.idx.msk [tilespmem:v53+s2+$0x0], $0xffff  }
0x239: {  	v56 =	vor.u32 v61, v36;
	v53 =	vor.u32 v2, v36;
	v27 =	vmul.f32 v49, v27;
	v34 =	vld.idx.msk [tilespmem:v57+s2+$0x0], $0xffff  }
0x23a: {  	v31 =	vld.idx.msk [tilespmem:v59+s2+$0x0], $0xffff;
	v33 =	vmul.f32 v43, v48;
	v51 =	vshra.s32 v32, $0x1;
	v52 =	vmul.f32 $5.000000000e-01, v32  }
0x23b: {  	v24 =	vor.u32 v21, v35;
	v39 =	vsub.s32 $0x5F3759DF, v51;
	[tilespmem:s25+$0x70] =	vst v27;
	v27 =	vld.idx.msk [tilespmem:v60+s2+$0x0], $0xffff  }
0x23c: {  	v26 =	vmul.f32 v33, v26;
	v33 =	vor.u32 v2, v35;
	v41 =	vmul.f32 v39, v52;
	v29 =	vld.idx.msk [tilespmem:v50+s2+$0x0], $0xffff  }
0x23d: {  	v46 =	vmul.f32 v58, v58;
	v60 =	vor.u32 v62, v35;
	v45 =	vld.idx.msk [tilespmem:v55+s2+$0x0], $0xffff  }
0x23e: {  	v43 =	vmul.f32 v23, v23;
	v55 =	vld.idx.msk [tilespmem:v56+s2+$0x0], $0xffff;
	v56 =	vor.u32 v61, v35;
	v23 =	vmul.f32 v39, v41  }
0x23f: {  	v58 =	vmul.f32 $5.000000000e-01, v22;
	v57 =	vshra.s32 v22, $0x1;
	[tilespmem:s1+$0x70] =	vst v26;
	v41 =	vor.u32 v17, v25;
	v42 =	vld.idx.msk [tilespmem:v53+s2+$0x0], $0xffff  }
0x240: {  	v59 =	vsub.f32 $1.500000000e+00, v23;
	v23 =	vadd.f32 v28, v46;
	v28 =	vsub.s32 $0x5F3759DF, v57;
	v57 =	vld.idx.msk [tilespmem:v24+s2+$0x0], $0xffff  }
0x241: {  	v40 =	vmul.f32 v40, v40;
	v33 =	vld.idx.msk [tilespmem:v33+s2+$0x0], $0xffff;
	v47 =	vmul.f32 v28, v58;
	v58 =	vor.u32 v17, v36  }
0x242: {  	v34 =	vmul.f32 v34, v34;
	v39 =	vmul.f32 v39, v59;
	v59 =	vld.idx.msk [tilespmem:v60+s2+$0x0], $0xffff;
	v60 =	vor.u32 v17, v35  }
0x243: {  	v31 =	vmul.f32 v31, v31;
	v27 =	vmul.f32 v27, v27;
	v52 =	vld.idx.msk [tilespmem:v56+s2+$0x0], $0xffff  }
0x244: {  	v45 =	vmul.f32 v45, v45;
	v26 =	vmul.f32 v55, v55;
	v41 =	vld.idx.msk [tilespmem:v41+s2+$0x0], $0xffff  }
0x245: {  	v34 =	vadd.f32 v34, v40;
	v29 =	vmul.f32 v29, v29;
	v42 =	vmul.f32 v42, v42  }
0x246: {  	v27 =	vadd.f32 v27, v31;
	v26 =	vadd.f32 v26, v45;
	v49 =	vld.idx.msk [tilespmem:v58+s2+$0x0], $0xffff  }
0x247: {  	v29 =	vadd.f32 v42, v29;
	v53 =	vmul.f32 v57, v57;
	v33 =	vmul.f32 v33, v33;
	v55 =	vld.idx.msk [tilespmem:v60+s2+$0x0], $0xffff  }
0x248: {  	v56 =	vmul.f32 v59, v59;
	v31 =	vmul.f32 v52, v52  }
0x249: {  	v27 =	vadd.f32 v27, v34;
	v26 =	vadd.f32 v26, v29;
	v41 =	vmul.f32 v41, v41  }
0x24a: {  	v33 =	vadd.f32 v33, v53;
	v29 =	vadd.f32 v31, v56  }
0x24b: {  	v27 =	vadd.f32 v27, v41;
	v57 =	vmul.f32 v49, v49  }
0x24c: {  	v46 =	vor.u32 v18, v38;
	v29 =	vadd.f32 v29, v33;
	v60 =	vmul.f32 v55, v55  }
0x24d: {  	v41 =	vshra.s32 v27, $0x1;
	v58 =	vmul.f32 $5.000000000e-01, v27;
	v26 =	vadd.f32 v26, v57  }
0x24e: {  	v32 =	vmul.f32 v39, v32;
	v31 =	vsub.s32 $0x5F3759DF, v41;
	v29 =	vadd.f32 v29, v60  }
0x24f: {  	v59 =	vmul.f32 v31, v58;
	v52 =	vshra.s32 v26, $0x1;
	v53 =	vmul.f32 $5.000000000e-01, v26  }
0x250: {  	[tilespmem:s0+$0x400] =	vst v32;
	v55 =	vsub.s32 $0x5F3759DF, v52;
	v57 =	vshra.s32 v29, $0x1;
	v58 =	vmul.f32 $5.000000000e-01, v29  }
0x251: {  	v56 =	vld.idx.msk [tilespmem:v46+s2+$0x0], $0xffff;
	v42 =	vmul.f32 v55, v53;
	v46 =	vsub.s32 $0x5F3759DF, v57  }
0x252: {  	v40 =	vmul.f32 v31, v59;
	v49 =	vmul.f32 v46, v58  }
0x253: {  	v42 =	vmul.f32 v55, v42  }
0x254: {  	v40 =	vsub.f32 $1.500000000e+00, v40;
	v49 =	vmul.f32 v46, v49  }
0x255: {  	v14 =	vld [tilespmem:$0x1FF20];
	v42 =	vsub.f32 $1.500000000e+00, v42  }
0x256: {  	v34 =	vor.u32 v4, v38;
	v31 =	vmul.f32 v31, v40;
	v49 =	vsub.f32 $1.500000000e+00, v49  }
0x257: {  	v39 =	vor.u32 v19, v38;
	v32 =	vmul.f32 v55, v42  }
0x258: {  	v27 =	vmul.f32 v31, v27;
	v46 =	vmul.f32 v46, v49  }
0x259: {  	v41 =	vor.u32 v20, v38;
	v26 =	vmul.f32 v32, v26  }
0x25a: {  	v38 =	vor.u32 v14, v38;
	[tilespmem:s26+$0x400] =	vst v27;
	v29 =	vmul.f32 v46, v29  }
0x25b: {  	v45 =	vor.u32 v18, v25;
	v34 =	vld.idx.msk [tilespmem:v34+s2+$0x0], $0xffff;
	[tilespmem:s25+$0x400] =	vst v26  }
0x25c: {  	v39 =	vld.idx.msk [tilespmem:v39+s2+$0x0], $0xffff;
	v59 =	vor.u32 v4, v25;
	[tilespmem:s1+$0x400] =	vst v29  }
0x25d: {  	v14 =	vld [tilespmem:$0x1FF20]  }
0x25e: {  	v60 =	vor.u32 v19, v25;
	v41 =	vld.idx.msk [tilespmem:v41+s2+$0x0], $0xffff  }
0x25f: {  	v52 =	vor.u32 v20, v25;
	v38 =	vld.idx.msk [tilespmem:v38+s2+$0x0], $0xffff  }
0x260: {  	v24 =	vadd.f32 v44, v43;
	v43 =	vshra.s32 v23, $0x1;
	v53 =	vor.u32 v18, v36;
	v45 =	vld.idx.msk [tilespmem:v45+s2+$0x0], $0xffff  }
0x261: {  	v33 =	vmul.f32 v56, v56;
	v56 =	vor.u32 v4, v36;
	v40 =	vsub.s32 $0x5F3759DF, v43;
	v43 =	vld.idx.msk [tilespmem:v59+s2+$0x0], $0xffff  }
0x262: {  	v25 =	vor.u32 v14, v25;
	v14 =	vld [tilespmem:$0x1FF20]  }
0x263: {  	v44 =	vmul.f32 $5.000000000e-01, v23;
	v57 =	vor.u32 v19, v36;
	v49 =	vld.idx.msk [tilespmem:v60+s2+$0x0], $0xffff  }
0x264: {  	v51 =	vor.u32 v4, v35;
	v47 =	vmul.f32 v28, v47;
	v58 =	vor.u32 v20, v36;
	v31 =	vld.idx.msk [tilespmem:v52+s2+$0x0], $0xffff  }
0x265: {  	v48 =	vshra.s32 v24, $0x1;
	v34 =	vmul.f32 v34, v34;
	v44 =	vmul.f32 v40, v44;
	v42 =	vld.idx.msk [tilespmem:v53+s2+$0x0], $0xffff  }
0x266: {  	v55 =	vmul.f32 v39, v39;
	v41 =	vmul.f32 v41, v41;
	v60 =	vor.u32 v18, v35;
	v39 =	vld.idx.msk [tilespmem:v56+s2+$0x0], $0xffff  }
0x267: {  	v44 =	vmul.f32 v40, v44;
	v52 =	vor.u32 v19, v35;
	v36 =	vor.u32 v14, v36;
	v14 =	vld [tilespmem:$0x1FF20]  }
0x268: {  	v33 =	vadd.f32 v34, v33;
	v59 =	vmul.f32 $5.000000000e-01, v24;
	v32 =	vld.idx.msk [tilespmem:v57+s2+$0x0], $0xffff;
	v53 =	vor.u32 v20, v35  }
0x269: {  	v48 =	vsub.s32 $0x5F3759DF, v48;
	v27 =	vadd.f32 v41, v55;
	v44 =	vsub.f32 $1.500000000e+00, v44;
	v34 =	vld.idx.msk [tilespmem:v58+s2+$0x0], $0xffff  }
0x26a: {  	v30 =	vmul.f32 v30, v37;
	v55 =	vmul.f32 v48, v59;
	v56 =	vsub.f32 $1.500000000e+00, v47;
	v41 =	vld.idx.msk [tilespmem:v51+s2+$0x0], $0xffff  }
0x26b: {  	v38 =	vmul.f32 v38, v38;
	v27 =	vadd.f32 v27, v33;
	v37 =	vmul.f32 v40, v44;
	v26 =	vld.idx.msk [tilespmem:v60+s2+$0x0], $0xffff  }
0x26c: {  	v29 =	vmul.f32 v48, v55;
	v28 =	vmul.f32 v28, v56;
	v57 =	vld.idx.msk [tilespmem:v52+s2+$0x0], $0xffff;
	v35 =	vor.u32 v14, v35  }
0x26d: {  	v58 =	vmul.f32 v45, v45;
	v43 =	vmul.f32 v43, v43;
	v33 =	vld.idx.msk [tilespmem:v53+s2+$0x0], $0xffff  }
0x26e: {  	v27 =	vadd.f32 v27, v38;
	v59 =	vmul.f32 v49, v49;
	v31 =	vmul.f32 v31, v31;
	v25 =	vld.idx.msk [tilespmem:v25+s2+$0x0], $0xffff  }
0x26f: {  	v38 =	vadd.f32 v43, v58;
	v42 =	vmul.f32 v42, v42;
	v39 =	vmul.f32 v39, v39  }
0x270: {  	v31 =	vadd.f32 v31, v59;
	v32 =	vmul.f32 v32, v32;
	v34 =	vmul.f32 v34, v34;
	v36 =	vld.idx.msk [tilespmem:v36+s2+$0x0], $0xffff  }
0x271: {  	v60 =	vshra.s32 v27, $0x1;
	v41 =	vmul.f32 v41, v41;
	v26 =	vmul.f32 v26, v26;
	v35 =	vld.idx.msk [tilespmem:v35+s2+$0x0], $0xffff  }
0x272: {  	v31 =	vadd.f32 v31, v38;
	v40 =	vmul.f32 v57, v57;
	v33 =	vmul.f32 v33, v33  }
0x273: {  	v39 =	vadd.f32 v39, v42;
	v32 =	vadd.f32 v34, v32;
	v25 =	vmul.f32 v25, v25  }
0x274: {  	v44 =	vsub.s32 $0x5F3759DF, v60;
	v26 =	vadd.f32 v41, v26;
	v33 =	vadd.f32 v33, v40  }
0x275: {  	v32 =	vadd.f32 v32, v39;
	v25 =	vadd.f32 v31, v25;
	v43 =	vmul.f32 v36, v36  }
0x276: {  	v42 =	vmul.f32 $5.000000000e-01, v27;
	v26 =	vadd.f32 v33, v26;
	v45 =	vmul.f32 v35, v35  }
0x277: {  	v46 =	vshra.s32 v25, $0x1;
	v47 =	vmul.f32 $5.000000000e-01, v25;
	v31 =	vadd.f32 v32, v43  }
0x278: {  	v49 =	vmul.f32 v44, v42;
	v50 =	vsub.s32 $0x5F3759DF, v46;
	v26 =	vadd.f32 v26, v45  }
0x279: {  	v51 =	vmul.f32 v50, v47;
	v52 =	vshra.s32 v31, $0x1;
	v53 =	vmul.f32 $5.000000000e-01, v31  }
0x27a: {  	v35 =	vsub.s32 $0x5F3759DF, v52;
	v55 =	vshra.s32 v26, $0x1;
	v56 =	vmul.f32 $5.000000000e-01, v26  }
0x27b: {  	v32 =	vmul.f32 v44, v49;
	v38 =	vmul.f32 v35, v53;
	v39 =	vsub.s32 $0x5F3759DF, v55  }
0x27c: {  	v29 =	vsub.f32 $1.500000000e+00, v29;
	v33 =	vmul.f32 v50, v51;
	v40 =	vmul.f32 v39, v56  }
0x27d: {  	v22 =	vmul.f32 v28, v22;
	v32 =	vsub.f32 $1.500000000e+00, v32;
	v38 =	vmul.f32 v35, v38  }
0x27e: {  	v29 =	vmul.f32 v48, v29;
	v57 =	vsub.f32 $1.500000000e+00, v33;
	v58 =	vmul.f32 v39, v40  }
0x27f: {  	v23 =	vmul.f32 v37, v23;
	[tilespmem:s21+$0x410] =	vst v30;
	v59 =	vmul.f32 v44, v32;
	v60 =	vsub.f32 $1.500000000e+00, v38  }
0x280: {  	v24 =	vmul.f32 v29, v24;
	[tilespmem:s22+$0x410] =	vst v22;
	v22 =	vmul.f32 v50, v57;
	v34 =	vsub.f32 $1.500000000e+00, v58  }
0x281: {  	[tilespmem:s23+$0x410] =	vst v23;
	v23 =	vmul.f32 v59, v27;
	v36 =	vmul.f32 v35, v60  }
0x282: {  	[tilespmem:s24+$0x410] =	vst v24;
	v22 =	vmul.f32 v22, v25;
	v37 =	vmul.f32 v39, v34  }
0x283: {  	[tilespmem:s0+$0x410] =	vst v23;
	v23 =	vmul.f32 v36, v31  }
0x284: {  	[tilespmem:s26+$0x410] =	vst v22;
	v24 =	vmul.f32 v37, v26  }
0x285: {  	[tilespmem:s25+$0x410] =	vst v23  }
0x286: {  	[tilespmem:s1+$0x410] =	vst v24  }
0x287: {  	s6 =	simm.s32 $0x0;
	s12 =	simm.s32 $0x14000;
	s0 =	rddreg [dreg:$0x5]  }
0x288: {  	[hbm4b:s0+s6] =	stream.linear.scatter [tilespmem:s12], [sflag:$0x3], $0x5000, $0x38;
	[tilespmem:$0x1E000] =	vst v63  }
0x289: {  	s16 =	simm.s32 $0x0;
	s3 =	simm.s32 $0x2;
	s15 =	rddreg [dreg:$0x6]  }
0x28a: {  	[tilespmem:s6], [sflag:$0x1] =	stream.linear.gather [hbm4b:s15+s6], $0xA000, $0x38;
	[tilespmem:$0x1E000] =	vst v63  }
0x28b: {  	s17 =	simm.s32 $0x180;
	s0 =	sand.u32 $0x3FFFF000, s16;
	_ =	swait.ge [sflag:s3], $0xA000  }
0x28c: {  	s7 =	sand.u32 $0x380, s17;
	s0 =	sadd.s32 $0xA000, s0;
	[sflag:s3] =	ssyncset.done $0x0  }
0x28d: {  	s20 =	sor.u32 s7, s0;
	[sflag:s3] =	ssyncadd.s32 $0xFFFF6000  }
0x28e: {  	v22 =	vld [tilespmem:s20+$0x0];
	_ =	sdelay $0x1  }
0x28f: {  	s21 =	simm.s32 $0x0;
	s22 =	simm.s32 $0x0  }
0x290: {  	s23 =	simm.s32 $0x80;
	s24 =	sand.u32 $0x200, s21;
	s25 =	sand.u32 $0x3FFFF800, s22  }
0x291: {  	s26 =	sand.u32 $0x280, s23;
	s31 =	sor.u32 s24, s0;
	s15 =	sadd.s32 $0x19000, s25  }
0x292: {  	s21 =	sor.u32 s7, s15;
	s3 =	sor.u32 s26, s0;
	v23 =	vld [tilespmem:s31+$0x0];
	v22 =	vand.u32 $0x7FFFFFFF, v22  }
0x293: {  	v38 =	vld [tilespmem:s3+$0x0];
	[tilespmem:s21+$0x0] =	vst v22  }
0x294: {  	v22 =	vld [tilespmem:s20+$0x10]  }
0x295: {  	s11 =	simm.s32 $0x100  }
0x296: {  	s7 =	sand.u32 $0x300, s11  }
0x297: {  	s22 =	sor.u32 s24, s15;
	s0 =	sor.u32 s7, s0;
	v23 =	vand.u32 $0x7FFFFFFF, v23  }
0x298: {  	s23 =	sor.u32 s26, s15;
	v39 =	vld [tilespmem:s0+$0x0];
	[tilespmem:s22+$0x0] =	vst v23;
	v23 =	vand.u32 $0x7FFFFFFF, v38  }
0x299: {  	[tilespmem:s23+$0x0] =	vst v23;
	v23 =	vld [tilespmem:s31+$0x10];
	v22 =	vand.u32 $0x7FFFFFFF, v22  }
0x29a: {  	v40 =	vld [tilespmem:s3+$0x10];
	[tilespmem:s21+$0x10] =	vst v22  }
0x29b: {  	v22 =	vld [tilespmem:s20+$0x20];
	_ =	sdelay $0x1  }
0x29c: {  	s24 =	sor.u32 s7, s15;
	v25 =	vand.u32 $0x7FFFFFFF, v39  }
0x29d: {  	[tilespmem:s24+$0x0] =	vst v25;
	v23 =	vand.u32 $0x7FFFFFFF, v23  }
0x29e: {  	s16 =	simm.s32 $0x3;
	v25 =	vld [tilespmem:s0+$0x10];
	[tilespmem:s22+$0x10] =	vst v23;
	v23 =	vand.u32 $0x7FFFFFFF, v40  }
0x29f: {  	v41 =	vld [tilespmem:s31+$0x20];
	[tilespmem:s23+$0x10] =	vst v23;
	v23 =	vmov s16;
	v22 =	vand.u32 $0x7FFFFFFF, v22  }
0x2a0: {  	v42 =	vld [tilespmem:s3+$0x20];
	v43 =	vshll.u32 v23, $0x9;
	[tilespmem:s21+$0x20] =	vst v22;
	v22 =	vshll.u32 v23, $0x7  }
0x2a1: {  	v23 =	vand.u32 $0xF000, v43;
	v44 =	vld [tilespmem:s20+$0x30];
	v22 =	vand.u32 $0x380, v22  }
0x2a2: {  	v33 =	vor.u32 v22, v23  }
0x2a3: {  	v23 =	vand.u32 $0x7FFFFFFF, v25;
	v45 =	vor.u32 v3, v33  }
0x2a4: {  	s17 =	simm.s32 $0x1;
	[tilespmem:s24+$0x10] =	vst v23;
	v23 =	vand.u32 $0x7FFFFFFF, v41;
	v46 =	vor.u32 v6, v33  }
0x2a5: {  	v47 =	vmov s17;
	s20 =	simm.s32 $0x2;
	v22 =	vmov s6;
	[tilespmem:s22+$0x20] =	vst v23;
	v23 =	vand.u32 $0x7FFFFFFF, v42  }
0x2a6: {  	v49 =	vmov s20;
	v51 =	vor.u32 v1, v33;
	v48 =	vld [tilespmem:s0+$0x20];
	[tilespmem:s23+$0x20] =	vst v23;
	v23 =	vand.u32 $0x7FFFFFFF, v44  }
0x2a7: {  	v25 =	vshll.u32 v22, $0x9;
	v22 =	vshll.u32 v22, $0x7;
	v55 =	vshll.u32 v49, $0x9;
	v50 =	vld [tilespmem:s31+$0x30];
	[tilespmem:s21+$0x30] =	vst v23  }
0x2a8: {  	v31 =	vshll.u32 v49, $0x7;
	v52 =	vand.u32 $0xF000, v25;
	v26 =	vand.u32 $0x200, v22;
	v28 =	vld.idx.msk [tilespmem:v45+s13+$0x0], $0xffff  }
0x2a9: {  	v22 =	vshll.u32 v47, $0x9;
	v56 =	vand.u32 $0xF000, v55;
	v24 =	vor.u32 v26, v52;
	v29 =	vld.idx.msk [tilespmem:v46+s13+$0x0], $0xffff  }
0x2aa: {  	v31 =	vand.u32 $0x300, v31;
	v53 =	vld [tilespmem:s3+$0x30];
	v57 =	vor.u32 v3, v24;
	v23 =	vshll.u32 v47, $0x7  }
0x2ab: {  	v22 =	vand.u32 $0xF000, v22;
	v58 =	vor.u32 v6, v24;
	v23 =	vand.u32 $0x280, v23;
	v27 =	vld.idx.msk [tilespmem:v51+s13+$0x0], $0xffff  }
0x2ac: {  	v43 =	vor.u32 v1, v24;
	v30 =	vand.u32 $0x7FFFFFFF, v48;
	v22 =	vor.u32 v23, v22  }
0x2ad: {  	v23 =	vor.u32 v31, v56;
	[tilespmem:s24+$0x20] =	vst v30;
	v59 =	vor.u32 v3, v22;
	v32 =	vand.u32 $0x7FFFFFFF, v50  }
0x2ae: {  	v40 =	vor.u32 v6, v22;
	v60 =	vld [tilespmem:s0+$0x30];
	[tilespmem:s22+$0x30] =	vst v32;
	v28 =	vmul.f32 v28, v28;
	v29 =	vmul.f32 v29, v29  }
0x2af: {  	v41 =	vor.u32 v3, v23;
	v45 =	vor.u32 v1, v22;
	v36 =	vld.idx.msk [tilespmem:v57+s13+$0x0], $0xffff  }
0x2b0: {  	v35 =	vand.u32 $0x7FFFFFFF, v53;
	v37 =	vld.idx.msk [tilespmem:v58+s13+$0x0], $0xffff;
	v27 =	vmul.f32 v27, v27;
	v28 =	vadd.f32 v29, v28  }
0x2b1: {  	v42 =	vor.u32 v6, v23;
	[tilespmem:s23+$0x30] =	vst v35;
	v38 =	vld.idx.msk [tilespmem:v43+s13+$0x0], $0xffff  }
0x2b2: {  	v47 =	vor.u32 v1, v23;
	v30 =	vld.idx.msk [tilespmem:v59+s13+$0x0], $0xffff;
	v27 =	vadd.f32 v27, v28  }
0x2b3: {  	v46 =	vld.idx.msk [tilespmem:v40+s13+$0x0], $0xffff;
	v44 =	vand.u32 $0x7FFFFFFF, v60  }
0x2b4: {  	v31 =	vld.idx.msk [tilespmem:v45+s13+$0x0], $0xffff;
	[tilespmem:s24+$0x30] =	vst v44;
	v49 =	vshra.s32 v27, $0x1;
	v50 =	vmul.f32 $5.000000000e-01, v27  }
0x2b5: {  	v36 =	vmul.f32 v36, v36;
	v32 =	vld.idx.msk [tilespmem:v41+s13+$0x0], $0xffff;
	v35 =	vsub.s32 $0x5F3759DF, v49  }
0x2b6: {  	v37 =	vmul.f32 v37, v37;
	v48 =	vld.idx.msk [tilespmem:v42+s13+$0x0], $0xffff;
	v39 =	vmul.f32 v35, v50  }
0x2b7: {  	v28 =	vld.idx.msk [tilespmem:v47+s13+$0x0], $0xffff  }
0x2b8: {  	v51 =	vmul.f32 v38, v38;
	v36 =	vadd.f32 v37, v36;
	v39 =	vmul.f32 v35, v39  }
0x2b9: {  	v58 =	vor.u32 v5, v33;
	v30 =	vmul.f32 v30, v30;
	v29 =	vmul.f32 v46, v46  }
0x2ba: {  	v53 =	vmul.f32 v31, v31;
	v56 =	vadd.f32 v51, v36;
	v52 =	vsub.f32 $1.500000000e+00, v39  }
0x2bb: {  	v29 =	vadd.f32 v29, v30;
	v32 =	vmul.f32 v32, v32;
	v34 =	vmul.f32 v48, v48  }
0x2bc: {  	v59 =	vor.u32 v13, v33;
	v28 =	vmul.f32 v28, v28;
	v57 =	vmul.f32 v35, v52  }
0x2bd: {  	v36 =	vshra.s32 v56, $0x1;
	v37 =	vmul.f32 $5.000000000e-01, v56;
	v29 =	vadd.f32 v53, v29  }
0x2be: {  	v60 =	vsub.s32 $0x5F3759DF, v36;
	v55 =	vadd.f32 v34, v32;
	v27 =	vmul.f32 v57, v27  }
0x2bf: {  	v42 =	vor.u32 v63, v33;
	v37 =	vmul.f32 v60, v37  }
0x2c0: {  	v43 =	vshra.s32 v29, $0x1;
	v44 =	vmul.f32 $5.000000000e-01, v29;
	v28 =	vadd.f32 v28, v55;
	[tilespmem:s21+$0x40] =	vst v27  }
0x2c1: {  	v36 =	vsub.s32 $0x5F3759DF, v43;
	v37 =	vmul.f32 v60, v37;
	v35 =	vld.idx.msk [tilespmem:v58+s13+$0x0], $0xffff  }
0x2c2: {  	v38 =	vmul.f32 v36, v44;
	v45 =	vmul.f32 $5.000000000e-01, v28;
	v46 =	vshra.s32 v28, $0x1;
	v30 =	vld.idx.msk [tilespmem:v59+s13+$0x0], $0xffff  }
0x2c3: {  	v39 =	vsub.s32 $0x5F3759DF, v46  }
0x2c4: {  	v37 =	vsub.f32 $1.500000000e+00, v37;
	v38 =	vmul.f32 v36, v38;
	v27 =	vmul.f32 v39, v45;
	v34 =	vld.idx.msk [tilespmem:v42+s13+$0x0], $0xffff  }
0x2c5: {  	v47 =	vor.u32 v5, v24  }
0x2c6: {  	v31 =	vmul.f32 v60, v37;
	v38 =	vsub.f32 $1.500000000e+00, v38;
	v27 =	vmul.f32 v39, v27  }
0x2c7: {  	v48 =	vor.u32 v13, v24;
	v35 =	vmul.f32 v35, v35;
	v30 =	vmul.f32 v30, v30  }
0x2c8: {  	v49 =	vor.u32 v5, v22;
	v31 =	vmul.f32 v31, v56;
	v36 =	vmul.f32 v36, v38  }
0x2c9: {  	v50 =	vor.u32 v13, v22;
	v34 =	vmul.f32 v34, v34;
	v30 =	vadd.f32 v30, v35  }
0x2ca: {  	v57 =	vor.u32 v63, v22;
	v27 =	vsub.f32 $1.500000000e+00, v27;
	[tilespmem:s22+$0x40] =	vst v31;
	v29 =	vmul.f32 v36, v29  }
0x2cb: {  	v55 =	vor.u32 v63, v24;
	v53 =	vld.idx.msk [tilespmem:v47+s13+$0x0], $0xffff;
	v30 =	vadd.f32 v34, v30  }
0x2cc: {  	v51 =	vor.u32 v5, v23;
	v56 =	vld.idx.msk [tilespmem:v48+s13+$0x0], $0xffff;
	v27 =	vmul.f32 v39, v27;
	[tilespmem:s23+$0x40] =	vst v29  }
0x2cd: {  	v52 =	vor.u32 v13, v23;
	v37 =	vld.idx.msk [tilespmem:v49+s13+$0x0], $0xffff;
	v58 =	vshra.s32 v30, $0x1;
	v59 =	vmul.f32 $5.000000000e-01, v30  }
0x2ce: {  	v42 =	vor.u32 v63, v23;
	v27 =	vmul.f32 v27, v28;
	v60 =	vld.idx.msk [tilespmem:v50+s13+$0x0], $0xffff;
	v38 =	vsub.s32 $0x5F3759DF, v58  }
0x2cf: {  	v29 =	vld.idx.msk [tilespmem:v57+s13+$0x0], $0xffff;
	v39 =	vmul.f32 v38, v59  }
0x2d0: {  	[tilespmem:s24+$0x40] =	vst v27;
	v34 =	vld.idx.msk [tilespmem:v55+s13+$0x0], $0xffff  }
0x2d1: {  	v35 =	vld.idx.msk [tilespmem:v51+s13+$0x0], $0xffff;
	v39 =	vmul.f32 v38, v39  }
0x2d2: {  	v44 =	vor.u32 v12, v33;
	v31 =	vld.idx.msk [tilespmem:v52+s13+$0x0], $0xffff  }
0x2d3: {  	v32 =	vld.idx.msk [tilespmem:v42+s13+$0x0], $0xffff;
	v37 =	vmul.f32 v37, v37;
	v27 =	vmul.f32 v60, v60;
	v39 =	vsub.f32 $1.500000000e+00, v39  }
0x2d4: {  	v45 =	vor.u32 v7, v33;
	v36 =	vmul.f32 v53, v53;
	v28 =	vmul.f32 v56, v56  }
0x2d5: {  	v29 =	vmul.f32 v29, v29;
	v27 =	vadd.f32 v27, v37;
	v43 =	vmul.f32 v38, v39  }
0x2d6: {  	v28 =	vadd.f32 v28, v36;
	v34 =	vmul.f32 v34, v34;
	v35 =	vmul.f32 v35, v35  }
0x2d7: {  	v31 =	vmul.f32 v31, v31;
	v27 =	vadd.f32 v29, v27;
	v30 =	vmul.f32 v43, v30  }
0x2d8: {  	v46 =	vor.u32 v8, v33;
	v32 =	vmul.f32 v32, v32;
	v28 =	vadd.f32 v34, v28  }
0x2d9: {  	v31 =	vadd.f32 v31, v35;
	v50 =	vshra.s32 v27, $0x1;
	v51 =	vmul.f32 $5.000000000e-01, v27;
	[tilespmem:s21+$0x50] =	vst v30  }
0x2da: {  	v47 =	vshra.s32 v28, $0x1;
	v48 =	vmul.f32 $5.000000000e-01, v28;
	v35 =	vsub.s32 $0x5F3759DF, v50;
	v49 =	vld.idx.msk [tilespmem:v44+s13+$0x0], $0xffff  }
0x2db: {  	v31 =	vadd.f32 v32, v31;
	v29 =	vsub.s32 $0x5F3759DF, v47;
	v36 =	vmul.f32 v35, v51;
	v37 =	vld.idx.msk [tilespmem:v45+s13+$0x0], $0xffff  }
0x2dc: {  	v30 =	vmul.f32 v29, v48  }
0x2dd: {  	v52 =	vshra.s32 v31, $0x1;
	v53 =	vmul.f32 $5.000000000e-01, v31;
	v36 =	vmul.f32 v35, v36;
	v34 =	vld.idx.msk [tilespmem:v46+s13+$0x0], $0xffff  }
0x2de: {  	v38 =	vsub.s32 $0x5F3759DF, v52;
	v30 =	vmul.f32 v29, v30  }
0x2df: {  	v39 =	vmul.f32 v38, v53;
	v36 =	vsub.f32 $1.500000000e+00, v36  }
0x2e0: {  	v30 =	vsub.f32 $1.500000000e+00, v30;
	v32 =	vmul.f32 v49, v49;
	v37 =	vmul.f32 v37, v37  }
0x2e1: {  	v59 =	vor.u32 v12, v22;
	v39 =	vmul.f32 v38, v39;
	v35 =	vmul.f32 v35, v36  }
0x2e2: {  	v29 =	vmul.f32 v29, v30;
	v57 =	vmul.f32 v34, v34;
	v56 =	vadd.f32 v37, v32  }
0x2e3: {  	v55 =	vor.u32 v12, v24;
	v60 =	vor.u32 v7, v22;
	v39 =	vsub.f32 $1.500000000e+00, v39  }
0x2e4: {  	v27 =	vmul.f32 v35, v27;
	v28 =	vmul.f32 v29, v28;
	v29 =	vadd.f32 v57, v56  }
0x2e5: {  	v58 =	vor.u32 v7, v24;
	v44 =	vor.u32 v12, v23  }
0x2e6: {  	v45 =	vmul.f32 v38, v39;
	[tilespmem:s23+$0x50] =	vst v27;
	v46 =	vshra.s32 v29, $0x1;
	v47 =	vmul.f32 $5.000000000e-01, v29  }
0x2e7: {  	v48 =	vor.u32 v8, v24;
	v53 =	vld.idx.msk [tilespmem:v59+s13+$0x0], $0xffff;
	[tilespmem:s22+$0x50] =	vst v28;
	v28 =	vsub.s32 $0x5F3759DF, v46  }
0x2e8: {  	v49 =	vor.u32 v7, v23;
	v31 =	vmul.f32 v45, v31;
	v30 =	vld.idx.msk [tilespmem:v60+s13+$0x0], $0xffff;
	v51 =	vmul.f32 v28, v47  }
0x2e9: {  	v52 =	vor.u32 v8, v22;
	v40 =	vld.idx.msk [tilespmem:v55+s13+$0x0], $0xffff  }
0x2ea: {  	[tilespmem:s24+$0x50] =	vst v31;
	v50 =	vld.idx.msk [tilespmem:v58+s13+$0x0], $0xffff;
	v55 =	vor.u32 v8, v23;
	v56 =	vmul.f32 v28, v51  }
0x2eb: {  	v32 =	vld.idx.msk [tilespmem:v44+s13+$0x0], $0xffff  }
0x2ec: {  	v38 =	vld.idx.msk [tilespmem:v48+s13+$0x0], $0xffff;
	v31 =	vsub.f32 $1.500000000e+00, v56  }
0x2ed: {  	v57 =	vld.idx.msk [tilespmem:v49+s13+$0x0], $0xffff  }
0x2ee: {  	v35 =	vld.idx.msk [tilespmem:v52+s13+$0x0], $0xffff;
	v58 =	vor.u32 v9, v33;
	v28 =	vmul.f32 v28, v31  }
0x2ef: {  	v60 =	vor.u32 v10, v33;
	v59 =	vmul.f32 v40, v40;
	v27 =	vmul.f32 v50, v50;
	v37 =	vld.idx.msk [tilespmem:v55+s13+$0x0], $0xffff  }
0x2f0: {  	v45 =	vor.u32 v54, v33;
	v36 =	vmul.f32 v53, v53;
	v28 =	vmul.f32 v28, v29  }
0x2f1: {  	v43 =	vmul.f32 v30, v30;
	v38 =	vmul.f32 v38, v38;
	v27 =	vadd.f32 v27, v59  }
0x2f2: {  	v44 =	vmul.f32 v32, v32;
	v34 =	vmul.f32 v57, v57;
	[tilespmem:s21+$0x60] =	vst v28  }
0x2f3: {  	v47 =	vmul.f32 v35, v35;
	v27 =	vadd.f32 v38, v27;
	v31 =	vld.idx.msk [tilespmem:v58+s13+$0x0], $0xffff  }
0x2f4: {  	v46 =	vadd.f32 v43, v36;
	v30 =	vadd.f32 v34, v44;
	v48 =	vmul.f32 v37, v37;
	v49 =	vld.idx.msk [tilespmem:v60+s13+$0x0], $0xffff  }
0x2f5: {  	v50 =	vshra.s32 v27, $0x1;
	v51 =	vmul.f32 $5.000000000e-01, v27  }
0x2f6: {  	v30 =	vadd.f32 v48, v30;
	v29 =	vsub.s32 $0x5F3759DF, v50;
	v28 =	vadd.f32 v47, v46;
	v32 =	vld.idx.msk [tilespmem:v45+s13+$0x0], $0xffff  }
0x2f7: {  	v36 =	vmul.f32 v29, v51  }
0x2f8: {  	v55 =	vmul.f32 $5.000000000e-01, v30;
	v56 =	vshra.s32 v30, $0x1;
	v53 =	vmul.f32 $5.000000000e-01, v28  }
0x2f9: {  	v52 =	vshra.s32 v28, $0x1;
	v31 =	vmul.f32 v31, v31;
	v35 =	vmul.f32 v49, v49  }
0x2fa: {  	v39 =	vsub.s32 $0x5F3759DF, v56;
	v36 =	vmul.f32 v29, v36;
	v34 =	vsub.s32 $0x5F3759DF, v52  }
0x2fb: {  	v38 =	vmul.f32 v39, v55;
	v32 =	vmul.f32 v32, v32;
	v31 =	vadd.f32 v35, v31  }
0x2fc: {  	v57 =	vor.u32 v9, v24;
	v37 =	vmul.f32 v34, v53;
	v36 =	vsub.f32 $1.500000000e+00, v36  }
0x2fd: {  	v58 =	vor.u32 v10, v24;
	v38 =	vmul.f32 v39, v38;
	v31 =	vadd.f32 v32, v31  }
0x2fe: {  	v24 =	vor.u32 v54, v24;
	v37 =	vmul.f32 v34, v37;
	v29 =	vmul.f32 v29, v36  }
0x2ff: {  	v60 =	vsub.f32 $1.500000000e+00, v38;
	v44 =	vshra.s32 v31, $0x1;
	v45 =	vmul.f32 $5.000000000e-01, v31  }
0x300: {  	v37 =	vsub.f32 $1.500000000e+00, v37;
	v27 =	vmul.f32 v29, v27;
	v46 =	vsub.s32 $0x5F3759DF, v44  }
0x301: {  	v48 =	vor.u32 v9, v23;
	v36 =	vmul.f32 v39, v60;
	v38 =	vmul.f32 v46, v45  }
0x302: {  	v49 =	vor.u32 v10, v23;
	v34 =	vmul.f32 v34, v37;
	[tilespmem:s22+$0x60] =	vst v27  }
0x303: {  	v59 =	vor.u32 v9, v22;
	v50 =	vld.idx.msk [tilespmem:v57+s13+$0x0], $0xffff;
	v30 =	vmul.f32 v36, v30;
	v51 =	vmul.f32 v46, v38  }
0x304: {  	v47 =	vor.u32 v10, v22;
	v52 =	vld.idx.msk [tilespmem:v58+s13+$0x0], $0xffff  }
0x305: {  	v55 =	vor.u32 v54, v23;
	v60 =	vld.idx.msk [tilespmem:v24+s13+$0x0], $0xffff;
	v28 =	vmul.f32 v34, v28;
	[tilespmem:s24+$0x60] =	vst v30;
	v35 =	vsub.f32 $1.500000000e+00, v51  }
0x306: {  	v53 =	vor.u32 v54, v22;
	v57 =	vld.idx.msk [tilespmem:v48+s13+$0x0], $0xffff  }
0x307: {  	v58 =	vor.u32 v21, v33;
	[tilespmem:s23+$0x60] =	vst v28;
	v27 =	vld.idx.msk [tilespmem:v49+s13+$0x0], $0xffff;
	v29 =	vmul.f32 v46, v35  }
0x308: {  	v32 =	vld.idx.msk [tilespmem:v59+s13+$0x0], $0xffff;
	v59 =	vor.u32 v2, v33  }
0x309: {  	v45 =	vor.u32 v62, v33;
	v56 =	vld.idx.msk [tilespmem:v47+s13+$0x0], $0xffff;
	v44 =	vmul.f32 v29, v31  }
0x30a: {  	v47 =	vor.u32 v61, v33;
	v38 =	vld.idx.msk [tilespmem:v55+s13+$0x0], $0xffff  }
0x30b: {  	s25 =	simm.s32 $0x5;
	v46 =	vld.idx.msk [tilespmem:v53+s13+$0x0], $0xffff;
	[tilespmem:s21+$0x70] =	vst v44  }
0x30c: {  	s1 =	simm.s32 $0x4;
	s26 =	simm.s32 $0x6;
	v42 =	vmov s25;
	v34 =	vmul.f32 v50, v50;
	v28 =	vmul.f32 v52, v52;
	v35 =	vld.idx.msk [tilespmem:v58+s13+$0x0], $0xffff  }
0x30d: {  	v43 =	vmov s26;
	v48 =	vmov s1;
	v49 =	vor.u32 v17, v33;
	v39 =	vld.idx.msk [tilespmem:v59+s13+$0x0], $0xffff  }
0x30e: {  	v41 =	vshll.u32 v48, $0x7;
	v40 =	vmul.f32 v60, v60;
	v28 =	vadd.f32 v28, v34;
	v29 =	vld.idx.msk [tilespmem:v45+s13+$0x0], $0xffff  }
0x30f: {  	v37 =	vmul.f32 v57, v57;
	v27 =	vmul.f32 v27, v27;
	v53 =	vshll.u32 v48, $0x9;
	v36 =	vld.idx.msk [tilespmem:v47+s13+$0x0], $0xffff  }
0x310: {  	v32 =	vmul.f32 v32, v32;
	v30 =	vmul.f32 v56, v56;
	v28 =	vadd.f32 v40, v28  }
0x311: {  	v16 =	vand.u32 $0x200, v41;
	v40 =	vand.u32 $0xF000, v53;
	v27 =	vadd.f32 v27, v37  }
0x312: {  	v50 =	vmul.f32 v38, v38;
	v30 =	vadd.f32 v30, v32;
	v51 =	vmul.f32 $5.000000000e-01, v28  }
0x313: {  	v57 =	vshra.s32 v28, $0x1;
	v52 =	vld.idx.msk [tilespmem:v49+s13+$0x0], $0xffff;
	v55 =	vmul.f32 v35, v35;
	v56 =	vmul.f32 v39, v39  }
0x314: {  	v38 =	vsub.s32 $0x5F3759DF, v57;
	v29 =	vmul.f32 v29, v29;
	v36 =	vmul.f32 v36, v36  }
0x315: {  	v27 =	vadd.f32 v50, v27;
	v37 =	vmul.f32 v38, v51;
	v31 =	vmul.f32 v46, v46  }
0x316: {  	v51 =	vshll.u32 v42, $0x9;
	v34 =	vadd.f32 v56, v55;
	v29 =	vadd.f32 v36, v29  }
0x317: {  	v60 =	vshra.s32 v27, $0x1;
	v24 =	vmul.f32 $5.000000000e-01, v27;
	v30 =	vadd.f32 v31, v30  }
0x318: {  	v46 =	vor.u32 v25, v26;
	v31 =	vmul.f32 v52, v52;
	v29 =	vadd.f32 v29, v34  }
0x319: {  	v37 =	vmul.f32 v38, v37;
	v58 =	vshra.s32 v30, $0x1;
	v59 =	vmul.f32 $5.000000000e-01, v30  }
0x31a: {  	v50 =	vor.u32 v21, v46;
	v32 =	vsub.s32 $0x5F3759DF, v58;
	v26 =	vadd.f32 v29, v31  }
0x31b: {  	v1 =	vld [tilespmem:$0x1FF20];
	v10 =	vor.u32 v4, v46;
	v35 =	vsub.s32 $0x5F3759DF, v60;
	v48 =	vmul.f32 v32, v59  }
0x31c: {  	v49 =	vmul.f32 v35, v24;
	v58 =	vshra.s32 v26, $0x1;
	v59 =	vmul.f32 $5.000000000e-01, v26  }
0x31d: {  	s31 =	simm.s32 $0x800;
	v57 =	vsub.f32 $1.500000000e+00, v37;
	v56 =	vmul.f32 v32, v48;
	v60 =	vsub.s32 $0x5F3759DF, v58  }
0x31e: {  	s6 =	simm.s32 $0x380;
	s0 =	sand.u32 $0x3FFFF000, s31;
	v11 =	vor.u32 v19, v46;
	v36 =	vmul.f32 v35, v49;
	v37 =	vmul.f32 v60, v59  }
0x31f: {  	s11 =	simm.s32 $0x280;
	s3 =	sand.u32 $0x380, s6;
	s0 =	sadd.s32 $0xA000, s0;
	v39 =	vor.u32 v2, v46;
	v34 =	vmul.f32 v38, v57;
	v31 =	vsub.f32 $1.500000000e+00, v56  }
0x320: {  	s10 =	simm.s32 $0x200;
	s16 =	sand.u32 $0x280, s11;
	s30 =	sor.u32 s3, s0;
	v14 =	vor.u32 v1, v46;
	v36 =	vsub.f32 $1.500000000e+00, v36;
	v56 =	vmul.f32 v60, v37  }
0x321: {  	s12 =	sand.u32 $0x200, s10;
	s29 =	sor.u32 s16, s0;
	v24 =	vld [tilespmem:s30+$0x0];
	v55 =	vshll.u32 v42, $0x7;
	v28 =	vmul.f32 v34, v28;
	v31 =	vmul.f32 v32, v31  }
0x322: {  	s15 =	simm.s32 $0x300;
	s9 =	sor.u32 s12, s0;
	v42 =	vor.u32 v62, v46;
	v52 =	vmul.f32 v35, v36;
	v32 =	vld [tilespmem:s29+$0x0];
	v57 =	vsub.f32 $1.500000000e+00, v56  }
0x323: {  	s17 =	sand.u32 $0x300, s15;
	s20 =	simm.s32 $0x400;
	v44 =	vand.u32 $0x280, v55;
	v48 =	vor.u32 v18, v33;
	[tilespmem:s22+$0x70] =	vst v28;
	v58 =	vld [tilespmem:s9+$0x0];
	v30 =	vmul.f32 v31, v30  }
0x324: {  	s31 =	sand.u32 $0x3FFFF800, s20;
	s8 =	sor.u32 s17, s0;
	v55 =	vor.u32 v18, v46;
	v27 =	vmul.f32 v52, v27;
	v41 =	vld.idx.msk [tilespmem:v50+s13+$0x0], $0xffff;
	v59 =	vmul.f32 v60, v57  }
0x325: {  	s20 =	sadd.s32 $0x19000, s31;
	v34 =	vor.u32 v16, v40;
	v40 =	vor.u32 v20, v33;
	[tilespmem:s23+$0x70] =	vst v30;
	v30 =	vor.u32 v4, v33;
	v60 =	vld [tilespmem:s8+$0x0]  }
0x326: {  	s0 =	sor.u32 s3, s20;
	v38 =	vld.idx.msk [tilespmem:v39+s13+$0x0], $0xffff;
	[tilespmem:s24+$0x70] =	vst v27;
	v56 =	vand.u32 $0x7FFFFFFF, v24;
	v57 =	vor.u32 v19, v33;
	v26 =	vmul.f32 v59, v26  }
0x327: {  	v36 =	vand.u32 $0xF000, v51;
	v51 =	vshll.u32 v43, $0x7;
	v3 =	vor.u32 v54, v34;
	v39 =	vld.idx.msk [tilespmem:v42+s13+$0x0], $0xffff;
	[tilespmem:s0+$0x0] =	vst v56  }
0x328: {  	v13 =	vmovc v2;
	s26 =	sor.u32 s12, s20;
	v0 =	vor.u32 v9, v34;
	v31 =	vshll.u32 v43, $0x9;
	v58 =	vand.u32 $0x7FFFFFFF, v58;
	v47 =	vld [tilespmem:s30+$0x10];
	[tilespmem:s21+$0x400] =	vst v26  }
0x329: {  	s25 =	sor.u32 s16, s20;
	v2 =	vmovc v12;
	v50 =	vor.u32 v61, v46;
	v45 =	vand.u32 $0xF000, v31;
	[tilespmem:s26+$0x0] =	vst v58;
	v59 =	vand.u32 $0x7FFFFFFF, v32;
	v48 =	vld.idx.msk [tilespmem:v48+s13+$0x0], $0xffff  }
0x32a: {  	s28 =	sor.u32 s17, s20;
	v43 =	vmul.f32 v41, v41;
	v41 =	vor.u32 v17, v46;
	[tilespmem:s25+$0x0] =	vst v59;
	v60 =	vand.u32 $0x7FFFFFFF, v60;
	v49 =	vld.idx.msk [tilespmem:v30+s13+$0x0], $0xffff  }
0x32b: {  	s7 =	simm.s32 $0x8;
	v17 =	vor.u32 v20, v46;
	v46 =	vand.u32 $0x300, v51;
	v33 =	vor.u32 v1, v33;
	v51 =	vld.idx.msk [tilespmem:v57+s13+$0x0], $0xffff;
	[tilespmem:s28+$0x0] =	vst v60  }
.LBB2_4:
0x32c: {  	v5 =	vmov v10;
	v10 =	vld [tilespmem:$0x1FEB0]  }
0x32d: {  	v9 =	vld [tilespmem:$0x1FED0]  }
0x32e: {  	v52 =	vld.idx.msk [tilespmem:v40+s13+$0x0], $0xffff  }
0x32f: {  	v24 =	vld [tilespmem:s9+$0x10]  }
0x330: {  	[tilespmem:$0x1FE40] =	vst v3;
	v3 =	vmov v17;
	v17 =	vmov v14;
	v14 =	vld [tilespmem:$0x1FEF0]  }
0x331: {  	v56 =	vld [tilespmem:s29+$0x10]  }
0x332: {  	v28 =	vld [tilespmem:$0x1FFE0]  }
0x333: {  	v29 =	vld [tilespmem:$0x1FFF0]  }
0x334: {  	v18 =	vld [tilespmem:$0x1FF80]  }
0x335: {  	v38 =	vmul.f32 v38, v38;
	v60 =	vld [tilespmem:s8+$0x10]  }
0x336: {  	v33 =	vld.idx.msk [tilespmem:v33+s13+$0x0], $0xffff  }
0x337: {  	v40 =	vor.u32 v2, v34;
	v20 =	vld [tilespmem:$0x1FF10];
	v57 =	vadd.f32 v38, v43  }
0x338: {  	v8 =	vmovc v2;
	v2 =	vmovc v7;
	v15 =	vld [tilespmem:$0x1FEA0];
	v38 =	vor.u32 v44, v36;
	v26 =	vand.u32 $0x7FFFFFFF, v47;
	v25 =	vor.u32 v14, v22  }
0x339: {  	v36 =	vor.u32 v46, v45;
	v44 =	vor.u32 v13, v22;
	v46 =	vld.idx.msk [tilespmem:v50+s13+$0x0], $0xffff;
	[tilespmem:s0+$0x10] =	vst v26;
	v31 =	vand.u32 $0x7FFFFFFF, v24  }
0x33a: {  	v4 =	vld [tilespmem:$0x1FF50];
	v54 =	vmul.f32 v39, v39;
	v39 =	vor.u32 v7, v34;
	v7 =	vmovc v13;
	v26 =	vand.u32 $0x7FFFFFFF, v60;
	[tilespmem:s26+$0x10] =	vst v31  }
0x33b: {  	v30 =	vmul.f32 v49, v49;
	v32 =	vmul.f32 v51, v51;
	v49 =	vor.u32 v14, v23;
	[tilespmem:s28+$0x10] =	vst v26;
	v37 =	vld [tilespmem:s9+$0x20]  }
0x33c: {  	v51 =	vor.u32 v13, v23;
	v13 =	vmovc v62;
	v60 =	vor.u32 v62, v23;
	v31 =	vor.u32 v62, v22;
	v62 =	vld [tilespmem:s8+$0x20]  }
0x33d: {  	v27 =	vmul.f32 v48, v48;
	v1 =	vor.u32 v10, v34;
	v35 =	vmul.f32 v52, v52;
	v45 =	vld.idx.msk [tilespmem:v25+s13+$0x0], $0xffff  }
0x33e: {  	v42 =	vor.u32 v63, v34;
	[tilespmem:$0x1FE20] =	vst v1;
	v1 =	vor.u32 v9, v34;
	v25 =	vld [tilespmem:s30+$0x20]  }
0x33f: {  	v12 =	vmovc v0;
	v24 =	vand.u32 $0x7FFFFFFF, v56;
	v47 =	vadd.f32 v30, v27;
	[tilespmem:$0x1FE30] =	vst v1;
	v27 =	vadd.f32 v35, v32;
	v1 =	vld [tilespmem:$0x1FF90]  }
0x340: {  	v0 =	vmov v55;
	v55 =	vor.u32 v61, v22;
	v58 =	vor.u32 v28, v34;
	[tilespmem:s25+$0x10] =	vst v24;
	v49 =	vld.idx.msk [tilespmem:v49+s13+$0x0], $0xffff  }
0x341: {  	[tilespmem:$0x1FE60] =	vst v16;
	s10 =	sadd.s32 $0x3, s1;
	v59 =	vor.u32 v29, v34;
	v33 =	vmul.f32 v33, v33;
	v47 =	vadd.f32 v27, v47;
	v50 =	vld [tilespmem:s29+$0x20]  }
0x342: {  	[tilespmem:$0x1FE50] =	vst v53;
	v16 =	vmovc v61;
	v61 =	vor.u32 v28, v38;
	v30 =	vmov s10;
	v53 =	vld.idx.msk [tilespmem:v31+s13+$0x0], $0xffff;
	v31 =	vand.u32 $0x7FFFFFFF, v37  }
0x343: {  	v24 =	vshll.u32 v30, $0x9;
	v44 =	vld.idx.msk [tilespmem:v44+s13+$0x0], $0xffff;
	v47 =	vadd.f32 v47, v33;
	[tilespmem:s26+$0x20] =	vst v31;
	v52 =	vand.u32 $0x7FFFFFFF, v25  }
0x344: {  	v46 =	vmul.f32 v46, v46;
	v35 =	vshll.u32 v30, $0x7;
	v24 =	vand.u32 $0xF000, v24;
	v25 =	vld [tilespmem:s9+$0x30];
	[tilespmem:s0+$0x20] =	vst v52  }
0x345: {  	v37 =	vand.u32 $0x380, v35;
	v35 =	vand.u32 $0x7FFFFFFF, v62;
	v30 =	vshra.s32 v47, $0x1;
	v56 =	vld [tilespmem:s30+$0x30]  }
0x346: {  	v55 =	vld.idx.msk [tilespmem:v55+s13+$0x0], $0xffff;
	v31 =	vmul.f32 $5.000000000e-01, v47;
	v33 =	vor.u32 v37, v24;
	[tilespmem:s28+$0x20] =	vst v35;
	v50 =	vand.u32 $0x7FFFFFFF, v50  }
0x347: {  	v48 =	vor.u32 v29, v38;
	v24 =	vsub.s32 $0x5F3759DF, v30;
	v26 =	vld [tilespmem:s8+$0x30];
	v52 =	vor.u32 v28, v33;
	[tilespmem:s25+$0x20] =	vst v50  }
0x348: {  	v46 =	vadd.f32 v46, v54;
	v37 =	vmul.f32 v24, v31;
	v31 =	vor.u32 v29, v33;
	v30 =	vld [tilespmem:s29+$0x30]  }
0x349: {  	v35 =	vor.u32 v15, v33;
	v27 =	vld.idx.msk [tilespmem:v51+s13+$0x0], $0xffff;
	v45 =	vmul.f32 v45, v45;
	v25 =	vand.u32 $0x7FFFFFFF, v25  }
0x34a: {  	v44 =	vmul.f32 v44, v44;
	v32 =	vmul.f32 v24, v37;
	v37 =	vld.idx.msk [tilespmem:v60+s13+$0x0], $0xffff;
	[tilespmem:s26+$0x30] =	vst v25;
	v56 =	vand.u32 $0x7FFFFFFF, v56  }
0x34b: {  	v53 =	vmul.f32 v53, v53;
	v55 =	vmul.f32 v55, v55;
	v54 =	vld.idx.msk [tilespmem:v58+s13+$0x0], $0xffff;
	[tilespmem:s0+$0x30] =	vst v56  }
0x34c: {  	v44 =	vadd.f32 v44, v45;
	v26 =	vand.u32 $0x7FFFFFFF, v26;
	v56 =	vsub.f32 $1.500000000e+00, v32;
	v25 =	vld.idx.msk [tilespmem:v52+s13+$0x0], $0xffff  }
0x34d: {  	v60 =	vadd.f32 v55, v53;
	[tilespmem:s28+$0x30] =	vst v26;
	v26 =	vor.u32 v29, v36;
	v30 =	vand.u32 $0x7FFFFFFF, v30;
	v50 =	vld.idx.msk [tilespmem:v31+s13+$0x0], $0xffff  }
0x34e: {  	[tilespmem:s25+$0x30] =	vst v30;
	v31 =	vor.u32 v28, v36;
	v24 =	vmul.f32 v24, v56;
	v56 =	vld.idx.msk [tilespmem:v35+s13+$0x0], $0xffff  }
0x34f: {  	v6 =	vmov v63;
	v52 =	vadd.f32 v46, v57;
	v57 =	vor.u32 v15, v34;
	v58 =	vld.idx.msk [tilespmem:v61+s13+$0x0], $0xffff  }
0x350: {  	v53 =	vadd.f32 v60, v44;
	v60 =	vmul.f32 v37, v37;
	v32 =	vor.u32 v16, v23;
	v37 =	vld.idx.msk [tilespmem:v48+s13+$0x0], $0xffff  }
0x351: {  	v43 =	vor.u32 v18, v34;
	v24 =	vmul.f32 v24, v47;
	v47 =	vld.idx.msk [tilespmem:v59+s13+$0x0], $0xffff;
	v59 =	vor.u32 v15, v38  }
0x352: {  	v49 =	vmul.f32 v49, v49;
	v27 =	vmul.f32 v27, v27;
	v30 =	vor.u32 v15, v36;
	v26 =	vld.idx.msk [tilespmem:v26+s13+$0x0], $0xffff  }
0x353: {  	v63 =	vor.u32 v4, v23;
	v55 =	vld.idx.msk [tilespmem:v31+s13+$0x0], $0xffff;
	v25 =	vmul.f32 v25, v25;
	v31 =	vmul.f32 v50, v50  }
0x354: {  	v51 =	vor.u32 v1, v34;
	v44 =	vmov s7;
	v29 =	vor.u32 v18, v38;
	v57 =	vld.idx.msk [tilespmem:v57+s13+$0x0], $0xffff  }
0x355: {  	v27 =	vadd.f32 v27, v49;
	v62 =	vld.idx.msk [tilespmem:v32+s13+$0x0], $0xffff;
	v35 =	vmul.f32 v56, v56;
	v25 =	vadd.f32 v31, v25  }
0x356: {  	v49 =	vor.u32 v20, v22;
	v54 =	vmul.f32 v54, v54;
	v47 =	vmul.f32 v47, v47;
	v59 =	vld.idx.msk [tilespmem:v59+s13+$0x0], $0xffff  }
0x357: {  	v32 =	vor.u32 v1, v33;
	v61 =	vld.idx.msk [tilespmem:v30+s13+$0x0], $0xffff;
	v58 =	vmul.f32 v58, v58;
	v25 =	vadd.f32 v35, v25  }
0x358: {  	[tilespmem:s21+$0x410] =	vst v24;
	v24 =	vmul.f32 v37, v37;
	v26 =	vmul.f32 v26, v26;
	v54 =	vadd.f32 v47, v54  }
0x359: {  	v57 =	vmul.f32 v57, v57;
	v35 =	vshra.s32 v25, $0x1;
	v37 =	vmul.f32 $5.000000000e-01, v25  }
0x35a: {  	v24 =	vadd.f32 v24, v58;
	v55 =	vmul.f32 v55, v55;
	v35 =	vsub.s32 $0x5F3759DF, v35  }
0x35b: {  	v54 =	vadd.f32 v57, v54;
	v28 =	vmul.f32 v35, v37;
	v59 =	vmul.f32 v59, v59  }
0x35c: {  	v56 =	vor.u32 v4, v22;
	v26 =	vadd.f32 v26, v55;
	v37 =	vmul.f32 v61, v61  }
0x35d: {  	v61 =	vshra.s32 v54, $0x1;
	v28 =	vmul.f32 v35, v28;
	v24 =	vadd.f32 v59, v24  }
0x35e: {  	v21 =	vld [tilespmem:$0x1FF70];
	v55 =	vmul.f32 $5.000000000e-01, v54;
	v59 =	vmul.f32 v62, v62;
	v26 =	vadd.f32 v37, v26  }
0x35f: {  	v15 =	vld [tilespmem:$0x1FF60];
	v28 =	vsub.f32 $1.500000000e+00, v28;
	v62 =	vshra.s32 v24, $0x1;
	v37 =	vmul.f32 $5.000000000e-01, v24  }
0x360: {  	v30 =	vshra.s32 v26, $0x1;
	v31 =	vmul.f32 $5.000000000e-01, v26;
	v62 =	vsub.s32 $0x5F3759DF, v62  }
0x361: {  	v30 =	vsub.s32 $0x5F3759DF, v30;
	v28 =	vmul.f32 v35, v28;
	v35 =	vor.u32 v18, v33  }
0x362: {  	v56 =	vld.idx.msk [tilespmem:v56+s13+$0x0], $0xffff;
	v61 =	vsub.s32 $0x5F3759DF, v61;
	v37 =	vmul.f32 v62, v37;
	v31 =	vmul.f32 v30, v31  }
0x363: {  	v41 =	vld.idx.msk [tilespmem:v41+s13+$0x0], $0xffff;
	v48 =	vor.u32 v21, v22;
	v25 =	vmul.f32 v28, v25;
	v28 =	vmul.f32 v61, v55  }
0x364: {  	v63 =	vld.idx.msk [tilespmem:v63+s13+$0x0], $0xffff;
	s21 =	smov.u32 s0;
	v45 =	vor.u32 v15, v22;
	v58 =	vor.u32 v6, v38;
	v37 =	vmul.f32 v62, v37  }
0x365: {  	v55 =	vor.u32 v6, v33;
	v31 =	vmul.f32 v30, v31;
	[tilespmem:s21+$0x40] =	vst v25;
	v28 =	vmul.f32 v61, v28  }
0x366: {  	v47 =	vor.u32 v21, v23;
	v60 =	vadd.f32 v59, v60;
	v37 =	vsub.f32 $1.500000000e+00, v37;
	v35 =	vld.idx.msk [tilespmem:v35+s13+$0x0], $0xffff  }
0x367: {  	v56 =	vmul.f32 v56, v56;
	v31 =	vsub.f32 $1.500000000e+00, v31;
	v32 =	vld.idx.msk [tilespmem:v32+s13+$0x0], $0xffff;
	v28 =	vsub.f32 $1.500000000e+00, v28  }
0x368: {  	v57 =	vor.u32 v1, v38;
	v25 =	vmul.f32 v41, v41;
	v37 =	vmul.f32 v62, v37  }
0x369: {  	v27 =	vadd.f32 v60, v27;
	v30 =	vmul.f32 v30, v31;
	v28 =	vmul.f32 v61, v28  }
0x36a: {  	v60 =	vor.u32 v1, v36;
	v41 =	vmul.f32 v63, v63;
	v55 =	vld.idx.msk [tilespmem:v55+s13+$0x0], $0xffff;
	v24 =	vmul.f32 v37, v24  }
0x36b: {  	v25 =	vadd.f32 v52, v25;
	v26 =	vmul.f32 v30, v26;
	v28 =	vmul.f32 v28, v54  }
0x36c: {  	v52 =	vadd.f32 v53, v56;
	v35 =	vmul.f32 v35, v35;
	v32 =	vmul.f32 v32, v32;
	[tilespmem:s25+$0x40] =	vst v24  }
0x36d: {  	v59 =	vor.u32 v18, v36;
	v27 =	vadd.f32 v27, v41;
	v53 =	vshra.s32 v25, $0x1;
	[tilespmem:s28+$0x40] =	vst v26;
	v29 =	vld.idx.msk [tilespmem:v29+s13+$0x0], $0xffff  }
0x36e: {  	v56 =	vshra.s32 v52, $0x1;
	[tilespmem:s26+$0x40] =	vst v28;
	v28 =	vsub.s32 $0x5F3759DF, v53;
	v53 =	vadd.f32 v32, v35;
	v35 =	vld.idx.msk [tilespmem:v57+s13+$0x0], $0xffff  }
0x36f: {  	v41 =	vshra.s32 v27, $0x1;
	v30 =	vmul.f32 $5.000000000e-01, v25;
	v54 =	vmul.f32 v55, v55;
	v57 =	vld.idx.msk [tilespmem:v60+s13+$0x0], $0xffff  }
0x370: {  	v26 =	vsub.s32 $0x5F3759DF, v56;
	v56 =	vmul.f32 $5.000000000e-01, v27;
	v55 =	vmul.f32 $5.000000000e-01, v52;
	v31 =	vld.idx.msk [tilespmem:v43+s13+$0x0], $0xffff  }
0x371: {  	v37 =	vsub.s32 $0x5F3759DF, v41;
	v43 =	vld.idx.msk [tilespmem:v51+s13+$0x0], $0xffff;
	v30 =	vmul.f32 v28, v30;
	v24 =	vadd.f32 v54, v53  }
0x372: {  	v34 =	vshll.u32 v44, $0x9;
	v63 =	vmovc v6;
	v60 =	vld.idx.msk [tilespmem:v42+s13+$0x0], $0xffff;
	v32 =	vmul.f32 v26, v55;
	v53 =	vmul.f32 v37, v56  }
0x373: {  	v51 =	vor.u32 v63, v36;
	v54 =	vld.idx.msk [tilespmem:v59+s13+$0x0], $0xffff;
	v30 =	vmul.f32 v28, v30;
	v56 =	vmul.f32 $5.000000000e-01, v24  }
0x374: {  	v55 =	vshra.s32 v24, $0x1;
	v32 =	vmul.f32 v26, v32;
	v53 =	vmul.f32 v37, v53  }
0x375: {  	v29 =	vmul.f32 v29, v29;
	v55 =	vsub.s32 $0x5F3759DF, v55;
	v35 =	vmul.f32 v35, v35  }
0x376: {  	v58 =	vld.idx.msk [tilespmem:v58+s13+$0x0], $0xffff;
	v30 =	vsub.f32 $1.500000000e+00, v30;
	v31 =	vmul.f32 v31, v31;
	v56 =	vmul.f32 v55, v56  }
0x377: {  	v62 =	vmovc v13;
	v43 =	vmul.f32 v43, v43;
	v32 =	vsub.f32 $1.500000000e+00, v32;
	v60 =	vmul.f32 v60, v60  }
0x378: {  	v13 =	vmovc v7;
	v7 =	vmovc v2;
	v53 =	vsub.f32 $1.500000000e+00, v53;
	v28 =	vmul.f32 v28, v30;
	v30 =	vmul.f32 v54, v54  }
0x379: {  	v51 =	vld.idx.msk [tilespmem:v51+s13+$0x0], $0xffff;
	v29 =	vadd.f32 v35, v29;
	v56 =	vmul.f32 v55, v56;
	v26 =	vmul.f32 v26, v32  }
0x37a: {  	v2 =	vmovc v8;
	v31 =	vadd.f32 v43, v31;
	v32 =	vmul.f32 v57, v57;
	v35 =	vmul.f32 v37, v53  }
0x37b: {  	v19 =	vld [tilespmem:$0x1FF00];
	v53 =	vor.u32 v2, v33;
	v57 =	vmul.f32 v58, v58;
	v56 =	vsub.f32 $1.500000000e+00, v56  }
0x37c: {  	v1 =	vmovc v9;
	v9 =	vld [tilespmem:$0x1FF20];
	v25 =	vmul.f32 v28, v25;
	v30 =	vadd.f32 v32, v30;
	v31 =	vadd.f32 v60, v31  }
0x37d: {  	v6 =	vld [tilespmem:$0x1FEC0];
	v29 =	vadd.f32 v57, v29;
	v26 =	vmul.f32 v26, v52;
	v43 =	vmul.f32 v55, v56  }
0x37e: {  	v8 =	vld [tilespmem:$0x1FEE0];
	v32 =	vor.u32 v7, v33;
	v58 =	vmul.f32 v51, v51;
	[tilespmem:s22+$0x400] =	vst v25;
	v60 =	vmul.f32 $5.000000000e-01, v31  }
0x37f: {  	v56 =	vshra.s32 v29, $0x1;
	v57 =	vmul.f32 $5.000000000e-01, v29;
	v55 =	vld.idx.msk [tilespmem:v0+s13+$0x0], $0xffff;
	v24 =	vmul.f32 v43, v24  }
0x380: {  	[tilespmem:s23+$0x400] =	vst v26;
	v0 =	vld [tilespmem:$0x1FE20];
	v37 =	vadd.f32 v58, v30;
	v25 =	vsub.s32 $0x5F3759DF, v56;
	v43 =	vor.u32 v10, v33  }
0x381: {  	v59 =	vshra.s32 v31, $0x1;
	v26 =	vmul.f32 v35, v27;
	v45 =	vld.idx.msk [tilespmem:v45+s13+$0x0], $0xffff;
	v30 =	vmul.f32 v25, v57;
	[tilespmem:s21+$0x50] =	vst v24  }
0x382: {  	v58 =	vshra.s32 v37, $0x1;
	v24 =	vsub.s32 $0x5F3759DF, v59;
	v59 =	vmul.f32 $5.000000000e-01, v37;
	v53 =	vld.idx.msk [tilespmem:v53+s13+$0x0], $0xffff  }
0x383: {  	[tilespmem:s24+$0x400] =	vst v26;
	v28 =	vsub.s32 $0x5F3759DF, v58;
	v32 =	vld.idx.msk [tilespmem:v32+s13+$0x0], $0xffff;
	v51 =	vmul.f32 v24, v60;
	v60 =	vmul.f32 v25, v30  }
0x384: {  	v46 =	vor.u32 v19, v22;
	v50 =	vor.u32 v15, v23;
	v47 =	vld.idx.msk [tilespmem:v47+s13+$0x0], $0xffff;
	v54 =	vmul.f32 v28, v59  }
0x385: {  	v41 =	vor.u32 v19, v23;
	v43 =	vld.idx.msk [tilespmem:v43+s13+$0x0], $0xffff;
	v51 =	vmul.f32 v24, v51;
	v60 =	vsub.f32 $1.500000000e+00, v60  }
0x386: {  	v42 =	vor.u32 v10, v38;
	v58 =	vld.idx.msk [tilespmem:v5+s13+$0x0], $0xffff;
	v30 =	vshll.u32 v44, $0x7;
	v44 =	vmul.f32 v28, v54  }
0x387: {  	v57 =	vor.u32 v2, v38;
	v59 =	vld.idx.msk [tilespmem:v3+s13+$0x0], $0xffff;
	v27 =	vsub.f32 $1.500000000e+00, v51;
	v25 =	vmul.f32 v25, v60  }
0x388: {  	v60 =	vld.idx.msk [tilespmem:v48+s13+$0x0], $0xffff;
	v44 =	vsub.f32 $1.500000000e+00, v44;
	v53 =	vmul.f32 v53, v53;
	v32 =	vmul.f32 v32, v32  }
0x389: {  	v56 =	vor.u32 v10, v36;
	v54 =	vld.idx.msk [tilespmem:v11+s13+$0x0], $0xffff;
	v24 =	vmul.f32 v24, v27;
	v25 =	vmul.f32 v25, v29  }
0x38a: {  	v26 =	vor.u32 v2, v36;
	v28 =	vmul.f32 v28, v44;
	v48 =	vmul.f32 v43, v43;
	v43 =	vld.idx.msk [tilespmem:v46+s13+$0x0], $0xffff  }
0x38b: {  	v35 =	vmul.f32 v55, v55;
	v51 =	vor.u32 v7, v38;
	v44 =	vld.idx.msk [tilespmem:v49+s13+$0x0], $0xffff;
	v24 =	vmul.f32 v24, v31  }
0x38c: {  	v32 =	vadd.f32 v32, v53;
	[tilespmem:s25+$0x50] =	vst v25;
	v28 =	vmul.f32 v28, v37;
	v37 =	vld.idx.msk [tilespmem:v50+s13+$0x0], $0xffff  }
0x38d: {  	v31 =	vor.u32 v7, v36;
	v27 =	vmul.f32 v60, v60;
	v60 =	vld.idx.msk [tilespmem:v57+s13+$0x0], $0xffff;
	[tilespmem:s26+$0x50] =	vst v24  }
0x38e: {  	v53 =	vmul.f32 v54, v54;
	v32 =	vadd.f32 v48, v32;
	v24 =	vmul.f32 v58, v58;
	v40 =	vld.idx.msk [tilespmem:v40+s13+$0x0], $0xffff  }
0x38f: {  	v30 =	vand.u32 $0x200, v30;
	v58 =	vmul.f32 v59, v59;
	v59 =	vmul.f32 v45, v45;
	v39 =	vld.idx.msk [tilespmem:v39+s13+$0x0], $0xffff  }
0x390: {  	v54 =	vshra.s32 v32, $0x1;
	v55 =	vmul.f32 $5.000000000e-01, v32;
	[tilespmem:s28+$0x50] =	vst v28;
	v52 =	vmul.f32 v43, v43;
	v43 =	vld.idx.msk [tilespmem:v51+s13+$0x0], $0xffff  }
0x391: {  	v25 =	vsub.s32 $0x5F3759DF, v54;
	v24 =	vadd.f32 v24, v35;
	v46 =	vadd.f32 v58, v53;
	v26 =	vld.idx.msk [tilespmem:v26+s13+$0x0], $0xffff  }
0x392: {  	v27 =	vadd.f32 v27, v59;
	v53 =	vmul.f32 v44, v44;
	v48 =	vmul.f32 v25, v55;
	v31 =	vld.idx.msk [tilespmem:v31+s13+$0x0], $0xffff  }
0x393: {  	v55 =	vmul.f32 v47, v47;
	v47 =	vor.u32 v9, v22;
	v22 =	vmovc v38;
	v37 =	vmul.f32 v37, v37  }
0x394: {  	v24 =	vadd.f32 v46, v24;
	v28 =	vadd.f32 v53, v52;
	v46 =	vld.idx.msk [tilespmem:v0+s13+$0x0], $0xffff;
	v59 =	vmul.f32 v60, v60  }
0x395: {  	v60 =	vld.idx.msk [tilespmem:v56+s13+$0x0], $0xffff;
	v52 =	vor.u32 v6, v33;
	v56 =	vor.u32 v8, v33;
	v54 =	vmul.f32 v25, v48  }
0x396: {  	v58 =	vld.idx.msk [tilespmem:v42+s13+$0x0], $0xffff;
	v49 =	vor.u32 v8, v22;
	v42 =	vor.u32 v6, v22;
	v48 =	vor.u32 v20, v23  }
0x397: {  	v40 =	vmul.f32 v40, v40;
	v57 =	vmul.f32 v39, v39;
	v44 =	vsub.f32 $1.500000000e+00, v54  }
0x398: {  	v27 =	vadd.f32 v28, v27;
	v35 =	vadd.f32 v55, v37;
	v53 =	vmul.f32 v43, v43  }
0x399: {  	v41 =	vld.idx.msk [tilespmem:v41+s13+$0x0], $0xffff;
	v54 =	vor.u32 v1, v33;
	v26 =	vmul.f32 v26, v26;
	v25 =	vmul.f32 v25, v44  }
0x39a: {  	v38 =	vadd.f32 v57, v40;
	v31 =	vmul.f32 v31, v31;
	v46 =	vmul.f32 v46, v46  }
0x39b: {  	v57 =	vmul.f32 v58, v58;
	v40 =	vadd.f32 v53, v59;
	v25 =	vmul.f32 v25, v32  }
0x39c: {  	s12 =	sadd.s32 $0x2, s7;
	v37 =	vmul.f32 v60, v60;
	v26 =	vadd.f32 v31, v26;
	v32 =	vld.idx.msk [tilespmem:v48+s13+$0x0], $0xffff;
	v38 =	vadd.f32 v46, v38  }
0x39d: {  	v55 =	vor.u32 v9, v23;
	v28 =	vmov s12;
	v23 =	vmovc v36;
	v36 =	vadd.f32 v57, v40;
	[tilespmem:s21+$0x60] =	vst v25;
	v25 =	vld.idx.msk [tilespmem:v47+s13+$0x0], $0xffff  }
0x39e: {  	v41 =	vmul.f32 v41, v41;
	v26 =	vadd.f32 v37, v26;
	v46 =	vshra.s32 v38, $0x1;
	v31 =	vld.idx.msk [tilespmem:v52+s13+$0x0], $0xffff  }
0x39f: {  	v47 =	vmul.f32 $5.000000000e-01, v38;
	v59 =	vshra.s32 v36, $0x1;
	v60 =	vmul.f32 $5.000000000e-01, v36;
	v43 =	vld.idx.msk [tilespmem:v54+s13+$0x0], $0xffff  }
0x3a0: {  	v58 =	vld.idx.msk [tilespmem:v56+s13+$0x0], $0xffff;
	v45 =	vsub.s32 $0x5F3759DF, v46;
	v56 =	vshra.s32 v26, $0x1;
	v57 =	vmul.f32 $5.000000000e-01, v26  }
0x3a1: {  	v48 =	vld.idx.msk [tilespmem:v17+s13+$0x0], $0xffff;
	v46 =	vsub.s32 $0x5F3759DF, v59;
	v47 =	vmul.f32 v45, v47;
	v51 =	vsub.s32 $0x5F3759DF, v56  }
0x3a2: {  	v39 =	vor.u32 v8, v23;
	v50 =	vmul.f32 v46, v60;
	v52 =	vmul.f32 v51, v57  }
0x3a3: {  	v53 =	vor.u32 v6, v23;
	v32 =	vmul.f32 v32, v32;
	v47 =	vmul.f32 v45, v47  }
0x3a4: {  	v0 =	vld [tilespmem:$0x1FE30];
	v40 =	vor.u32 v1, v22;
	v31 =	vmul.f32 v31, v31;
	v43 =	vmul.f32 v43, v43  }
0x3a5: {  	v50 =	vmul.f32 v46, v50;
	v37 =	vmul.f32 v58, v58;
	v58 =	vsub.f32 $1.500000000e+00, v47  }
0x3a6: {  	v60 =	vmul.f32 v48, v48;
	v59 =	vmul.f32 v51, v52;
	v31 =	vadd.f32 v43, v31  }
0x3a7: {  	v32 =	vadd.f32 v32, v41;
	v50 =	vsub.f32 $1.500000000e+00, v50;
	v43 =	vmul.f32 v45, v58  }
0x3a8: {  	v44 =	vld.idx.msk [tilespmem:v55+s13+$0x0], $0xffff;
	v54 =	vor.u32 v1, v23;
	v48 =	vsub.f32 $1.500000000e+00, v59;
	v37 =	vadd.f32 v37, v31  }
0x3a9: {  	v35 =	vadd.f32 v32, v35;
	v32 =	vadd.f32 v24, v60;
	v38 =	vmul.f32 v43, v38  }
0x3aa: {  	v50 =	vmul.f32 v46, v50;
	v52 =	vshra.s32 v37, $0x1;
	v55 =	vmul.f32 $5.000000000e-01, v37  }
0x3ab: {  	v1 =	vld [tilespmem:$0x1FE60];
	v59 =	vmul.f32 v25, v25;
	v56 =	vmul.f32 v51, v48;
	[tilespmem:s26+$0x60] =	vst v38;
	v57 =	vsub.s32 $0x5F3759DF, v52  }
0x3ac: {  	v45 =	vor.u32 v14, v33;
	v36 =	vmul.f32 v50, v36;
	v43 =	vld.idx.msk [tilespmem:v0+s13+$0x0], $0xffff;
	v58 =	vmul.f32 v57, v55  }
0x3ad: {  	v51 =	vshra.s32 v32, $0x1;
	v50 =	vmul.f32 v44, v44;
	v26 =	vmul.f32 v56, v26;
	v0 =	vld [tilespmem:$0x1FE40]  }
0x3ae: {  	v31 =	vand.u32 $0xF000, v34;
	[tilespmem:s25+$0x60] =	vst v36;
	v36 =	vadd.f32 v27, v59;
	v60 =	vld.idx.msk [tilespmem:v12+s13+$0x0], $0xffff;
	v48 =	vmul.f32 v57, v58  }
0x3af: {  	v35 =	vadd.f32 v35, v50;
	[tilespmem:s28+$0x60] =	vst v26;
	v52 =	vmul.f32 $5.000000000e-01, v32;
	v24 =	vld.idx.msk [tilespmem:v42+s13+$0x0], $0xffff;
	v26 =	vsub.s32 $0x5F3759DF, v51  }
0x3b0: {  	v38 =	vld.idx.msk [tilespmem:v40+s13+$0x0], $0xffff;
	v56 =	vshra.s32 v36, $0x1;
	v42 =	vmul.f32 $5.000000000e-01, v36;
	v55 =	vsub.f32 $1.500000000e+00, v48  }
0x3b1: {  	v49 =	vld.idx.msk [tilespmem:v49+s13+$0x0], $0xffff;
	v59 =	vmul.f32 $5.000000000e-01, v35;
	v40 =	vmul.f32 v26, v52;
	v41 =	vsub.s32 $0x5F3759DF, v56  }
0x3b2: {  	v44 =	vld.idx.msk [tilespmem:v53+s13+$0x0], $0xffff;
	v56 =	vor.u32 v16, v33;
	v42 =	vmul.f32 v41, v42;
	v27 =	vmul.f32 v57, v55  }
0x3b3: {  	v39 =	vld.idx.msk [tilespmem:v39+s13+$0x0], $0xffff;
	v58 =	vor.u32 v13, v33;
	v40 =	vmul.f32 v26, v40;
	v25 =	vmul.f32 v60, v60  }
0x3b4: {  	v47 =	vld.idx.msk [tilespmem:v54+s13+$0x0], $0xffff;
	v60 =	vor.u32 v62, v33;
	v43 =	vmul.f32 v43, v43;
	v27 =	vmul.f32 v27, v37  }
0x3b5: {  	v24 =	vmul.f32 v24, v24;
	v38 =	vmul.f32 v38, v38;
	v57 =	vshra.s32 v35, $0x1;
	v51 =	vld.idx.msk [tilespmem:v0+s13+$0x0], $0xffff  }
0x3b6: {  	v42 =	vmul.f32 v41, v42;
	v52 =	vmul.f32 v49, v49;
	v46 =	vsub.s32 $0x5F3759DF, v57;
	v0 =	vld [tilespmem:$0x1FE50];
	[tilespmem:s21+$0x70] =	vst v27  }
0x3b7: {  	v40 =	vsub.f32 $1.500000000e+00, v40;
	v25 =	vadd.f32 v43, v25;
	v57 =	vmul.f32 v46, v59;
	v43 =	vld.idx.msk [tilespmem:v45+s13+$0x0], $0xffff  }
0x3b8: {  	v44 =	vmul.f32 v44, v44;
	v24 =	vadd.f32 v38, v24;
	v55 =	vmul.f32 v39, v39;
	v48 =	vld.idx.msk [tilespmem:v58+s13+$0x0], $0xffff  }
0x3b9: {  	v26 =	vmul.f32 v26, v40;
	v59 =	vor.u32 v4, v33;
	v54 =	vmul.f32 v46, v57;
	v37 =	vld.idx.msk [tilespmem:v60+s13+$0x0], $0xffff  }
0x3ba: {  	v24 =	vadd.f32 v52, v24;
	v58 =	vmul.f32 v47, v47;
	v60 =	vmul.f32 v51, v51;
	v51 =	vld.idx.msk [tilespmem:v56+s13+$0x0], $0xffff  }
0x3bb: {  	v39 =	vsub.f32 $1.500000000e+00, v42;
	v26 =	vmul.f32 v26, v32;
	v27 =	vor.u32 v0, v1  }
0x3bc: {  	v53 =	vmovc v34;
	v34 =	vsub.f32 $1.500000000e+00, v54;
	v38 =	vadd.f32 v58, v44;
	v58 =	vshra.s32 v24, $0x1  }
0x3bd: {  	v61 =	vmovc v16;
	v16 =	vmovc v30;
	v54 =	vmul.f32 $5.000000000e-01, v24;
	v25 =	vadd.f32 v60, v25;
	v44 =	vsub.s32 $0x5F3759DF, v58  }
0x3be: {  	v30 =	vadd.f32 v55, v38;
	v38 =	vld.idx.msk [tilespmem:v59+s13+$0x0], $0xffff;
	v43 =	vmul.f32 v43, v43;
	v59 =	vmul.f32 v48, v48  }
0x3bf: {  	v56 =	vshra.s32 v25, $0x1;
	v37 =	vmul.f32 v37, v37;
	v52 =	vmul.f32 v51, v51  }
0x3c0: {  	v58 =	vmul.f32 v41, v39;
	v57 =	vmul.f32 $5.000000000e-01, v25;
	v40 =	vsub.s32 $0x5F3759DF, v56  }
0x3c1: {  	v55 =	vmul.f32 $5.000000000e-01, v30;
	v43 =	vadd.f32 v59, v43;
	v37 =	vadd.f32 v52, v37  }
0x3c2: {  	v60 =	vshra.s32 v30, $0x1;
	v56 =	vmul.f32 v44, v54;
	v42 =	vmul.f32 v40, v57  }
0x3c3: {  	v47 =	vsub.s32 $0x5F3759DF, v60;
	v38 =	vmul.f32 v38, v38;
	v37 =	vadd.f32 v37, v43  }
0x3c4: {  	v10 =	vor.u32 v21, v27;
	v57 =	vmul.f32 v47, v55;
	v45 =	vmul.f32 v44, v56  }
0x3c5: {  	v34 =	vmul.f32 v46, v34;
	v42 =	vmul.f32 v40, v42;
	v37 =	vadd.f32 v37, v38  }
0x3c6: {  	v58 =	vmul.f32 v58, v36;
	v48 =	vmul.f32 v47, v57;
	v60 =	vsub.f32 $1.500000000e+00, v45  }
0x3c7: {  	v59 =	vsub.f32 $1.500000000e+00, v42;
	v50 =	vshra.s32 v37, $0x1;
	v51 =	vmul.f32 $5.000000000e-01, v37  }
0x3c8: {  	s15 =	sshll.u32 s7, $0x9;
	v49 =	vsub.f32 $1.500000000e+00, v48;
	v52 =	vmul.f32 v44, v60;
	v54 =	vsub.s32 $0x5F3759DF, v50  }
0x3c9: {  	s6 =	sadd.s32 $0x200, s6;
	s0 =	sand.u32 $0x3FFFF000, s15;
	v43 =	vor.u32 v14, v27;
	v39 =	vmul.f32 v40, v59;
	v45 =	vmul.f32 v54, v51  }
0x3ca: {  	s17 =	sand.u32 $0x380, s6;
	s20 =	sadd.s32 $0xFFFFFF00, s6;
	s0 =	sadd.s32 $0xA000, s0;
	v11 =	vor.u32 v19, v27;
	v42 =	vmul.f32 v47, v49;
	v24 =	vmul.f32 v52, v24  }
0x3cb: {  	s20 =	sand.u32 $0x280, s20;
	s30 =	sor.u32 s17, s0;
	v17 =	vor.u32 v20, v27;
	v25 =	vmul.f32 v39, v25;
	v56 =	vmul.f32 v54, v45  }
0x3cc: {  	s16 =	sadd.s32 $0xFFFFFE80, s6;
	s29 =	sor.u32 s20, s0;
	v35 =	vmul.f32 v34, v35;
	v57 =	vor.u32 v13, v27;
	v30 =	vmul.f32 v42, v30;
	v42 =	vld [tilespmem:s30+$0x0];
	[tilespmem:s25+$0x70] =	vst v24  }
0x3cd: {  	s11 =	sadd.s32 $0x1, s7;
	s15 =	sand.u32 $0x200, s16;
	s12 =	sadd.s32 $0xFFFFFF80, s6;
	v34 =	vor.u32 v16, v31;
	v59 =	vor.u32 v62, v27;
	[tilespmem:s26+$0x70] =	vst v25;
	v50 =	vld [tilespmem:s29+$0x0];
	v48 =	vsub.f32 $1.500000000e+00, v56  }
0x3ce: {  	s31 =	sshll.u32 s7, $0x8;
	s9 =	sor.u32 s15, s0;
	v29 =	vmov s11;
	s12 =	sand.u32 $0x300, s12;
	v41 =	vor.u32 v4, v27;
	v3 =	vor.u32 v8, v34;
	[tilespmem:s23+$0x410] =	vst v58;
	v43 =	vld.idx.msk [tilespmem:v43+s13+$0x0], $0xffff  }
0x3cf: {  	s8 =	sor.u32 s12, s0;
	s0 =	sand.u32 $0x3FFFF800, s31;
	v0 =	vor.u32 v6, v34;
	v51 =	vor.u32 v15, v33;
	v49 =	vld [tilespmem:s9+$0x0];
	[tilespmem:s28+$0x70] =	vst v30;
	v24 =	vmul.f32 v54, v48  }
0x3d0: {  	s31 =	sadd.s32 $0x19000, s0;
	v55 =	vshll.u32 v29, $0x9;
	v39 =	vshll.u32 v28, $0x9;
	[tilespmem:s22+$0x410] =	vst v26;
	v60 =	vld [tilespmem:s8+$0x0];
	v54 =	vor.u32 v21, v33  }
0x3d1: {  	p0 =	slt.u32 s7, $0x4C;
	s0 =	sor.u32 s17, s31;
	v38 =	vld.idx.msk [tilespmem:v57+s13+$0x0], $0xffff;
	v57 =	vor.u32 v19, v33;
	[tilespmem:s24+$0x410] =	vst v35;
	v56 =	vand.u32 $0x7FFFFFFF, v42;
	v24 =	vmul.f32 v24, v37  }
.Ltmp1:
0x3d2: {  	v29 =	vshll.u32 v29, $0x7;
	v36 =	vand.u32 $0xF000, v55;
	v45 =	vand.u32 $0xF000, v39;
	v39 =	vld.idx.msk [tilespmem:v59+s13+$0x0], $0xffff;
	[tilespmem:s0+$0x0] =	vst v56;
	(pc) =	sbr.rel @p0 .LBB2_4-.Ltmp1, $4  }
0x3d3: {  	v55 =	vor.u32 v15, v27;
	v14 =	vor.u32 v9, v27;
	s23 =	smov.u32 s25;
	s25 =	sor.u32 s20, s31;
	v59 =	vand.u32 $0x7FFFFFFF, v50;
	v47 =	vld [tilespmem:s30+$0x10];
	[tilespmem:s21+$0x400] =	vst v24  }
0x3d4: {  	v44 =	vand.u32 $0x280, v29;
	v40 =	vor.u32 v20, v33;
	s22 =	smov.u32 s26;
	s26 =	sor.u32 s15, s31;
	v58 =	vand.u32 $0x7FFFFFFF, v49;
	[tilespmem:s25+$0x0] =	vst v59;
	v48 =	vld.idx.msk [tilespmem:v51+s13+$0x0], $0xffff  }
0x3d5: {  	v28 =	vshll.u32 v28, $0x7;
	s24 =	smov.u32 s28;
	s28 =	sor.u32 s12, s31;
	v50 =	vor.u32 v61, v27;
	[tilespmem:s26+$0x0] =	vst v58;
	v60 =	vand.u32 $0x7FFFFFFF, v60;
	v49 =	vld.idx.msk [tilespmem:v54+s13+$0x0], $0xffff  }
0x3d6: {  	s1 =	smov.u32 s7;
	s7 =	sadd.s32 $0x4, s7;
	v46 =	vand.u32 $0x300, v28;
	v33 =	vor.u32 v9, v33;
	v43 =	vmul.f32 v43, v43;
	[tilespmem:s28+$0x0] =	vst v60;
	v51 =	vld.idx.msk [tilespmem:v57+s13+$0x0], $0xffff  }
0x3d7: {  	_ =	sdelay $0x3  }
0x3d8: {  	v24 =	vld.idx.msk [tilespmem:v40+s13+$0x0], $0xffff  }
0x3d9: {  	v25 =	vld [tilespmem:s9+$0x10]  }
0x3da: {  	v12 =	vld [tilespmem:$0x1FEF0]  }
0x3db: {  	v27 =	vld [tilespmem:s29+$0x10]  }
0x3dc: {  	v30 =	vld [tilespmem:s8+$0x10];
	v31 =	vor.u32 v13, v22  }
0x3dd: {  	v32 =	vld.idx.msk [tilespmem:v33+s13+$0x0], $0xffff  }
0x3de: {  	v35 =	vld.idx.msk [tilespmem:v50+s13+$0x0], $0xffff;
	v9 =	vand.u32 $0x7FFFFFFF, v47  }
0x3df: {  	v41 =	vld.idx.msk [tilespmem:v41+s13+$0x0], $0xffff;
	[tilespmem:s0+$0x10] =	vst v9  }
0x3e0: {  	v37 =	vmul.f32 v48, v48;
	v48 =	vld [tilespmem:s30+$0x20];
	v25 =	vand.u32 $0x7FFFFFFF, v25  }
0x3e1: {  	v21 =	vmul.f32 v49, v49;
	v49 =	vand.u32 $0x7FFFFFFF, v27;
	v31 =	vld.idx.msk [tilespmem:v31+s13+$0x0], $0xffff;
	[tilespmem:s26+$0x10] =	vst v25  }
0x3e2: {  	v58 =	vor.u32 v61, v22;
	[tilespmem:s25+$0x10] =	vst v49;
	v42 =	vld [tilespmem:s9+$0x20]  }
0x3e3: {  	v50 =	vor.u32 v62, v22;
	v47 =	vmul.f32 v51, v51;
	v24 =	vmul.f32 v24, v24;
	v6 =	vld [tilespmem:$0x1FFE0]  }
0x3e4: {  	v26 =	vor.u32 v12, v22;
	v51 =	vand.u32 $0x7FFFFFFF, v30;
	v54 =	vld [tilespmem:$0x1FFF0]  }
0x3e5: {  	v28 =	vmul.f32 v38, v38;
	v24 =	vadd.f32 v24, v47;
	v47 =	vld [tilespmem:s29+$0x20];
	[tilespmem:s28+$0x10] =	vst v51  }
0x3e6: {  	v29 =	vmul.f32 v39, v39;
	s1 =	sadd.s32 $0x3, s1;
	v60 =	vor.u32 v12, v23;
	v25 =	vld [tilespmem:s8+$0x20]  }
0x3e7: {  	v33 =	vor.u32 v44, v36;
	v28 =	vadd.f32 v28, v43;
	v9 =	vmov s1;
	v43 =	vld.idx.msk [tilespmem:v58+s13+$0x0], $0xffff  }
0x3e8: {  	v52 =	vshll.u32 v9, $0x7;
	v57 =	vadd.f32 v21, v37;
	v40 =	vand.u32 $0x7FFFFFFF, v48;
	v48 =	vld.idx.msk [tilespmem:v50+s13+$0x0], $0xffff  }
0x3e9: {  	v59 =	vmul.f32 v32, v32;
	v51 =	vor.u32 v62, v23;
	[tilespmem:s0+$0x20] =	vst v40;
	v26 =	vld.idx.msk [tilespmem:v26+s13+$0x0], $0xffff;
	v56 =	vand.u32 $0x7FFFFFFF, v42  }
0x3ea: {  	v21 =	vshll.u32 v9, $0x9;
	v27 =	vand.u32 $0x380, v52;
	v40 =	vld [tilespmem:s30+$0x30];
	v9 =	vand.u32 $0x7FFFFFFF, v47;
	[tilespmem:s26+$0x20] =	vst v56  }
0x3eb: {  	v24 =	vadd.f32 v24, v57;
	v57 =	vand.u32 $0xF000, v21;
	v32 =	vld.idx.msk [tilespmem:v60+s13+$0x0], $0xffff;
	[tilespmem:s25+$0x20] =	vst v9;
	v25 =	vand.u32 $0x7FFFFFFF, v25  }
0x3ec: {  	v35 =	vmul.f32 v35, v35;
	v27 =	vor.u32 v27, v57;
	v42 =	vor.u32 v13, v23;
	v44 =	vld [tilespmem:s9+$0x30];
	[tilespmem:s28+$0x20] =	vst v25  }
0x3ed: {  	v36 =	vor.u32 v46, v45;
	v24 =	vadd.f32 v24, v59;
	v21 =	vor.u32 v6, v27;
	v15 =	vld [tilespmem:$0x1FEA0]  }
0x3ee: {  	v41 =	vmul.f32 v41, v41;
	v29 =	vadd.f32 v35, v29;
	v60 =	vor.u32 v54, v27;
	v50 =	vld.idx.msk [tilespmem:v51+s13+$0x0], $0xffff  }
0x3ef: {  	v37 =	vor.u32 v6, v34;
	v58 =	vshra.s32 v24, $0x1;
	v59 =	vmul.f32 $5.000000000e-01, v24;
	v9 =	vld [tilespmem:s29+$0x30]  }
0x3f0: {  	v39 =	vor.u32 v54, v34;
	v30 =	vsub.s32 $0x5F3759DF, v58;
	v57 =	vld [tilespmem:s8+$0x30];
	v40 =	vand.u32 $0x7FFFFFFF, v40  }
0x3f1: {  	v56 =	vmul.f32 v30, v59;
	v59 =	vor.u32 v6, v33;
	[tilespmem:s0+$0x30] =	vst v40;
	v42 =	vld.idx.msk [tilespmem:v42+s13+$0x0], $0xffff  }
0x3f2: {  	v43 =	vmul.f32 v43, v43;
	v47 =	vld.idx.msk [tilespmem:v21+s13+$0x0], $0xffff;
	v44 =	vand.u32 $0x7FFFFFFF, v44;
	v58 =	vor.u32 v15, v27  }
0x3f3: {  	v48 =	vmul.f32 v48, v48;
	v60 =	vld.idx.msk [tilespmem:v60+s13+$0x0], $0xffff;
	v21 =	vor.u32 v54, v33;
	[tilespmem:s26+$0x30] =	vst v44  }
0x3f4: {  	v45 =	vmul.f32 v30, v56;
	v56 =	vor.u32 v6, v36;
	v25 =	vand.u32 $0x7FFFFFFF, v9;
	v37 =	vld.idx.msk [tilespmem:v37+s13+$0x0], $0xffff  }
0x3f5: {  	v28 =	vadd.f32 v29, v28;
	v9 =	vor.u32 v54, v36;
	[tilespmem:s25+$0x30] =	vst v25;
	v39 =	vld.idx.msk [tilespmem:v39+s13+$0x0], $0xffff  }
0x3f6: {  	v31 =	vmul.f32 v31, v31;
	v26 =	vmul.f32 v26, v26;
	v43 =	vadd.f32 v43, v48;
	v40 =	vld.idx.msk [tilespmem:v59+s13+$0x0], $0xffff  }
0x3f7: {  	v52 =	vsub.f32 $1.500000000e+00, v45;
	v57 =	vand.u32 $0x7FFFFFFF, v57;
	v35 =	vld.idx.msk [tilespmem:v58+s13+$0x0], $0xffff;
	v58 =	vor.u32 v15, v34  }
0x3f8: {  	v59 =	vor.u32 v15, v33;
	[tilespmem:s28+$0x30] =	vst v57;
	v44 =	vmul.f32 v60, v60;
	v60 =	vld.idx.msk [tilespmem:v21+s13+$0x0], $0xffff  }
0x3f9: {  	v26 =	vadd.f32 v31, v26;
	v30 =	vmul.f32 v30, v52;
	v21 =	vor.u32 v15, v36;
	v52 =	vld.idx.msk [tilespmem:v56+s13+$0x0], $0xffff  }
0x3fa: {  	v32 =	vmul.f32 v32, v32;
	v47 =	vmul.f32 v47, v47;
	v56 =	vor.u32 v61, v23;
	v29 =	vld.idx.msk [tilespmem:v9+s13+$0x0], $0xffff  }
0x3fb: {  	v43 =	vadd.f32 v43, v26;
	v42 =	vmul.f32 v42, v42;
	v26 =	vmul.f32 v30, v24;
	v9 =	vld [tilespmem:$0x1FF50]  }
0x3fc: {  	v24 =	vmul.f32 v50, v50;
	v37 =	vmul.f32 v37, v37;
	v57 =	vld.idx.msk [tilespmem:v58+s13+$0x0], $0xffff  }
0x3fd: {  	v44 =	vadd.f32 v44, v47;
	v39 =	vmul.f32 v39, v39;
	v35 =	vmul.f32 v35, v35;
	v58 =	vld.idx.msk [tilespmem:v59+s13+$0x0], $0xffff  }
0x3fe: {  	v32 =	vadd.f32 v42, v32;
	v40 =	vmul.f32 v40, v40;
	v25 =	vmul.f32 v60, v60;
	v59 =	vld.idx.msk [tilespmem:v21+s13+$0x0], $0xffff  }
0x3ff: {  	v45 =	vld.idx.msk [tilespmem:v56+s13+$0x0], $0xffff;
	v31 =	vmul.f32 v52, v52;
	v37 =	vadd.f32 v39, v37;
	v35 =	vadd.f32 v35, v44  }
0x400: {  	v29 =	vmul.f32 v29, v29;
	v25 =	vadd.f32 v25, v40;
	v39 =	vor.u32 v9, v23  }
0x401: {  	v60 =	vshra.s32 v35, $0x1;
	v21 =	vmul.f32 $5.000000000e-01, v35;
	v30 =	vmul.f32 v57, v57  }
0x402: {  	v29 =	vadd.f32 v29, v31;
	v48 =	vsub.s32 $0x5F3759DF, v60;
	v50 =	vmul.f32 v58, v58  }
0x403: {  	v51 =	vmul.f32 v59, v59;
	v49 =	vmul.f32 v48, v21;
	v30 =	vadd.f32 v30, v37  }
0x404: {  	v1 =	vld [tilespmem:$0x1FF80];
	v44 =	vor.u32 v9, v22;
	v40 =	vmul.f32 v45, v45;
	v25 =	vadd.f32 v50, v25  }
0x405: {  	v5 =	vld [tilespmem:$0x1FF90];
	v29 =	vadd.f32 v51, v29;
	v52 =	vmul.f32 v48, v49;
	v56 =	vshra.s32 v30, $0x1  }
0x406: {  	v58 =	vmul.f32 $5.000000000e-01, v30;
	v59 =	vshra.s32 v25, $0x1;
	v60 =	vmul.f32 $5.000000000e-01, v25  }
0x407: {  	v21 =	vshra.s32 v29, $0x1;
	v57 =	vsub.f32 $1.500000000e+00, v52;
	v42 =	vsub.s32 $0x5F3759DF, v56  }
0x408: {  	v45 =	vsub.s32 $0x5F3759DF, v59;
	v56 =	vmul.f32 $5.000000000e-01, v29;
	v37 =	vmul.f32 v42, v58  }
0x409: {  	v58 =	vsub.s32 $0x5F3759DF, v21;
	v31 =	vmul.f32 v48, v57;
	v48 =	vor.u32 v1, v27  }
0x40a: {  	v50 =	vor.u32 v5, v27;
	v52 =	vmul.f32 v45, v60;
	v21 =	vmul.f32 v58, v56  }
0x40b: {  	v38 =	vor.u32 v63, v34;
	v60 =	vld.idx.msk [tilespmem:v39+s13+$0x0], $0xffff;
	v37 =	vmul.f32 v42, v37;
	v31 =	vmul.f32 v31, v35  }
0x40c: {  	v28 =	vadd.f32 v28, v41;
	v59 =	vor.u32 v63, v27;
	v35 =	vmul.f32 v45, v52  }
0x40d: {  	v24 =	vadd.f32 v40, v24;
	v57 =	vld.idx.msk [tilespmem:v44+s13+$0x0], $0xffff;
	v39 =	vmul.f32 v58, v21;
	v51 =	vsub.f32 $1.500000000e+00, v37;
	[tilespmem:s0+$0x40] =	vst v31  }
0x40e: {  	v47 =	vor.u32 v1, v34;
	v41 =	vor.u32 v1, v33;
	v35 =	vsub.f32 $1.500000000e+00, v35;
	v52 =	vld.idx.msk [tilespmem:v48+s13+$0x0], $0xffff  }
0x40f: {  	v24 =	vadd.f32 v24, v32;
	v39 =	vsub.f32 $1.500000000e+00, v39;
	v32 =	vmul.f32 v42, v51;
	v56 =	vld.idx.msk [tilespmem:v50+s13+$0x0], $0xffff  }
0x410: {  	v37 =	vor.u32 v5, v34;
	v31 =	vmul.f32 v60, v60;
	v35 =	vmul.f32 v45, v35  }
0x411: {  	v42 =	vor.u32 v63, v33;
	v49 =	vld.idx.msk [tilespmem:v59+s13+$0x0], $0xffff;
	v44 =	vmul.f32 v58, v39;
	v30 =	vmul.f32 v32, v30  }
0x412: {  	v40 =	vmul.f32 v57, v57;
	v50 =	vor.u32 v5, v36;
	v59 =	vshra.s32 v28, $0x1  }
0x413: {  	v45 =	vor.u32 v5, v33;
	v25 =	vmul.f32 v35, v25;
	v60 =	vmul.f32 v44, v29;
	[tilespmem:s26+$0x40] =	vst v30  }
0x414: {  	v39 =	vadd.f32 v24, v31;
	v57 =	vmul.f32 v52, v52;
	v58 =	vmul.f32 v56, v56;
	v29 =	vld.idx.msk [tilespmem:v47+s13+$0x0], $0xffff  }
0x415: {  	v32 =	vor.u32 v1, v36;
	v35 =	vadd.f32 v43, v40;
	v44 =	vor.u32 v63, v36;
	v37 =	vld.idx.msk [tilespmem:v37+s13+$0x0], $0xffff  }
0x416: {  	v46 =	vmul.f32 $5.000000000e-01, v39;
	[tilespmem:s25+$0x40] =	vst v25;
	v51 =	vmul.f32 v49, v49;
	v38 =	vld.idx.msk [tilespmem:v38+s13+$0x0], $0xffff;
	v48 =	vadd.f32 v58, v57  }
0x417: {  	v21 =	vshra.s32 v35, $0x1;
	v52 =	vmul.f32 $5.000000000e-01, v28;
	v56 =	vmul.f32 $5.000000000e-01, v35;
	v41 =	vld.idx.msk [tilespmem:v41+s13+$0x0], $0xffff  }
0x418: {  	v30 =	vsub.s32 $0x5F3759DF, v59;
	v31 =	vsub.s32 $0x5F3759DF, v21;
	v42 =	vld.idx.msk [tilespmem:v42+s13+$0x0], $0xffff;
	v25 =	vadd.f32 v51, v48  }
0x419: {  	[tilespmem:s28+$0x40] =	vst v60;
	v57 =	vld.idx.msk [tilespmem:v45+s13+$0x0], $0xffff;
	v58 =	vshra.s32 v39, $0x1;
	v59 =	vmul.f32 v30, v52;
	v60 =	vmul.f32 v31, v56  }
0x41a: {  	v56 =	vld.idx.msk [tilespmem:v50+s13+$0x0], $0xffff;
	v50 =	vor.u32 v2, v27;
	v21 =	vshra.s32 v25, $0x1;
	v52 =	vmul.f32 $5.000000000e-01, v25  }
0x41b: {  	v32 =	vld.idx.msk [tilespmem:v32+s13+$0x0], $0xffff;
	v24 =	vmul.f32 v30, v59;
	v60 =	vmul.f32 v31, v60;
	v47 =	vsub.s32 $0x5F3759DF, v21  }
0x41c: {  	v45 =	vsub.s32 $0x5F3759DF, v58;
	v29 =	vmul.f32 v29, v29;
	v48 =	vmul.f32 v47, v52  }
0x41d: {  	v51 =	vor.u32 v7, v27;
	v37 =	vmul.f32 v37, v37;
	v38 =	vmul.f32 v38, v38  }
0x41e: {  	v24 =	vsub.f32 $1.500000000e+00, v24;
	v41 =	vmul.f32 v41, v41;
	v58 =	vmul.f32 v47, v48  }
0x41f: {  	v42 =	vmul.f32 v42, v42;
	v40 =	vmul.f32 v57, v57;
	v29 =	vadd.f32 v37, v29  }
0x420: {  	v8 =	vld [tilespmem:$0x1FEB0];
	v57 =	vmul.f32 v45, v46;
	v32 =	vmul.f32 v32, v32;
	v48 =	vsub.f32 $1.500000000e+00, v58  }
0x421: {  	v21 =	vld.idx.msk [tilespmem:v44+s13+$0x0], $0xffff;
	v49 =	vmul.f32 v56, v56;
	v24 =	vmul.f32 v30, v24;
	v29 =	vadd.f32 v38, v29  }
0x422: {  	v59 =	vadd.f32 v40, v41;
	v37 =	vmul.f32 v45, v57;
	v43 =	vmul.f32 v47, v48  }
0x423: {  	v24 =	vmul.f32 v24, v28;
	v57 =	vshra.s32 v29, $0x1;
	v58 =	vmul.f32 $5.000000000e-01, v29  }
0x424: {  	v30 =	vadd.f32 v42, v59;
	v59 =	vsub.s32 $0x5F3759DF, v57;
	v25 =	vmul.f32 v43, v25  }
0x425: {  	v56 =	vor.u32 v8, v27;
	v40 =	vsub.f32 $1.500000000e+00, v60;
	[tilespmem:s22+$0x400] =	vst v24;
	v42 =	vmul.f32 v59, v58  }
0x426: {  	v32 =	vadd.f32 v49, v32;
	v37 =	vsub.f32 $1.500000000e+00, v37;
	v52 =	vmul.f32 v21, v21;
	[tilespmem:s0+$0x50] =	vst v25  }
0x427: {  	v60 =	vshra.s32 v30, $0x1;
	v48 =	vmul.f32 $5.000000000e-01, v30;
	v42 =	vmul.f32 v59, v42;
	v18 =	vld [tilespmem:$0x1FF60]  }
0x428: {  	v32 =	vadd.f32 v52, v32;
	v38 =	vsub.s32 $0x5F3759DF, v60;
	v4 =	vld [tilespmem:$0x1FF70]  }
0x429: {  	v37 =	vmul.f32 v45, v37;
	v42 =	vsub.f32 $1.500000000e+00, v42;
	v44 =	vld.idx.msk [tilespmem:v51+s13+$0x0], $0xffff;
	v51 =	vmul.f32 v38, v48  }
0x42a: {  	v58 =	vor.u32 v2, v34;
	v49 =	vshra.s32 v32, $0x1;
	v21 =	vld.idx.msk [tilespmem:v50+s13+$0x0], $0xffff;
	v50 =	vmul.f32 $5.000000000e-01, v32  }
0x42b: {  	v45 =	vld.idx.msk [tilespmem:v55+s13+$0x0], $0xffff;
	v43 =	vsub.s32 $0x5F3759DF, v49;
	v25 =	vmul.f32 v59, v42;
	v28 =	vmul.f32 v38, v51  }
0x42c: {  	v31 =	vmul.f32 v31, v40;
	v41 =	vld.idx.msk [tilespmem:v56+s13+$0x0], $0xffff;
	v52 =	vmul.f32 v43, v50;
	v56 =	vor.u32 v18, v22  }
0x42d: {  	v46 =	vld.idx.msk [tilespmem:v10+s13+$0x0], $0xffff;
	v25 =	vmul.f32 v25, v29;
	v28 =	vsub.f32 $1.500000000e+00, v28;
	v57 =	vor.u32 v4, v22  }
0x42e: {  	v31 =	vmul.f32 v31, v35;
	v10 =	vld.idx.msk [tilespmem:v17+s13+$0x0], $0xffff;
	v59 =	vor.u32 v7, v34;
	v35 =	vmul.f32 v43, v52  }
0x42f: {  	v47 =	vld.idx.msk [tilespmem:v11+s13+$0x0], $0xffff;
	v60 =	vor.u32 v2, v33;
	[tilespmem:s26+$0x50] =	vst v25;
	v28 =	vmul.f32 v38, v28  }
0x430: {  	v11 =	vor.u32 v7, v33;
	[tilespmem:s23+$0x400] =	vst v31;
	v40 =	vmul.f32 v21, v21;
	v35 =	vsub.f32 $1.500000000e+00, v35;
	v55 =	vld.idx.msk [tilespmem:v58+s13+$0x0], $0xffff  }
0x431: {  	v44 =	vmul.f32 v44, v44;
	v58 =	vor.u32 v8, v33;
	v28 =	vmul.f32 v28, v30;
	v24 =	vld.idx.msk [tilespmem:v56+s13+$0x0], $0xffff  }
0x432: {  	v21 =	vor.u32 v2, v36;
	v35 =	vmul.f32 v43, v35;
	v42 =	vld.idx.msk [tilespmem:v57+s13+$0x0], $0xffff  }
0x433: {  	v41 =	vmul.f32 v41, v41;
	v40 =	vadd.f32 v44, v40;
	[tilespmem:s25+$0x50] =	vst v28;
	v57 =	vld.idx.msk [tilespmem:v59+s13+$0x0], $0xffff  }
0x434: {  	v32 =	vmul.f32 v35, v32;
	v59 =	vld.idx.msk [tilespmem:v60+s13+$0x0], $0xffff  }
0x435: {  	v29 =	vadd.f32 v41, v40;
	v40 =	vld.idx.msk [tilespmem:v11+s13+$0x0], $0xffff  }
0x436: {  	v56 =	vor.u32 v8, v34;
	v31 =	vld.idx.msk [tilespmem:v58+s13+$0x0], $0xffff;
	[tilespmem:s28+$0x50] =	vst v32  }
0x437: {  	v37 =	vmul.f32 v37, v39;
	v45 =	vmul.f32 v45, v45;
	v41 =	vld.idx.msk [tilespmem:v21+s13+$0x0], $0xffff  }
0x438: {  	v52 =	vor.u32 v7, v36;
	v50 =	vshra.s32 v29, $0x1;
	v51 =	vmul.f32 $5.000000000e-01, v29;
	v17 =	vld [tilespmem:$0x1FF00]  }
0x439: {  	v46 =	vmul.f32 v46, v46;
	v60 =	vor.u32 v8, v36;
	v25 =	vsub.s32 $0x5F3759DF, v50;
	v8 =	vld [tilespmem:$0x1FEC0]  }
0x43a: {  	v48 =	vmul.f32 v10, v10;
	v30 =	vmul.f32 v25, v51;
	v10 =	vld [tilespmem:$0x1FED0]  }
0x43b: {  	v47 =	vmul.f32 v47, v47;
	v35 =	vmul.f32 v55, v55;
	v44 =	vld.idx.msk [tilespmem:v56+s13+$0x0], $0xffff  }
0x43c: {  	v45 =	vadd.f32 v46, v45;
	v11 =	vld [tilespmem:$0x1FF10];
	v30 =	vmul.f32 v25, v30;
	v28 =	vmul.f32 v57, v57  }
0x43d: {  	v47 =	vadd.f32 v48, v47;
	v43 =	vld.idx.msk [tilespmem:v52+s13+$0x0], $0xffff;
	v24 =	vmul.f32 v24, v24;
	v42 =	vmul.f32 v42, v42  }
0x43e: {  	v15 =	vld [tilespmem:$0x1FEE0];
	v32 =	vmul.f32 v59, v59;
	v52 =	vmul.f32 v40, v40;
	v30 =	vsub.f32 $1.500000000e+00, v30  }
0x43f: {  	v31 =	vmul.f32 v31, v31;
	v28 =	vadd.f32 v28, v35;
	v24 =	vadd.f32 v42, v24  }
0x440: {  	v38 =	vld.idx.msk [tilespmem:v60+s13+$0x0], $0xffff;
	v46 =	vor.u32 v17, v22;
	v21 =	vor.u32 v8, v27;
	v44 =	vmul.f32 v44, v44  }
0x441: {  	v55 =	vor.u32 v10, v27;
	v48 =	vor.u32 v11, v22;
	v25 =	vmul.f32 v25, v30  }
0x442: {  	v56 =	vmul.f32 v41, v41;
	v32 =	vadd.f32 v52, v32;
	v28 =	vadd.f32 v44, v28  }
0x443: {  	v57 =	vor.u32 v15, v27;
	v43 =	vmul.f32 v43, v43;
	v25 =	vmul.f32 v25, v29  }
0x444: {  	v31 =	vadd.f32 v31, v32;
	v58 =	vshra.s32 v28, $0x1;
	v59 =	vmul.f32 $5.000000000e-01, v28  }
0x445: {  	v29 =	vadd.f32 v43, v56;
	v38 =	vmul.f32 v38, v38;
	[tilespmem:s0+$0x60] =	vst v25;
	v32 =	vsub.s32 $0x5F3759DF, v58  }
0x446: {  	v60 =	vshra.s32 v31, $0x1;
	v30 =	vld.idx.msk [tilespmem:v21+s13+$0x0], $0xffff;
	v21 =	vmul.f32 $5.000000000e-01, v31;
	v39 =	vmul.f32 v32, v59  }
0x447: {  	v41 =	vor.u32 v18, v23;
	v29 =	vadd.f32 v38, v29;
	v38 =	vsub.s32 $0x5F3759DF, v60;
	v40 =	vld.idx.msk [tilespmem:v55+s13+$0x0], $0xffff  }
0x448: {  	v25 =	vor.u32 v4, v23;
	v35 =	vld.idx.msk [tilespmem:v57+s13+$0x0], $0xffff;
	v42 =	vmul.f32 v38, v21;
	v39 =	vmul.f32 v32, v39  }
0x449: {  	v57 =	vor.u32 v17, v23;
	v52 =	vmul.f32 $5.000000000e-01, v29;
	v56 =	vshra.s32 v29, $0x1  }
0x44a: {  	[tilespmem:s24+$0x400] =	vst v37;
	v55 =	vld.idx.msk [tilespmem:v46+s13+$0x0], $0xffff;
	v46 =	vsub.s32 $0x5F3759DF, v56;
	v42 =	vmul.f32 v38, v42;
	v39 =	vsub.f32 $1.500000000e+00, v39  }
0x44b: {  	v48 =	vld.idx.msk [tilespmem:v48+s13+$0x0], $0xffff;
	v58 =	vor.u32 v11, v23;
	v43 =	vmul.f32 v46, v52;
	v30 =	vmul.f32 v30, v30  }
0x44c: {  	v60 =	vld.idx.msk [tilespmem:v41+s13+$0x0], $0xffff;
	v40 =	vmul.f32 v40, v40;
	v59 =	vsub.f32 $1.500000000e+00, v42;
	v32 =	vmul.f32 v32, v39  }
0x44d: {  	v34 =	vor.u32 v10, v34;
	v56 =	vld.idx.msk [tilespmem:v14+s13+$0x0], $0xffff;
	v35 =	vmul.f32 v35, v35;
	v43 =	vmul.f32 v46, v43  }
0x44e: {  	v25 =	vld.idx.msk [tilespmem:v25+s13+$0x0], $0xffff;
	v30 =	vadd.f32 v40, v30;
	v37 =	vmul.f32 v38, v59;
	v28 =	vmul.f32 v32, v28  }
0x44f: {  	v49 =	vor.u32 v8, v33;
	v21 =	vmul.f32 v55, v55;
	v50 =	vld.idx.msk [tilespmem:v57+s13+$0x0], $0xffff;
	v55 =	vor.u32 v10, v33  }
0x450: {  	v43 =	vsub.f32 $1.500000000e+00, v43;
	v30 =	vadd.f32 v35, v30;
	v35 =	vld.idx.msk [tilespmem:v58+s13+$0x0], $0xffff;
	v31 =	vmul.f32 v37, v31;
	[tilespmem:s26+$0x60] =	vst v28  }
0x451: {  	v48 =	vmul.f32 v48, v48;
	v42 =	vld.idx.msk [tilespmem:v0+s13+$0x0], $0xffff  }
0x452: {  	v57 =	vor.u32 v8, v36;
	v43 =	vmul.f32 v46, v43;
	[tilespmem:s25+$0x60] =	vst v31;
	v34 =	vld.idx.msk [tilespmem:v34+s13+$0x0], $0xffff  }
0x453: {  	v56 =	vmul.f32 v56, v56;
	v58 =	vor.u32 v10, v36;
	v10 =	vor.u32 v15, v33;
	v0 =	vld [tilespmem:$0x1FF20]  }
0x454: {  	v41 =	vadd.f32 v48, v21;
	v39 =	vmul.f32 v60, v60;
	v29 =	vmul.f32 v43, v29;
	v38 =	vld.idx.msk [tilespmem:v49+s13+$0x0], $0xffff  }
0x455: {  	v25 =	vmul.f32 v25, v25;
	v51 =	vshra.s32 v30, $0x1;
	v52 =	vmul.f32 $5.000000000e-01, v30;
	v37 =	vld.idx.msk [tilespmem:v55+s13+$0x0], $0xffff  }
0x456: {  	v41 =	vadd.f32 v41, v24;
	v40 =	vsub.s32 $0x5F3759DF, v51;
	[tilespmem:s28+$0x60] =	vst v29;
	v49 =	vor.u32 v15, v36;
	v51 =	vld.idx.msk [tilespmem:v3+s13+$0x0], $0xffff  }
0x457: {  	v32 =	vmul.f32 v50, v50;
	v50 =	vor.u32 v12, v27;
	v44 =	vmul.f32 v40, v52;
	v28 =	vld.idx.msk [tilespmem:v57+s13+$0x0], $0xffff  }
0x458: {  	v25 =	vadd.f32 v25, v39;
	v52 =	vor.u32 v13, v27;
	v35 =	vmul.f32 v35, v35;
	v24 =	vld.idx.msk [tilespmem:v10+s13+$0x0], $0xffff  }
0x459: {  	v31 =	vld.idx.msk [tilespmem:v58+s13+$0x0], $0xffff;
	v57 =	vor.u32 v62, v27;
	v59 =	vmul.f32 v40, v44;
	v44 =	vadd.f32 v47, v45  }
0x45a: {  	v32 =	vadd.f32 v35, v32;
	v60 =	vor.u32 v0, v22;
	v58 =	vmul.f32 v42, v42  }
0x45b: {  	v48 =	vsub.f32 $1.500000000e+00, v59;
	v38 =	vmul.f32 v38, v38;
	v43 =	vld.idx.msk [tilespmem:v49+s13+$0x0], $0xffff;
	v10 =	vmul.f32 v37, v37  }
0x45c: {  	v25 =	vadd.f32 v32, v25;
	v34 =	vmul.f32 v34, v34;
	v47 =	vmul.f32 v51, v51  }
0x45d: {  	v29 =	vmul.f32 v40, v48;
	v49 =	vmul.f32 v24, v24;
	v32 =	vadd.f32 v10, v38  }
0x45e: {  	v59 =	vor.u32 v61, v27;
	v28 =	vmul.f32 v28, v28;
	v31 =	vmul.f32 v31, v31  }
0x45f: {  	v29 =	vmul.f32 v29, v30;
	v32 =	vadd.f32 v49, v32;
	v55 =	vld.idx.msk [tilespmem:v60+s13+$0x0], $0xffff;
	v60 =	vadd.f32 v34, v58  }
0x460: {  	v23 =	vor.u32 v0, v23;
	v28 =	vadd.f32 v31, v28;
	v51 =	vmul.f32 v43, v43  }
0x461: {  	[tilespmem:s0+$0x70] =	vst v29;
	v58 =	vshra.s32 v32, $0x1;
	v29 =	vadd.f32 v47, v60;
	v60 =	vmul.f32 $5.000000000e-01, v32  }
0x462: {  	v48 =	vor.u32 v9, v27;
	v46 =	vld.idx.msk [tilespmem:v50+s13+$0x0], $0xffff;
	v42 =	vsub.s32 $0x5F3759DF, v58  }
0x463: {  	v22 =	vadd.f32 v44, v56;
	v35 =	vld.idx.msk [tilespmem:v52+s13+$0x0], $0xffff;
	v28 =	vadd.f32 v51, v28;
	v44 =	vmul.f32 v42, v60  }
0x464: {  	v30 =	vld.idx.msk [tilespmem:v57+s13+$0x0], $0xffff;
	v52 =	vshra.s32 v29, $0x1;
	v39 =	vmul.f32 v55, v55;
	v55 =	vmul.f32 $5.000000000e-01, v29  }
0x465: {  	v24 =	vor.u32 v53, v16;
	v50 =	vld.idx.msk [tilespmem:v59+s13+$0x0], $0xffff;
	v56 =	vsub.s32 $0x5F3759DF, v52  }
0x466: {  	v23 =	vld.idx.msk [tilespmem:v23+s13+$0x0], $0xffff;
	v59 =	vshra.s32 v28, $0x1;
	v44 =	vmul.f32 v42, v44;
	v57 =	vmul.f32 v56, v55  }
0x467: {  	v37 =	vld.idx.msk [tilespmem:v48+s13+$0x0], $0xffff;
	v48 =	vor.u32 v12, v24;
	v10 =	vmul.f32 $5.000000000e-01, v28;
	v43 =	vsub.s32 $0x5F3759DF, v59  }
0x468: {  	v34 =	vmul.f32 v46, v46;
	v51 =	vsub.f32 $1.500000000e+00, v44;
	v40 =	vmul.f32 v56, v57  }
0x469: {  	v59 =	vor.u32 v62, v33;
	v35 =	vmul.f32 v35, v35;
	v30 =	vmul.f32 v30, v30  }
0x46a: {  	v31 =	vmul.f32 v50, v50;
	v55 =	vmul.f32 v42, v51;
	v40 =	vsub.f32 $1.500000000e+00, v40  }
0x46b: {  	v60 =	vor.u32 v61, v33;
	v21 =	vmul.f32 v43, v10;
	v44 =	vmul.f32 v23, v23  }
0x46c: {  	v50 =	vor.u32 v13, v24;
	v23 =	vmul.f32 v55, v32;
	v38 =	vmul.f32 v56, v40  }
0x46d: {  	v34 =	vadd.f32 v35, v34;
	v30 =	vadd.f32 v31, v30;
	v31 =	vmul.f32 v43, v21  }
0x46e: {  	v53 =	vor.u32 v61, v24;
	v52 =	vor.u32 v62, v24;
	[tilespmem:s25+$0x70] =	vst v23;
	v29 =	vmul.f32 v38, v29  }
0x46f: {  	v49 =	vmul.f32 v37, v37;
	v30 =	vadd.f32 v30, v34;
	v31 =	vsub.f32 $1.500000000e+00, v31;
	v37 =	vld.idx.msk [tilespmem:v59+s13+$0x0], $0xffff  }
0x470: {  	v42 =	vor.u32 v13, v33;
	v59 =	vld.idx.msk [tilespmem:v60+s13+$0x0], $0xffff;
	[tilespmem:s26+$0x70] =	vst v29  }
0x471: {  	v10 =	vor.u32 v12, v36;
	v30 =	vadd.f32 v30, v49;
	v31 =	vmul.f32 v43, v31;
	v35 =	vld.idx.msk [tilespmem:v48+s13+$0x0], $0xffff  }
0x472: {  	v25 =	vadd.f32 v25, v44;
	v55 =	vor.u32 v9, v24;
	v56 =	vor.u32 v12, v33;
	v32 =	vld.idx.msk [tilespmem:v50+s13+$0x0], $0xffff  }
0x473: {  	v57 =	vshra.s32 v30, $0x1;
	v58 =	vmul.f32 $5.000000000e-01, v30;
	v28 =	vmul.f32 v31, v28;
	v38 =	vld.idx.msk [tilespmem:v52+s13+$0x0], $0xffff  }
0x474: {  	v40 =	vsub.s32 $0x5F3759DF, v57;
	v57 =	vor.u32 v13, v36;
	v60 =	vor.u32 v61, v36;
	v34 =	vld.idx.msk [tilespmem:v53+s13+$0x0], $0xffff  }
0x475: {  	v42 =	vld.idx.msk [tilespmem:v42+s13+$0x0], $0xffff;
	v45 =	vmul.f32 v40, v58;
	[tilespmem:s28+$0x70] =	vst v28;
	v52 =	vshra.s32 v22, $0x1;
	v53 =	vmul.f32 $5.000000000e-01, v22  }
0x476: {  	v23 =	vadd.f32 v41, v39;
	v58 =	vor.u32 v62, v36;
	v46 =	vld.idx.msk [tilespmem:v10+s13+$0x0], $0xffff;
	v39 =	vsub.s32 $0x5F3759DF, v52  }
0x477: {  	v10 =	vor.u32 v9, v33;
	v29 =	vld.idx.msk [tilespmem:v56+s13+$0x0], $0xffff;
	v56 =	vmul.f32 v40, v45;
	v47 =	vmul.f32 v39, v53  }
0x478: {  	v49 =	vld.idx.msk [tilespmem:v55+s13+$0x0], $0xffff;
	v55 =	vshra.s32 v23, $0x1;
	v35 =	vmul.f32 v35, v35;
	v32 =	vmul.f32 v32, v32  }
0x479: {  	v41 =	vsub.s32 $0x5F3759DF, v55;
	v21 =	vld.idx.msk [tilespmem:v57+s13+$0x0], $0xffff;
	v38 =	vmul.f32 v38, v38;
	v34 =	vmul.f32 v34, v34  }
0x47a: {  	v31 =	vsub.f32 $1.500000000e+00, v56;
	v53 =	vor.u32 v9, v36;
	v42 =	vmul.f32 v42, v42;
	v43 =	vld.idx.msk [tilespmem:v60+s13+$0x0], $0xffff  }
0x47b: {  	v37 =	vmul.f32 v37, v37;
	v52 =	vld.idx.msk [tilespmem:v58+s13+$0x0], $0xffff;
	v32 =	vadd.f32 v32, v35;
	v34 =	vadd.f32 v34, v38  }
0x47c: {  	v55 =	vor.u32 v11, v27;
	v28 =	vmul.f32 v59, v59;
	v56 =	vld.idx.msk [tilespmem:v10+s13+$0x0], $0xffff;
	v29 =	vmul.f32 v29, v29  }
0x47d: {  	v31 =	vmul.f32 v40, v31;
	v57 =	vmul.f32 v49, v49;
	v32 =	vadd.f32 v34, v32  }
0x47e: {  	v28 =	vadd.f32 v28, v37;
	v58 =	vmul.f32 v46, v46;
	v29 =	vadd.f32 v42, v29  }
0x47f: {  	v30 =	vmul.f32 v31, v30;
	v44 =	vmul.f32 v21, v21;
	v38 =	vld.idx.msk [tilespmem:v53+s13+$0x0], $0xffff;
	v32 =	vadd.f32 v32, v57  }
0x480: {  	v60 =	vmul.f32 v43, v43;
	v59 =	vmul.f32 v52, v52;
	v28 =	vadd.f32 v28, v29  }
0x481: {  	v10 =	vmul.f32 v56, v56;
	v21 =	vshra.s32 v32, $0x1;
	v48 =	vmul.f32 $5.000000000e-01, v32  }
0x482: {  	v37 =	vadd.f32 v44, v58;
	v29 =	vadd.f32 v60, v59;
	v49 =	vsub.s32 $0x5F3759DF, v21  }
0x483: {  	v42 =	vor.u32 v4, v27;
	v28 =	vadd.f32 v28, v10;
	v50 =	vmul.f32 v49, v48  }
0x484: {  	v43 =	vor.u32 v17, v27;
	v29 =	vadd.f32 v29, v37;
	v51 =	vmul.f32 v38, v38  }
0x485: {  	v52 =	vshra.s32 v28, $0x1;
	v53 =	vmul.f32 $5.000000000e-01, v28;
	v31 =	vmul.f32 v49, v50  }
0x486: {  	v34 =	vor.u32 v18, v27;
	v29 =	vadd.f32 v29, v51;
	v56 =	vsub.s32 $0x5F3759DF, v52  }
0x487: {  	[tilespmem:s0+$0x400] =	vst v30;
	v27 =	vor.u32 v0, v27;
	v57 =	vmul.f32 v56, v53;
	v31 =	vsub.f32 $1.500000000e+00, v31  }
0x488: {  	v58 =	vmul.f32 v39, v47;
	v45 =	vld.idx.msk [tilespmem:v55+s13+$0x0], $0xffff;
	v59 =	vor.u32 v18, v24;
	v60 =	vmul.f32 $5.000000000e-01, v29  }
0x489: {  	v42 =	vld.idx.msk [tilespmem:v42+s13+$0x0], $0xffff;
	v10 =	vshra.s32 v29, $0x1;
	v30 =	vmul.f32 v56, v57;
	v31 =	vmul.f32 v49, v31  }
0x48a: {  	v43 =	vld.idx.msk [tilespmem:v43+s13+$0x0], $0xffff;
	v21 =	vor.u32 v4, v24;
	v52 =	vor.u32 v17, v24;
	v47 =	vsub.s32 $0x5F3759DF, v10  }
0x48b: {  	v34 =	vld.idx.msk [tilespmem:v34+s13+$0x0], $0xffff;
	v46 =	vmul.f32 v47, v60;
	v30 =	vsub.f32 $1.500000000e+00, v30;
	v31 =	vmul.f32 v31, v32  }
0x48c: {  	v40 =	vmul.f32 $5.000000000e-01, v23;
	v55 =	vor.u32 v11, v24;
	v38 =	vsub.f32 $1.500000000e+00, v58;
	v27 =	vld.idx.msk [tilespmem:v27+s13+$0x0], $0xffff  }
0x48d: {  	v46 =	vmul.f32 v47, v46;
	v30 =	vmul.f32 v56, v30;
	v56 =	vor.u32 v18, v33;
	[tilespmem:s26+$0x400] =	vst v31  }
0x48e: {  	v58 =	vor.u32 v4, v33;
	v53 =	vmul.f32 v41, v40;
	v32 =	vmul.f32 v39, v38;
	v39 =	vld.idx.msk [tilespmem:v59+s13+$0x0], $0xffff  }
0x48f: {  	v10 =	vor.u32 v11, v33;
	v46 =	vsub.f32 $1.500000000e+00, v46;
	v28 =	vmul.f32 v30, v28;
	v30 =	vld.idx.msk [tilespmem:v21+s13+$0x0], $0xffff  }
0x490: {  	v24 =	vor.u32 v0, v24;
	v57 =	vmul.f32 v41, v53;
	v48 =	vld.idx.msk [tilespmem:v52+s13+$0x0], $0xffff  }
0x491: {  	v53 =	vor.u32 v17, v36;
	v46 =	vmul.f32 v47, v46;
	[tilespmem:s25+$0x400] =	vst v28;
	v49 =	vld.idx.msk [tilespmem:v55+s13+$0x0], $0xffff  }
0x492: {  	v51 =	vmul.f32 v45, v45;
	v31 =	vsub.f32 $1.500000000e+00, v57;
	v57 =	vor.u32 v11, v36;
	v37 =	vld.idx.msk [tilespmem:v56+s13+$0x0], $0xffff  }
0x493: {  	v50 =	vmul.f32 v43, v43;
	v59 =	vor.u32 v17, v33;
	v29 =	vmul.f32 v46, v29;
	v38 =	vld.idx.msk [tilespmem:v58+s13+$0x0], $0xffff  }
0x494: {  	v60 =	vmul.f32 v42, v42;
	v34 =	vmul.f32 v34, v34;
	v21 =	vor.u32 v18, v36;
	v42 =	vld.idx.msk [tilespmem:v10+s13+$0x0], $0xffff  }
0x495: {  	v52 =	vor.u32 v4, v36;
	v24 =	vld.idx.msk [tilespmem:v24+s13+$0x0], $0xffff;
	[tilespmem:s28+$0x400] =	vst v29  }
0x496: {  	v34 =	vadd.f32 v60, v34;
	v55 =	vadd.f32 v51, v50;
	v11 =	vld.idx.msk [tilespmem:v53+s13+$0x0], $0xffff  }
0x497: {  	v27 =	vmul.f32 v27, v27;
	v33 =	vor.u32 v0, v33;
	v31 =	vmul.f32 v41, v31;
	v43 =	vld.idx.msk [tilespmem:v57+s13+$0x0], $0xffff  }
0x498: {  	v34 =	vadd.f32 v55, v34;
	v56 =	vld.idx.msk [tilespmem:v59+s13+$0x0], $0xffff;
	v59 =	vmul.f32 $5.000000000e-01, v25;
	v39 =	vmul.f32 v39, v39  }
0x499: {  	v36 =	vor.u32 v0, v36;
	v60 =	vld.idx.msk [tilespmem:v21+s13+$0x0], $0xffff;
	v30 =	vmul.f32 v30, v30;
	v21 =	vmul.f32 v48, v48  }
0x49a: {  	v27 =	vadd.f32 v34, v27;
	v10 =	vld.idx.msk [tilespmem:v52+s13+$0x0], $0xffff;
	v28 =	vmul.f32 v49, v49;
	v47 =	vmul.f32 v37, v37  }
0x49b: {  	v58 =	vshra.s32 v25, $0x1;
	v48 =	vmul.f32 v38, v38;
	v50 =	vmul.f32 v42, v42  }
0x49c: {  	v35 =	vsub.s32 $0x5F3759DF, v58;
	v24 =	vmul.f32 v24, v24;
	v57 =	vmul.f32 $5.000000000e-01, v27  }
0x49d: {  	v33 =	vld.idx.msk [tilespmem:v33+s13+$0x0], $0xffff;
	v29 =	vmul.f32 v35, v59;
	v30 =	vadd.f32 v30, v39;
	v53 =	vmul.f32 v11, v11  }
0x49e: {  	v36 =	vld.idx.msk [tilespmem:v36+s13+$0x0], $0xffff;
	v28 =	vadd.f32 v28, v21;
	v55 =	vmul.f32 v43, v43;
	v49 =	vmul.f32 v56, v56  }
0x49f: {  	v34 =	vadd.f32 v48, v47;
	v51 =	vmul.f32 v60, v60;
	v52 =	vmul.f32 v10, v10  }
0x4a0: {  	v29 =	vmul.f32 v35, v29;
	v28 =	vadd.f32 v28, v30;
	v37 =	vadd.f32 v50, v49  }
0x4a1: {  	v56 =	vshra.s32 v27, $0x1;
	v40 =	vadd.f32 v55, v53;
	v30 =	vadd.f32 v52, v51  }
0x4a2: {  	v58 =	vmul.f32 v33, v33;
	v24 =	vadd.f32 v28, v24;
	v34 =	vadd.f32 v37, v34  }
0x4a3: {  	v36 =	vmul.f32 v36, v36;
	v59 =	vsub.s32 $0x5F3759DF, v56;
	v30 =	vadd.f32 v40, v30  }
0x4a4: {  	v60 =	vshra.s32 v24, $0x1;
	v10 =	vmul.f32 $5.000000000e-01, v24;
	v28 =	vadd.f32 v34, v58  }
0x4a5: {  	v11 =	vmul.f32 v59, v57;
	v37 =	vsub.s32 $0x5F3759DF, v60;
	v30 =	vadd.f32 v30, v36  }
0x4a6: {  	v21 =	vmul.f32 v37, v10;
	v44 =	vshra.s32 v28, $0x1;
	v45 =	vmul.f32 $5.000000000e-01, v28  }
0x4a7: {  	v46 =	vshra.s32 v30, $0x1;
	v47 =	vmul.f32 $5.000000000e-01, v30;
	v38 =	vsub.s32 $0x5F3759DF, v44  }
0x4a8: {  	v34 =	vmul.f32 v59, v11;
	v40 =	vsub.s32 $0x5F3759DF, v46;
	v39 =	vmul.f32 v38, v45  }
0x4a9: {  	v29 =	vsub.f32 $1.500000000e+00, v29;
	v36 =	vmul.f32 v37, v21;
	v41 =	vmul.f32 v40, v47  }
0x4aa: {  	v22 =	vmul.f32 v32, v22;
	v34 =	vsub.f32 $1.500000000e+00, v34;
	v48 =	vmul.f32 v38, v39  }
0x4ab: {  	v29 =	vmul.f32 v35, v29;
	v49 =	vsub.f32 $1.500000000e+00, v36;
	v50 =	vmul.f32 v40, v41  }
0x4ac: {  	[tilespmem:s21+$0x410] =	vst v26;
	v23 =	vmul.f32 v31, v23;
	v51 =	vmul.f32 v59, v34;
	v52 =	vsub.f32 $1.500000000e+00, v48  }
0x4ad: {  	[tilespmem:s22+$0x410] =	vst v22;
	v25 =	vmul.f32 v29, v25;
	v53 =	vmul.f32 v37, v49;
	v55 =	vsub.f32 $1.500000000e+00, v50  }
0x4ae: {  	[tilespmem:s23+$0x410] =	vst v23;
	v56 =	vmul.f32 v51, v27;
	v57 =	vmul.f32 v38, v52  }
0x4af: {  	[tilespmem:s24+$0x410] =	vst v25;
	v22 =	vmul.f32 v53, v24;
	v58 =	vmul.f32 v40, v55  }
0x4b0: {  	[tilespmem:s0+$0x410] =	vst v56;
	v59 =	vmul.f32 v57, v28  }
0x4b1: {  	[tilespmem:s26+$0x410] =	vst v22;
	v60 =	vmul.f32 v58, v30  }
0x4b2: {  	[tilespmem:s25+$0x410] =	vst v59  }
0x4b3: {  	[tilespmem:s28+$0x410] =	vst v60  }
0x4b4: {  	s31 =	simm.s32 $0x19000;
	s21 =	simm.s32 $0x1;
	s0 =	rddreg [dreg:$0x7]  }
0x4b5: {  	v12 =	vmov v9;
	v51 =	vmov v6;
	[hbm4b:s0+s2] =	stream.linear.scatter [tilespmem:s31], [sflag:$0x4], $0x5000, $0x38;
	[tilespmem:$0x1E000] =	vst v63  }
.LBB2_6:
0x4b6: {  	v15 =	vld [tilespmem:$0x1FEA0];
	s23 =	sshll.u32 s21, $0x6;
	s0 =	rddreg [dreg:$0x2]  }
0x4b7: {  	v6 =	vld [tilespmem:$0x1FEC0];
	s24 =	sor.u32 s0, s23  }
0x4b8: {  	v14 =	vld [tilespmem:$0x1FEF0];
	s0 =	sor.u32 $0x20, s24  }
0x4b9: {  	v11 =	vld [tilespmem:$0x1FEE0];
	s22 =	smin.u32 s0, $0x4E1  }
0x4ba: {  	v9 =	vld [tilespmem:$0x1FF10];
	s0 =	smul.u32 $0x1400, s22  }
0x4bb: {  	v8 =	vld [tilespmem:$0x1FF20]  }
0x4bc: {  	v0 =	vld [tilespmem:$0x1FED0];
	s1 =	simm.s32 $0x0;
	s0 =	sadd.s32 s4, s0  }
0x4bd: {  	v10 =	vld [tilespmem:$0x1FF00];
	[tilespmem:s13], [sflag:$0x2] =	stream.linear.gather [hbm4b:s0+s1], $0xA000, $0x38  }
0x4be: {  	v3 =	vld [tilespmem:$0x1FEB0];
	_ =	swait.ge [sflag:s14], $0xA000  }
0x4bf: {  	[sflag:s14] =	ssyncset.done $0x0  }
0x4c0: {  	[sflag:s14] =	ssyncadd.s32 $0xFFFF6000  }
0x4c1: {  	s26 =	simm.s32 $0x180;
	s6 =	simm.s32 $0x0;
	_ =	swait.ge [sflag:s18], $0x5000  }
0x4c2: {  	s7 =	sand.u32 $0x3FFFF000, s6;
	s0 =	sand.u32 $0x380, s26;
	[sflag:s18] =	ssyncset.done $0x0  }
0x4c3: {  	s8 =	sor.u32 s0, s7;
	[sflag:s18] =	ssyncadd.s32 $0xFFFFB000  }
0x4c4: {  	v22 =	vld [tilespmem:s8+$0x0];
	_ =	sdelay $0x1  }
0x4c5: {  	s3 =	simm.s32 $0x0;
	s9 =	simm.s32 $0x0  }
0x4c6: {  	s10 =	simm.s32 $0x80;
	s12 =	sand.u32 $0x200, s3;
	s9 =	sand.u32 $0x3FFFF800, s9  }
0x4c7: {  	s11 =	sand.u32 $0x280, s10;
	s16 =	sor.u32 s12, s7;
	s15 =	sadd.s32 $0x14000, s9  }
0x4c8: {  	s17 =	sor.u32 s11, s7;
	s25 =	sor.u32 s0, s15;
	v23 =	vld [tilespmem:s16+$0x0];
	v22 =	vand.u32 $0x7FFFFFFF, v22  }
0x4c9: {  	v24 =	vld [tilespmem:s17+$0x0];
	[tilespmem:s25+$0x0] =	vst v22  }
0x4ca: {  	v22 =	vld [tilespmem:s8+$0x10]  }
0x4cb: {  	s3 =	simm.s32 $0x100  }
0x4cc: {  	s20 =	sand.u32 $0x300, s3  }
0x4cd: {  	s26 =	sor.u32 s12, s15;
	s0 =	sor.u32 s20, s7;
	v23 =	vand.u32 $0x7FFFFFFF, v23  }
0x4ce: {  	s28 =	sor.u32 s11, s15;
	v25 =	vld [tilespmem:s0+$0x0];
	[tilespmem:s26+$0x0] =	vst v23;
	v23 =	vand.u32 $0x7FFFFFFF, v24  }
0x4cf: {  	[tilespmem:s28+$0x0] =	vst v23;
	v23 =	vld [tilespmem:s16+$0x10];
	v22 =	vand.u32 $0x7FFFFFFF, v22  }
0x4d0: {  	v24 =	vld [tilespmem:s17+$0x10];
	[tilespmem:s25+$0x10] =	vst v22  }
0x4d1: {  	v22 =	vld [tilespmem:s8+$0x20];
	_ =	sdelay $0x1  }
0x4d2: {  	s29 =	sor.u32 s20, s15;
	v25 =	vand.u32 $0x7FFFFFFF, v25  }
0x4d3: {  	[tilespmem:s29+$0x0] =	vst v25;
	v23 =	vand.u32 $0x7FFFFFFF, v23  }
0x4d4: {  	s11 =	simm.s32 $0x3;
	v25 =	vld [tilespmem:s0+$0x10];
	[tilespmem:s26+$0x10] =	vst v23;
	v23 =	vand.u32 $0x7FFFFFFF, v24  }
0x4d5: {  	v24 =	vld [tilespmem:s16+$0x20];
	[tilespmem:s28+$0x10] =	vst v23;
	v23 =	vmov s11;
	v22 =	vand.u32 $0x7FFFFFFF, v22  }
0x4d6: {  	v26 =	vld [tilespmem:s17+$0x20];
	v27 =	vshll.u32 v23, $0x9;
	[tilespmem:s25+$0x20] =	vst v22;
	v22 =	vshll.u32 v23, $0x7  }
0x4d7: {  	v23 =	vand.u32 $0xF000, v27;
	v27 =	vld [tilespmem:s8+$0x30];
	v22 =	vand.u32 $0x380, v22  }
0x4d8: {  	s15 =	simm.s32 $0x2;
	v28 =	vor.u32 v22, v23  }
0x4d9: {  	v32 =	vmov s15;
	v23 =	vand.u32 $0x7FFFFFFF, v25;
	v29 =	vor.u32 v51, v28  }
0x4da: {  	v22 =	vmov s1;
	[tilespmem:s29+$0x10] =	vst v23;
	v23 =	vand.u32 $0x7FFFFFFF, v24;
	v30 =	vor.u32 v54, v28  }
0x4db: {  	v36 =	vshll.u32 v32, $0x9;
	v25 =	vshll.u32 v22, $0x9;
	v31 =	vld [tilespmem:s0+$0x20];
	[tilespmem:s26+$0x20] =	vst v23;
	v23 =	vand.u32 $0x7FFFFFFF, v26  }
0x4dc: {  	s12 =	simm.s32 $0x1;
	v22 =	vshll.u32 v22, $0x7;
	[tilespmem:s28+$0x20] =	vst v23;
	v23 =	vand.u32 $0x7FFFFFFF, v27;
	v27 =	vor.u32 v15, v28  }
0x4dd: {  	v24 =	vmov s12;
	v34 =	vand.u32 $0xF000, v25;
	v26 =	vand.u32 $0x200, v22;
	v33 =	vld [tilespmem:s16+$0x30];
	[tilespmem:s25+$0x30] =	vst v23  }
0x4de: {  	v22 =	vshll.u32 v24, $0x9;
	v23 =	vshll.u32 v24, $0x7;
	v24 =	vor.u32 v26, v34;
	v29 =	vld.idx.msk [tilespmem:v29+s2+$0x0], $0xffff  }
0x4df: {  	v32 =	vshll.u32 v32, $0x7;
	v22 =	vand.u32 $0xF000, v22;
	v30 =	vld.idx.msk [tilespmem:v30+s2+$0x0], $0xffff;
	v40 =	vor.u32 v51, v24  }
0x4e0: {  	v35 =	vld [tilespmem:s17+$0x30];
	v23 =	vand.u32 $0x280, v23;
	v37 =	vor.u32 v54, v24;
	v31 =	vand.u32 $0x7FFFFFFF, v31  }
0x4e1: {  	v19 =	vand.u32 $0xF000, v36;
	v38 =	vor.u32 v15, v24;
	v22 =	vor.u32 v23, v22;
	[tilespmem:s29+$0x20] =	vst v31;
	v27 =	vld.idx.msk [tilespmem:v27+s2+$0x0], $0xffff  }
0x4e2: {  	v32 =	vand.u32 $0x300, v32;
	v31 =	vor.u32 v51, v22;
	v33 =	vand.u32 $0x7FFFFFFF, v33;
	v41 =	vld [tilespmem:s0+$0x30]  }
0x4e3: {  	v23 =	vor.u32 v32, v19;
	v42 =	vor.u32 v54, v22;
	[tilespmem:s26+$0x30] =	vst v33  }
0x4e4: {  	v43 =	vor.u32 v51, v23;
	v29 =	vmul.f32 v29, v29;
	v30 =	vmul.f32 v30, v30;
	v36 =	vld.idx.msk [tilespmem:v40+s2+$0x0], $0xffff  }
0x4e5: {  	v44 =	vor.u32 v54, v23;
	v45 =	vor.u32 v15, v22;
	v35 =	vand.u32 $0x7FFFFFFF, v35;
	v37 =	vld.idx.msk [tilespmem:v37+s2+$0x0], $0xffff  }
0x4e6: {  	[tilespmem:s28+$0x30] =	vst v35;
	v38 =	vld.idx.msk [tilespmem:v38+s2+$0x0], $0xffff;
	v29 =	vadd.f32 v30, v29;
	v27 =	vmul.f32 v27, v27  }
0x4e7: {  	v31 =	vld.idx.msk [tilespmem:v31+s2+$0x0], $0xffff;
	v30 =	vand.u32 $0x7FFFFFFF, v41  }
0x4e8: {  	[tilespmem:s29+$0x30] =	vst v30;
	v30 =	vld.idx.msk [tilespmem:v42+s2+$0x0], $0xffff;
	v27 =	vadd.f32 v27, v29  }
0x4e9: {  	v29 =	vor.u32 v15, v23;
	v33 =	vld.idx.msk [tilespmem:v43+s2+$0x0], $0xffff  }
0x4ea: {  	v46 =	vld.idx.msk [tilespmem:v44+s2+$0x0], $0xffff;
	v47 =	vshra.s32 v27, $0x1;
	v39 =	vmul.f32 $5.000000000e-01, v27  }
0x4eb: {  	v32 =	vld.idx.msk [tilespmem:v45+s2+$0x0], $0xffff;
	v36 =	vmul.f32 v36, v36;
	v37 =	vmul.f32 v37, v37;
	v35 =	vsub.s32 $0x5F3759DF, v47  }
0x4ec: {  	v39 =	vmul.f32 v35, v39  }
0x4ed: {  	v48 =	vmul.f32 v38, v38;
	v31 =	vmul.f32 v31, v31;
	v36 =	vadd.f32 v37, v36  }
0x4ee: {  	v30 =	vmul.f32 v30, v30;
	v29 =	vld.idx.msk [tilespmem:v29+s2+$0x0], $0xffff;
	v39 =	vmul.f32 v35, v39  }
0x4ef: {  	v51 =	vadd.f32 v48, v36;
	v33 =	vmul.f32 v33, v33;
	v34 =	vmul.f32 v46, v46  }
0x4f0: {  	v30 =	vadd.f32 v30, v31;
	v31 =	vmul.f32 v32, v32;
	v49 =	vsub.f32 $1.500000000e+00, v39  }
0x4f1: {  	v53 =	vor.u32 v1, v28;
	v36 =	vshra.s32 v51, $0x1;
	v37 =	vmul.f32 $5.000000000e-01, v51  }
0x4f2: {  	v50 =	vadd.f32 v34, v33;
	v30 =	vadd.f32 v31, v30;
	v52 =	vmul.f32 v35, v49  }
0x4f3: {  	v54 =	vsub.s32 $0x5F3759DF, v36;
	v31 =	vor.u32 v5, v28;
	v29 =	vmul.f32 v29, v29  }
0x4f4: {  	v56 =	vshra.s32 v30, $0x1;
	v57 =	vmul.f32 $5.000000000e-01, v30;
	v27 =	vmul.f32 v52, v27  }
0x4f5: {  	v55 =	vor.u32 v63, v28;
	v37 =	vmul.f32 v54, v37;
	v36 =	vsub.s32 $0x5F3759DF, v56  }
0x4f6: {  	v29 =	vadd.f32 v29, v50;
	v38 =	vmul.f32 v36, v57;
	[tilespmem:s25+$0x40] =	vst v27  }
0x4f7: {  	v37 =	vmul.f32 v54, v37;
	v35 =	vld.idx.msk [tilespmem:v53+s2+$0x0], $0xffff  }
0x4f8: {  	v27 =	vmul.f32 $5.000000000e-01, v29;
	v58 =	vshra.s32 v29, $0x1;
	v38 =	vmul.f32 v36, v38;
	v31 =	vld.idx.msk [tilespmem:v31+s2+$0x0], $0xffff  }
0x4f9: {  	v37 =	vsub.f32 $1.500000000e+00, v37;
	v39 =	vsub.s32 $0x5F3759DF, v58  }
0x4fa: {  	v34 =	vld.idx.msk [tilespmem:v55+s2+$0x0], $0xffff;
	v27 =	vmul.f32 v39, v27;
	v38 =	vsub.f32 $1.500000000e+00, v38  }
0x4fb: {  	v59 =	vor.u32 v1, v22;
	v32 =	vmul.f32 v54, v37  }
0x4fc: {  	v40 =	vor.u32 v1, v24;
	v27 =	vmul.f32 v39, v27;
	v36 =	vmul.f32 v36, v38  }
0x4fd: {  	v60 =	vor.u32 v5, v22;
	v35 =	vmul.f32 v35, v35;
	v31 =	vmul.f32 v31, v31  }
0x4fe: {  	v41 =	vor.u32 v5, v24;
	v32 =	vmul.f32 v32, v51;
	v27 =	vsub.f32 $1.500000000e+00, v27  }
0x4ff: {  	v34 =	vmul.f32 v34, v34;
	v30 =	vmul.f32 v36, v30;
	v31 =	vadd.f32 v31, v35  }
0x500: {  	v19 =	vor.u32 v63, v24;
	[tilespmem:s26+$0x40] =	vst v32;
	v27 =	vmul.f32 v39, v27  }
0x501: {  	v17 =	vld.idx.msk [tilespmem:v40+s2+$0x0], $0xffff;
	[tilespmem:s28+$0x40] =	vst v30;
	v30 =	vor.u32 v63, v22;
	v31 =	vadd.f32 v34, v31  }
0x502: {  	v15 =	vor.u32 v1, v23;
	v37 =	vld.idx.msk [tilespmem:v59+s2+$0x0], $0xffff;
	v27 =	vmul.f32 v27, v29  }
0x503: {  	v16 =	vor.u32 v5, v23;
	v29 =	vld.idx.msk [tilespmem:v41+s2+$0x0], $0xffff;
	v42 =	vshra.s32 v31, $0x1;
	v43 =	vmul.f32 $5.000000000e-01, v31  }
0x504: {  	v44 =	vor.u32 v63, v23;
	[tilespmem:s29+$0x40] =	vst v27;
	v27 =	vld.idx.msk [tilespmem:v60+s2+$0x0], $0xffff;
	v38 =	vsub.s32 $0x5F3759DF, v42  }
0x505: {  	v34 =	vld.idx.msk [tilespmem:v19+s2+$0x0], $0xffff;
	v39 =	vmul.f32 v38, v43  }
0x506: {  	v30 =	vld.idx.msk [tilespmem:v30+s2+$0x0], $0xffff  }
0x507: {  	v35 =	vld.idx.msk [tilespmem:v15+s2+$0x0], $0xffff;
	v39 =	vmul.f32 v38, v39  }
0x508: {  	v47 =	vor.u32 v7, v28;
	v32 =	vld.idx.msk [tilespmem:v16+s2+$0x0], $0xffff  }
0x509: {  	v33 =	vld.idx.msk [tilespmem:v44+s2+$0x0], $0xffff;
	v37 =	vmul.f32 v37, v37;
	v27 =	vmul.f32 v27, v27;
	v39 =	vsub.f32 $1.500000000e+00, v39  }
0x50a: {  	v46 =	vor.u32 v2, v28;
	v36 =	vmul.f32 v17, v17;
	v29 =	vmul.f32 v29, v29  }
0x50b: {  	v30 =	vmul.f32 v30, v30;
	v27 =	vadd.f32 v27, v37;
	v45 =	vmul.f32 v38, v39  }
0x50c: {  	v34 =	vmul.f32 v34, v34;
	v29 =	vadd.f32 v29, v36;
	v35 =	vmul.f32 v35, v35  }
0x50d: {  	v32 =	vmul.f32 v32, v32;
	v27 =	vadd.f32 v30, v27;
	v31 =	vmul.f32 v45, v31  }
0x50e: {  	v48 =	vor.u32 v3, v28;
	v33 =	vmul.f32 v33, v33;
	v29 =	vadd.f32 v34, v29  }
0x50f: {  	v32 =	vadd.f32 v32, v35;
	v50 =	vshra.s32 v27, $0x1;
	v51 =	vmul.f32 $5.000000000e-01, v27;
	[tilespmem:s25+$0x50] =	vst v31  }
0x510: {  	v30 =	vshra.s32 v29, $0x1;
	v31 =	vmul.f32 $5.000000000e-01, v29;
	v35 =	vsub.s32 $0x5F3759DF, v50;
	v49 =	vld.idx.msk [tilespmem:v46+s2+$0x0], $0xffff  }
0x511: {  	v32 =	vadd.f32 v33, v32;
	v30 =	vsub.s32 $0x5F3759DF, v30;
	v37 =	vld.idx.msk [tilespmem:v47+s2+$0x0], $0xffff;
	v36 =	vmul.f32 v35, v51  }
0x512: {  	v31 =	vmul.f32 v30, v31  }
0x513: {  	v52 =	vshra.s32 v32, $0x1;
	v53 =	vmul.f32 $5.000000000e-01, v32;
	v34 =	vld.idx.msk [tilespmem:v48+s2+$0x0], $0xffff;
	v36 =	vmul.f32 v35, v36  }
0x514: {  	v38 =	vsub.s32 $0x5F3759DF, v52;
	v31 =	vmul.f32 v30, v31  }
0x515: {  	v39 =	vmul.f32 v38, v53;
	v36 =	vsub.f32 $1.500000000e+00, v36  }
0x516: {  	v31 =	vsub.f32 $1.500000000e+00, v31;
	v33 =	vmul.f32 v49, v49;
	v37 =	vmul.f32 v37, v37  }
0x517: {  	v57 =	vor.u32 v2, v22;
	v39 =	vmul.f32 v38, v39;
	v35 =	vmul.f32 v35, v36  }
0x518: {  	v55 =	vmul.f32 v34, v34;
	v30 =	vmul.f32 v30, v31;
	v31 =	vadd.f32 v37, v33  }
0x519: {  	v54 =	vor.u32 v2, v24;
	v39 =	vsub.f32 $1.500000000e+00, v39;
	v27 =	vmul.f32 v35, v27  }
0x51a: {  	v56 =	vor.u32 v7, v24;
	v29 =	vmul.f32 v30, v29;
	v30 =	vadd.f32 v55, v31  }
0x51b: {  	v58 =	vor.u32 v2, v23;
	v59 =	vmul.f32 v38, v39;
	[tilespmem:s28+$0x50] =	vst v27  }
0x51c: {  	v1 =	vor.u32 v7, v23;
	[tilespmem:s26+$0x50] =	vst v29;
	v29 =	vshra.s32 v30, $0x1;
	v60 =	vmul.f32 $5.000000000e-01, v30  }
0x51d: {  	v31 =	vor.u32 v7, v22;
	v32 =	vmul.f32 v59, v32;
	v7 =	vld.idx.msk [tilespmem:v57+s2+$0x0], $0xffff;
	v29 =	vsub.s32 $0x5F3759DF, v29  }
0x51e: {  	v63 =	vor.u32 v3, v24;
	v40 =	vld.idx.msk [tilespmem:v54+s2+$0x0], $0xffff;
	v2 =	vmul.f32 v29, v60  }
0x51f: {  	v5 =	vor.u32 v3, v22;
	[tilespmem:s29+$0x50] =	vst v32;
	v27 =	vld.idx.msk [tilespmem:v56+s2+$0x0], $0xffff  }
0x520: {  	v15 =	vor.u32 v3, v23;
	v33 =	vld.idx.msk [tilespmem:v58+s2+$0x0], $0xffff;
	v16 =	vmul.f32 v29, v2  }
0x521: {  	v17 =	vld.idx.msk [tilespmem:v1+s2+$0x0], $0xffff  }
0x522: {  	v31 =	vld.idx.msk [tilespmem:v31+s2+$0x0], $0xffff;
	v32 =	vsub.f32 $1.500000000e+00, v16  }
0x523: {  	v38 =	vld.idx.msk [tilespmem:v63+s2+$0x0], $0xffff  }
0x524: {  	v19 =	vor.u32 v6, v28;
	v35 =	vld.idx.msk [tilespmem:v5+s2+$0x0], $0xffff;
	v29 =	vmul.f32 v29, v32  }
0x525: {  	v45 =	vor.u32 v0, v28;
	v37 =	vld.idx.msk [tilespmem:v15+s2+$0x0], $0xffff;
	v36 =	vmul.f32 v7, v7;
	v44 =	vmul.f32 v40, v40  }
0x526: {  	v27 =	vmul.f32 v27, v27;
	v29 =	vmul.f32 v29, v30  }
0x527: {  	v46 =	vor.u32 v11, v28;
	v34 =	vmul.f32 v17, v17;
	v30 =	vmul.f32 v31, v31  }
0x528: {  	v38 =	vmul.f32 v38, v38;
	v27 =	vadd.f32 v27, v44;
	v31 =	vmul.f32 v33, v33;
	[tilespmem:s25+$0x60] =	vst v29  }
0x529: {  	v29 =	vadd.f32 v30, v36;
	v30 =	vmul.f32 v35, v35;
	v32 =	vld.idx.msk [tilespmem:v19+s2+$0x0], $0xffff  }
0x52a: {  	v47 =	vmul.f32 v37, v37;
	v27 =	vadd.f32 v38, v27;
	v31 =	vadd.f32 v34, v31;
	v48 =	vld.idx.msk [tilespmem:v45+s2+$0x0], $0xffff  }
0x52b: {  	v29 =	vadd.f32 v30, v29  }
0x52c: {  	v49 =	vmul.f32 $5.000000000e-01, v27;
	v33 =	vld.idx.msk [tilespmem:v46+s2+$0x0], $0xffff;
	v30 =	vshra.s32 v27, $0x1;
	v31 =	vadd.f32 v47, v31  }
0x52d: {  	v30 =	vsub.s32 $0x5F3759DF, v30;
	v51 =	vmul.f32 $5.000000000e-01, v29  }
0x52e: {  	v50 =	vshra.s32 v29, $0x1;
	v52 =	vmul.f32 $5.000000000e-01, v31;
	v36 =	vmul.f32 v30, v49  }
0x52f: {  	v53 =	vshra.s32 v31, $0x1;
	v32 =	vmul.f32 v32, v32;
	v35 =	vmul.f32 v48, v48  }
0x530: {  	v34 =	vsub.s32 $0x5F3759DF, v50;
	v39 =	vsub.s32 $0x5F3759DF, v53;
	v36 =	vmul.f32 v30, v36  }
0x531: {  	v37 =	vmul.f32 v34, v51;
	v33 =	vmul.f32 v33, v33;
	v32 =	vadd.f32 v35, v32  }
0x532: {  	v55 =	vor.u32 v0, v24;
	v38 =	vmul.f32 v39, v52;
	v36 =	vsub.f32 $1.500000000e+00, v36  }
0x533: {  	v54 =	vor.u32 v6, v24;
	v37 =	vmul.f32 v34, v37;
	v32 =	vadd.f32 v33, v32  }
0x534: {  	v24 =	vor.u32 v11, v24;
	v38 =	vmul.f32 v39, v38;
	v30 =	vmul.f32 v30, v36  }
0x535: {  	v37 =	vsub.f32 $1.500000000e+00, v37;
	v58 =	vshra.s32 v32, $0x1;
	v59 =	vmul.f32 $5.000000000e-01, v32  }
0x536: {  	v57 =	vsub.f32 $1.500000000e+00, v38;
	v27 =	vmul.f32 v30, v27;
	v30 =	vsub.s32 $0x5F3759DF, v58  }
0x537: {  	v56 =	vor.u32 v6, v22;
	v34 =	vmul.f32 v34, v37;
	v38 =	vmul.f32 v30, v59  }
0x538: {  	v60 =	vor.u32 v0, v22;
	v36 =	vmul.f32 v39, v57;
	[tilespmem:s26+$0x60] =	vst v27  }
0x539: {  	v63 =	vor.u32 v6, v23;
	v29 =	vmul.f32 v34, v29;
	v1 =	vld.idx.msk [tilespmem:v54+s2+$0x0], $0xffff;
	v2 =	vmul.f32 v30, v38  }
0x53a: {  	v5 =	vor.u32 v11, v22;
	v19 =	vld.idx.msk [tilespmem:v24+s2+$0x0], $0xffff  }
0x53b: {  	v7 =	vor.u32 v11, v23;
	v31 =	vmul.f32 v36, v31;
	[tilespmem:s28+$0x60] =	vst v29;
	v29 =	vld.idx.msk [tilespmem:v55+s2+$0x0], $0xffff;
	v35 =	vsub.f32 $1.500000000e+00, v2  }
0x53c: {  	v27 =	vor.u32 v0, v23;
	v33 =	vld.idx.msk [tilespmem:v56+s2+$0x0], $0xffff  }
0x53d: {  	v16 =	vor.u32 v14, v28;
	[tilespmem:s29+$0x60] =	vst v31;
	v31 =	vld.idx.msk [tilespmem:v60+s2+$0x0], $0xffff;
	v30 =	vmul.f32 v30, v35  }
0x53e: {  	v17 =	vor.u32 v13, v28;
	v15 =	vld.idx.msk [tilespmem:v63+s2+$0x0], $0xffff  }
0x53f: {  	v46 =	vor.u32 v61, v28;
	v45 =	vld.idx.msk [tilespmem:v5+s2+$0x0], $0xffff;
	v24 =	vmul.f32 v30, v32  }
0x540: {  	v38 =	vld.idx.msk [tilespmem:v7+s2+$0x0], $0xffff;
	v30 =	vor.u32 v62, v28  }
0x541: {  	s16 =	simm.s32 $0x5;
	s17 =	simm.s32 $0x6;
	s0 =	simm.s32 $0x4;
	v27 =	vld.idx.msk [tilespmem:v27+s2+$0x0], $0xffff;
	[tilespmem:s25+$0x70] =	vst v24  }
0x542: {  	v42 =	vmov s16;
	v43 =	vmov s17;
	v47 =	vmov s0;
	v35 =	vld.idx.msk [tilespmem:v16+s2+$0x0], $0xffff  }
0x543: {  	v41 =	vshll.u32 v47, $0x7;
	v48 =	vor.u32 v12, v28;
	v58 =	vshll.u32 v47, $0x9;
	v39 =	vld.idx.msk [tilespmem:v17+s2+$0x0], $0xffff  }
0x544: {  	v49 =	vand.u32 $0xF000, v58;
	v34 =	vmul.f32 v1, v1;
	v29 =	vmul.f32 v29, v29;
	v36 =	vld.idx.msk [tilespmem:v46+s2+$0x0], $0xffff  }
0x545: {  	v40 =	vmul.f32 v19, v19;
	v19 =	vshll.u32 v43, $0x9;
	v33 =	vmul.f32 v33, v33;
	v30 =	vld.idx.msk [tilespmem:v30+s2+$0x0], $0xffff  }
0x546: {  	v31 =	vmul.f32 v31, v31;
	v37 =	vmul.f32 v15, v15;
	v29 =	vadd.f32 v29, v34  }
0x547: {  	v43 =	vshll.u32 v43, $0x7;
	v32 =	vmul.f32 v45, v45;
	v27 =	vmul.f32 v27, v27  }
0x548: {  	v50 =	vmul.f32 v38, v38;
	v45 =	vand.u32 $0xF000, v19;
	v29 =	vadd.f32 v40, v29  }
0x549: {  	v52 =	vld.idx.msk [tilespmem:v48+s2+$0x0], $0xffff;
	v27 =	vadd.f32 v27, v37;
	v53 =	vmul.f32 v35, v35;
	v54 =	vmul.f32 v39, v39  }
0x54a: {  	v31 =	vadd.f32 v31, v33;
	v36 =	vmul.f32 v36, v36;
	v30 =	vmul.f32 v30, v30  }
0x54b: {  	v51 =	vmul.f32 $5.000000000e-01, v29;
	v55 =	vshra.s32 v29, $0x1;
	v27 =	vadd.f32 v50, v27  }
0x54c: {  	v38 =	vsub.s32 $0x5F3759DF, v55;
	v34 =	vadd.f32 v54, v53;
	v30 =	vadd.f32 v36, v30  }
0x54d: {  	v31 =	vadd.f32 v32, v31;
	v37 =	vmul.f32 v38, v51;
	v59 =	vshra.s32 v27, $0x1  }
0x54e: {  	v60 =	vmul.f32 $5.000000000e-01, v27;
	v32 =	vmul.f32 v52, v52;
	v30 =	vadd.f32 v30, v34  }
0x54f: {  	v46 =	vor.u32 v25, v26;
	v35 =	vsub.s32 $0x5F3759DF, v59;
	v37 =	vmul.f32 v38, v37  }
0x550: {  	v56 =	vshra.s32 v31, $0x1;
	v25 =	vmul.f32 v35, v60;
	v26 =	vadd.f32 v30, v32  }
0x551: {  	v57 =	vmul.f32 $5.000000000e-01, v31;
	v33 =	vsub.s32 $0x5F3759DF, v56;
	v2 =	vsub.f32 $1.500000000e+00, v37  }
0x552: {  	v36 =	vmul.f32 v35, v25;
	v25 =	vshra.s32 v26, $0x1;
	v5 =	vmul.f32 $5.000000000e-01, v26  }
0x553: {  	s20 =	simm.s32 $0x800;
	s7 =	simm.s32 $0x380;
	v16 =	vshll.u32 v42, $0x7;
	v63 =	vmul.f32 v33, v57;
	v7 =	vsub.s32 $0x5F3759DF, v25  }
0x554: {  	s3 =	sand.u32 $0x380, s7;
	s1 =	sand.u32 $0x3FFFF000, s20;
	v48 =	vor.u32 v4, v28;
	v34 =	vmul.f32 v38, v2;
	v37 =	vmul.f32 v7, v5  }
0x555: {  	s10 =	simm.s32 $0x200;
	s12 =	sor.u32 s3, s1;
	v55 =	vor.u32 v62, v46;
	v1 =	vmul.f32 v33, v63;
	v36 =	vsub.f32 $1.500000000e+00, v36  }
0x556: {  	s11 =	simm.s32 $0x280;
	s8 =	sand.u32 $0x200, s10;
	v53 =	vld [tilespmem:s12+$0x0];
	v54 =	vor.u32 v13, v46;
	v29 =	vmul.f32 v34, v29;
	v17 =	vmul.f32 v7, v37  }
0x557: {  	s15 =	simm.s32 $0x300;
	s20 =	sor.u32 s8, s1;
	s16 =	sand.u32 $0x280, s11;
	v30 =	vor.u32 v14, v46;
	v32 =	vsub.f32 $1.500000000e+00, v1;
	v15 =	vmul.f32 v35, v36  }
0x558: {  	s30 =	simm.s32 $0x400;
	s31 =	sand.u32 $0x300, s15;
	s10 =	sor.u32 s16, s1;
	v44 =	vld [tilespmem:s20+$0x0];
	v62 =	vor.u32 v10, v28;
	v57 =	vor.u32 v18, v28;
	[tilespmem:s26+$0x70] =	vst v29;
	v29 =	vsub.f32 $1.500000000e+00, v17  }
0x559: {  	s9 =	sor.u32 s31, s1;
	s17 =	sand.u32 $0x3FFFF800, s30;
	v47 =	vld [tilespmem:s10+$0x0];
	v52 =	vor.u32 v61, v46;
	v32 =	vmul.f32 v33, v32;
	v27 =	vmul.f32 v15, v27  }
0x55a: {  	s17 =	sadd.s32 $0x14000, s17;
	v59 =	vld [tilespmem:s9+$0x0];
	v63 =	vor.u32 v9, v28;
	v14 =	vshll.u32 v42, $0x9;
	v56 =	vmul.f32 v7, v29  }
0x55b: {  	s6 =	sor.u32 s3, s17;
	v42 =	vor.u32 v12, v46;
	v60 =	vld.idx.msk [tilespmem:v54+s2+$0x0], $0xffff;
	v31 =	vmul.f32 v32, v31;
	[tilespmem:s29+$0x70] =	vst v27;
	v27 =	vand.u32 $0x7FFFFFFF, v53  }
0x55c: {  	v34 =	vor.u32 v9, v46;
	v25 =	vand.u32 $0x200, v41;
	v30 =	vld.idx.msk [tilespmem:v30+s2+$0x0], $0xffff;
	[tilespmem:s6+$0x0] =	vst v27;
	v26 =	vmul.f32 v56, v26  }
0x55d: {  	v36 =	vand.u32 $0xF000, v14;
	v33 =	vor.u32 v10, v46;
	v40 =	vld.idx.msk [tilespmem:v55+s2+$0x0], $0xffff;
	v39 =	vor.u32 v25, v49;
	[tilespmem:s28+$0x70] =	vst v31  }
0x55e: {  	s1 =	sor.u32 s8, s17;
	v32 =	vor.u32 v4, v46;
	v53 =	vor.u32 v8, v28;
	v27 =	vand.u32 $0x7FFFFFFF, v44;
	v50 =	vld [tilespmem:s12+$0x10];
	[tilespmem:s25+$0x400] =	vst v26  }
0x55f: {  	s30 =	sor.u32 s16, s17;
	v28 =	vor.u32 v0, v39;
	v31 =	vor.u32 v18, v46;
	[tilespmem:s1+$0x0] =	vst v27;
	v27 =	vand.u32 $0x7FFFFFFF, v47;
	v47 =	vld.idx.msk [tilespmem:v57+s2+$0x0], $0xffff  }
0x560: {  	v37 =	vand.u32 $0x280, v16;
	[tilespmem:s30+$0x0] =	vst v27;
	v27 =	vor.u32 v6, v39;
	v51 =	vmul.f32 v60, v60;
	v49 =	vld.idx.msk [tilespmem:v48+s2+$0x0], $0xffff  }
0x561: {  	s31 =	sor.u32 s31, s17;
	v29 =	vor.u32 v8, v46;
	v44 =	vmul.f32 v30, v30;
	v30 =	vand.u32 $0x7FFFFFFF, v59;
	v48 =	vld.idx.msk [tilespmem:v62+s2+$0x0], $0xffff  }
0x562: {  	s8 =	simm.s32 $0x8;
	v46 =	vand.u32 $0x300, v43;
	[tilespmem:s31+$0x0] =	vst v30;
	v30 =	vor.u32 v3, v39;
	v26 =	vor.u32 v11, v39;
	v35 =	vld.idx.msk [tilespmem:v63+s2+$0x0], $0xffff  }
.LBB2_7:
0x563: {  	v54 =	vld [tilespmem:s20+$0x10]  }
0x564: {  	v24 =	vld [tilespmem:$0x1FFA0]  }
0x565: {  	v15 =	vld [tilespmem:$0x1FEF0]  }
0x566: {  	[tilespmem:$0x1FE00] =	vst v25;
	v25 =	vld [tilespmem:$0x1FFC0]  }
0x567: {  	v13 =	vld [tilespmem:$0x1FFB0]  }
0x568: {  	v57 =	vld [tilespmem:s10+$0x10]  }
0x569: {  	v4 =	vld [tilespmem:$0x1FFE0]  }
0x56a: {  	v5 =	vld [tilespmem:$0x1FFF0]  }
0x56b: {  	v12 =	vld [tilespmem:$0x1FF80]  }
0x56c: {  	v60 =	vld [tilespmem:s9+$0x10]  }
0x56d: {  	v17 =	vld [tilespmem:$0x1FFD0]  }
0x56e: {  	v1 =	vld.idx.msk [tilespmem:v53+s2+$0x0], $0xffff  }
0x56f: {  	v3 =	vld.idx.msk [tilespmem:v52+s2+$0x0], $0xffff  }
0x570: {  	v16 =	vld [tilespmem:$0x1FF30]  }
0x571: {  	v7 =	vld [tilespmem:$0x1FF40]  }
0x572: {  	v38 =	vor.u32 v37, v36;
	v20 =	vld [tilespmem:$0x1FF90];
	v2 =	vand.u32 $0x7FFFFFFF, v50;
	v56 =	vor.u32 v15, v22  }
0x573: {  	v37 =	vor.u32 v46, v45;
	v21 =	vld [tilespmem:$0x1FF60];
	v47 =	vmul.f32 v47, v47;
	[tilespmem:s6+$0x10] =	vst v2;
	v10 =	vand.u32 $0x7FFFFFFF, v54  }
0x574: {  	v49 =	vmul.f32 v49, v49;
	v0 =	vor.u32 v17, v22;
	v14 =	vld [tilespmem:s12+$0x20];
	v8 =	vand.u32 $0x7FFFFFFF, v60;
	[tilespmem:s1+$0x10] =	vst v10  }
0x575: {  	v48 =	vmul.f32 v48, v48;
	v35 =	vmul.f32 v35, v35;
	v18 =	vor.u32 v16, v22;
	[tilespmem:s31+$0x10] =	vst v8;
	v6 =	vld [tilespmem:s20+$0x20]  }
0x576: {  	v11 =	vand.u32 $0x7FFFFFFF, v57;
	v19 =	vor.u32 v7, v22;
	v47 =	vadd.f32 v49, v47;
	v62 =	vld [tilespmem:s9+$0x20]  }
0x577: {  	s15 =	sadd.s32 $0x3, s0;
	v35 =	vadd.f32 v35, v48;
	v10 =	vor.u32 v15, v23;
	v46 =	vld.idx.msk [tilespmem:v56+s2+$0x0], $0xffff;
	[tilespmem:s30+$0x10] =	vst v11  }
0x578: {  	v63 =	vmov s15;
	v9 =	vld [tilespmem:s10+$0x20]  }
0x579: {  	v52 =	vor.u32 v17, v23;
	v45 =	vmul.f32 v1, v1;
	v35 =	vadd.f32 v35, v47;
	v36 =	vld.idx.msk [tilespmem:v0+s2+$0x0], $0xffff  }
0x57a: {  	v60 =	vor.u32 v16, v23;
	v50 =	vmul.f32 v3, v3;
	v53 =	vand.u32 $0x7FFFFFFF, v14;
	v54 =	vld.idx.msk [tilespmem:v18+s2+$0x0], $0xffff  }
0x57b: {  	v3 =	vshll.u32 v63, $0x7;
	v1 =	vadd.f32 v35, v45;
	v0 =	vshll.u32 v63, $0x9;
	[tilespmem:s6+$0x20] =	vst v53;
	v53 =	vld.idx.msk [tilespmem:v19+s2+$0x0], $0xffff  }
0x57c: {  	v11 =	vand.u32 $0x380, v3;
	v49 =	vld.idx.msk [tilespmem:v10+s2+$0x0], $0xffff;
	v57 =	vand.u32 $0x7FFFFFFF, v6;
	v0 =	vand.u32 $0xF000, v0  }
0x57d: {  	v6 =	vld [tilespmem:s12+$0x30];
	v14 =	vshra.s32 v1, $0x1;
	v18 =	vmul.f32 $5.000000000e-01, v1;
	v8 =	vand.u32 $0x7FFFFFFF, v62;
	[tilespmem:s1+$0x20] =	vst v57  }
0x57e: {  	v35 =	vor.u32 v11, v0;
	v0 =	vsub.s32 $0x5F3759DF, v14;
	[tilespmem:s31+$0x20] =	vst v8;
	v19 =	vld [tilespmem:s20+$0x30]  }
0x57f: {  	v57 =	vmul.f32 v0, v18;
	v2 =	vld [tilespmem:s9+$0x30]  }
0x580: {  	[tilespmem:$0x1FE10] =	vst v58;
	v3 =	vld.idx.msk [tilespmem:v52+s2+$0x0], $0xffff;
	v48 =	vand.u32 $0x7FFFFFFF, v9;
	v9 =	vor.u32 v4, v35  }
0x581: {  	v55 =	vmul.f32 v40, v40;
	v11 =	vor.u32 v5, v35;
	v60 =	vld.idx.msk [tilespmem:v60+s2+$0x0], $0xffff;
	v14 =	vmul.f32 v0, v57  }
0x582: {  	v58 =	vor.u32 v4, v39;
	v59 =	vor.u32 v5, v39;
	[tilespmem:s30+$0x20] =	vst v48;
	v56 =	vand.u32 $0x7FFFFFFF, v6;
	v6 =	vld [tilespmem:$0x1FEA0]  }
0x583: {  	v50 =	vadd.f32 v50, v55;
	v10 =	vld [tilespmem:s10+$0x30];
	[tilespmem:s6+$0x30] =	vst v56;
	v55 =	vsub.f32 $1.500000000e+00, v14;
	v19 =	vand.u32 $0x7FFFFFFF, v19  }
0x584: {  	v14 =	vor.u32 v5, v37;
	[tilespmem:s1+$0x30] =	vst v19;
	v19 =	vld [tilespmem:$0x1FF10]  }
0x585: {  	v0 =	vmul.f32 v0, v55;
	v48 =	vld.idx.msk [tilespmem:v9+s2+$0x0], $0xffff  }
0x586: {  	v51 =	vadd.f32 v51, v44;
	v61 =	vor.u32 v4, v38;
	v9 =	vld.idx.msk [tilespmem:v11+s2+$0x0], $0xffff  }
0x587: {  	v2 =	vand.u32 $0x7FFFFFFF, v2;
	v11 =	vor.u32 v4, v37;
	v0 =	vmul.f32 v0, v1;
	v1 =	vld.idx.msk [tilespmem:v59+s2+$0x0], $0xffff  }
0x588: {  	v41 =	vor.u32 v24, v39;
	v43 =	vor.u32 v25, v39;
	[tilespmem:s31+$0x30] =	vst v2;
	v8 =	vand.u32 $0x7FFFFFFF, v10;
	v10 =	vld.idx.msk [tilespmem:v58+s2+$0x0], $0xffff  }
0x589: {  	v40 =	vor.u32 v13, v39;
	v44 =	vor.u32 v12, v39;
	v18 =	vor.u32 v6, v35;
	v2 =	vld.idx.msk [tilespmem:v14+s2+$0x0], $0xffff  }
0x58a: {  	v47 =	vor.u32 v5, v38;
	v46 =	vmul.f32 v46, v46;
	v36 =	vmul.f32 v36, v36;
	v14 =	vld [tilespmem:$0x1FF70];
	[tilespmem:s30+$0x30] =	vst v8  }
0x58b: {  	v54 =	vmul.f32 v54, v54;
	v53 =	vmul.f32 v53, v53;
	v57 =	vor.u32 v6, v39;
	v58 =	vld.idx.msk [tilespmem:v61+s2+$0x0], $0xffff  }
0x58c: {  	v45 =	vmov s8;
	v49 =	vmul.f32 v49, v49;
	v36 =	vadd.f32 v36, v46;
	v56 =	vld.idx.msk [tilespmem:v11+s2+$0x0], $0xffff  }
0x58d: {  	v63 =	vadd.f32 v53, v54;
	v3 =	vmul.f32 v3, v3;
	v59 =	vor.u32 v6, v38;
	v11 =	vld [tilespmem:$0x1FF00]  }
0x58e: {  	v52 =	vadd.f32 v50, v51;
	v51 =	vor.u32 v20, v39;
	v60 =	vmul.f32 v60, v60;
	v50 =	vld.idx.msk [tilespmem:v18+s2+$0x0], $0xffff  }
0x58f: {  	v53 =	vadd.f32 v63, v36;
	v36 =	vshll.u32 v45, $0x9;
	v3 =	vadd.f32 v3, v49;
	[tilespmem:s25+$0x410] =	vst v0;
	v0 =	vld.idx.msk [tilespmem:v47+s2+$0x0], $0xffff  }
0x590: {  	v39 =	vor.u32 v21, v22;
	v61 =	vor.u32 v7, v23;
	v47 =	vor.u32 v6, v37;
	v57 =	vld.idx.msk [tilespmem:v57+s2+$0x0], $0xffff  }
0x591: {  	v49 =	vor.u32 v19, v22;
	v54 =	vmul.f32 v9, v9;
	v6 =	vmul.f32 v48, v48;
	v18 =	vld [tilespmem:$0x1FF50]  }
0x592: {  	v1 =	vmul.f32 v1, v1;
	v59 =	vld.idx.msk [tilespmem:v59+s2+$0x0], $0xffff;
	v55 =	vmul.f32 v10, v10;
	v48 =	vor.u32 v14, v22  }
0x593: {  	v2 =	vmul.f32 v2, v2;
	v54 =	vadd.f32 v54, v6;
	v6 =	vor.u32 v12, v38  }
0x594: {  	v58 =	vmul.f32 v58, v58;
	v1 =	vadd.f32 v1, v55;
	v50 =	vmul.f32 v50, v50  }
0x595: {  	v46 =	vor.u32 v11, v22;
	v56 =	vmul.f32 v56, v56;
	v4 =	vld.idx.msk [tilespmem:v47+s2+$0x0], $0xffff;
	v0 =	vmul.f32 v0, v0  }
0x596: {  	v62 =	vor.u32 v18, v22;
	v8 =	vor.u32 v18, v23;
	v54 =	vadd.f32 v50, v54  }
0x597: {  	v57 =	vmul.f32 v57, v57;
	v59 =	vmul.f32 v59, v59;
	v0 =	vadd.f32 v0, v58  }
0x598: {  	v55 =	vld.idx.msk [tilespmem:v61+s2+$0x0], $0xffff;
	v47 =	vor.u32 v14, v23;
	v9 =	vshra.s32 v54, $0x1;
	v10 =	vmul.f32 $5.000000000e-01, v54  }
0x599: {  	v1 =	vadd.f32 v57, v1;
	v0 =	vadd.f32 v59, v0;
	v58 =	vsub.s32 $0x5F3759DF, v9  }
0x59a: {  	v2 =	vadd.f32 v2, v56;
	v4 =	vmul.f32 v4, v4;
	v5 =	vmul.f32 v58, v10  }
0x59b: {  	v57 =	vshra.s32 v1, $0x1;
	v59 =	vshra.s32 v0, $0x1;
	v7 =	vmul.f32 $5.000000000e-01, v0  }
0x59c: {  	v2 =	vadd.f32 v4, v2;
	v59 =	vsub.s32 $0x5F3759DF, v59;
	v5 =	vmul.f32 v58, v5  }
0x59d: {  	v55 =	vmul.f32 v55, v55;
	v57 =	vsub.s32 $0x5F3759DF, v57;
	v7 =	vmul.f32 v59, v7  }
0x59e: {  	v63 =	vld.idx.msk [tilespmem:v8+s2+$0x0], $0xffff;
	v8 =	vshra.s32 v2, $0x1;
	v9 =	vmul.f32 $5.000000000e-01, v2;
	v4 =	vsub.f32 $1.500000000e+00, v5  }
0x59f: {  	v42 =	vld.idx.msk [tilespmem:v42+s2+$0x0], $0xffff;
	v5 =	vmul.f32 $5.000000000e-01, v1;
	v8 =	vsub.s32 $0x5F3759DF, v8;
	v7 =	vmul.f32 v59, v7  }
0x5a0: {  	v61 =	vld.idx.msk [tilespmem:v62+s2+$0x0], $0xffff;
	v9 =	vmul.f32 v8, v9;
	v4 =	vmul.f32 v58, v4;
	v58 =	vor.u32 v12, v35  }
0x5a1: {  	v10 =	vor.u32 v20, v35;
	v5 =	vmul.f32 v57, v5;
	v7 =	vsub.f32 $1.500000000e+00, v7  }
0x5a2: {  	v56 =	vor.u32 v20, v38;
	v9 =	vmul.f32 v8, v9;
	v4 =	vmul.f32 v4, v54  }
0x5a3: {  	s25 =	smov.u32 s6;
	v54 =	vor.u32 v25, v35;
	v5 =	vmul.f32 v57, v5;
	v7 =	vmul.f32 v59, v7  }
0x5a4: {  	v9 =	vsub.f32 $1.500000000e+00, v9;
	[tilespmem:s25+$0x40] =	vst v4;
	v4 =	vmul.f32 v42, v42;
	v42 =	vadd.f32 v55, v60  }
0x5a5: {  	v55 =	vor.u32 v12, v37;
	v60 =	vmul.f32 v61, v61;
	v5 =	vsub.f32 $1.500000000e+00, v5;
	v58 =	vld.idx.msk [tilespmem:v58+s2+$0x0], $0xffff  }
0x5a6: {  	v12 =	vmul.f32 v63, v63;
	v61 =	vor.u32 v20, v37;
	v10 =	vld.idx.msk [tilespmem:v10+s2+$0x0], $0xffff;
	v8 =	vmul.f32 v8, v9  }
0x5a7: {  	v3 =	vadd.f32 v42, v3;
	v4 =	vadd.f32 v52, v4;
	v5 =	vmul.f32 v57, v5  }
0x5a8: {  	v0 =	vmul.f32 v7, v0;
	v52 =	vadd.f32 v53, v60;
	v53 =	vmul.f32 v8, v2  }
0x5a9: {  	v54 =	vld.idx.msk [tilespmem:v54+s2+$0x0], $0xffff;
	v60 =	vshra.s32 v4, $0x1;
	v3 =	vadd.f32 v3, v12;
	v1 =	vmul.f32 v5, v1  }
0x5aa: {  	[tilespmem:s30+$0x40] =	vst v0;
	v57 =	vmul.f32 $5.000000000e-01, v4;
	v2 =	vsub.s32 $0x5F3759DF, v60;
	v60 =	vmul.f32 $5.000000000e-01, v52  }
0x5ab: {  	v6 =	vld.idx.msk [tilespmem:v6+s2+$0x0], $0xffff;
	v63 =	vshra.s32 v52, $0x1;
	[tilespmem:s31+$0x40] =	vst v53;
	v12 =	vmul.f32 v58, v58;
	v10 =	vmul.f32 v10, v10  }
0x5ac: {  	v42 =	vshra.s32 v3, $0x1;
	[tilespmem:s1+$0x40] =	vst v1;
	v1 =	vsub.s32 $0x5F3759DF, v63;
	v7 =	vmul.f32 v2, v57;
	v57 =	vld.idx.msk [tilespmem:v61+s2+$0x0], $0xffff  }
0x5ad: {  	v63 =	vmul.f32 $5.000000000e-01, v3;
	v9 =	vld.idx.msk [tilespmem:v44+s2+$0x0], $0xffff;
	v5 =	vsub.s32 $0x5F3759DF, v42;
	v8 =	vmul.f32 v1, v60  }
0x5ae: {  	v44 =	vld.idx.msk [tilespmem:v51+s2+$0x0], $0xffff;
	v51 =	vor.u32 v25, v37;
	v58 =	vadd.f32 v10, v12;
	v59 =	vmul.f32 v54, v54  }
0x5af: {  	v62 =	vor.u32 v25, v38;
	v10 =	vld.idx.msk [tilespmem:v56+s2+$0x0], $0xffff;
	v53 =	vmul.f32 v5, v63;
	v7 =	vmul.f32 v2, v7  }
0x5b0: {  	v61 =	vor.u32 v24, v35;
	v12 =	vld.idx.msk [tilespmem:v55+s2+$0x0], $0xffff;
	v6 =	vmul.f32 v6, v6;
	v0 =	vadd.f32 v59, v58  }
0x5b1: {  	v8 =	vmul.f32 v1, v8;
	v53 =	vmul.f32 v5, v53;
	v7 =	vsub.f32 $1.500000000e+00, v7  }
0x5b2: {  	v58 =	vld.idx.msk [tilespmem:v43+s2+$0x0], $0xffff;
	v57 =	vmul.f32 v57, v57;
	v60 =	vshra.s32 v0, $0x1;
	v63 =	vmul.f32 $5.000000000e-01, v0  }
0x5b3: {  	v9 =	vmul.f32 v9, v9;
	v44 =	vmul.f32 v44, v44;
	v51 =	vld.idx.msk [tilespmem:v51+s2+$0x0], $0xffff;
	v55 =	vsub.s32 $0x5F3759DF, v60  }
0x5b4: {  	v59 =	vld.idx.msk [tilespmem:v62+s2+$0x0], $0xffff;
	v8 =	vsub.f32 $1.500000000e+00, v8;
	v2 =	vmul.f32 v2, v7;
	v56 =	vmul.f32 v55, v63  }
0x5b5: {  	v53 =	vsub.f32 $1.500000000e+00, v53;
	v10 =	vmul.f32 v10, v10;
	v12 =	vmul.f32 v12, v12  }
0x5b6: {  	v60 =	vld [tilespmem:$0x1FEB0];
	v1 =	vmul.f32 v1, v8;
	v8 =	vor.u32 v13, v35;
	v56 =	vmul.f32 v55, v56  }
0x5b7: {  	v9 =	vadd.f32 v44, v9;
	v5 =	vmul.f32 v5, v53;
	v2 =	vmul.f32 v2, v4  }
0x5b8: {  	v7 =	vadd.f32 v57, v12;
	v63 =	vmul.f32 v51, v51;
	v56 =	vsub.f32 $1.500000000e+00, v56  }
0x5b9: {  	v6 =	vadd.f32 v10, v6;
	v58 =	vmul.f32 v58, v58;
	v62 =	vmul.f32 v59, v59  }
0x5ba: {  	v20 =	vld [tilespmem:$0x1FEE0];
	v1 =	vmul.f32 v1, v52;
	[tilespmem:s26+$0x400] =	vst v2;
	v7 =	vadd.f32 v63, v7;
	v44 =	vmul.f32 v55, v56  }
0x5bb: {  	v9 =	vadd.f32 v58, v9;
	v6 =	vadd.f32 v62, v6;
	v33 =	vld.idx.msk [tilespmem:v33+s2+$0x0], $0xffff;
	v12 =	vor.u32 v60, v35  }
0x5bc: {  	v34 =	vld.idx.msk [tilespmem:v34+s2+$0x0], $0xffff;
	v62 =	vshra.s32 v7, $0x1;
	v63 =	vmul.f32 $5.000000000e-01, v7;
	v0 =	vmul.f32 v44, v0  }
0x5bd: {  	v52 =	vor.u32 v24, v38;
	v2 =	vor.u32 v24, v37;
	v24 =	vld [tilespmem:$0x1FEC0];
	v4 =	vsub.s32 $0x5F3759DF, v62  }
0x5be: {  	v50 =	vor.u32 v21, v23;
	v31 =	vld.idx.msk [tilespmem:v31+s2+$0x0], $0xffff;
	v57 =	vmul.f32 $5.000000000e-01, v9;
	v54 =	vmul.f32 v4, v63;
	[tilespmem:s25+$0x50] =	vst v0  }
0x5bf: {  	v58 =	vshra.s32 v6, $0x1;
	v59 =	vmul.f32 $5.000000000e-01, v6;
	v56 =	vshra.s32 v9, $0x1;
	v53 =	vld.idx.msk [tilespmem:v61+s2+$0x0], $0xffff  }
0x5c0: {  	v33 =	vmul.f32 v33, v33;
	v0 =	vsub.s32 $0x5F3759DF, v56;
	v44 =	vld.idx.msk [tilespmem:v12+s2+$0x0], $0xffff;
	v12 =	vmul.f32 v4, v54  }
0x5c1: {  	v34 =	vmul.f32 v34, v34;
	v61 =	vsub.s32 $0x5F3759DF, v58;
	v8 =	vld.idx.msk [tilespmem:v8+s2+$0x0], $0xffff;
	v51 =	vmul.f32 v0, v57  }
0x5c2: {  	[tilespmem:s28+$0x400] =	vst v1;
	v56 =	vld.idx.msk [tilespmem:v32+s2+$0x0], $0xffff;
	v32 =	vshll.u32 v45, $0x7;
	v10 =	vmul.f32 v61, v59;
	v45 =	vsub.f32 $1.500000000e+00, v12  }
0x5c3: {  	v42 =	vor.u32 v11, v23;
	v39 =	vld.idx.msk [tilespmem:v39+s2+$0x0], $0xffff;
	v54 =	vmul.f32 v5, v3;
	v51 =	vmul.f32 v0, v51  }
0x5c4: {  	v55 =	vor.u32 v60, v37;
	v3 =	vld.idx.msk [tilespmem:v48+s2+$0x0], $0xffff;
	v10 =	vmul.f32 v61, v10;
	v4 =	vmul.f32 v4, v45  }
0x5c5: {  	v48 =	vor.u32 v13, v37;
	v12 =	vld.idx.msk [tilespmem:v46+s2+$0x0], $0xffff;
	v57 =	vsub.f32 $1.500000000e+00, v51;
	v59 =	vmul.f32 v53, v53  }
0x5c6: {  	[tilespmem:s29+$0x400] =	vst v54;
	v51 =	vld.idx.msk [tilespmem:v49+s2+$0x0], $0xffff;
	v58 =	vsub.f32 $1.500000000e+00, v10;
	v8 =	vmul.f32 v8, v8;
	v4 =	vmul.f32 v4, v7  }
0x5c7: {  	v43 =	vor.u32 v60, v38;
	v54 =	vld.idx.msk [tilespmem:v50+s2+$0x0], $0xffff;
	v63 =	vmul.f32 v44, v44;
	v0 =	vmul.f32 v0, v57  }
0x5c8: {  	v57 =	vld.idx.msk [tilespmem:v47+s2+$0x0], $0xffff;
	v61 =	vmul.f32 v61, v58;
	v62 =	vadd.f32 v8, v59;
	[tilespmem:s31+$0x50] =	vst v4  }
0x5c9: {  	v33 =	vadd.f32 v34, v33;
	v56 =	vmul.f32 v56, v56;
	v0 =	vmul.f32 v0, v9;
	v2 =	vld.idx.msk [tilespmem:v2+s2+$0x0], $0xffff  }
0x5ca: {  	v10 =	vor.u32 v13, v38;
	v1 =	vmul.f32 v61, v6;
	v5 =	vadd.f32 v63, v62;
	v6 =	vld.idx.msk [tilespmem:v48+s2+$0x0], $0xffff  }
0x5cb: {  	s20 =	sadd.s32 $0x1, s8;
	v32 =	vand.u32 $0x200, v32;
	v63 =	vmul.f32 v12, v12;
	v12 =	vmul.f32 v51, v51;
	v51 =	vld.idx.msk [tilespmem:v55+s2+$0x0], $0xffff;
	[tilespmem:s1+$0x50] =	vst v0  }
0x5cc: {  	v53 =	vmul.f32 v31, v31;
	v31 =	vmov s20;
	v3 =	vmul.f32 v3, v3;
	v41 =	vld.idx.msk [tilespmem:v41+s2+$0x0], $0xffff  }
0x5cd: {  	v61 =	vmul.f32 v39, v39;
	v58 =	vshra.s32 v5, $0x1;
	v59 =	vmul.f32 $5.000000000e-01, v5;
	v40 =	vld.idx.msk [tilespmem:v40+s2+$0x0], $0xffff  }
0x5ce: {  	v44 =	vor.u32 v19, v23;
	[tilespmem:s30+$0x50] =	vst v1;
	v4 =	vadd.f32 v12, v63;
	v12 =	vld [tilespmem:$0x1FED0];
	v1 =	vsub.s32 $0x5F3759DF, v58  }
0x5cf: {  	v0 =	vadd.f32 v56, v53;
	v3 =	vadd.f32 v3, v61;
	v62 =	vld.idx.msk [tilespmem:v52+s2+$0x0], $0xffff;
	v46 =	vmul.f32 v1, v59  }
0x5d0: {  	v8 =	vmul.f32 v54, v54;
	v56 =	vor.u32 v20, v35;
	v45 =	vmul.f32 v57, v57;
	v10 =	vld.idx.msk [tilespmem:v10+s2+$0x0], $0xffff  }
0x5d1: {  	v30 =	vld.idx.msk [tilespmem:v30+s2+$0x0], $0xffff;
	v0 =	vadd.f32 v33, v0;
	v3 =	vadd.f32 v4, v3;
	v13 =	vmul.f32 v1, v46  }
0x5d2: {  	v49 =	vld.idx.msk [tilespmem:v43+s2+$0x0], $0xffff;
	v4 =	vadd.f32 v45, v8;
	v2 =	vmul.f32 v2, v2;
	v6 =	vmul.f32 v6, v6  }
0x5d3: {  	v8 =	vmul.f32 v51, v51;
	v46 =	vmul.f32 v41, v41;
	v9 =	vsub.f32 $1.500000000e+00, v13  }
0x5d4: {  	v52 =	vor.u32 v24, v35;
	v48 =	vmul.f32 v40, v40;
	v13 =	vld [tilespmem:$0x1FF20];
	v50 =	vmul.f32 v62, v62  }
0x5d5: {  	v53 =	vor.u32 v12, v35;
	v10 =	vmul.f32 v10, v10;
	v1 =	vmul.f32 v1, v9  }
0x5d6: {  	v54 =	vld.idx.msk [tilespmem:v42+s2+$0x0], $0xffff;
	v30 =	vmul.f32 v30, v30;
	v2 =	vadd.f32 v6, v2;
	v33 =	vadd.f32 v48, v46  }
0x5d7: {  	v57 =	vmul.f32 v49, v49;
	v7 =	vadd.f32 v10, v50;
	v1 =	vmul.f32 v1, v5  }
0x5d8: {  	s3 =	sadd.s32 $0x2, s8;
	v42 =	vld.idx.msk [tilespmem:v29+s2+$0x0], $0xffff;
	v49 =	vor.u32 v17, v35;
	v2 =	vadd.f32 v8, v2;
	v30 =	vadd.f32 v30, v33  }
0x5d9: {  	v29 =	vmov s3;
	v5 =	vld.idx.msk [tilespmem:v44+s2+$0x0], $0xffff;
	v7 =	vadd.f32 v57, v7;
	v47 =	vor.u32 v13, v22;
	[tilespmem:s25+$0x60] =	vst v1  }
0x5da: {  	v55 =	vor.u32 v13, v23;
	v59 =	vshra.s32 v30, $0x1;
	v61 =	vmul.f32 $5.000000000e-01, v30;
	v9 =	vld.idx.msk [tilespmem:v52+s2+$0x0], $0xffff  }
0x5db: {  	v22 =	vmovc v38;
	v23 =	vmovc v37;
	v38 =	vmul.f32 v54, v54;
	v54 =	vshra.s32 v2, $0x1;
	v63 =	vsub.s32 $0x5F3759DF, v59;
	v58 =	vld.idx.msk [tilespmem:v53+s2+$0x0], $0xffff  }
0x5dc: {  	v43 =	vor.u32 v20, v22;
	v6 =	vor.u32 v20, v23;
	v41 =	vmul.f32 v63, v61  }
0x5dd: {  	v40 =	vor.u32 v24, v22;
	v62 =	vld.idx.msk [tilespmem:v56+s2+$0x0], $0xffff;
	v52 =	vshra.s32 v7, $0x1;
	v53 =	vmul.f32 $5.000000000e-01, v7  }
0x5de: {  	v37 =	vor.u32 v12, v22;
	v39 =	vsub.s32 $0x5F3759DF, v52;
	v41 =	vmul.f32 v63, v41  }
0x5df: {  	v45 =	vsub.s32 $0x5F3759DF, v54;
	v44 =	vmul.f32 v39, v53;
	v5 =	vmul.f32 v5, v5  }
0x5e0: {  	v56 =	vsub.f32 $1.500000000e+00, v41;
	v9 =	vmul.f32 v9, v9;
	v33 =	vmul.f32 v58, v58  }
0x5e1: {  	v48 =	vor.u32 v12, v23;
	v34 =	vld.idx.msk [tilespmem:v55+s2+$0x0], $0xffff;
	v55 =	vmul.f32 $5.000000000e-01, v2;
	v44 =	vmul.f32 v39, v44  }
0x5e2: {  	v8 =	vmul.f32 v62, v62;
	v10 =	vmul.f32 v63, v56;
	v9 =	vadd.f32 v33, v9  }
0x5e3: {  	v1 =	vld.idx.msk [tilespmem:v47+s2+$0x0], $0xffff;
	v47 =	vor.u32 v24, v23;
	v46 =	vmul.f32 v45, v55;
	v58 =	vmul.f32 v42, v42  }
0x5e4: {  	v44 =	vsub.f32 $1.500000000e+00, v44;
	v10 =	vmul.f32 v10, v30;
	v8 =	vadd.f32 v8, v9  }
0x5e5: {  	v5 =	vadd.f32 v5, v38;
	v57 =	vmul.f32 v45, v46;
	v33 =	vadd.f32 v0, v58  }
0x5e6: {  	v61 =	vmul.f32 v39, v44;
	[tilespmem:s1+$0x60] =	vst v10;
	v62 =	vshra.s32 v8, $0x1;
	v63 =	vmul.f32 $5.000000000e-01, v8  }
0x5e7: {  	v51 =	vmul.f32 v34, v34;
	v59 =	vsub.f32 $1.500000000e+00, v57;
	v46 =	vld.idx.msk [tilespmem:v27+s2+$0x0], $0xffff;
	v39 =	vsub.s32 $0x5F3759DF, v62  }
0x5e8: {  	v4 =	vadd.f32 v5, v4;
	v7 =	vmul.f32 v61, v7;
	v44 =	vmul.f32 v39, v63  }
0x5e9: {  	v53 =	vshra.s32 v33, $0x1;
	v30 =	vmul.f32 v45, v59;
	v45 =	vmul.f32 v1, v1;
	v52 =	vld.idx.msk [tilespmem:v28+s2+$0x0], $0xffff  }
0x5ea: {  	v54 =	vmul.f32 $5.000000000e-01, v33;
	v28 =	vadd.f32 v4, v51;
	v26 =	vld.idx.msk [tilespmem:v26+s2+$0x0], $0xffff;
	[tilespmem:s30+$0x60] =	vst v7;
	v50 =	vmul.f32 v39, v44  }
0x5eb: {  	v27 =	vor.u32 v15, v35;
	v51 =	vor.u32 v16, v35;
	v2 =	vmul.f32 v30, v2;
	v55 =	vld.idx.msk [tilespmem:v40+s2+$0x0], $0xffff  }
0x5ec: {  	v34 =	vadd.f32 v3, v45;
	v1 =	vmul.f32 v46, v46;
	v46 =	vld [tilespmem:$0x1FF40];
	v56 =	vsub.f32 $1.500000000e+00, v50  }
0x5ed: {  	v30 =	vand.u32 $0xF000, v36;
	v57 =	vld.idx.msk [tilespmem:v37+s2+$0x0], $0xffff;
	v63 =	vshra.s32 v28, $0x1;
	v45 =	vor.u32 v18, v35;
	[tilespmem:s31+$0x60] =	vst v2  }
0x5ee: {  	v2 =	vsub.s32 $0x5F3759DF, v53;
	v61 =	vmul.f32 $5.000000000e-01, v34;
	v62 =	vld.idx.msk [tilespmem:v47+s2+$0x0], $0xffff;
	v3 =	vmul.f32 v39, v56  }
0x5ef: {  	v59 =	vshra.s32 v34, $0x1;
	v58 =	vmul.f32 v2, v54;
	v48 =	vld.idx.msk [tilespmem:v48+s2+$0x0], $0xffff;
	v9 =	vmul.f32 v52, v52  }
0x5f0: {  	v7 =	vsub.s32 $0x5F3759DF, v59;
	v52 =	vld.idx.msk [tilespmem:v43+s2+$0x0], $0xffff;
	v26 =	vmul.f32 v26, v26;
	v3 =	vmul.f32 v3, v8  }
0x5f1: {  	v6 =	vld.idx.msk [tilespmem:v6+s2+$0x0], $0xffff;
	v50 =	vmul.f32 $5.000000000e-01, v28;
	v54 =	vmul.f32 v7, v61;
	v53 =	vor.u32 v46, v35  }
0x5f2: {  	v38 =	vsub.s32 $0x5F3759DF, v63;
	v0 =	vmul.f32 v55, v55;
	v5 =	vmul.f32 v2, v58;
	[tilespmem:s25+$0x70] =	vst v3  }
0x5f3: {  	v1 =	vadd.f32 v9, v1;
	v4 =	vmul.f32 v57, v57;
	v61 =	vmul.f32 v38, v50;
	v55 =	vld.idx.msk [tilespmem:v27+s2+$0x0], $0xffff  }
0x5f4: {  	v5 =	vsub.f32 $1.500000000e+00, v5;
	v62 =	vmul.f32 v62, v62;
	v44 =	vmul.f32 v48, v48;
	v63 =	vld.idx.msk [tilespmem:v49+s2+$0x0], $0xffff  }
0x5f5: {  	v1 =	vadd.f32 v26, v1;
	v48 =	vmul.f32 v52, v52;
	v10 =	vmul.f32 v38, v61;
	v8 =	vld.idx.msk [tilespmem:v51+s2+$0x0], $0xffff  }
0x5f6: {  	v0 =	vadd.f32 v4, v0;
	v6 =	vmul.f32 v6, v6;
	v2 =	vmul.f32 v2, v5;
	v47 =	vld.idx.msk [tilespmem:v53+s2+$0x0], $0xffff  }
0x5f7: {  	v50 =	vshra.s32 v1, $0x1;
	v26 =	vmul.f32 $5.000000000e-01, v1;
	v3 =	vmul.f32 v7, v54  }
0x5f8: {  	v25 =	vld [tilespmem:$0x1FE00];
	v4 =	vadd.f32 v44, v62;
	v0 =	vadd.f32 v48, v0;
	v44 =	vshll.u32 v31, $0x9  }
0x5f9: {  	v31 =	vshll.u32 v31, $0x7;
	v27 =	vld [tilespmem:$0x1FE10];
	v49 =	vsub.f32 $1.500000000e+00, v10;
	v10 =	vsub.s32 $0x5F3759DF, v50  }
0x5fa: {  	v51 =	vld.idx.msk [tilespmem:v45+s2+$0x0], $0xffff;
	v3 =	vsub.f32 $1.500000000e+00, v3;
	v9 =	vmul.f32 v55, v55;
	v53 =	vmul.f32 v63, v63  }
0x5fb: {  	v4 =	vadd.f32 v6, v4;
	v8 =	vmul.f32 v8, v8;
	v55 =	vmul.f32 v47, v47  }
0x5fc: {  	v52 =	vshra.s32 v0, $0x1;
	v56 =	vmul.f32 $5.000000000e-01, v0;
	v26 =	vmul.f32 v10, v26  }
0x5fd: {  	v54 =	vshra.s32 v4, $0x1;
	v9 =	vadd.f32 v53, v9;
	v8 =	vadd.f32 v55, v8  }
0x5fe: {  	v57 =	vmul.f32 $5.000000000e-01, v4;
	v62 =	vmul.f32 v10, v26;
	v37 =	vsub.s32 $0x5F3759DF, v54  }
0x5ff: {  	v27 =	vor.u32 v27, v25;
	v6 =	vmul.f32 v51, v51;
	v8 =	vadd.f32 v8, v9  }
0x600: {  	v25 =	vmovc v32;
	v32 =	vsub.s32 $0x5F3759DF, v52;
	v61 =	vmul.f32 v37, v57;
	v63 =	vsub.f32 $1.500000000e+00, v62  }
0x601: {  	v3 =	vmul.f32 v7, v3;
	v59 =	vmul.f32 v32, v56;
	v6 =	vadd.f32 v8, v6  }
0x602: {  	v26 =	vor.u32 v15, v27;
	v39 =	vmul.f32 v37, v61;
	v7 =	vmul.f32 v10, v63  }
0x603: {  	s7 =	sadd.s32 $0x200, s7;
	s9 =	sshll.u32 s8, $0x9;
	v58 =	vmovc v36;
	v36 =	vmul.f32 v32, v59;
	v41 =	vshra.s32 v6, $0x1;
	v42 =	vmul.f32 $5.000000000e-01, v6  }
0x604: {  	s15 =	sand.u32 $0x380, s7;
	s6 =	sand.u32 $0x3FFFF000, s9;
	v2 =	vmul.f32 v2, v33;
	v40 =	vsub.f32 $1.500000000e+00, v39;
	v43 =	vsub.s32 $0x5F3759DF, v41  }
0x605: {  	s12 =	sor.u32 s15, s6;
	v1 =	vmul.f32 v7, v1;
	v15 =	vsub.f32 $1.500000000e+00, v36;
	v36 =	vmul.f32 v43, v42  }
0x606: {  	s10 =	sadd.s32 $0xFFFFFE80, s7;
	v48 =	vld [tilespmem:s12+$0x0];
	v5 =	vmul.f32 v38, v49;
	v49 =	vor.u32 v17, v27;
	v9 =	vmul.f32 v37, v40  }
0x607: {  	s3 =	sand.u32 $0x200, s10;
	v45 =	vshll.u32 v29, $0x9;
	[tilespmem:s1+$0x70] =	vst v1;
	v8 =	vmul.f32 v32, v15;
	v47 =	vmul.f32 v43, v36  }
0x608: {  	s11 =	sadd.s32 $0xFFFFFF00, s7;
	s17 =	sadd.s32 $0xFFFFFF80, s7;
	s20 =	sor.u32 s3, s6;
	v5 =	vmul.f32 v5, v28;
	v28 =	vshll.u32 v29, $0x7;
	v26 =	vld.idx.msk [tilespmem:v26+s2+$0x0], $0xffff;
	v4 =	vmul.f32 v9, v4  }
0x609: {  	s16 =	sshll.u32 s8, $0x8;
	s11 =	sand.u32 $0x280, s11;
	s17 =	sand.u32 $0x300, s17;
	v50 =	vor.u32 v16, v27;
	v52 =	vld [tilespmem:s20+$0x0];
	[tilespmem:s26+$0x410] =	vst v2;
	v0 =	vmul.f32 v8, v0;
	v51 =	vsub.f32 $1.500000000e+00, v47  }
0x60a: {  	s9 =	sor.u32 s17, s6;
	s10 =	sor.u32 s11, s6;
	s6 =	sand.u32 $0x3FFFF800, s16;
	v54 =	vor.u32 v21, v35;
	v3 =	vmul.f32 v3, v34;
	v57 =	vor.u32 v11, v35;
	[tilespmem:s31+$0x70] =	vst v4  }
0x60b: {  	s16 =	sadd.s32 $0x14000, s6;
	v29 =	vor.u32 v13, v27;
	v56 =	vand.u32 $0x7FFFFFFF, v48;
	v1 =	vld.idx.msk [tilespmem:v49+s2+$0x0], $0xffff;
	[tilespmem:s30+$0x70] =	vst v0;
	v0 =	vmul.f32 v43, v51  }
0x60c: {  	s6 =	sor.u32 s15, s16;
	v33 =	vor.u32 v11, v27;
	v39 =	vor.u32 v25, v30;
	v30 =	vor.u32 v14, v35;
	v55 =	vld [tilespmem:s9+$0x0]  }
0x60d: {  	v34 =	vor.u32 v19, v27;
	[tilespmem:s6+$0x0] =	vst v56;
	v59 =	vor.u32 v19, v35;
	v53 =	vld [tilespmem:s10+$0x0];
	v0 =	vmul.f32 v0, v6  }
0x60e: {  	p0 =	slt.u32 s8, $0x4C;
	v37 =	vand.u32 $0x280, v31;
	v31 =	vor.u32 v21, v27;
	v40 =	vld.idx.msk [tilespmem:v50+s2+$0x0], $0xffff;
	v32 =	vor.u32 v14, v27;
	[tilespmem:s29+$0x410] =	vst v5  }
.Ltmp2:
0x60f: {  	v50 =	vld [tilespmem:s12+$0x10];
	v61 =	vand.u32 $0x7FFFFFFF, v52;
	v42 =	vor.u32 v18, v27;
	v52 =	vor.u32 v46, v27;
	[tilespmem:s25+$0x400] =	vst v0;
	(pc) =	sbr.rel @p0 .LBB2_7-.Ltmp2, $4  }
0x610: {  	s26 =	smov.u32 s1;
	s1 =	sor.u32 s3, s16;
	v27 =	vor.u32 v24, v39;
	v46 =	vand.u32 $0x300, v28;
	v28 =	vor.u32 v12, v39;
	[tilespmem:s28+$0x410] =	vst v3;
	v47 =	vld.idx.msk [tilespmem:v54+s2+$0x0], $0xffff  }
0x611: {  	s29 =	smov.u32 s31;
	s31 =	sor.u32 s17, s16;
	[tilespmem:s1+$0x0] =	vst v61;
	v36 =	vand.u32 $0xF000, v44;
	v44 =	vmul.f32 v26, v26;
	v63 =	vand.u32 $0x7FFFFFFF, v55;
	v49 =	vld.idx.msk [tilespmem:v30+s2+$0x0], $0xffff  }
0x612: {  	s28 =	smov.u32 s30;
	s30 =	sor.u32 s11, s16;
	v26 =	vor.u32 v20, v39;
	[tilespmem:s31+$0x0] =	vst v63;
	v62 =	vand.u32 $0x7FFFFFFF, v53;
	v53 =	vor.u32 v13, v35;
	v48 =	vld.idx.msk [tilespmem:v57+s2+$0x0], $0xffff  }
0x613: {  	s0 =	smov.u32 s8;
	s8 =	sadd.s32 $0x4, s8;
	v45 =	vand.u32 $0xF000, v45;
	v51 =	vmul.f32 v1, v1;
	[tilespmem:s30+$0x0] =	vst v62;
	v30 =	vor.u32 v60, v39;
	v35 =	vld.idx.msk [tilespmem:v59+s2+$0x0], $0xffff  }
0x614: {  	v0 =	vld [tilespmem:s20+$0x10]  }
0x615: {  	v54 =	vld [tilespmem:$0x1FEF0]  }
0x616: {  	v2 =	vld [tilespmem:s10+$0x10]  }
0x617: {  	v4 =	vld [tilespmem:s9+$0x10]  }
0x618: {  	v3 =	vand.u32 $0x7FFFFFFF, v50;
	v5 =	vld.idx.msk [tilespmem:v53+s2+$0x0], $0xffff  }
0x619: {  	v6 =	vld.idx.msk [tilespmem:v52+s2+$0x0], $0xffff;
	[tilespmem:s6+$0x10] =	vst v3;
	v0 =	vand.u32 $0x7FFFFFFF, v0  }
0x61a: {  	v53 =	vld [tilespmem:$0x1FFD0];
	[tilespmem:s1+$0x10] =	vst v0  }
0x61b: {  	v52 =	vld [tilespmem:$0x1FF30]  }
0x61c: {  	v3 =	vld [tilespmem:s12+$0x20]  }
0x61d: {  	v50 =	vand.u32 $0x7FFFFFFF, v2  }
0x61e: {  	[tilespmem:s30+$0x10] =	vst v50  }
0x61f: {  	v16 =	vld [tilespmem:$0x1FF40]  }
0x620: {  	v56 =	vand.u32 $0x7FFFFFFF, v4;
	v8 =	vld [tilespmem:s20+$0x20];
	v55 =	vor.u32 v52, v22  }
0x621: {  	v3 =	vand.u32 $0x7FFFFFFF, v3;
	v9 =	vld [tilespmem:s10+$0x20];
	[tilespmem:s31+$0x10] =	vst v56  }
0x622: {  	[tilespmem:s6+$0x20] =	vst v3;
	v10 =	vld [tilespmem:s9+$0x20]  }
0x623: {  	v1 =	vor.u32 v54, v22;
	v41 =	vld [tilespmem:s12+$0x30]  }
0x624: {  	v57 =	vor.u32 v16, v22  }
0x625: {  	v62 =	vand.u32 $0x7FFFFFFF, v8;
	v2 =	vld.idx.msk [tilespmem:v55+s2+$0x0], $0xffff  }
0x626: {  	s0 =	sadd.s32 $0x3, s0;
	v7 =	vor.u32 v53, v22;
	v63 =	vand.u32 $0x7FFFFFFF, v9;
	v55 =	vld [tilespmem:$0x1FFE0];
	[tilespmem:s1+$0x20] =	vst v62  }
0x627: {  	v59 =	vmov s0;
	v15 =	vand.u32 $0x7FFFFFFF, v10;
	v56 =	vld [tilespmem:$0x1FFF0];
	[tilespmem:s30+$0x20] =	vst v63  }
0x628: {  	v38 =	vshll.u32 v59, $0x9;
	v0 =	vshll.u32 v59, $0x7;
	v1 =	vld.idx.msk [tilespmem:v1+s2+$0x0], $0xffff;
	v59 =	vand.u32 $0x7FFFFFFF, v41;
	[tilespmem:s31+$0x20] =	vst v15  }
0x629: {  	v40 =	vmul.f32 v40, v40;
	v36 =	vor.u32 v37, v36;
	v4 =	vld.idx.msk [tilespmem:v57+s2+$0x0], $0xffff;
	[tilespmem:s6+$0x30] =	vst v59  }
0x62a: {  	v60 =	vand.u32 $0xF000, v38;
	v0 =	vand.u32 $0x380, v0;
	v18 =	vor.u32 v53, v23;
	v57 =	vld [tilespmem:$0x1FEA0]  }
0x62b: {  	v61 =	vmul.f32 v47, v47;
	v14 =	vor.u32 v54, v23;
	v38 =	vor.u32 v0, v60;
	v7 =	vld.idx.msk [tilespmem:v7+s2+$0x0], $0xffff  }
0x62c: {  	v43 =	vmul.f32 v49, v49;
	v13 =	vmul.f32 v48, v48;
	v49 =	vld [tilespmem:s20+$0x30];
	v8 =	vor.u32 v55, v38  }
0x62d: {  	v17 =	vmul.f32 v35, v35;
	v6 =	vmul.f32 v6, v6;
	v19 =	vld [tilespmem:s10+$0x30];
	v12 =	vor.u32 v56, v38  }
0x62e: {  	v35 =	vor.u32 v46, v45;
	v5 =	vmul.f32 v5, v5;
	v60 =	vld [tilespmem:s9+$0x30];
	v62 =	vor.u32 v55, v39  }
0x62f: {  	v6 =	vadd.f32 v6, v40;
	v0 =	vadd.f32 v43, v61;
	v48 =	vld.idx.msk [tilespmem:v18+s2+$0x0], $0xffff;
	v61 =	vor.u32 v57, v38  }
0x630: {  	v41 =	vadd.f32 v51, v44;
	v10 =	vadd.f32 v17, v13;
	v13 =	vld.idx.msk [tilespmem:v14+s2+$0x0], $0xffff;
	v17 =	vor.u32 v55, v35  }
0x631: {  	v1 =	vmul.f32 v1, v1;
	v63 =	vor.u32 v56, v39;
	v49 =	vand.u32 $0x7FFFFFFF, v49;
	v8 =	vld.idx.msk [tilespmem:v8+s2+$0x0], $0xffff  }
0x632: {  	v0 =	vadd.f32 v10, v0;
	v14 =	vor.u32 v56, v36;
	[tilespmem:s1+$0x30] =	vst v49;
	v9 =	vld.idx.msk [tilespmem:v12+s2+$0x0], $0xffff  }
0x633: {  	v15 =	vand.u32 $0x7FFFFFFF, v19;
	v49 =	vand.u32 $0x7FFFFFFF, v60;
	v19 =	vld.idx.msk [tilespmem:v62+s2+$0x0], $0xffff;
	v12 =	vor.u32 v55, v36  }
0x634: {  	v6 =	vadd.f32 v6, v41;
	v59 =	vor.u32 v57, v39;
	[tilespmem:s31+$0x30] =	vst v49;
	v18 =	vld.idx.msk [tilespmem:v61+s2+$0x0], $0xffff  }
0x635: {  	v7 =	vmul.f32 v7, v7;
	v37 =	vadd.f32 v0, v5;
	v3 =	vld.idx.msk [tilespmem:v17+s2+$0x0], $0xffff;
	v61 =	vor.u32 v57, v36  }
0x636: {  	v13 =	vmul.f32 v13, v13;
	v50 =	vor.u32 v56, v35;
	[tilespmem:s30+$0x30] =	vst v15;
	v51 =	vld.idx.msk [tilespmem:v63+s2+$0x0], $0xffff  }
0x637: {  	v46 =	vld.idx.msk [tilespmem:v14+s2+$0x0], $0xffff;
	v63 =	vor.u32 v57, v35;
	v8 =	vmul.f32 v8, v8;
	v9 =	vmul.f32 v9, v9  }
0x638: {  	v2 =	vmul.f32 v2, v2;
	v4 =	vmul.f32 v4, v4;
	v17 =	vor.u32 v16, v23;
	v60 =	vld.idx.msk [tilespmem:v12+s2+$0x0], $0xffff  }
0x639: {  	v15 =	vmul.f32 v48, v48;
	v14 =	vld.idx.msk [tilespmem:v59+s2+$0x0], $0xffff;
	v5 =	vmul.f32 v18, v18;
	v8 =	vadd.f32 v9, v8  }
0x63a: {  	v1 =	vadd.f32 v7, v1;
	v2 =	vadd.f32 v4, v2;
	v62 =	vor.u32 v52, v23;
	v45 =	vld.idx.msk [tilespmem:v61+s2+$0x0], $0xffff  }
0x63b: {  	v4 =	vadd.f32 v15, v13;
	v40 =	vmul.f32 v19, v19;
	v12 =	vld.idx.msk [tilespmem:v50+s2+$0x0], $0xffff;
	v5 =	vadd.f32 v5, v8  }
0x63c: {  	v1 =	vadd.f32 v2, v1;
	v44 =	vmul.f32 v51, v51;
	v46 =	vmul.f32 v46, v46;
	v7 =	vld.idx.msk [tilespmem:v63+s2+$0x0], $0xffff  }
0x63d: {  	v50 =	vld.idx.msk [tilespmem:v17+s2+$0x0], $0xffff;
	v0 =	vmul.f32 v60, v60;
	v18 =	vshra.s32 v5, $0x1;
	v19 =	vmul.f32 $5.000000000e-01, v5  }
0x63e: {  	v10 =	vmul.f32 v14, v14;
	v40 =	vadd.f32 v44, v40;
	v47 =	vsub.s32 $0x5F3759DF, v18  }
0x63f: {  	v9 =	vld.idx.msk [tilespmem:v62+s2+$0x0], $0xffff;
	v49 =	vmul.f32 v45, v45;
	v0 =	vadd.f32 v46, v0;
	v48 =	vmul.f32 v47, v19  }
0x640: {  	v3 =	vmul.f32 v3, v3;
	v10 =	vadd.f32 v10, v40;
	v41 =	vmul.f32 v12, v12  }
0x641: {  	v7 =	vmul.f32 v7, v7;
	v12 =	vld [tilespmem:$0x1FF90];
	v0 =	vadd.f32 v49, v0;
	v8 =	vmul.f32 v47, v48  }
0x642: {  	v11 =	vld [tilespmem:$0x1FF80];
	v40 =	vmul.f32 v50, v50;
	v51 =	vshra.s32 v10, $0x1;
	v59 =	vmul.f32 $5.000000000e-01, v10  }
0x643: {  	v44 =	vshra.s32 v0, $0x1;
	v60 =	vmul.f32 $5.000000000e-01, v0;
	v8 =	vsub.f32 $1.500000000e+00, v8  }
0x644: {  	v3 =	vadd.f32 v41, v3;
	v9 =	vmul.f32 v9, v9;
	v44 =	vsub.s32 $0x5F3759DF, v44  }
0x645: {  	v13 =	vld [tilespmem:$0x1FFC0];
	v41 =	vsub.s32 $0x5F3759DF, v51;
	v45 =	vmul.f32 v44, v60;
	v8 =	vmul.f32 v47, v8  }
0x646: {  	v63 =	vmul.f32 v41, v59;
	v3 =	vadd.f32 v7, v3;
	v62 =	vor.u32 v12, v38  }
0x647: {  	v61 =	vor.u32 v11, v38;
	v45 =	vmul.f32 v44, v45;
	v5 =	vmul.f32 v8, v5  }
0x648: {  	v9 =	vadd.f32 v40, v9;
	v50 =	vshra.s32 v3, $0x1;
	v51 =	vmul.f32 $5.000000000e-01, v3  }
0x649: {  	v2 =	vsub.s32 $0x5F3759DF, v50;
	v8 =	vmul.f32 v41, v63;
	v45 =	vsub.f32 $1.500000000e+00, v45;
	[tilespmem:s6+$0x40] =	vst v5  }
0x64a: {  	v14 =	vor.u32 v13, v38;
	v4 =	vadd.f32 v9, v4;
	v9 =	vmul.f32 v2, v51;
	v17 =	vld [tilespmem:$0x1FF50]  }
0x64b: {  	v8 =	vsub.f32 $1.500000000e+00, v8;
	v47 =	vld.idx.msk [tilespmem:v62+s2+$0x0], $0xffff;
	v44 =	vmul.f32 v44, v45;
	v62 =	vor.u32 v11, v36  }
0x64c: {  	v9 =	vmul.f32 v2, v9;
	v63 =	vor.u32 v12, v36  }
0x64d: {  	v42 =	vld.idx.msk [tilespmem:v42+s2+$0x0], $0xffff;
	v59 =	vor.u32 v11, v39;
	v8 =	vmul.f32 v41, v8;
	v0 =	vmul.f32 v44, v0  }
0x64e: {  	v60 =	vor.u32 v12, v39;
	v9 =	vsub.f32 $1.500000000e+00, v9;
	v46 =	vld.idx.msk [tilespmem:v61+s2+$0x0], $0xffff  }
0x64f: {  	v43 =	vor.u32 v13, v39;
	v7 =	vld.idx.msk [tilespmem:v14+s2+$0x0], $0xffff;
	v8 =	vmul.f32 v8, v10;
	[tilespmem:s30+$0x40] =	vst v0  }
0x650: {  	v2 =	vmul.f32 v2, v9;
	v49 =	vor.u32 v17, v23;
	v40 =	vld.idx.msk [tilespmem:v62+s2+$0x0], $0xffff  }
0x651: {  	v18 =	vor.u32 v11, v35;
	[tilespmem:s1+$0x40] =	vst v8;
	v51 =	vld.idx.msk [tilespmem:v63+s2+$0x0], $0xffff  }
0x652: {  	v42 =	vmul.f32 v42, v42;
	v2 =	vmul.f32 v2, v3;
	v14 =	vld.idx.msk [tilespmem:v59+s2+$0x0], $0xffff  }
0x653: {  	v48 =	vor.u32 v17, v22;
	v46 =	vmul.f32 v46, v46;
	v47 =	vmul.f32 v47, v47;
	v19 =	vld.idx.msk [tilespmem:v60+s2+$0x0], $0xffff  }
0x654: {  	v6 =	vadd.f32 v6, v42;
	v8 =	vor.u32 v13, v36;
	v43 =	vld.idx.msk [tilespmem:v43+s2+$0x0], $0xffff  }
0x655: {  	[tilespmem:s31+$0x40] =	vst v2;
	v7 =	vmul.f32 v7, v7;
	v15 =	vadd.f32 v47, v46;
	v61 =	vld.idx.msk [tilespmem:v49+s2+$0x0], $0xffff  }
0x656: {  	v46 =	vld.idx.msk [tilespmem:v18+s2+$0x0], $0xffff  }
0x657: {  	v50 =	vshra.s32 v6, $0x1;
	v18 =	vshra.s32 v37, $0x1;
	v7 =	vadd.f32 v7, v15  }
0x658: {  	v5 =	vld.idx.msk [tilespmem:v48+s2+$0x0], $0xffff;
	v49 =	vor.u32 v12, v35;
	v40 =	vmul.f32 v40, v40;
	v9 =	vmul.f32 v51, v51  }
0x659: {  	v8 =	vld.idx.msk [tilespmem:v8+s2+$0x0], $0xffff;
	v59 =	vshra.s32 v7, $0x1;
	v60 =	vmul.f32 $5.000000000e-01, v7;
	v63 =	vmul.f32 v14, v14  }
0x65a: {  	v14 =	vor.u32 v13, v35;
	v0 =	vmul.f32 v19, v19;
	v10 =	vmul.f32 v61, v61  }
0x65b: {  	v48 =	vld [tilespmem:$0x1FFA0];
	v43 =	vmul.f32 v43, v43;
	v9 =	vadd.f32 v9, v40;
	v46 =	vmul.f32 v46, v46  }
0x65c: {  	v0 =	vadd.f32 v0, v63;
	v41 =	vadd.f32 v4, v10;
	v4 =	vsub.s32 $0x5F3759DF, v59  }
0x65d: {  	v40 =	vsub.s32 $0x5F3759DF, v18;
	v5 =	vmul.f32 v5, v5;
	v45 =	vld.idx.msk [tilespmem:v49+s2+$0x0], $0xffff;
	v10 =	vmul.f32 v4, v60  }
0x65e: {  	v61 =	vmul.f32 $5.000000000e-01, v6;
	v0 =	vadd.f32 v43, v0;
	v49 =	vld [tilespmem:$0x1FFB0];
	v8 =	vmul.f32 v8, v8  }
0x65f: {  	v2 =	vld.idx.msk [tilespmem:v14+s2+$0x0], $0xffff;
	v1 =	vadd.f32 v1, v5;
	v5 =	vsub.s32 $0x5F3759DF, v50;
	v10 =	vmul.f32 v4, v10  }
0x660: {  	v19 =	vor.u32 v48, v38;
	v8 =	vadd.f32 v8, v9;
	v3 =	vmul.f32 v5, v61  }
0x661: {  	v61 =	vshra.s32 v0, $0x1;
	v15 =	vmul.f32 $5.000000000e-01, v1;
	v10 =	vsub.f32 $1.500000000e+00, v10  }
0x662: {  	v62 =	vshra.s32 v1, $0x1;
	v18 =	vmul.f32 $5.000000000e-01, v8;
	v3 =	vmul.f32 v5, v3  }
0x663: {  	v44 =	vsub.s32 $0x5F3759DF, v62;
	v45 =	vmul.f32 v45, v45;
	v4 =	vmul.f32 v4, v10  }
0x664: {  	v59 =	vor.u32 v49, v38;
	v47 =	vmul.f32 v44, v15;
	v2 =	vmul.f32 v2, v2  }
0x665: {  	v45 =	vadd.f32 v45, v46;
	v3 =	vsub.f32 $1.500000000e+00, v3;
	v4 =	vmul.f32 v4, v7  }
0x666: {  	v62 =	vmul.f32 $5.000000000e-01, v0;
	v15 =	vshra.s32 v8, $0x1;
	v47 =	vmul.f32 v44, v47  }
0x667: {  	v46 =	vsub.s32 $0x5F3759DF, v61;
	v3 =	vmul.f32 v5, v3;
	v2 =	vadd.f32 v2, v45;
	[tilespmem:s6+$0x50] =	vst v4  }
0x668: {  	v5 =	vsub.s32 $0x5F3759DF, v15;
	v47 =	vsub.f32 $1.500000000e+00, v47;
	v4 =	vmul.f32 v46, v62;
	v14 =	vld [tilespmem:$0x1FEB0]  }
0x669: {  	v45 =	vmul.f32 v5, v18;
	v50 =	vshra.s32 v2, $0x1;
	v10 =	vld.idx.msk [tilespmem:v19+s2+$0x0], $0xffff;
	v19 =	vmul.f32 $5.000000000e-01, v2  }
0x66a: {  	v44 =	vmul.f32 v44, v47;
	v47 =	vsub.s32 $0x5F3759DF, v50;
	v4 =	vmul.f32 v46, v4  }
0x66b: {  	v3 =	vmul.f32 v3, v6;
	v6 =	vmul.f32 v47, v19  }
0x66c: {  	v4 =	vsub.f32 $1.500000000e+00, v4  }
0x66d: {  	v45 =	vmul.f32 v5, v45;
	v6 =	vmul.f32 v47, v6;
	v63 =	vor.u32 v14, v38  }
0x66e: {  	v60 =	vshra.s32 v41, $0x1;
	v43 =	vld.idx.msk [tilespmem:v59+s2+$0x0], $0xffff;
	v59 =	vor.u32 v48, v39;
	[tilespmem:s26+$0x400] =	vst v3;
	v4 =	vmul.f32 v46, v4  }
0x66f: {  	v7 =	vsub.s32 $0x5F3759DF, v60;
	v31 =	vld.idx.msk [tilespmem:v31+s2+$0x0], $0xffff;
	v6 =	vsub.f32 $1.500000000e+00, v6  }
0x670: {  	v60 =	vor.u32 v49, v39;
	v45 =	vsub.f32 $1.500000000e+00, v45;
	v32 =	vld.idx.msk [tilespmem:v32+s2+$0x0], $0xffff;
	v0 =	vmul.f32 v4, v0  }
0x671: {  	v34 =	vld.idx.msk [tilespmem:v34+s2+$0x0], $0xffff;
	v6 =	vmul.f32 v47, v6  }
0x672: {  	v62 =	vor.u32 v48, v36;
	v5 =	vmul.f32 v5, v45;
	[tilespmem:s1+$0x50] =	vst v0;
	v9 =	vld.idx.msk [tilespmem:v63+s2+$0x0], $0xffff  }
0x673: {  	v42 =	vmul.f32 $5.000000000e-01, v37;
	v2 =	vmul.f32 v6, v2;
	v6 =	vld.idx.msk [tilespmem:v59+s2+$0x0], $0xffff  }
0x674: {  	v51 =	vmul.f32 $5.000000000e-01, v41;
	v15 =	vor.u32 v48, v35;
	v5 =	vmul.f32 v5, v8;
	v18 =	vld [tilespmem:$0x1FF60]  }
0x675: {  	v10 =	vmul.f32 v10, v10;
	v43 =	vmul.f32 v43, v43;
	v63 =	vor.u32 v49, v36;
	v3 =	vld.idx.msk [tilespmem:v60+s2+$0x0], $0xffff  }
0x676: {  	v1 =	vmul.f32 v44, v1;
	v46 =	vmul.f32 v7, v51;
	[tilespmem:s30+$0x50] =	vst v5;
	v30 =	vld.idx.msk [tilespmem:v30+s2+$0x0], $0xffff  }
0x677: {  	v10 =	vadd.f32 v43, v10;
	v44 =	vld.idx.msk [tilespmem:v62+s2+$0x0], $0xffff;
	[tilespmem:s31+$0x50] =	vst v2;
	v9 =	vmul.f32 v9, v9  }
0x678: {  	v42 =	vmul.f32 v40, v42;
	v51 =	vor.u32 v49, v35;
	v61 =	vmul.f32 v7, v46;
	v21 =	vld [tilespmem:$0x1FF70]  }
0x679: {  	v20 =	vld [tilespmem:$0x1FF00];
	v4 =	vadd.f32 v9, v10  }
0x67a: {  	v39 =	vmul.f32 v40, v42;
	v60 =	vsub.f32 $1.500000000e+00, v61;
	v61 =	vor.u32 v14, v36;
	v63 =	vld.idx.msk [tilespmem:v63+s2+$0x0], $0xffff  }
0x67b: {  	v62 =	vor.u32 v14, v35;
	v9 =	vld.idx.msk [tilespmem:v33+s2+$0x0], $0xffff;
	v19 =	vshra.s32 v4, $0x1;
	v50 =	vmul.f32 $5.000000000e-01, v4  }
0x67c: {  	v33 =	vld.idx.msk [tilespmem:v15+s2+$0x0], $0xffff;
	v15 =	vmul.f32 v31, v31;
	v31 =	vmul.f32 v32, v32;
	v0 =	vsub.s32 $0x5F3759DF, v19  }
0x67d: {  	v7 =	vmul.f32 v7, v60;
	[tilespmem:s28+$0x400] =	vst v1;
	v19 =	vld.idx.msk [tilespmem:v51+s2+$0x0], $0xffff;
	v59 =	vmul.f32 v0, v50  }
0x67e: {  	v25 =	vor.u32 v58, v25;
	v34 =	vmul.f32 v34, v34;
	v1 =	vadd.f32 v31, v15;
	v15 =	vld [tilespmem:$0x1FEC0]  }
0x67f: {  	v39 =	vsub.f32 $1.500000000e+00, v39;
	v7 =	vmul.f32 v7, v41;
	v47 =	vld [tilespmem:$0x1FED0];
	v5 =	vmul.f32 v0, v59  }
0x680: {  	v43 =	vor.u32 v18, v22;
	v3 =	vmul.f32 v3, v3;
	v30 =	vmul.f32 v30, v30;
	v60 =	vld.idx.msk [tilespmem:v62+s2+$0x0], $0xffff  }
0x681: {  	v44 =	vmul.f32 v44, v44;
	v10 =	vor.u32 v21, v22;
	v31 =	vld.idx.msk [tilespmem:v61+s2+$0x0], $0xffff;
	v5 =	vsub.f32 $1.500000000e+00, v5  }
0x682: {  	v8 =	vor.u32 v20, v22;
	v2 =	vmul.f32 v63, v63;
	v63 =	vmul.f32 v19, v19;
	v19 =	vld [tilespmem:$0x1FEE0]  }
0x683: {  	v50 =	vld [tilespmem:$0x1FF10];
	v59 =	vmul.f32 v6, v6;
	v61 =	vor.u32 v15, v38;
	v0 =	vmul.f32 v0, v5  }
0x684: {  	v62 =	vor.u32 v47, v38;
	v9 =	vmul.f32 v9, v9;
	v33 =	vmul.f32 v33, v33  }
0x685: {  	v2 =	vadd.f32 v2, v44;
	v3 =	vadd.f32 v3, v59;
	v0 =	vmul.f32 v0, v4  }
0x686: {  	v6 =	vmul.f32 v60, v60;
	v51 =	vmul.f32 v31, v31;
	v9 =	vadd.f32 v34, v9  }
0x687: {  	v45 =	vor.u32 v15, v36;
	v3 =	vadd.f32 v30, v3;
	v46 =	vor.u32 v19, v38;
	[tilespmem:s6+$0x60] =	vst v0  }
0x688: {  	v41 =	vor.u32 v50, v22;
	v1 =	vadd.f32 v9, v1;
	v5 =	vadd.f32 v63, v33;
	v31 =	vld.idx.msk [tilespmem:v61+s2+$0x0], $0xffff  }
0x689: {  	v59 =	vshra.s32 v3, $0x1;
	v60 =	vmul.f32 $5.000000000e-01, v3;
	v0 =	vadd.f32 v51, v2;
	v30 =	vld.idx.msk [tilespmem:v62+s2+$0x0], $0xffff  }
0x68a: {  	v43 =	vld.idx.msk [tilespmem:v43+s2+$0x0], $0xffff;
	v4 =	vor.u32 v18, v23;
	v5 =	vadd.f32 v6, v5;
	v6 =	vsub.s32 $0x5F3759DF, v59  }
0x68b: {  	v2 =	vld.idx.msk [tilespmem:v10+s2+$0x0], $0xffff;
	v34 =	vmul.f32 v6, v60;
	v61 =	vshra.s32 v0, $0x1;
	v62 =	vmul.f32 $5.000000000e-01, v0  }
0x68c: {  	v59 =	vor.u32 v21, v23;
	v63 =	vmul.f32 $5.000000000e-01, v5;
	v10 =	vsub.s32 $0x5F3759DF, v61;
	v32 =	vld.idx.msk [tilespmem:v46+s2+$0x0], $0xffff  }
0x68d: {  	v51 =	vshra.s32 v5, $0x1;
	v34 =	vmul.f32 v6, v34;
	v42 =	vmul.f32 v10, v62  }
0x68e: {  	v44 =	vsub.s32 $0x5F3759DF, v51;
	v31 =	vmul.f32 v31, v31;
	v30 =	vmul.f32 v30, v30  }
0x68f: {  	v29 =	vld.idx.msk [tilespmem:v29+s2+$0x0], $0xffff;
	v33 =	vmul.f32 v43, v43;
	v60 =	vor.u32 v20, v23;
	v43 =	vmul.f32 v44, v63  }
0x690: {  	v8 =	vld.idx.msk [tilespmem:v8+s2+$0x0], $0xffff;
	v42 =	vmul.f32 v10, v42;
	v31 =	vadd.f32 v30, v31;
	v30 =	vsub.f32 $1.500000000e+00, v34  }
0x691: {  	[tilespmem:s29+$0x400] =	vst v7;
	v61 =	vor.u32 v50, v23;
	v43 =	vmul.f32 v44, v43;
	v32 =	vmul.f32 v32, v32  }
0x692: {  	v4 =	vld.idx.msk [tilespmem:v4+s2+$0x0], $0xffff;
	v2 =	vmul.f32 v2, v2;
	v42 =	vsub.f32 $1.500000000e+00, v42;
	v6 =	vmul.f32 v6, v30  }
0x693: {  	v51 =	vor.u32 v47, v36;
	v63 =	vld.idx.msk [tilespmem:v59+s2+$0x0], $0xffff;
	v62 =	vsub.f32 $1.500000000e+00, v43;
	v7 =	vadd.f32 v32, v31  }
0x694: {  	v2 =	vadd.f32 v2, v33;
	v10 =	vmul.f32 v10, v42;
	v31 =	vld.idx.msk [tilespmem:v41+s2+$0x0], $0xffff;
	v3 =	vmul.f32 v6, v3  }
0x695: {  	v34 =	vld.idx.msk [tilespmem:v60+s2+$0x0], $0xffff;
	v32 =	vmul.f32 v44, v62;
	v43 =	vshra.s32 v7, $0x1;
	v44 =	vmul.f32 $5.000000000e-01, v7  }
0x696: {  	v30 =	vmul.f32 v40, v39;
	v40 =	vld.idx.msk [tilespmem:v61+s2+$0x0], $0xffff;
	v0 =	vmul.f32 v10, v0;
	v33 =	vsub.s32 $0x5F3759DF, v43;
	[tilespmem:s1+$0x60] =	vst v3  }
0x697: {  	v4 =	vmul.f32 v4, v4;
	v61 =	vor.u32 v47, v35;
	v39 =	vmul.f32 v33, v44;
	v27 =	vld.idx.msk [tilespmem:v27+s2+$0x0], $0xffff  }
0x698: {  	v6 =	vmul.f32 v63, v63;
	v5 =	vmul.f32 v32, v5;
	[tilespmem:s30+$0x60] =	vst v0;
	v28 =	vld.idx.msk [tilespmem:v28+s2+$0x0], $0xffff  }
0x699: {  	v59 =	vor.u32 v15, v35;
	v10 =	vld.idx.msk [tilespmem:v45+s2+$0x0], $0xffff;
	v60 =	vmul.f32 v31, v31;
	v31 =	vmul.f32 v33, v39  }
0x69a: {  	v8 =	vmul.f32 v8, v8;
	v62 =	vor.u32 v19, v36;
	v63 =	vor.u32 v19, v35;
	v3 =	vld.idx.msk [tilespmem:v51+s2+$0x0], $0xffff  }
0x69b: {  	v30 =	vmul.f32 v30, v37;
	v4 =	vadd.f32 v6, v4;
	[tilespmem:s31+$0x60] =	vst v5;
	v46 =	vld.idx.msk [tilespmem:v26+s2+$0x0], $0xffff;
	v31 =	vsub.f32 $1.500000000e+00, v31  }
0x69c: {  	v43 =	vor.u32 v54, v25;
	v44 =	vor.u32 v54, v38;
	v45 =	vor.u32 v53, v38;
	v42 =	vld [tilespmem:$0x1FF20]  }
0x69d: {  	v26 =	vor.u32 v52, v38;
	v51 =	vmul.f32 v40, v40;
	v0 =	vld.idx.msk [tilespmem:v61+s2+$0x0], $0xffff;
	v31 =	vmul.f32 v33, v31  }
0x69e: {  	v32 =	vld.idx.msk [tilespmem:v59+s2+$0x0], $0xffff;
	v8 =	vadd.f32 v60, v8;
	v60 =	vmul.f32 v29, v29;
	v27 =	vmul.f32 v27, v27  }
0x69f: {  	v9 =	vld.idx.msk [tilespmem:v62+s2+$0x0], $0xffff;
	v59 =	vor.u32 v16, v38;
	v28 =	vmul.f32 v28, v28;
	v7 =	vmul.f32 v31, v7  }
0x6a0: {  	v5 =	vld.idx.msk [tilespmem:v63+s2+$0x0], $0xffff;
	v2 =	vadd.f32 v8, v2;
	v10 =	vmul.f32 v10, v10;
	v3 =	vmul.f32 v3, v3  }
0x6a1: {  	v8 =	vmul.f32 v46, v46;
	v27 =	vadd.f32 v28, v27;
	v31 =	vmul.f32 v34, v34;
	[tilespmem:s6+$0x70] =	vst v7  }
0x6a2: {  	v22 =	vor.u32 v42, v22;
	v23 =	vor.u32 v42, v23;
	v0 =	vmul.f32 v0, v0;
	v26 =	vld.idx.msk [tilespmem:v26+s2+$0x0], $0xffff  }
0x6a3: {  	v28 =	vmul.f32 v32, v32;
	v8 =	vadd.f32 v8, v27;
	v29 =	vadd.f32 v51, v31;
	v31 =	vld.idx.msk [tilespmem:v44+s2+$0x0], $0xffff  }
0x6a4: {  	v9 =	vmul.f32 v9, v9;
	v3 =	vadd.f32 v3, v10;
	v27 =	vor.u32 v17, v38  }
0x6a5: {  	v0 =	vadd.f32 v0, v28;
	v6 =	vld.idx.msk [tilespmem:v45+s2+$0x0], $0xffff;
	v62 =	vshra.s32 v8, $0x1;
	v28 =	vmul.f32 $5.000000000e-01, v8  }
0x6a6: {  	v5 =	vmul.f32 v5, v5;
	v3 =	vadd.f32 v9, v3;
	v61 =	vld.idx.msk [tilespmem:v59+s2+$0x0], $0xffff;
	v9 =	vsub.s32 $0x5F3759DF, v62  }
0x6a7: {  	v51 =	vor.u32 v54, v36;
	v63 =	vmul.f32 v26, v26;
	v26 =	vmul.f32 v9, v28  }
0x6a8: {  	v0 =	vadd.f32 v5, v0;
	v4 =	vadd.f32 v29, v4;
	v29 =	vmul.f32 v31, v31  }
0x6a9: {  	v27 =	vld.idx.msk [tilespmem:v27+s2+$0x0], $0xffff;
	v28 =	vshra.s32 v3, $0x1;
	v31 =	vmul.f32 $5.000000000e-01, v3;
	v26 =	vmul.f32 v9, v26  }
0x6aa: {  	v44 =	vor.u32 v52, v25;
	v6 =	vmul.f32 v6, v6;
	v28 =	vsub.s32 $0x5F3759DF, v28  }
0x6ab: {  	v46 =	vld.idx.msk [tilespmem:v23+s2+$0x0], $0xffff;
	v10 =	vmul.f32 v61, v61;
	v41 =	vmul.f32 v28, v31;
	v26 =	vsub.f32 $1.500000000e+00, v26  }
0x6ac: {  	v39 =	vshra.s32 v0, $0x1;
	v40 =	vmul.f32 $5.000000000e-01, v0;
	v6 =	vadd.f32 v6, v29  }
0x6ad: {  	v5 =	vadd.f32 v10, v63;
	v10 =	vmul.f32 v28, v41;
	v9 =	vmul.f32 v9, v26  }
0x6ae: {  	v29 =	vsub.s32 $0x5F3759DF, v39;
	v26 =	vmul.f32 v27, v27;
	v27 =	vor.u32 v53, v25  }
0x6af: {  	v24 =	vmul.f32 v29, v40;
	v10 =	vsub.f32 $1.500000000e+00, v10;
	v8 =	vmul.f32 v9, v8  }
0x6b0: {  	v45 =	vor.u32 v16, v25;
	v59 =	vor.u32 v16, v36;
	v7 =	vmul.f32 v46, v46;
	v31 =	vld.idx.msk [tilespmem:v22+s2+$0x0], $0xffff  }
0x6b1: {  	v62 =	vor.u32 v53, v35;
	v24 =	vmul.f32 v29, v24;
	v10 =	vmul.f32 v28, v10;
	[tilespmem:s1+$0x70] =	vst v8  }
0x6b2: {  	v22 =	vadd.f32 v1, v60;
	v5 =	vadd.f32 v5, v6;
	v28 =	vor.u32 v53, v36;
	v6 =	vld.idx.msk [tilespmem:v43+s2+$0x0], $0xffff  }
0x6b3: {  	v46 =	vor.u32 v17, v36;
	v23 =	vsub.f32 $1.500000000e+00, v24;
	v3 =	vmul.f32 v10, v3;
	v58 =	vld.idx.msk [tilespmem:v27+s2+$0x0], $0xffff  }
0x6b4: {  	v60 =	vor.u32 v54, v35;
	v63 =	vmul.f32 $5.000000000e-01, v22;
	v1 =	vadd.f32 v5, v26;
	v9 =	vld.idx.msk [tilespmem:v44+s2+$0x0], $0xffff  }
0x6b5: {  	v61 =	vshra.s32 v22, $0x1;
	v31 =	vmul.f32 v31, v31;
	v23 =	vmul.f32 v29, v23;
	[tilespmem:s30+$0x70] =	vst v3;
	v3 =	vld.idx.msk [tilespmem:v45+s2+$0x0], $0xffff  }
0x6b6: {  	v29 =	vor.u32 v17, v25;
	v24 =	vshra.s32 v1, $0x1;
	v26 =	vmul.f32 $5.000000000e-01, v1;
	v8 =	vld.idx.msk [tilespmem:v51+s2+$0x0], $0xffff  }
0x6b7: {  	v24 =	vsub.s32 $0x5F3759DF, v24;
	v27 =	vor.u32 v52, v36;
	v0 =	vmul.f32 v23, v0;
	v28 =	vld.idx.msk [tilespmem:v28+s2+$0x0], $0xffff  }
0x6b8: {  	v23 =	vadd.f32 v2, v31;
	v2 =	vsub.s32 $0x5F3759DF, v61;
	v26 =	vmul.f32 v24, v26;
	v45 =	vld.idx.msk [tilespmem:v59+s2+$0x0], $0xffff  }
0x6b9: {  	v31 =	vor.u32 v16, v35;
	v32 =	vmul.f32 v2, v63;
	[tilespmem:s31+$0x70] =	vst v0;
	v33 =	vld.idx.msk [tilespmem:v46+s2+$0x0], $0xffff  }
0x6ba: {  	v44 =	vor.u32 v52, v35;
	v61 =	vor.u32 v17, v35;
	v26 =	vmul.f32 v24, v26;
	v5 =	vld.idx.msk [tilespmem:v60+s2+$0x0], $0xffff  }
0x6bb: {  	v63 =	vor.u32 v21, v38;
	v34 =	vmul.f32 $5.000000000e-01, v23;
	v59 =	vld.idx.msk [tilespmem:v29+s2+$0x0], $0xffff;
	v32 =	vmul.f32 v2, v32  }
0x6bc: {  	v29 =	vld.idx.msk [tilespmem:v62+s2+$0x0], $0xffff;
	v26 =	vsub.f32 $1.500000000e+00, v26;
	v51 =	vmul.f32 v6, v6;
	v58 =	vmul.f32 v58, v58  }
0x6bd: {  	v10 =	vshra.s32 v23, $0x1;
	v27 =	vld.idx.msk [tilespmem:v27+s2+$0x0], $0xffff;
	v9 =	vmul.f32 v9, v9;
	v3 =	vmul.f32 v3, v3  }
0x6be: {  	v62 =	vld.idx.msk [tilespmem:v31+s2+$0x0], $0xffff;
	v31 =	vor.u32 v18, v38;
	v26 =	vmul.f32 v24, v26;
	v24 =	vadd.f32 v4, v7  }
0x6bf: {  	v60 =	vld.idx.msk [tilespmem:v44+s2+$0x0], $0xffff;
	v4 =	vadd.f32 v58, v51;
	v8 =	vmul.f32 v8, v8;
	v3 =	vadd.f32 v3, v9  }
0x6c0: {  	v44 =	vor.u32 v20, v38;
	v28 =	vmul.f32 v28, v28;
	v0 =	vmul.f32 v45, v45  }
0x6c1: {  	v40 =	vmul.f32 v33, v33;
	v7 =	vmul.f32 v59, v59;
	v3 =	vadd.f32 v3, v4  }
0x6c2: {  	v32 =	vsub.f32 $1.500000000e+00, v32;
	v5 =	vmul.f32 v5, v5;
	v27 =	vmul.f32 v27, v27  }
0x6c3: {  	v1 =	vmul.f32 v26, v1;
	v8 =	vadd.f32 v28, v8;
	v3 =	vadd.f32 v3, v7  }
0x6c4: {  	v26 =	vmul.f32 v29, v29;
	v6 =	vmul.f32 v60, v60;
	v0 =	vadd.f32 v0, v27  }
0x6c5: {  	v39 =	vmul.f32 v62, v62;
	v27 =	vld.idx.msk [tilespmem:v61+s2+$0x0], $0xffff;
	v41 =	vshra.s32 v3, $0x1;
	v28 =	vmul.f32 $5.000000000e-01, v3  }
0x6c6: {  	v2 =	vmul.f32 v2, v32;
	v0 =	vadd.f32 v0, v8;
	v43 =	vsub.s32 $0x5F3759DF, v41  }
0x6c7: {  	v5 =	vadd.f32 v26, v5;
	v6 =	vadd.f32 v39, v6;
	v45 =	vmul.f32 v43, v28  }
0x6c8: {  	v2 =	vmul.f32 v2, v22;
	v62 =	vor.u32 v20, v25;
	v0 =	vadd.f32 v0, v40  }
0x6c9: {  	v26 =	vor.u32 v50, v38;
	v5 =	vadd.f32 v6, v5;
	v8 =	vmul.f32 v43, v45  }
0x6ca: {  	[tilespmem:s6+$0x400] =	vst v1;
	v46 =	vmul.f32 v27, v27;
	v27 =	vshra.s32 v0, $0x1;
	v28 =	vmul.f32 $5.000000000e-01, v0  }
0x6cb: {  	v58 =	vld.idx.msk [tilespmem:v31+s2+$0x0], $0xffff;
	v31 =	vor.u32 v18, v25;
	v51 =	vsub.s32 $0x5F3759DF, v27;
	v8 =	vsub.f32 $1.500000000e+00, v8  }
0x6cc: {  	v1 =	vadd.f32 v5, v46;
	v27 =	vor.u32 v42, v38;
	v28 =	vmul.f32 v51, v28  }
0x6cd: {  	v4 =	vld.idx.msk [tilespmem:v63+s2+$0x0], $0xffff;
	v61 =	vor.u32 v21, v25;
	v63 =	vor.u32 v50, v25;
	v7 =	vmul.f32 v43, v8  }
0x6ce: {  	v9 =	vld.idx.msk [tilespmem:v44+s2+$0x0], $0xffff;
	v59 =	vshra.s32 v1, $0x1;
	v60 =	vmul.f32 $5.000000000e-01, v1;
	v28 =	vmul.f32 v51, v28  }
0x6cf: {  	v44 =	vor.u32 v21, v36;
	v26 =	vld.idx.msk [tilespmem:v26+s2+$0x0], $0xffff;
	v33 =	vsub.s32 $0x5F3759DF, v59;
	v3 =	vmul.f32 v7, v3  }
0x6d0: {  	v25 =	vor.u32 v42, v25;
	v38 =	vmul.f32 v33, v60;
	v28 =	vsub.f32 $1.500000000e+00, v28  }
0x6d1: {  	v39 =	vor.u32 v42, v35;
	v6 =	vmul.f32 v58, v58;
	v8 =	vsub.s32 $0x5F3759DF, v10;
	v27 =	vld.idx.msk [tilespmem:v27+s2+$0x0], $0xffff;
	[tilespmem:s1+$0x400] =	vst v3  }
0x6d2: {  	v38 =	vmul.f32 v33, v38;
	v5 =	vmul.f32 v51, v28;
	v28 =	vor.u32 v18, v36;
	v31 =	vld.idx.msk [tilespmem:v31+s2+$0x0], $0xffff  }
0x6d3: {  	v4 =	vmul.f32 v4, v4;
	v45 =	vor.u32 v20, v36;
	v34 =	vmul.f32 v8, v34;
	v10 =	vld.idx.msk [tilespmem:v61+s2+$0x0], $0xffff  }
0x6d4: {  	v26 =	vmul.f32 v26, v26;
	v38 =	vsub.f32 $1.500000000e+00, v38;
	v51 =	vld.idx.msk [tilespmem:v62+s2+$0x0], $0xffff;
	v0 =	vmul.f32 v5, v0  }
0x6d5: {  	v46 =	vor.u32 v50, v36;
	v43 =	vmul.f32 v9, v9;
	v34 =	vmul.f32 v8, v34;
	v7 =	vld.idx.msk [tilespmem:v63+s2+$0x0], $0xffff  }
0x6d6: {  	v29 =	vshra.s32 v24, $0x1;
	v59 =	vor.u32 v18, v35;
	v25 =	vld.idx.msk [tilespmem:v25+s2+$0x0], $0xffff;
	v33 =	vmul.f32 v33, v38;
	[tilespmem:s30+$0x400] =	vst v0  }
0x6d7: {  	v3 =	vadd.f32 v26, v43;
	v26 =	vor.u32 v21, v35;
	v34 =	vsub.f32 $1.500000000e+00, v34;
	v28 =	vld.idx.msk [tilespmem:v28+s2+$0x0], $0xffff  }
0x6d8: {  	v4 =	vadd.f32 v4, v6;
	v60 =	vor.u32 v20, v35;
	v1 =	vmul.f32 v33, v1;
	v9 =	vld.idx.msk [tilespmem:v44+s2+$0x0], $0xffff  }
0x6d9: {  	v58 =	vmul.f32 $5.000000000e-01, v24;
	v62 =	vor.u32 v50, v35;
	v8 =	vmul.f32 v8, v34;
	v61 =	vld.idx.msk [tilespmem:v45+s2+$0x0], $0xffff  }
0x6da: {  	v29 =	vsub.s32 $0x5F3759DF, v29;
	v3 =	vadd.f32 v3, v4;
	v27 =	vmul.f32 v27, v27;
	v6 =	vld.idx.msk [tilespmem:v46+s2+$0x0], $0xffff;
	[tilespmem:s31+$0x400] =	vst v1  }
0x6db: {  	v36 =	vor.u32 v42, v36;
	v63 =	vmul.f32 v29, v58;
	v8 =	vmul.f32 v8, v23;
	v0 =	vld.idx.msk [tilespmem:v59+s2+$0x0], $0xffff  }
0x6dc: {  	v3 =	vadd.f32 v3, v27;
	v27 =	vmul.f32 v31, v31;
	v10 =	vmul.f32 v10, v10;
	v26 =	vld.idx.msk [tilespmem:v26+s2+$0x0], $0xffff  }
0x6dd: {  	v31 =	vmul.f32 v51, v51;
	v7 =	vmul.f32 v7, v7;
	v37 =	vld.idx.msk [tilespmem:v60+s2+$0x0], $0xffff  }
0x6de: {  	v41 =	vmul.f32 v25, v25;
	v1 =	vmul.f32 v29, v63;
	v5 =	vld.idx.msk [tilespmem:v62+s2+$0x0], $0xffff;
	v10 =	vadd.f32 v10, v27  }
0x6df: {  	v7 =	vadd.f32 v7, v31;
	v28 =	vmul.f32 v28, v28;
	v9 =	vmul.f32 v9, v9  }
0x6e0: {  	v27 =	vld.idx.msk [tilespmem:v36+s2+$0x0], $0xffff;
	v4 =	vmul.f32 v61, v61;
	v6 =	vmul.f32 v6, v6  }
0x6e1: {  	v43 =	vmul.f32 $5.000000000e-01, v3;
	v31 =	vld.idx.msk [tilespmem:v39+s2+$0x0], $0xffff;
	v7 =	vadd.f32 v7, v10;
	v9 =	vadd.f32 v9, v28  }
0x6e2: {  	v4 =	vadd.f32 v6, v4;
	v0 =	vmul.f32 v0, v0;
	v26 =	vmul.f32 v26, v26  }
0x6e3: {  	v40 =	vshra.s32 v3, $0x1;
	v28 =	vmul.f32 v37, v37;
	v5 =	vmul.f32 v5, v5  }
0x6e4: {  	v45 =	vsub.s32 $0x5F3759DF, v40;
	v6 =	vadd.f32 v7, v41;
	v4 =	vadd.f32 v4, v9  }
0x6e5: {  	v44 =	vmul.f32 v27, v27;
	v0 =	vadd.f32 v26, v0;
	v5 =	vadd.f32 v5, v28  }
0x6e6: {  	v1 =	vsub.f32 $1.500000000e+00, v1;
	v46 =	vmul.f32 v31, v31;
	v25 =	vshra.s32 v6, $0x1  }
0x6e7: {  	v26 =	vmul.f32 $5.000000000e-01, v6;
	v4 =	vadd.f32 v4, v44;
	v0 =	vadd.f32 v5, v0  }
0x6e8: {  	v51 =	vmul.f32 v45, v43;
	v1 =	vmul.f32 v29, v1;
	v58 =	vsub.s32 $0x5F3759DF, v25  }
0x6e9: {  	v59 =	vmul.f32 v58, v26;
	v25 =	vshra.s32 v4, $0x1;
	v0 =	vadd.f32 v0, v46  }
0x6ea: {  	v7 =	vmul.f32 v45, v51;
	v26 =	vmul.f32 $5.000000000e-01, v4;
	v25 =	vsub.s32 $0x5F3759DF, v25  }
0x6eb: {  	v5 =	vmul.f32 v58, v59;
	v27 =	vshra.s32 v0, $0x1;
	v28 =	vmul.f32 $5.000000000e-01, v0  }
0x6ec: {  	v7 =	vsub.f32 $1.500000000e+00, v7;
	v26 =	vmul.f32 v25, v26;
	v27 =	vsub.s32 $0x5F3759DF, v27  }
0x6ed: {  	v1 =	vmul.f32 v1, v24;
	v5 =	vsub.f32 $1.500000000e+00, v5;
	v28 =	vmul.f32 v27, v28  }
0x6ee: {  	[tilespmem:s25+$0x410] =	vst v30;
	v7 =	vmul.f32 v45, v7;
	v26 =	vmul.f32 v25, v26  }
0x6ef: {  	[tilespmem:s26+$0x410] =	vst v2;
	v61 =	vmul.f32 v58, v5;
	v22 =	vmul.f32 v27, v28  }
0x6f0: {  	[tilespmem:s28+$0x410] =	vst v8;
	v3 =	vmul.f32 v7, v3;
	v60 =	vsub.f32 $1.500000000e+00, v26  }
0x6f1: {  	[tilespmem:s29+$0x410] =	vst v1;
	v2 =	vmul.f32 v61, v6;
	v62 =	vsub.f32 $1.500000000e+00, v22  }
0x6f2: {  	[tilespmem:s6+$0x410] =	vst v3;
	v63 =	vmul.f32 v25, v60  }
0x6f3: {  	[tilespmem:s1+$0x410] =	vst v2;
	v8 =	vmul.f32 v27, v62  }
0x6f4: {  	v9 =	vmul.f32 v63, v4;
	s1 =	rddreg [dreg:$0x8]  }
0x6f5: {  	s12 =	smul.u32 $0xA00, s24;
	s1 =	sadd.s32 s1, s23;
	v0 =	vmul.f32 v8, v0  }
0x6f6: {  	s15 =	simm.s32 $0x14000;
	[tilespmem:s30+$0x410] =	vst v9;
	s3 =	smin.u32 s1, $0x4E1  }
0x6f7: {  	s0 =	sadd.s32 s5, s12;
	s1 =	simm.s32 $0x0;
	s3 =	smul.u32 $0x1400, s3;
	[tilespmem:s31+$0x410] =	vst v0  }
0x6f8: {  	[hbm4b:s0+s1] =	stream.linear.scatter [tilespmem:s15], [sflag:$0x3], $0x5000, $0x38;
	[tilespmem:$0x1E000] =	vst v63  }
0x6f9: {  	s17 =	simm.s32 $0x2;
	s16 =	sadd.s32 s4, s3  }
0x6fa: {  	[tilespmem:s1], [sflag:$0x1] =	stream.linear.gather [hbm4b:s16+s1], $0xA000, $0x38;
	[tilespmem:$0x1E000] =	vst v63  }
0x6fb: {  	_ =	swait.ge [sflag:s17], $0xA000  }
0x6fc: {  	[sflag:s17] =	ssyncset.done $0x0  }
0x6fd: {  	s20 =	simm.s32 $0x0;
	[sflag:s17] =	ssyncadd.s32 $0xFFFF6000  }
0x6fe: {  	s23 =	simm.s32 $0x180;
	s0 =	sand.u32 $0x3FFFF000, s20;
	_ =	swait.ge [sflag:s19], $0x5000  }
0x6ff: {  	s3 =	sand.u32 $0x380, s23;
	s0 =	sadd.s32 $0xA000, s0;
	[sflag:s19] =	ssyncset.done $0x0  }
0x700: {  	s7 =	sor.u32 s3, s0;
	[sflag:s19] =	ssyncadd.s32 $0xFFFFB000  }
0x701: {  	v10 =	vld [tilespmem:s7+$0x0];
	_ =	sdelay $0x1  }
0x702: {  	s8 =	simm.s32 $0x0  }
0x703: {  	s11 =	sand.u32 $0x3FFFF800, s8;
	s24 =	simm.s32 $0x0  }
0x704: {  	s11 =	sadd.s32 $0x19000, s11;
	s26 =	sand.u32 $0x200, s24  }
0x705: {  	s23 =	sor.u32 s3, s11;
	s15 =	sor.u32 s26, s0;
	v0 =	vand.u32 $0x7FFFFFFF, v10  }
0x706: {  	s25 =	simm.s32 $0x80;
	v32 =	vld [tilespmem:s15+$0x0];
	[tilespmem:s23+$0x0] =	vst v0  }
0x707: {  	s12 =	sand.u32 $0x280, s25;
	v0 =	vld [tilespmem:s7+$0x10]  }
0x708: {  	s16 =	sor.u32 s12, s0  }
0x709: {  	s17 =	simm.s32 $0x100;
	v33 =	vld [tilespmem:s16+$0x0]  }
0x70a: {  	s3 =	sand.u32 $0x300, s17  }
0x70b: {  	s24 =	sor.u32 s26, s11;
	s0 =	sor.u32 s3, s0;
	v1 =	vand.u32 $0x7FFFFFFF, v32  }
0x70c: {  	v34 =	vld [tilespmem:s0+$0x0];
	[tilespmem:s24+$0x0] =	vst v1;
	v0 =	vand.u32 $0x7FFFFFFF, v0  }
0x70d: {  	v36 =	vld [tilespmem:s15+$0x10];
	[tilespmem:s23+$0x10] =	vst v0  }
0x70e: {  	s25 =	sor.u32 s12, s11;
	v35 =	vand.u32 $0x7FFFFFFF, v33;
	v0 =	vld [tilespmem:s7+$0x20]  }
0x70f: {  	[tilespmem:s25+$0x0] =	vst v35  }
0x710: {  	v37 =	vld [tilespmem:s16+$0x10]  }
0x711: {  	s26 =	sor.u32 s3, s11;
	v3 =	vand.u32 $0x7FFFFFFF, v34  }
0x712: {  	s20 =	simm.s32 $0x3;
	[tilespmem:s26+$0x0] =	vst v3;
	v1 =	vand.u32 $0x7FFFFFFF, v36  }
0x713: {  	v40 =	vmov s20;
	v3 =	vld [tilespmem:s0+$0x10];
	[tilespmem:s24+$0x10] =	vst v1;
	v0 =	vand.u32 $0x7FFFFFFF, v0  }
0x714: {  	v43 =	vshll.u32 v40, $0x9;
	v44 =	vshll.u32 v40, $0x7;
	v39 =	vld [tilespmem:s15+$0x20];
	[tilespmem:s23+$0x20] =	vst v0  }
0x715: {  	v45 =	vand.u32 $0xF000, v43;
	v38 =	vand.u32 $0x7FFFFFFF, v37;
	v0 =	vand.u32 $0x380, v44;
	v46 =	vld [tilespmem:s7+$0x30]  }
0x716: {  	[tilespmem:s25+$0x10] =	vst v38;
	v33 =	vor.u32 v0, v45  }
0x717: {  	v41 =	vld [tilespmem:s16+$0x20];
	v59 =	vor.u32 v55, v33  }
0x718: {  	v51 =	vmov s1;
	v58 =	vand.u32 $0x7FFFFFFF, v3;
	v61 =	vor.u32 v56, v33  }
0x719: {  	s8 =	simm.s32 $0x2;
	v25 =	vshll.u32 v51, $0x9;
	[tilespmem:s26+$0x10] =	vst v58;
	v60 =	vand.u32 $0x7FFFFFFF, v39  }
0x71a: {  	v34 =	vmov s8;
	v63 =	vld [tilespmem:s0+$0x20];
	[tilespmem:s24+$0x20] =	vst v60;
	v37 =	vor.u32 v57, v33;
	v36 =	vand.u32 $0x7FFFFFFF, v46  }
0x71b: {  	v43 =	vshll.u32 v34, $0x9;
	v38 =	vand.u32 $0xF000, v25;
	s7 =	simm.s32 $0x1;
	v0 =	vshll.u32 v51, $0x7;
	v35 =	vld [tilespmem:s15+$0x30];
	[tilespmem:s23+$0x30] =	vst v36  }
0x71c: {  	v32 =	vand.u32 $0x7FFFFFFF, v41;
	v62 =	vmov s7;
	v26 =	vand.u32 $0x200, v0;
	v3 =	vld.idx.msk [tilespmem:v59+s13+$0x0], $0xffff  }
0x71d: {  	[tilespmem:s25+$0x20] =	vst v32;
	v39 =	vshll.u32 v62, $0x9;
	v41 =	vshll.u32 v62, $0x7;
	v24 =	vor.u32 v26, v38;
	v2 =	vld.idx.msk [tilespmem:v61+s13+$0x0], $0xffff  }
0x71e: {  	v40 =	vld [tilespmem:s16+$0x30];
	v0 =	vand.u32 $0xF000, v39;
	v1 =	vand.u32 $0x280, v41;
	v9 =	vor.u32 v55, v24  }
0x71f: {  	v4 =	vshll.u32 v34, $0x7;
	v27 =	vor.u32 v56, v24;
	v22 =	vor.u32 v1, v0;
	v44 =	vld.idx.msk [tilespmem:v37+s13+$0x0], $0xffff  }
0x720: {  	v6 =	vand.u32 $0xF000, v43;
	v7 =	vand.u32 $0x7FFFFFFF, v63;
	v1 =	vor.u32 v55, v22  }
0x721: {  	v4 =	vand.u32 $0x300, v4;
	[tilespmem:s26+$0x20] =	vst v7;
	v46 =	vor.u32 v56, v22;
	v51 =	vand.u32 $0x7FFFFFFF, v35  }
0x722: {  	v45 =	vld [tilespmem:s0+$0x30];
	v63 =	vor.u32 v57, v24;
	[tilespmem:s24+$0x30] =	vst v51;
	v3 =	vmul.f32 v3, v3;
	v2 =	vmul.f32 v2, v2  }
0x723: {  	v23 =	vor.u32 v4, v6;
	v58 =	vand.u32 $0x7FFFFFFF, v40;
	v34 =	vor.u32 v57, v22;
	v60 =	vld.idx.msk [tilespmem:v9+s13+$0x0], $0xffff  }
0x724: {  	[tilespmem:s25+$0x30] =	vst v58;
	v62 =	vld.idx.msk [tilespmem:v27+s13+$0x0], $0xffff;
	v0 =	vmul.f32 v44, v44;
	v2 =	vadd.f32 v2, v3  }
0x725: {  	v59 =	vor.u32 v55, v23;
	v1 =	vld.idx.msk [tilespmem:v1+s13+$0x0], $0xffff  }
0x726: {  	v35 =	vld.idx.msk [tilespmem:v46+s13+$0x0], $0xffff;
	v0 =	vadd.f32 v0, v2  }
0x727: {  	v61 =	vor.u32 v56, v23;
	v10 =	vld.idx.msk [tilespmem:v63+s13+$0x0], $0xffff  }
0x728: {  	v32 =	vand.u32 $0x7FFFFFFF, v45;
	v39 =	vshra.s32 v0, $0x1;
	v27 =	vmul.f32 $5.000000000e-01, v0  }
0x729: {  	[tilespmem:s26+$0x30] =	vst v32;
	v4 =	vld.idx.msk [tilespmem:v34+s13+$0x0], $0xffff;
	v8 =	vmul.f32 v60, v60;
	v7 =	vsub.s32 $0x5F3759DF, v39  }
0x72a: {  	v36 =	vor.u32 v57, v23;
	v37 =	vld.idx.msk [tilespmem:v59+s13+$0x0], $0xffff;
	v9 =	vmul.f32 v62, v62;
	v27 =	vmul.f32 v7, v27  }
0x72b: {  	v1 =	vmul.f32 v1, v1;
	v3 =	vmul.f32 v35, v35  }
0x72c: {  	v38 =	vld.idx.msk [tilespmem:v61+s13+$0x0], $0xffff;
	v40 =	vmul.f32 v10, v10;
	v8 =	vadd.f32 v9, v8;
	v27 =	vmul.f32 v7, v27  }
0x72d: {  	v1 =	vadd.f32 v3, v1  }
0x72e: {  	v43 =	vmul.f32 v4, v4;
	v45 =	vadd.f32 v40, v8;
	v41 =	vsub.f32 $1.500000000e+00, v27  }
0x72f: {  	v51 =	vor.u32 v11, v33;
	v55 =	vor.u32 v12, v33;
	v2 =	vld.idx.msk [tilespmem:v36+s13+$0x0], $0xffff;
	v5 =	vmul.f32 v37, v37  }
0x730: {  	v1 =	vadd.f32 v43, v1;
	v8 =	vshra.s32 v45, $0x1;
	v46 =	vmul.f32 v7, v41  }
0x731: {  	v6 =	vmul.f32 v38, v38;
	v9 =	vmul.f32 $5.000000000e-01, v45;
	v56 =	vsub.s32 $0x5F3759DF, v8  }
0x732: {  	v58 =	vshra.s32 v1, $0x1;
	v59 =	vmul.f32 $5.000000000e-01, v1;
	v0 =	vmul.f32 v46, v0  }
0x733: {  	v57 =	vor.u32 v13, v33;
	v9 =	vmul.f32 v56, v9;
	v8 =	vsub.s32 $0x5F3759DF, v58  }
0x734: {  	v44 =	vadd.f32 v6, v5;
	v2 =	vmul.f32 v2, v2;
	v10 =	vmul.f32 v8, v59;
	[tilespmem:s23+$0x40] =	vst v0  }
0x735: {  	v9 =	vmul.f32 v56, v9;
	v7 =	vld.idx.msk [tilespmem:v51+s13+$0x0], $0xffff  }
0x736: {  	v2 =	vadd.f32 v2, v44;
	v10 =	vmul.f32 v8, v10;
	v3 =	vld.idx.msk [tilespmem:v55+s13+$0x0], $0xffff  }
0x737: {  	v9 =	vsub.f32 $1.500000000e+00, v9  }
0x738: {  	v60 =	vmul.f32 $5.000000000e-01, v2;
	v27 =	vshra.s32 v2, $0x1;
	v10 =	vsub.f32 $1.500000000e+00, v10;
	v6 =	vld.idx.msk [tilespmem:v57+s13+$0x0], $0xffff  }
0x739: {  	v28 =	vor.u32 v11, v24;
	v27 =	vsub.s32 $0x5F3759DF, v27;
	v4 =	vmul.f32 v56, v9  }
0x73a: {  	v29 =	vor.u32 v12, v24;
	v8 =	vmul.f32 v8, v10;
	v0 =	vmul.f32 v27, v60  }
0x73b: {  	v61 =	vor.u32 v11, v22;
	v7 =	vmul.f32 v7, v7;
	v3 =	vmul.f32 v3, v3  }
0x73c: {  	v62 =	vor.u32 v12, v22;
	v4 =	vmul.f32 v4, v45;
	v0 =	vmul.f32 v27, v0  }
0x73d: {  	v1 =	vmul.f32 v8, v1;
	v6 =	vmul.f32 v6, v6;
	v3 =	vadd.f32 v3, v7  }
0x73e: {  	v36 =	vor.u32 v13, v22;
	[tilespmem:s24+$0x40] =	vst v4;
	v0 =	vsub.f32 $1.500000000e+00, v0  }
0x73f: {  	v34 =	vor.u32 v13, v24;
	v32 =	vld.idx.msk [tilespmem:v28+s13+$0x0], $0xffff;
	[tilespmem:s25+$0x40] =	vst v1;
	v3 =	vadd.f32 v6, v3  }
0x740: {  	v63 =	vor.u32 v11, v23;
	v9 =	vld.idx.msk [tilespmem:v61+s13+$0x0], $0xffff;
	v0 =	vmul.f32 v27, v0  }
0x741: {  	v12 =	vor.u32 v12, v23;
	v38 =	vld.idx.msk [tilespmem:v62+s13+$0x0], $0xffff;
	v37 =	vshra.s32 v3, $0x1;
	v27 =	vmul.f32 $5.000000000e-01, v3  }
0x742: {  	v39 =	vor.u32 v13, v23;
	v35 =	vld.idx.msk [tilespmem:v29+s13+$0x0], $0xffff;
	v0 =	vmul.f32 v0, v2;
	v10 =	vsub.s32 $0x5F3759DF, v37  }
0x743: {  	v2 =	vld.idx.msk [tilespmem:v36+s13+$0x0], $0xffff;
	v27 =	vmul.f32 v10, v27  }
0x744: {  	[tilespmem:s26+$0x40] =	vst v0;
	v6 =	vld.idx.msk [tilespmem:v34+s13+$0x0], $0xffff  }
0x745: {  	v7 =	vld.idx.msk [tilespmem:v63+s13+$0x0], $0xffff;
	v27 =	vmul.f32 v10, v27  }
0x746: {  	v9 =	vmul.f32 v9, v9;
	v0 =	vmul.f32 v38, v38;
	v4 =	vld.idx.msk [tilespmem:v12+s13+$0x0], $0xffff  }
0x747: {  	v43 =	vor.u32 v49, v33;
	v44 =	vor.u32 v14, v33;
	v5 =	vld.idx.msk [tilespmem:v39+s13+$0x0], $0xffff;
	v27 =	vsub.f32 $1.500000000e+00, v27  }
0x748: {  	v8 =	vmul.f32 v32, v32;
	v0 =	vadd.f32 v0, v9;
	v2 =	vmul.f32 v2, v2  }
0x749: {  	v41 =	vor.u32 v48, v33;
	v1 =	vmul.f32 v35, v35;
	v40 =	vmul.f32 v10, v27  }
0x74a: {  	v6 =	vmul.f32 v6, v6;
	v0 =	vadd.f32 v2, v0;
	v7 =	vmul.f32 v7, v7  }
0x74b: {  	v1 =	vadd.f32 v1, v8;
	v4 =	vmul.f32 v4, v4;
	v3 =	vmul.f32 v40, v3  }
0x74c: {  	v5 =	vmul.f32 v5, v5;
	v55 =	vshra.s32 v0, $0x1;
	v56 =	vmul.f32 $5.000000000e-01, v0  }
0x74d: {  	v1 =	vadd.f32 v6, v1;
	v4 =	vadd.f32 v4, v7;
	v7 =	vsub.s32 $0x5F3759DF, v55;
	[tilespmem:s23+$0x50] =	vst v3  }
0x74e: {  	v8 =	vmul.f32 v7, v56;
	v51 =	vld.idx.msk [tilespmem:v41+s13+$0x0], $0xffff  }
0x74f: {  	v45 =	vshra.s32 v1, $0x1;
	v46 =	vmul.f32 $5.000000000e-01, v1;
	v4 =	vadd.f32 v5, v4;
	v9 =	vld.idx.msk [tilespmem:v43+s13+$0x0], $0xffff  }
0x750: {  	v2 =	vsub.s32 $0x5F3759DF, v45;
	v8 =	vmul.f32 v7, v8  }
0x751: {  	v57 =	vshra.s32 v4, $0x1;
	v27 =	vmul.f32 $5.000000000e-01, v4;
	v3 =	vmul.f32 v2, v46;
	v6 =	vld.idx.msk [tilespmem:v44+s13+$0x0], $0xffff  }
0x752: {  	v10 =	vsub.s32 $0x5F3759DF, v57  }
0x753: {  	v8 =	vsub.f32 $1.500000000e+00, v8;
	v27 =	vmul.f32 v10, v27;
	v3 =	vmul.f32 v2, v3  }
0x754: {  	v5 =	vmul.f32 v51, v51;
	v9 =	vmul.f32 v9, v9  }
0x755: {  	v61 =	vor.u32 v48, v22;
	v7 =	vmul.f32 v7, v8;
	v3 =	vsub.f32 $1.500000000e+00, v3  }
0x756: {  	v27 =	vmul.f32 v10, v27;
	v59 =	vmul.f32 v6, v6;
	v58 =	vadd.f32 v9, v5  }
0x757: {  	v28 =	vor.u32 v48, v24;
	v63 =	vor.u32 v49, v22;
	v2 =	vmul.f32 v2, v3  }
0x758: {  	v0 =	vmul.f32 v7, v0;
	v27 =	vsub.f32 $1.500000000e+00, v27;
	v62 =	vadd.f32 v59, v58  }
0x759: {  	v60 =	vor.u32 v49, v24;
	v12 =	vor.u32 v48, v23;
	v1 =	vmul.f32 v2, v1  }
0x75a: {  	[tilespmem:s25+$0x50] =	vst v0;
	v13 =	vmul.f32 v10, v27;
	v32 =	vshra.s32 v62, $0x1;
	v34 =	vmul.f32 $5.000000000e-01, v62  }
0x75b: {  	v27 =	vor.u32 v49, v23;
	v39 =	vld.idx.msk [tilespmem:v61+s13+$0x0], $0xffff;
	[tilespmem:s24+$0x50] =	vst v1;
	v1 =	vsub.s32 $0x5F3759DF, v32  }
0x75c: {  	v35 =	vor.u32 v14, v24;
	v3 =	vld.idx.msk [tilespmem:v63+s13+$0x0], $0xffff;
	v4 =	vmul.f32 v13, v4;
	v37 =	vmul.f32 v1, v34  }
0x75d: {  	v40 =	vor.u32 v14, v23;
	v28 =	vld.idx.msk [tilespmem:v28+s13+$0x0], $0xffff  }
0x75e: {  	v38 =	vor.u32 v14, v22;
	[tilespmem:s26+$0x50] =	vst v4;
	v36 =	vld.idx.msk [tilespmem:v60+s13+$0x0], $0xffff;
	v41 =	vmul.f32 v1, v37  }
0x75f: {  	v5 =	vld.idx.msk [tilespmem:v12+s13+$0x0], $0xffff  }
0x760: {  	v43 =	vld.idx.msk [tilespmem:v27+s13+$0x0], $0xffff;
	v4 =	vsub.f32 $1.500000000e+00, v41  }
0x761: {  	v10 =	vld.idx.msk [tilespmem:v35+s13+$0x0], $0xffff  }
0x762: {  	v44 =	vor.u32 v15, v33;
	v9 =	vld.idx.msk [tilespmem:v40+s13+$0x0], $0xffff;
	v1 =	vmul.f32 v1, v4  }
0x763: {  	v7 =	vld.idx.msk [tilespmem:v38+s13+$0x0], $0xffff;
	v8 =	vmul.f32 v39, v39;
	v27 =	vmul.f32 v28, v28;
	v28 =	vor.u32 v47, v33  }
0x764: {  	v0 =	vmul.f32 v36, v36;
	v1 =	vmul.f32 v1, v62  }
0x765: {  	v48 =	vor.u32 v19, v33;
	v46 =	vmul.f32 v5, v5;
	v6 =	vmul.f32 v43, v43  }
0x766: {  	v45 =	vmul.f32 v3, v3;
	v10 =	vmul.f32 v10, v10;
	v0 =	vadd.f32 v0, v27;
	[tilespmem:s23+$0x60] =	vst v1  }
0x767: {  	v55 =	vmul.f32 v9, v9;
	v3 =	vadd.f32 v6, v46;
	v4 =	vld.idx.msk [tilespmem:v44+s13+$0x0], $0xffff  }
0x768: {  	v51 =	vmul.f32 v7, v7;
	v49 =	vadd.f32 v45, v8;
	v0 =	vadd.f32 v10, v0;
	v56 =	vld.idx.msk [tilespmem:v28+s13+$0x0], $0xffff  }
0x769: {  	v3 =	vadd.f32 v55, v3  }
0x76a: {  	v57 =	vshra.s32 v0, $0x1;
	v58 =	vmul.f32 $5.000000000e-01, v0;
	v1 =	vadd.f32 v51, v49;
	v5 =	vld.idx.msk [tilespmem:v48+s13+$0x0], $0xffff  }
0x76b: {  	v61 =	vmul.f32 $5.000000000e-01, v3;
	v27 =	vshra.s32 v3, $0x1;
	v2 =	vsub.s32 $0x5F3759DF, v57  }
0x76c: {  	v27 =	vsub.s32 $0x5F3759DF, v27;
	v8 =	vmul.f32 v2, v58;
	v60 =	vmul.f32 $5.000000000e-01, v1  }
0x76d: {  	v59 =	vshra.s32 v1, $0x1;
	v4 =	vmul.f32 v4, v4;
	v7 =	vmul.f32 v56, v56  }
0x76e: {  	v10 =	vmul.f32 v27, v61;
	v8 =	vmul.f32 v2, v8;
	v6 =	vsub.s32 $0x5F3759DF, v59  }
0x76f: {  	v9 =	vmul.f32 v6, v60;
	v5 =	vmul.f32 v5, v5;
	v4 =	vadd.f32 v7, v4  }
0x770: {  	v34 =	vor.u32 v47, v23;
	v10 =	vmul.f32 v27, v10;
	v8 =	vsub.f32 $1.500000000e+00, v8  }
0x771: {  	v62 =	vor.u32 v15, v24;
	v9 =	vmul.f32 v6, v9;
	v4 =	vadd.f32 v5, v4  }
0x772: {  	v28 =	vor.u32 v47, v24;
	v12 =	vsub.f32 $1.500000000e+00, v10;
	v2 =	vmul.f32 v2, v8  }
0x773: {  	v9 =	vsub.f32 $1.500000000e+00, v9;
	v13 =	vshra.s32 v4, $0x1;
	v29 =	vmul.f32 $5.000000000e-01, v4  }
0x774: {  	v8 =	vmul.f32 v27, v12;
	v0 =	vmul.f32 v2, v0;
	v14 =	vsub.s32 $0x5F3759DF, v13  }
0x775: {  	v63 =	vor.u32 v15, v22;
	v6 =	vmul.f32 v6, v9;
	v10 =	vmul.f32 v14, v29  }
0x776: {  	v32 =	vor.u32 v47, v22;
	v3 =	vmul.f32 v8, v3;
	[tilespmem:s24+$0x60] =	vst v0  }
0x777: {  	v39 =	vor.u32 v19, v22;
	v35 =	vld.idx.msk [tilespmem:v62+s13+$0x0], $0xffff;
	v1 =	vmul.f32 v6, v1;
	v36 =	vmul.f32 v14, v10  }
0x778: {  	v37 =	vor.u32 v19, v24;
	[tilespmem:s26+$0x60] =	vst v3;
	v38 =	vld.idx.msk [tilespmem:v28+s13+$0x0], $0xffff  }
0x779: {  	v0 =	vld.idx.msk [tilespmem:v34+s13+$0x0], $0xffff;
	v29 =	vor.u32 v15, v23;
	[tilespmem:s25+$0x60] =	vst v1;
	v7 =	vsub.f32 $1.500000000e+00, v36  }
0x77a: {  	v24 =	vor.u32 v19, v23;
	v5 =	vld.idx.msk [tilespmem:v63+s13+$0x0], $0xffff  }
0x77b: {  	v43 =	vor.u32 v54, v33;
	v40 =	vld.idx.msk [tilespmem:v32+s13+$0x0], $0xffff;
	v2 =	vmul.f32 v14, v7  }
0x77c: {  	v27 =	vor.u32 v53, v33;
	v8 =	vld.idx.msk [tilespmem:v39+s13+$0x0], $0xffff  }
0x77d: {  	v44 =	vor.u32 v52, v33;
	v10 =	vld.idx.msk [tilespmem:v37+s13+$0x0], $0xffff;
	v2 =	vmul.f32 v2, v4  }
0x77e: {  	v28 =	vor.u32 v16, v33;
	v41 =	vld.idx.msk [tilespmem:v29+s13+$0x0], $0xffff  }
0x77f: {  	s9 =	simm.s32 $0x5;
	s10 =	simm.s32 $0x6;
	s1 =	simm.s32 $0x4;
	v29 =	vld.idx.msk [tilespmem:v24+s13+$0x0], $0xffff;
	[tilespmem:s23+$0x70] =	vst v2  }
0x780: {  	v30 =	vmov s9;
	v31 =	vmov s10;
	v45 =	vmov s1;
	v7 =	vld.idx.msk [tilespmem:v43+s13+$0x0], $0xffff  }
0x781: {  	v46 =	vor.u32 v17, v33;
	v13 =	vshll.u32 v30, $0x9;
	v6 =	vmul.f32 v35, v35;
	v27 =	vld.idx.msk [tilespmem:v27+s13+$0x0], $0xffff  }
0x782: {  	v1 =	vmul.f32 v38, v38;
	v0 =	vmul.f32 v0, v0;
	v35 =	vor.u32 v25, v26;
	v4 =	vld.idx.msk [tilespmem:v44+s13+$0x0], $0xffff  }
0x783: {  	v63 =	vor.u32 v54, v35;
	v48 =	vor.u32 v53, v35;
	v5 =	vmul.f32 v5, v5;
	v28 =	vld.idx.msk [tilespmem:v28+s13+$0x0], $0xffff  }
0x784: {  	v1 =	vadd.f32 v1, v6;
	v3 =	vmul.f32 v40, v40;
	v10 =	vmul.f32 v10, v10  }
0x785: {  	v53 =	vshll.u32 v31, $0x7;
	v51 =	vmul.f32 v8, v8;
	v9 =	vmul.f32 v41, v41  }
0x786: {  	v3 =	vadd.f32 v3, v5;
	v1 =	vadd.f32 v10, v1;
	v55 =	vmul.f32 v29, v29  }
0x787: {  	v57 =	vld.idx.msk [tilespmem:v46+s13+$0x0], $0xffff;
	v0 =	vadd.f32 v0, v9;
	v58 =	vmul.f32 v7, v7;
	v59 =	vmul.f32 v27, v27  }
0x788: {  	v3 =	vadd.f32 v51, v3;
	v4 =	vmul.f32 v4, v4;
	v28 =	vmul.f32 v28, v28  }
0x789: {  	v56 =	vmul.f32 $5.000000000e-01, v1;
	v0 =	vadd.f32 v55, v0;
	v27 =	vshra.s32 v1, $0x1  }
0x78a: {  	v27 =	vsub.s32 $0x5F3759DF, v27;
	v6 =	vadd.f32 v59, v58;
	v4 =	vadd.f32 v28, v4  }
0x78b: {  	v60 =	vshra.s32 v3, $0x1;
	v61 =	vshra.s32 v0, $0x1;
	v9 =	vmul.f32 v27, v56  }
0x78c: {  	s11 =	simm.s32 $0x800;
	v5 =	vmul.f32 v57, v57;
	v28 =	vmul.f32 $5.000000000e-01, v0;
	v4 =	vadd.f32 v4, v6  }
0x78d: {  	s12 =	simm.s32 $0x200;
	s0 =	sand.u32 $0x3FFFF000, s11;
	v29 =	vmul.f32 $5.000000000e-01, v3;
	v7 =	vsub.s32 $0x5F3759DF, v61;
	v9 =	vmul.f32 v27, v9  }
0x78e: {  	s0 =	sadd.s32 $0xA000, s0;
	s7 =	sand.u32 $0x200, s12;
	v8 =	vsub.s32 $0x5F3759DF, v60;
	v25 =	vmul.f32 v7, v28;
	v4 =	vadd.f32 v4, v5  }
0x78f: {  	s10 =	sor.u32 s7, s0;
	v51 =	vor.u32 v52, v35;
	v62 =	vmul.f32 v8, v29;
	v9 =	vsub.f32 $1.500000000e+00, v9  }
0x790: {  	s15 =	simm.s32 $0x280;
	v52 =	vld [tilespmem:s10+$0x0];
	v26 =	vmul.f32 v7, v25;
	v25 =	vshra.s32 v4, $0x1;
	v28 =	vmul.f32 $5.000000000e-01, v4  }
0x791: {  	s17 =	sand.u32 $0x280, s15;
	v24 =	vshll.u32 v45, $0x9;
	v9 =	vmul.f32 v27, v9;
	v27 =	vsub.s32 $0x5F3759DF, v25  }
0x792: {  	s6 =	simm.s32 $0x380;
	s31 =	sor.u32 s17, s0;
	v6 =	vmul.f32 v8, v62;
	v12 =	vsub.f32 $1.500000000e+00, v26;
	v26 =	vmul.f32 v27, v28  }
0x793: {  	s3 =	sand.u32 $0x380, s6;
	s15 =	simm.s32 $0x400;
	v54 =	vld [tilespmem:s31+$0x0];
	v32 =	vor.u32 v50, v35;
	v36 =	vand.u32 $0xF000, v13;
	v47 =	vand.u32 $0xF000, v24  }
0x794: {  	s9 =	sor.u32 s3, s0;
	s20 =	sand.u32 $0x3FFFF800, s15;
	v14 =	vshll.u32 v30, $0x7;
	v6 =	vsub.f32 $1.500000000e+00, v6;
	v40 =	vmul.f32 v27, v26  }
0x795: {  	s16 =	simm.s32 $0x300;
	s15 =	sadd.s32 $0x19000, s20;
	v30 =	vor.u32 v21, v35;
	v2 =	vshll.u32 v45, $0x7;
	v61 =	vand.u32 $0x7FFFFFFF, v52;
	v26 =	vld [tilespmem:s9+$0x0]  }
0x796: {  	s11 =	sand.u32 $0x300, s16;
	s29 =	sor.u32 s7, s15;
	v6 =	vmul.f32 v8, v6;
	v1 =	vmul.f32 v9, v1;
	v9 =	vsub.f32 $1.500000000e+00, v40  }
0x797: {  	s8 =	sor.u32 s11, s0;
	v41 =	vshll.u32 v31, $0x9;
	v31 =	vor.u32 v20, v35;
	v56 =	vor.u32 v18, v33;
	[tilespmem:s29+$0x0] =	vst v61  }
0x798: {  	s28 =	sor.u32 s17, s15;
	v57 =	vld [tilespmem:s8+$0x0];
	v62 =	vand.u32 $0x7FFFFFFF, v54;
	v3 =	vmul.f32 v6, v3;
	[tilespmem:s24+$0x70] =	vst v1;
	v55 =	vmul.f32 v27, v9  }
0x799: {  	[tilespmem:s28+$0x0] =	vst v62;
	v25 =	vand.u32 $0x200, v2;
	v2 =	vmul.f32 v7, v12;
	v49 =	vld.idx.msk [tilespmem:v63+s13+$0x0], $0xffff;
	v27 =	vor.u32 v21, v33  }
0x79a: {  	s0 =	sor.u32 s3, s15;
	v60 =	vor.u32 v20, v33;
	[tilespmem:s25+$0x70] =	vst v3;
	v38 =	vld.idx.msk [tilespmem:v48+s13+$0x0], $0xffff;
	v58 =	vand.u32 $0x7FFFFFFF, v26;
	v59 =	vmul.f32 v55, v4  }
0x79b: {  	v44 =	vand.u32 $0x280, v14;
	v45 =	vand.u32 $0xF000, v41;
	v0 =	vmul.f32 v2, v0;
	v39 =	vld.idx.msk [tilespmem:v51+s13+$0x0], $0xffff;
	[tilespmem:s0+$0x0] =	vst v58  }
0x79c: {  	v41 =	vor.u32 v17, v35;
	v29 =	vor.u32 v18, v35;
	v34 =	vor.u32 v25, v47;
	v47 =	vld [tilespmem:s9+$0x10];
	[tilespmem:s23+$0x400] =	vst v59  }
0x79d: {  	s30 =	sor.u32 s11, s15;
	v28 =	vor.u32 v42, v35;
	v63 =	vand.u32 $0x7FFFFFFF, v57;
	[tilespmem:s26+$0x70] =	vst v0;
	v40 =	vor.u32 v50, v33;
	v48 =	vld.idx.msk [tilespmem:v56+s13+$0x0], $0xffff  }
0x79e: {  	v46 =	vand.u32 $0x300, v53;
	v50 =	vor.u32 v16, v35;
	[tilespmem:s30+$0x0] =	vst v63;
	v43 =	vmul.f32 v49, v49;
	v49 =	vld.idx.msk [tilespmem:v27+s13+$0x0], $0xffff  }
0x79f: {  	s7 =	simm.s32 $0x8;
	v33 =	vor.u32 v42, v33;
	v26 =	vor.u32 v19, v34;
	v27 =	vor.u32 v15, v34;
	v51 =	vld.idx.msk [tilespmem:v60+s13+$0x0], $0xffff  }
.LBB2_9:
0x7a0: {  	_ =	sdelay $0x1  }
0x7a1: {  	v15 =	vld [tilespmem:$0x1FEB0]  }
0x7a2: {  	v35 =	vmov v27;
	v27 =	vld [tilespmem:$0x1FED0]  }
0x7a3: {  	v1 =	vld.idx.msk [tilespmem:v40+s13+$0x0], $0xffff  }
0x7a4: {  	v2 =	vld [tilespmem:s10+$0x10]  }
0x7a5: {  	[tilespmem:$0x1FDE0] =	vst v25;
	v25 =	vld [tilespmem:$0x1FFA0]  }
0x7a6: {  	v17 =	vld [tilespmem:$0x1FEF0]  }
0x7a7: {  	[tilespmem:$0x1FDF0] =	vst v24;
	v24 =	vld [tilespmem:$0x1FFC0]  }
0x7a8: {  	[tilespmem:$0x1FDD0] =	vst v26;
	v26 =	vld [tilespmem:$0x1FFB0]  }
0x7a9: {  	v5 =	vld [tilespmem:s31+$0x10]  }
0x7aa: {  	v11 =	vld [tilespmem:$0x1FFE0]  }
0x7ab: {  	v13 =	vld [tilespmem:$0x1FFF0]  }
0x7ac: {  	v12 =	vld [tilespmem:$0x1FF80]  }
0x7ad: {  	v8 =	vld [tilespmem:s8+$0x10]  }
0x7ae: {  	v18 =	vld [tilespmem:$0x1FFD0]  }
0x7af: {  	v10 =	vld.idx.msk [tilespmem:v33+s13+$0x0], $0xffff  }
0x7b0: {  	v19 =	vld [tilespmem:$0x1FF30]  }
0x7b1: {  	v16 =	vld [tilespmem:$0x1FF40];
	v58 =	vand.u32 $0x7FFFFFFF, v47;
	v57 =	vmul.f32 v38, v38  }
0x7b2: {  	v21 =	vld [tilespmem:$0x1FF60];
	v38 =	vor.u32 v44, v36;
	[tilespmem:s0+$0x10] =	vst v58;
	v0 =	vor.u32 v27, v34;
	v4 =	vor.u32 v17, v22  }
0x7b3: {  	v44 =	vld.idx.msk [tilespmem:v50+s13+$0x0], $0xffff;
	v59 =	vmul.f32 v48, v48;
	v60 =	vmul.f32 v49, v49;
	v2 =	vand.u32 $0x7FFFFFFF, v2;
	[tilespmem:$0x1FDC0] =	vst v0  }
0x7b4: {  	v9 =	vor.u32 v18, v22;
	v63 =	vld [tilespmem:s9+$0x20];
	v0 =	vadd.f32 v57, v43;
	[tilespmem:s29+$0x10] =	vst v2;
	v57 =	vand.u32 $0x7FFFFFFF, v8  }
0x7b5: {  	v61 =	vmul.f32 v51, v51;
	v1 =	vmul.f32 v1, v1;
	v14 =	vor.u32 v19, v22;
	v56 =	vld [tilespmem:s10+$0x20];
	[tilespmem:s30+$0x10] =	vst v57  }
0x7b6: {  	v62 =	vand.u32 $0x7FFFFFFF, v5;
	v48 =	vor.u32 v16, v22;
	v58 =	vadd.f32 v60, v59;
	v60 =	vld [tilespmem:s8+$0x20]  }
0x7b7: {  	s3 =	sadd.s32 $0x3, s1;
	v2 =	vor.u32 v17, v23;
	v1 =	vadd.f32 v1, v61;
	v4 =	vld.idx.msk [tilespmem:v4+s13+$0x0], $0xffff;
	[tilespmem:s28+$0x10] =	vst v62  }
0x7b8: {  	v52 =	vmov s3;
	v59 =	vld [tilespmem:s31+$0x20]  }
0x7b9: {  	v53 =	vshll.u32 v52, $0x9;
	v61 =	vmul.f32 v10, v10;
	v1 =	vadd.f32 v1, v58;
	v9 =	vld.idx.msk [tilespmem:v9+s13+$0x0], $0xffff  }
0x7ba: {  	v3 =	vmul.f32 v39, v39;
	v36 =	vor.u32 v46, v45;
	v37 =	vor.u32 v15, v34;
	v47 =	vld.idx.msk [tilespmem:v14+s13+$0x0], $0xffff  }
0x7bb: {  	v45 =	vor.u32 v18, v23;
	v5 =	vand.u32 $0x7FFFFFFF, v63;
	v1 =	vadd.f32 v1, v61;
	v48 =	vld.idx.msk [tilespmem:v48+s13+$0x0], $0xffff  }
0x7bc: {  	v46 =	vor.u32 v19, v23;
	v63 =	vand.u32 $0xF000, v53;
	[tilespmem:s0+$0x20] =	vst v5;
	v14 =	vshll.u32 v52, $0x7;
	v2 =	vld.idx.msk [tilespmem:v2+s13+$0x0], $0xffff  }
0x7bd: {  	v62 =	vand.u32 $0x7FFFFFFF, v56;
	v18 =	vld [tilespmem:s9+$0x30];
	v49 =	vand.u32 $0x380, v14;
	v57 =	vshra.s32 v1, $0x1  }
0x7be: {  	v14 =	vld [tilespmem:$0x1FEA0];
	[tilespmem:s29+$0x20] =	vst v62;
	v58 =	vmul.f32 $5.000000000e-01, v1;
	v33 =	vor.u32 v49, v63;
	v55 =	vand.u32 $0x7FFFFFFF, v59  }
0x7bf: {  	v54 =	vld [tilespmem:s10+$0x30];
	v5 =	vsub.s32 $0x5F3759DF, v57;
	v51 =	vor.u32 v11, v33;
	v59 =	vand.u32 $0x7FFFFFFF, v60;
	[tilespmem:s28+$0x20] =	vst v55  }
0x7c0: {  	v40 =	vor.u32 v25, v34;
	v42 =	vor.u32 v24, v34;
	v52 =	vmul.f32 v5, v58;
	[tilespmem:s30+$0x20] =	vst v59;
	v53 =	vld [tilespmem:s31+$0x30]  }
0x7c1: {  	v39 =	vor.u32 v26, v34;
	v6 =	vor.u32 v11, v34;
	v60 =	vor.u32 v13, v33;
	v61 =	vld [tilespmem:s8+$0x30]  }
0x7c2: {  	v7 =	vor.u32 v13, v34;
	v63 =	vmul.f32 v5, v52;
	v8 =	vand.u32 $0x7FFFFFFF, v18;
	v45 =	vld.idx.msk [tilespmem:v45+s13+$0x0], $0xffff  }
0x7c3: {  	v50 =	vor.u32 v11, v38;
	v10 =	vor.u32 v13, v38;
	[tilespmem:s0+$0x30] =	vst v8;
	v8 =	vld.idx.msk [tilespmem:v46+s13+$0x0], $0xffff  }
0x7c4: {  	v56 =	vor.u32 v14, v33;
	v18 =	vand.u32 $0x7FFFFFFF, v54;
	v57 =	vsub.f32 $1.500000000e+00, v63;
	v46 =	vld.idx.msk [tilespmem:v51+s13+$0x0], $0xffff  }
0x7c5: {  	v44 =	vmul.f32 v44, v44;
	v4 =	vmul.f32 v4, v4;
	[tilespmem:s29+$0x30] =	vst v18;
	v18 =	vor.u32 v13, v36;
	v13 =	vld [tilespmem:$0x1FF90]  }
0x7c6: {  	v43 =	vor.u32 v12, v34;
	v62 =	vmul.f32 v47, v47;
	v47 =	vld.idx.msk [tilespmem:v60+s13+$0x0], $0xffff;
	v5 =	vmul.f32 v5, v57  }
0x7c7: {  	v9 =	vmul.f32 v9, v9;
	v48 =	vmul.f32 v48, v48;
	v6 =	vld.idx.msk [tilespmem:v6+s13+$0x0], $0xffff;
	v59 =	vand.u32 $0x7FFFFFFF, v53  }
0x7c8: {  	v3 =	vadd.f32 v44, v3;
	v63 =	vld.idx.msk [tilespmem:v7+s13+$0x0], $0xffff;
	v60 =	vand.u32 $0x7FFFFFFF, v61;
	v1 =	vmul.f32 v5, v1;
	[tilespmem:s28+$0x30] =	vst v59  }
0x7c9: {  	v4 =	vadd.f32 v9, v4;
	v58 =	vadd.f32 v48, v62;
	v62 =	vld.idx.msk [tilespmem:v56+s13+$0x0], $0xffff;
	[tilespmem:s30+$0x30] =	vst v60  }
0x7ca: {  	v44 =	vmov s7;
	v2 =	vmul.f32 v2, v2;
	v61 =	vor.u32 v11, v36;
	[tilespmem:s23+$0x410] =	vst v1;
	v1 =	vld.idx.msk [tilespmem:v10+s13+$0x0], $0xffff  }
0x7cb: {  	v52 =	vadd.f32 v3, v0;
	v57 =	vor.u32 v14, v34;
	v53 =	vadd.f32 v58, v4;
	v0 =	vld.idx.msk [tilespmem:v18+s13+$0x0], $0xffff  }
0x7cc: {  	v58 =	vmul.f32 v45, v45;
	v59 =	vor.u32 v14, v38;
	v10 =	vor.u32 v14, v36;
	v14 =	vld [tilespmem:$0x1FF70]  }
0x7cd: {  	v8 =	vmul.f32 v8, v8;
	v45 =	vor.u32 v21, v22;
	v60 =	vmul.f32 v46, v46;
	v18 =	vld [tilespmem:$0x1FF50]  }
0x7ce: {  	v51 =	vor.u32 v13, v34;
	v34 =	vshll.u32 v44, $0x9;
	v50 =	vld.idx.msk [tilespmem:v50+s13+$0x0], $0xffff;
	v47 =	vmul.f32 v47, v47  }
0x7cf: {  	v6 =	vmul.f32 v6, v6;
	v4 =	vmul.f32 v63, v63;
	v7 =	vld.idx.msk [tilespmem:v61+s13+$0x0], $0xffff;
	v61 =	vor.u32 v16, v23  }
0x7d0: {  	v2 =	vadd.f32 v58, v2;
	v5 =	vld.idx.msk [tilespmem:v57+s13+$0x0], $0xffff;
	v3 =	vmul.f32 v62, v62;
	v9 =	vadd.f32 v47, v60  }
0x7d1: {  	v4 =	vadd.f32 v4, v6;
	v63 =	vld.idx.msk [tilespmem:v59+s13+$0x0], $0xffff;
	v59 =	vor.u32 v12, v38;
	v48 =	vor.u32 v14, v22  }
0x7d2: {  	v16 =	vld [tilespmem:$0x1FF00];
	v62 =	vor.u32 v18, v22;
	v57 =	vor.u32 v18, v23;
	v3 =	vadd.f32 v3, v9  }
0x7d3: {  	v58 =	vmul.f32 v50, v50;
	v10 =	vld.idx.msk [tilespmem:v10+s13+$0x0], $0xffff;
	v50 =	vor.u32 v21, v23;
	v1 =	vmul.f32 v1, v1  }
0x7d4: {  	v47 =	vor.u32 v14, v23;
	v9 =	vshra.s32 v3, $0x1;
	v60 =	vld.idx.msk [tilespmem:v61+s13+$0x0], $0xffff;
	v61 =	vmul.f32 $5.000000000e-01, v3  }
0x7d5: {  	v0 =	vmul.f32 v0, v0;
	v5 =	vmul.f32 v5, v5;
	v9 =	vsub.s32 $0x5F3759DF, v9  }
0x7d6: {  	v1 =	vadd.f32 v1, v58;
	v7 =	vmul.f32 v7, v7;
	v54 =	vmul.f32 v9, v61  }
0x7d7: {  	v58 =	vor.u32 v24, v38;
	v4 =	vadd.f32 v5, v4;
	v56 =	vmul.f32 v63, v63  }
0x7d8: {  	v55 =	vld.idx.msk [tilespmem:v62+s13+$0x0], $0xffff;
	v0 =	vadd.f32 v0, v7;
	v62 =	vmul.f32 v10, v10;
	v63 =	vmul.f32 v9, v54  }
0x7d9: {  	v46 =	vor.u32 v16, v22;
	v7 =	vmul.f32 $5.000000000e-01, v4;
	v1 =	vadd.f32 v56, v1  }
0x7da: {  	v54 =	vshra.s32 v4, $0x1;
	v0 =	vadd.f32 v62, v0;
	v5 =	vsub.f32 $1.500000000e+00, v63  }
0x7db: {  	v6 =	vmul.f32 v60, v60;
	v56 =	vshra.s32 v1, $0x1;
	v60 =	vmul.f32 $5.000000000e-01, v1  }
0x7dc: {  	v54 =	vsub.s32 $0x5F3759DF, v54;
	v61 =	vshra.s32 v0, $0x1;
	v5 =	vmul.f32 v9, v5  }
0x7dd: {  	v41 =	vld.idx.msk [tilespmem:v41+s13+$0x0], $0xffff;
	v62 =	vmul.f32 $5.000000000e-01, v0;
	v63 =	vor.u32 v13, v33;
	v9 =	vor.u32 v12, v33  }
0x7de: {  	v56 =	vsub.s32 $0x5F3759DF, v56;
	v3 =	vmul.f32 v5, v3;
	v5 =	vmul.f32 v54, v7  }
0x7df: {  	v57 =	vld.idx.msk [tilespmem:v57+s13+$0x0], $0xffff;
	v10 =	vor.u32 v13, v38;
	v61 =	vsub.s32 $0x5F3759DF, v61;
	v7 =	vmul.f32 v56, v60  }
0x7e0: {  	s23 =	smov.u32 s0;
	v62 =	vmul.f32 v61, v62;
	v60 =	vor.u32 v24, v33;
	v5 =	vmul.f32 v54, v5  }
0x7e1: {  	v6 =	vadd.f32 v6, v8;
	v8 =	vor.u32 v12, v36;
	[tilespmem:s23+$0x40] =	vst v3;
	v7 =	vmul.f32 v56, v7  }
0x7e2: {  	v3 =	vmul.f32 v41, v41;
	v41 =	vmul.f32 v61, v62;
	v9 =	vld.idx.msk [tilespmem:v9+s13+$0x0], $0xffff;
	v5 =	vsub.f32 $1.500000000e+00, v5  }
0x7e3: {  	v55 =	vmul.f32 v55, v55;
	v2 =	vadd.f32 v6, v2;
	v62 =	vld.idx.msk [tilespmem:v63+s13+$0x0], $0xffff;
	v12 =	vsub.f32 $1.500000000e+00, v7  }
0x7e4: {  	v7 =	vmul.f32 v57, v57;
	v41 =	vsub.f32 $1.500000000e+00, v41;
	v5 =	vmul.f32 v54, v5  }
0x7e5: {  	v57 =	vor.u32 v13, v36;
	v3 =	vadd.f32 v52, v3;
	v60 =	vld.idx.msk [tilespmem:v60+s13+$0x0], $0xffff;
	v6 =	vmul.f32 v56, v12  }
0x7e6: {  	v52 =	vadd.f32 v53, v55;
	v41 =	vmul.f32 v61, v41;
	v4 =	vmul.f32 v5, v4  }
0x7e7: {  	v12 =	vshra.s32 v3, $0x1;
	v2 =	vadd.f32 v2, v7;
	v1 =	vmul.f32 v6, v1  }
0x7e8: {  	v13 =	vshra.s32 v52, $0x1;
	v54 =	vmul.f32 v9, v9;
	v55 =	vmul.f32 v62, v62;
	[tilespmem:s29+$0x40] =	vst v4  }
0x7e9: {  	v61 =	vmul.f32 $5.000000000e-01, v3;
	v56 =	vshra.s32 v2, $0x1;
	v0 =	vmul.f32 v41, v0;
	v43 =	vld.idx.msk [tilespmem:v43+s13+$0x0], $0xffff  }
0x7ea: {  	v4 =	vsub.s32 $0x5F3759DF, v12;
	[tilespmem:s28+$0x40] =	vst v1;
	v62 =	vadd.f32 v55, v54;
	v63 =	vmul.f32 v60, v60;
	v51 =	vld.idx.msk [tilespmem:v51+s13+$0x0], $0xffff  }
0x7eb: {  	v12 =	vmul.f32 $5.000000000e-01, v52;
	[tilespmem:s30+$0x40] =	vst v0;
	v0 =	vsub.s32 $0x5F3759DF, v13;
	v13 =	vmul.f32 $5.000000000e-01, v2;
	v60 =	vld.idx.msk [tilespmem:v59+s13+$0x0], $0xffff  }
0x7ec: {  	v5 =	vsub.s32 $0x5F3759DF, v56;
	v61 =	vmul.f32 v4, v61;
	v10 =	vld.idx.msk [tilespmem:v10+s13+$0x0], $0xffff;
	v1 =	vadd.f32 v63, v62  }
0x7ed: {  	v8 =	vld.idx.msk [tilespmem:v8+s13+$0x0], $0xffff;
	v7 =	vmul.f32 v0, v12;
	v62 =	vor.u32 v24, v36;
	v9 =	vmul.f32 v5, v13  }
0x7ee: {  	v57 =	vld.idx.msk [tilespmem:v57+s13+$0x0], $0xffff;
	v6 =	vmul.f32 v4, v61;
	v63 =	vshra.s32 v1, $0x1;
	v12 =	vmul.f32 $5.000000000e-01, v1  }
0x7ef: {  	v13 =	vld.idx.msk [tilespmem:v42+s13+$0x0], $0xffff;
	v7 =	vmul.f32 v0, v7;
	v9 =	vmul.f32 v5, v9;
	v55 =	vsub.s32 $0x5F3759DF, v63  }
0x7f0: {  	v42 =	vor.u32 v15, v38;
	v43 =	vmul.f32 v43, v43;
	v56 =	vmul.f32 v55, v12  }
0x7f1: {  	v58 =	vld.idx.msk [tilespmem:v58+s13+$0x0], $0xffff;
	v6 =	vsub.f32 $1.500000000e+00, v6;
	v51 =	vmul.f32 v51, v51;
	v53 =	vmul.f32 v60, v60  }
0x7f2: {  	v7 =	vsub.f32 $1.500000000e+00, v7;
	v10 =	vmul.f32 v10, v10;
	v60 =	vmul.f32 v8, v8  }
0x7f3: {  	v9 =	vsub.f32 $1.500000000e+00, v9;
	v4 =	vmul.f32 v4, v6;
	v56 =	vmul.f32 v55, v56  }
0x7f4: {  	v63 =	vmul.f32 v57, v57;
	v54 =	vld.idx.msk [tilespmem:v62+s13+$0x0], $0xffff;
	v12 =	vmul.f32 v13, v13;
	v13 =	vor.u32 v25, v33  }
0x7f5: {  	v43 =	vadd.f32 v51, v43;
	v3 =	vmul.f32 v4, v3;
	v61 =	vsub.f32 $1.500000000e+00, v56  }
0x7f6: {  	v20 =	vld [tilespmem:$0x1FEE0];
	v0 =	vmul.f32 v0, v7;
	v62 =	vadd.f32 v10, v53;
	v56 =	vmul.f32 v58, v58  }
0x7f7: {  	v11 =	vld [tilespmem:$0x1FF10];
	v5 =	vmul.f32 v5, v9;
	v6 =	vadd.f32 v63, v60;
	[tilespmem:s24+$0x400] =	vst v3;
	v8 =	vmul.f32 v55, v61  }
0x7f8: {  	v10 =	vor.u32 v26, v33;
	v9 =	vadd.f32 v12, v43;
	v7 =	vadd.f32 v56, v62;
	v29 =	vld.idx.msk [tilespmem:v29+s13+$0x0], $0xffff  }
0x7f9: {  	v58 =	vor.u32 v15, v33;
	v57 =	vmul.f32 v54, v54;
	v56 =	vld.idx.msk [tilespmem:v30+s13+$0x0], $0xffff;
	v1 =	vmul.f32 v8, v1  }
0x7fa: {  	v59 =	vshra.s32 v9, $0x1;
	v31 =	vld.idx.msk [tilespmem:v31+s13+$0x0], $0xffff;
	v61 =	vshra.s32 v7, $0x1;
	v62 =	vmul.f32 $5.000000000e-01, v7  }
0x7fb: {  	v60 =	vmul.f32 $5.000000000e-01, v9;
	v32 =	vld.idx.msk [tilespmem:v32+s13+$0x0], $0xffff;
	v6 =	vadd.f32 v57, v6;
	v63 =	vsub.s32 $0x5F3759DF, v61;
	[tilespmem:s23+$0x50] =	vst v1  }
0x7fc: {  	v0 =	vmul.f32 v0, v52;
	v1 =	vsub.s32 $0x5F3759DF, v59;
	v43 =	vmul.f32 v63, v62;
	v51 =	vld.idx.msk [tilespmem:v13+s13+$0x0], $0xffff  }
0x7fd: {  	v12 =	vshra.s32 v6, $0x1;
	v13 =	vmul.f32 $5.000000000e-01, v6;
	v10 =	vld.idx.msk [tilespmem:v10+s13+$0x0], $0xffff;
	v53 =	vmul.f32 v1, v60  }
0x7fe: {  	[tilespmem:s25+$0x400] =	vst v0;
	v4 =	vsub.s32 $0x5F3759DF, v12;
	v8 =	vld.idx.msk [tilespmem:v58+s13+$0x0], $0xffff;
	v58 =	vmul.f32 v5, v2;
	v43 =	vmul.f32 v63, v43  }
0x7ff: {  	v55 =	vor.u32 v15, v36;
	v45 =	vld.idx.msk [tilespmem:v45+s13+$0x0], $0xffff;
	v54 =	vmul.f32 v4, v13;
	v15 =	vmul.f32 v1, v53  }
0x800: {  	v49 =	vor.u32 v11, v22;
	v30 =	vshll.u32 v44, $0x7;
	v13 =	vld [tilespmem:$0x1FEC0];
	v60 =	vsub.f32 $1.500000000e+00, v43  }
0x801: {  	[tilespmem:s26+$0x400] =	vst v58;
	v57 =	vmul.f32 v4, v54;
	v59 =	vsub.f32 $1.500000000e+00, v15;
	v15 =	vld.idx.msk [tilespmem:v46+s13+$0x0], $0xffff;
	v51 =	vmul.f32 v51, v51  }
0x802: {  	v53 =	vor.u32 v25, v38;
	v54 =	vld.idx.msk [tilespmem:v50+s13+$0x0], $0xffff;
	v10 =	vmul.f32 v10, v10;
	v62 =	vmul.f32 v63, v60  }
0x803: {  	v43 =	vor.u32 v26, v38;
	v63 =	vld.idx.msk [tilespmem:v48+s13+$0x0], $0xffff;
	v8 =	vmul.f32 v8, v8;
	v44 =	vsub.f32 $1.500000000e+00, v57  }
0x804: {  	v61 =	vmul.f32 v1, v59;
	v57 =	vld.idx.msk [tilespmem:v47+s13+$0x0], $0xffff;
	v12 =	vadd.f32 v10, v51;
	v1 =	vmul.f32 v62, v7  }
0x805: {  	v41 =	vor.u32 v16, v23;
	v52 =	vmul.f32 v29, v29;
	v51 =	vld.idx.msk [tilespmem:v49+s13+$0x0], $0xffff  }
0x806: {  	v56 =	vmul.f32 v56, v56;
	v31 =	vmul.f32 v31, v31;
	v5 =	vadd.f32 v8, v12;
	[tilespmem:s28+$0x50] =	vst v1;
	v12 =	vld [tilespmem:$0x1FF20]  }
0x807: {  	v30 =	vand.u32 $0x200, v30;
	v32 =	vmul.f32 v32, v32;
	v0 =	vmul.f32 v61, v9;
	v61 =	vld.idx.msk [tilespmem:v53+s13+$0x0], $0xffff  }
0x808: {  	s10 =	sadd.s32 $0x1, s7;
	v48 =	vor.u32 v26, v36;
	v4 =	vmul.f32 v4, v44;
	v3 =	vmul.f32 v63, v63;
	v63 =	vld.idx.msk [tilespmem:v43+s13+$0x0], $0xffff  }
0x809: {  	v2 =	vor.u32 v25, v36;
	v29 =	vmov s10;
	[tilespmem:s29+$0x50] =	vst v0;
	v0 =	vadd.f32 v56, v52;
	v52 =	vld.idx.msk [tilespmem:v42+s13+$0x0], $0xffff  }
0x80a: {  	v31 =	vadd.f32 v32, v31;
	v60 =	vmul.f32 v45, v45;
	v4 =	vmul.f32 v4, v6;
	v40 =	vld.idx.msk [tilespmem:v40+s13+$0x0], $0xffff  }
0x80b: {  	v47 =	vor.u32 v11, v23;
	v58 =	vshra.s32 v5, $0x1;
	v59 =	vmul.f32 $5.000000000e-01, v5;
	v39 =	vld.idx.msk [tilespmem:v39+s13+$0x0], $0xffff  }
0x80c: {  	v62 =	vmul.f32 v15, v15;
	[tilespmem:s30+$0x50] =	vst v4;
	v1 =	vsub.s32 $0x5F3759DF, v58;
	v0 =	vadd.f32 v31, v0;
	v31 =	vld.idx.msk [tilespmem:v37+s13+$0x0], $0xffff  }
0x80d: {  	v8 =	vmul.f32 v54, v54;
	v3 =	vadd.f32 v3, v60;
	v46 =	vmul.f32 v1, v59;
	v7 =	vld.idx.msk [tilespmem:v48+s13+$0x0], $0xffff  }
0x80e: {  	v43 =	vmul.f32 v51, v51;
	v48 =	vmul.f32 v57, v57;
	v54 =	vld.idx.msk [tilespmem:v55+s13+$0x0], $0xffff;
	v55 =	vor.u32 v13, v33  }
0x80f: {  	v2 =	vld.idx.msk [tilespmem:v2+s13+$0x0], $0xffff;
	v57 =	vor.u32 v27, v33;
	v59 =	vor.u32 v20, v33;
	v46 =	vmul.f32 v1, v46  }
0x810: {  	v4 =	vadd.f32 v43, v62;
	v50 =	vor.u32 v12, v22;
	v53 =	vmul.f32 v61, v61  }
0x811: {  	v49 =	vmul.f32 v40, v40;
	v51 =	vmul.f32 v39, v39;
	v9 =	vsub.f32 $1.500000000e+00, v46  }
0x812: {  	v10 =	vmul.f32 v63, v63;
	v56 =	vmul.f32 v52, v52;
	v3 =	vadd.f32 v4, v3  }
0x813: {  	v31 =	vmul.f32 v31, v31;
	v37 =	vadd.f32 v51, v49;
	v1 =	vmul.f32 v1, v9  }
0x814: {  	v41 =	vld.idx.msk [tilespmem:v41+s13+$0x0], $0xffff;
	v6 =	vadd.f32 v10, v53;
	v2 =	vmul.f32 v2, v2;
	v7 =	vmul.f32 v7, v7  }
0x815: {  	v4 =	vadd.f32 v48, v8;
	v31 =	vadd.f32 v31, v37;
	v1 =	vmul.f32 v1, v5  }
0x816: {  	v60 =	vld.idx.msk [tilespmem:v28+s13+$0x0], $0xffff;
	v8 =	vmul.f32 v54, v54;
	v6 =	vadd.f32 v56, v6;
	v2 =	vadd.f32 v7, v2  }
0x817: {  	v58 =	vor.u32 v12, v23;
	v61 =	vshra.s32 v31, $0x1;
	v62 =	vmul.f32 $5.000000000e-01, v31;
	[tilespmem:s23+$0x60] =	vst v1;
	v1 =	vld.idx.msk [tilespmem:v50+s13+$0x0], $0xffff  }
0x818: {  	v51 =	vmul.f32 $5.000000000e-01, v6;
	v2 =	vadd.f32 v8, v2;
	v15 =	vsub.s32 $0x5F3759DF, v61;
	v9 =	vld.idx.msk [tilespmem:v55+s13+$0x0], $0xffff  }
0x819: {  	s11 =	sadd.s32 $0x2, s7;
	v22 =	vmovc v38;
	v50 =	vshra.s32 v6, $0x1;
	v38 =	vld.idx.msk [tilespmem:v57+s13+$0x0], $0xffff;
	v57 =	vmul.f32 v41, v41;
	v41 =	vmul.f32 v15, v62  }
0x81a: {  	v28 =	vmov s11;
	v40 =	vsub.s32 $0x5F3759DF, v50;
	v53 =	vmul.f32 $5.000000000e-01, v2  }
0x81b: {  	v63 =	vld.idx.msk [tilespmem:v59+s13+$0x0], $0xffff;
	v52 =	vshra.s32 v2, $0x1;
	v44 =	vmul.f32 v40, v51;
	v41 =	vmul.f32 v15, v41  }
0x81c: {  	v24 =	vld [tilespmem:$0x1FDD0];
	v43 =	vor.u32 v20, v22;
	v60 =	vmul.f32 v60, v60;
	v45 =	vsub.s32 $0x5F3759DF, v52  }
0x81d: {  	v23 =	vmovc v36;
	v36 =	vld.idx.msk [tilespmem:v58+s13+$0x0], $0xffff;
	v46 =	vmul.f32 v45, v53;
	v44 =	vmul.f32 v40, v44;
	v58 =	vsub.f32 $1.500000000e+00, v41  }
0x81e: {  	v39 =	vor.u32 v27, v22;
	v5 =	vld.idx.msk [tilespmem:v47+s13+$0x0], $0xffff;
	v9 =	vmul.f32 v9, v9;
	v38 =	vmul.f32 v38, v38  }
0x81f: {  	v54 =	vor.u32 v13, v23;
	v44 =	vsub.f32 $1.500000000e+00, v44;
	v10 =	vmul.f32 v15, v58  }
0x820: {  	v59 =	vmul.f32 v45, v46;
	v8 =	vmul.f32 v63, v63;
	v9 =	vadd.f32 v38, v9  }
0x821: {  	v37 =	vor.u32 v13, v22;
	v62 =	vmul.f32 v40, v44;
	v10 =	vmul.f32 v10, v31  }
0x822: {  	v32 =	vadd.f32 v0, v60;
	v7 =	vor.u32 v20, v23;
	v8 =	vadd.f32 v8, v9  }
0x823: {  	v5 =	vmul.f32 v5, v5;
	v61 =	vsub.f32 $1.500000000e+00, v59;
	v58 =	vld [tilespmem:$0x1FDC0];
	v6 =	vmul.f32 v62, v6;
	[tilespmem:s29+$0x60] =	vst v10  }
0x824: {  	v60 =	vmul.f32 $5.000000000e-01, v32;
	v63 =	vshra.s32 v8, $0x1;
	v15 =	vmul.f32 $5.000000000e-01, v8;
	v46 =	vld.idx.msk [tilespmem:v35+s13+$0x0], $0xffff  }
0x825: {  	v5 =	vadd.f32 v5, v57;
	v31 =	vmul.f32 v45, v61;
	[tilespmem:s28+$0x60] =	vst v6;
	v26 =	vld.idx.msk [tilespmem:v24+s13+$0x0], $0xffff;
	v44 =	vsub.s32 $0x5F3759DF, v63  }
0x826: {  	v55 =	vor.u32 v27, v23;
	v45 =	vmul.f32 v1, v1;
	v61 =	vld.idx.msk [tilespmem:v37+s13+$0x0], $0xffff;
	v40 =	vmul.f32 v44, v15  }
0x827: {  	v57 =	vmul.f32 v36, v36;
	v4 =	vadd.f32 v5, v4;
	v2 =	vmul.f32 v31, v2;
	v63 =	vld.idx.msk [tilespmem:v39+s13+$0x0], $0xffff  }
0x828: {  	v59 =	vshra.s32 v32, $0x1;
	v36 =	vadd.f32 v3, v45;
	v15 =	vld [tilespmem:$0x1FFD0];
	v56 =	vmul.f32 v44, v40  }
0x829: {  	v27 =	vor.u32 v17, v33;
	v35 =	vadd.f32 v4, v57;
	[tilespmem:s30+$0x60] =	vst v2;
	v2 =	vsub.s32 $0x5F3759DF, v59;
	v57 =	vld.idx.msk [tilespmem:v43+s13+$0x0], $0xffff  }
0x82a: {  	v49 =	vshra.s32 v36, $0x1;
	v1 =	vmul.f32 v46, v46;
	v46 =	vld [tilespmem:$0x1FF40];
	v62 =	vsub.f32 $1.500000000e+00, v56  }
0x82b: {  	v50 =	vmul.f32 $5.000000000e-01, v36;
	v5 =	vmul.f32 v2, v60;
	v52 =	vshra.s32 v35, $0x1;
	v53 =	vld.idx.msk [tilespmem:v55+s13+$0x0], $0xffff  }
0x82c: {  	v6 =	vsub.s32 $0x5F3759DF, v49;
	v55 =	vmul.f32 $5.000000000e-01, v35;
	v9 =	vld.idx.msk [tilespmem:v58+s13+$0x0], $0xffff;
	v3 =	vmul.f32 v44, v62  }
0x82d: {  	v51 =	vld.idx.msk [tilespmem:v54+s13+$0x0], $0xffff;
	v38 =	vsub.s32 $0x5F3759DF, v52;
	v59 =	vmul.f32 v6, v50;
	v54 =	vor.u32 v15, v33  }
0x82e: {  	v25 =	vld [tilespmem:$0x1FDF0];
	v5 =	vmul.f32 v2, v5;
	v56 =	vor.u32 v19, v33;
	v3 =	vmul.f32 v3, v8  }
0x82f: {  	v7 =	vld.idx.msk [tilespmem:v7+s13+$0x0], $0xffff;
	v26 =	vmul.f32 v26, v26;
	v0 =	vmul.f32 v61, v61;
	v58 =	vor.u32 v46, v33  }
0x830: {  	v41 =	vshll.u32 v28, $0x9;
	v24 =	vld [tilespmem:$0x1FDE0];
	v4 =	vmul.f32 v63, v63;
	v61 =	vmul.f32 v38, v55;
	[tilespmem:s23+$0x70] =	vst v3  }
0x831: {  	v5 =	vsub.f32 $1.500000000e+00, v5;
	v48 =	vmul.f32 v57, v57;
	v9 =	vmul.f32 v9, v9;
	v60 =	vld.idx.msk [tilespmem:v27+s13+$0x0], $0xffff  }
0x832: {  	v45 =	vor.u32 v18, v33;
	v62 =	vmul.f32 v51, v51;
	v44 =	vmul.f32 v53, v53;
	v63 =	vld.idx.msk [tilespmem:v54+s13+$0x0], $0xffff  }
0x833: {  	v0 =	vadd.f32 v4, v0;
	v10 =	vmul.f32 v38, v61;
	v2 =	vmul.f32 v2, v5;
	v8 =	vld.idx.msk [tilespmem:v56+s13+$0x0], $0xffff  }
0x834: {  	v7 =	vmul.f32 v7, v7;
	v1 =	vadd.f32 v9, v1;
	v4 =	vadd.f32 v44, v62;
	v47 =	vld.idx.msk [tilespmem:v58+s13+$0x0], $0xffff  }
0x835: {  	v0 =	vadd.f32 v48, v0;
	v49 =	vsub.f32 $1.500000000e+00, v10;
	v2 =	vmul.f32 v2, v32  }
0x836: {  	v3 =	vmul.f32 v6, v59;
	v1 =	vadd.f32 v26, v1;
	v4 =	vadd.f32 v7, v4  }
0x837: {  	v55 =	vmul.f32 $5.000000000e-01, v0;
	v27 =	vor.u32 v25, v24;
	v25 =	vmovc v30;
	v30 =	vshra.s32 v0, $0x1  }
0x838: {  	v51 =	vld.idx.msk [tilespmem:v45+s13+$0x0], $0xffff;
	v3 =	vsub.f32 $1.500000000e+00, v3;
	v9 =	vmul.f32 v60, v60;
	v52 =	vmul.f32 v63, v63  }
0x839: {  	v50 =	vshra.s32 v1, $0x1;
	v8 =	vmul.f32 v8, v8;
	v54 =	vmul.f32 v47, v47  }
0x83a: {  	v26 =	vmul.f32 $5.000000000e-01, v1;
	v56 =	vmul.f32 $5.000000000e-01, v4;
	v30 =	vsub.s32 $0x5F3759DF, v30  }
0x83b: {  	v10 =	vsub.s32 $0x5F3759DF, v50;
	v9 =	vadd.f32 v52, v9;
	v8 =	vadd.f32 v54, v8  }
0x83c: {  	v53 =	vshra.s32 v4, $0x1;
	v57 =	vmul.f32 v30, v55;
	v26 =	vmul.f32 v10, v26  }
0x83d: {  	s12 =	sshll.u32 s7, $0x9;
	v37 =	vsub.s32 $0x5F3759DF, v53;
	v7 =	vmul.f32 v51, v51;
	v8 =	vadd.f32 v8, v9  }
0x83e: {  	s6 =	sadd.s32 $0x200, s6;
	s0 =	sand.u32 $0x3FFFF000, s12;
	v31 =	vand.u32 $0xF000, v34;
	v58 =	vmul.f32 v37, v56;
	v59 =	vmul.f32 v10, v26  }
0x83f: {  	s0 =	sadd.s32 $0xA000, s0;
	s11 =	sand.u32 $0x380, s6;
	v5 =	vmul.f32 v38, v49;
	v3 =	vmul.f32 v6, v3;
	v7 =	vadd.f32 v8, v7  }
0x840: {  	s9 =	sor.u32 s11, s0;
	v24 =	vmovc v34;
	v34 =	vmul.f32 v30, v57;
	v39 =	vmul.f32 v37, v58;
	v60 =	vsub.f32 $1.500000000e+00, v59  }
0x841: {  	s20 =	sshll.u32 s7, $0x8;
	s16 =	sadd.s32 $0xFFFFFF00, s6;
	v49 =	vld [tilespmem:s9+$0x0];
	v26 =	vor.u32 v17, v27;
	v63 =	vshra.s32 v7, $0x1;
	v17 =	vmul.f32 $5.000000000e-01, v7  }
0x842: {  	s15 =	sadd.s32 $0xFFFFFE80, s6;
	s17 =	sadd.s32 $0xFFFFFF80, s6;
	s12 =	sand.u32 $0x280, s16;
	v62 =	vsub.f32 $1.500000000e+00, v39;
	v6 =	vmul.f32 v10, v60;
	v40 =	vsub.s32 $0x5F3759DF, v63  }
0x843: {  	s3 =	sand.u32 $0x200, s15;
	s15 =	sand.u32 $0x300, s17;
	s31 =	sor.u32 s12, s0;
	v5 =	vmul.f32 v5, v35;
	v61 =	vsub.f32 $1.500000000e+00, v34;
	v34 =	vmul.f32 v40, v17  }
0x844: {  	s8 =	sor.u32 s15, s0;
	s10 =	sor.u32 s3, s0;
	s0 =	sand.u32 $0x3FFFF800, s20;
	v45 =	vand.u32 $0xF000, v41;
	v9 =	vmul.f32 v37, v62;
	v1 =	vmul.f32 v6, v1  }
0x845: {  	s16 =	sadd.s32 $0x19000, s0;
	v41 =	vor.u32 v18, v27;
	v8 =	vmul.f32 v30, v61;
	v48 =	vmul.f32 v40, v34  }
0x846: {  	s0 =	sor.u32 s11, s16;
	v32 =	vor.u32 v11, v27;
	v59 =	vand.u32 $0x7FFFFFFF, v49;
	v4 =	vmul.f32 v9, v4;
	[tilespmem:s29+$0x70] =	vst v1  }
0x847: {  	v50 =	vor.u32 v15, v27;
	[tilespmem:s0+$0x0] =	vst v59;
	v26 =	vld.idx.msk [tilespmem:v26+s13+$0x0], $0xffff;
	v0 =	vmul.f32 v8, v0;
	v52 =	vsub.f32 $1.500000000e+00, v48  }
0x848: {  	v56 =	vor.u32 v21, v33;
	v3 =	vmul.f32 v3, v36;
	v51 =	vor.u32 v19, v27;
	v53 =	vld [tilespmem:s10+$0x0];
	[tilespmem:s30+$0x70] =	vst v4  }
0x849: {  	v58 =	vor.u32 v14, v33;
	v54 =	vshll.u32 v28, $0x7;
	v57 =	vld [tilespmem:s8+$0x0];
	[tilespmem:s28+$0x70] =	vst v0;
	v0 =	vmul.f32 v40, v52  }
0x84a: {  	v28 =	vor.u32 v12, v27;
	v60 =	vor.u32 v16, v33;
	v30 =	vshll.u32 v29, $0x9;
	[tilespmem:s24+$0x410] =	vst v2;
	v55 =	vld [tilespmem:s31+$0x0]  }
0x84b: {  	p0 =	slt.u32 s7, $0x4C;
	v47 =	vld [tilespmem:s9+$0x10];
	v29 =	vshll.u32 v29, $0x7;
	v36 =	vand.u32 $0xF000, v30;
	[tilespmem:s26+$0x410] =	vst v5;
	v0 =	vmul.f32 v0, v7  }
.Ltmp3:
0x84c: {  	v44 =	vand.u32 $0x280, v29;
	v29 =	vor.u32 v21, v27;
	v30 =	vor.u32 v14, v27;
	v38 =	vld.idx.msk [tilespmem:v50+s13+$0x0], $0xffff;
	[tilespmem:s25+$0x410] =	vst v3;
	(pc) =	sbr.rel @p0 .LBB2_9-.Ltmp3, $4  }
0x84d: {  	s24 =	smov.u32 s29;
	s29 =	sor.u32 s3, s16;
	v39 =	vld.idx.msk [tilespmem:v51+s13+$0x0], $0xffff;
	v50 =	vor.u32 v46, v27;
	v34 =	vor.u32 v25, v31;
	v61 =	vand.u32 $0x7FFFFFFF, v53;
	[tilespmem:s23+$0x400] =	vst v0  }
0x84e: {  	s26 =	smov.u32 s30;
	s30 =	sor.u32 s15, s16;
	v43 =	vmul.f32 v26, v26;
	v31 =	vor.u32 v16, v27;
	[tilespmem:s29+$0x0] =	vst v61;
	v63 =	vand.u32 $0x7FFFFFFF, v57;
	v48 =	vld.idx.msk [tilespmem:v56+s13+$0x0], $0xffff  }
0x84f: {  	s25 =	smov.u32 s28;
	s28 =	sor.u32 s12, s16;
	v26 =	vor.u32 v20, v34;
	v27 =	vor.u32 v13, v34;
	[tilespmem:s30+$0x0] =	vst v63;
	v62 =	vand.u32 $0x7FFFFFFF, v55;
	v49 =	vld.idx.msk [tilespmem:v58+s13+$0x0], $0xffff  }
0x850: {  	s1 =	smov.u32 s7;
	s7 =	sadd.s32 $0x4, s7;
	v46 =	vand.u32 $0x300, v54;
	v40 =	vor.u32 v11, v33;
	v33 =	vor.u32 v12, v33;
	[tilespmem:s28+$0x0] =	vst v62;
	v51 =	vld.idx.msk [tilespmem:v60+s13+$0x0], $0xffff  }
0x851: {  	_ =	sdelay $0x3  }
0x852: {  	v0 =	vld.idx.msk [tilespmem:v40+s13+$0x0], $0xffff  }
0x853: {  	v1 =	vld [tilespmem:s10+$0x10]  }
0x854: {  	v18 =	vld [tilespmem:$0x1FEF0]  }
0x855: {  	v3 =	vld [tilespmem:s31+$0x10]  }
0x856: {  	v6 =	vld [tilespmem:s8+$0x10]  }
0x857: {  	v63 =	vld [tilespmem:$0x1FFC0]  }
0x858: {  	v13 =	vld [tilespmem:$0x1FFD0]  }
0x859: {  	v8 =	vld.idx.msk [tilespmem:v33+s13+$0x0], $0xffff  }
0x85a: {  	v9 =	vand.u32 $0x7FFFFFFF, v47;
	v10 =	vld.idx.msk [tilespmem:v50+s13+$0x0], $0xffff  }
0x85b: {  	v41 =	vld.idx.msk [tilespmem:v41+s13+$0x0], $0xffff;
	[tilespmem:s0+$0x10] =	vst v9;
	v1 =	vand.u32 $0x7FFFFFFF, v1  }
0x85c: {  	v37 =	vld [tilespmem:s9+$0x20];
	[tilespmem:s29+$0x10] =	vst v1  }
0x85d: {  	v1 =	vand.u32 $0x7FFFFFFF, v3;
	v62 =	vld [tilespmem:$0x1FF30]  }
0x85e: {  	v47 =	vld [tilespmem:s10+$0x20];
	[tilespmem:s28+$0x10] =	vst v1  }
0x85f: {  	v21 =	vmul.f32 v48, v48;
	v42 =	vmul.f32 v51, v51;
	v51 =	vld [tilespmem:$0x1FFE0]  }
0x860: {  	v35 =	vmul.f32 v49, v49;
	v2 =	vor.u32 v18, v22;
	v0 =	vmul.f32 v0, v0;
	v54 =	vld [tilespmem:$0x1FFF0]  }
0x861: {  	v7 =	vor.u32 v13, v22;
	v58 =	vor.u32 v13, v23;
	v1 =	vand.u32 $0x7FFFFFFF, v6;
	v61 =	vld [tilespmem:$0x1FF40]  }
0x862: {  	v6 =	vadd.f32 v35, v21;
	v0 =	vadd.f32 v0, v42;
	v37 =	vand.u32 $0x7FFFFFFF, v37;
	v42 =	vld [tilespmem:s31+$0x20];
	[tilespmem:s30+$0x10] =	vst v1  }
0x863: {  	[tilespmem:s0+$0x20] =	vst v37;
	v1 =	vld [tilespmem:s8+$0x20]  }
0x864: {  	s1 =	sadd.s32 $0x3, s1;
	v0 =	vadd.f32 v0, v6;
	v6 =	vmul.f32 v8, v8;
	v8 =	vor.u32 v18, v23;
	v57 =	vld [tilespmem:s9+$0x30]  }
0x865: {  	v4 =	vmul.f32 v38, v38;
	v52 =	vmov s1;
	v2 =	vld.idx.msk [tilespmem:v2+s13+$0x0], $0xffff  }
0x866: {  	v33 =	vor.u32 v44, v36;
	v53 =	vshll.u32 v52, $0x9;
	v7 =	vld.idx.msk [tilespmem:v7+s13+$0x0], $0xffff;
	v55 =	vand.u32 $0x7FFFFFFF, v47  }
0x867: {  	v4 =	vadd.f32 v4, v43;
	v56 =	vand.u32 $0xF000, v53;
	v43 =	vld.idx.msk [tilespmem:v58+s13+$0x0], $0xffff;
	v0 =	vadd.f32 v0, v6;
	[tilespmem:s29+$0x20] =	vst v55  }
0x868: {  	v6 =	vshll.u32 v52, $0x7;
	v3 =	vor.u32 v62, v22;
	v59 =	vand.u32 $0x7FFFFFFF, v42;
	v44 =	vld [tilespmem:s10+$0x30]  }
0x869: {  	v6 =	vand.u32 $0x380, v6;
	v53 =	vor.u32 v62, v23;
	[tilespmem:s28+$0x20] =	vst v59;
	v1 =	vand.u32 $0x7FFFFFFF, v1;
	v8 =	vld.idx.msk [tilespmem:v8+s13+$0x0], $0xffff  }
0x86a: {  	v50 =	vor.u32 v61, v22;
	v37 =	vor.u32 v6, v56;
	[tilespmem:s30+$0x20] =	vst v1;
	v1 =	vld [tilespmem:s31+$0x30]  }
0x86b: {  	v5 =	vmul.f32 v39, v39;
	v10 =	vmul.f32 v10, v10;
	v60 =	vor.u32 v51, v37;
	v56 =	vld [tilespmem:s8+$0x30]  }
0x86c: {  	v6 =	vshra.s32 v0, $0x1;
	v21 =	vmul.f32 $5.000000000e-01, v0;
	v52 =	vor.u32 v54, v37;
	v11 =	vld [tilespmem:$0x1FEA0]  }
0x86d: {  	v5 =	vadd.f32 v10, v5;
	v9 =	vor.u32 v51, v34;
	v6 =	vsub.s32 $0x5F3759DF, v6;
	v3 =	vld.idx.msk [tilespmem:v3+s13+$0x0], $0xffff  }
0x86e: {  	v35 =	vor.u32 v54, v34;
	v39 =	vand.u32 $0x7FFFFFFF, v57;
	v55 =	vmul.f32 v6, v21;
	v21 =	vld.idx.msk [tilespmem:v53+s13+$0x0], $0xffff  }
0x86f: {  	v36 =	vor.u32 v46, v45;
	v58 =	vor.u32 v51, v33;
	[tilespmem:s0+$0x30] =	vst v39;
	v40 =	vld.idx.msk [tilespmem:v50+s13+$0x0], $0xffff  }
0x870: {  	v4 =	vadd.f32 v5, v4;
	v5 =	vor.u32 v54, v36;
	v44 =	vand.u32 $0x7FFFFFFF, v44;
	v42 =	vld.idx.msk [tilespmem:v60+s13+$0x0], $0xffff  }
0x871: {  	v2 =	vmul.f32 v2, v2;
	v59 =	vld.idx.msk [tilespmem:v52+s13+$0x0], $0xffff;
	[tilespmem:s29+$0x30] =	vst v44  }
0x872: {  	v7 =	vmul.f32 v7, v7;
	v1 =	vand.u32 $0x7FFFFFFF, v1;
	v57 =	vor.u32 v11, v37;
	v9 =	vld.idx.msk [tilespmem:v9+s13+$0x0], $0xffff  }
0x873: {  	v45 =	vmul.f32 v6, v55;
	v60 =	vor.u32 v54, v33;
	[tilespmem:s28+$0x30] =	vst v1;
	v1 =	vand.u32 $0x7FFFFFFF, v56;
	v53 =	vld.idx.msk [tilespmem:v35+s13+$0x0], $0xffff  }
0x874: {  	v52 =	vor.u32 v51, v36;
	v39 =	vld.idx.msk [tilespmem:v58+s13+$0x0], $0xffff;
	[tilespmem:s30+$0x30] =	vst v1  }
0x875: {  	v2 =	vadd.f32 v7, v2;
	v7 =	vsub.f32 $1.500000000e+00, v45;
	v5 =	vld.idx.msk [tilespmem:v5+s13+$0x0], $0xffff  }
0x876: {  	v41 =	vmul.f32 v41, v41;
	v43 =	vmul.f32 v43, v43;
	v56 =	vor.u32 v11, v33;
	v17 =	vld [tilespmem:$0x1FF50]  }
0x877: {  	v8 =	vmul.f32 v8, v8;
	v55 =	vor.u32 v11, v34;
	v6 =	vmul.f32 v6, v7;
	v10 =	vld.idx.msk [tilespmem:v57+s13+$0x0], $0xffff  }
0x878: {  	v38 =	vor.u32 v63, v34;
	v3 =	vmul.f32 v3, v3;
	v40 =	vmul.f32 v40, v40;
	v1 =	vld.idx.msk [tilespmem:v60+s13+$0x0], $0xffff  }
0x879: {  	v35 =	vmul.f32 v6, v0;
	v58 =	vmul.f32 v59, v59;
	v59 =	vor.u32 v11, v36;
	v7 =	vld.idx.msk [tilespmem:v52+s13+$0x0], $0xffff  }
0x87a: {  	v60 =	vor.u32 v61, v23;
	v11 =	vld [tilespmem:$0x1FF80];
	v3 =	vadd.f32 v40, v3;
	v57 =	vmul.f32 v42, v42  }
0x87b: {  	v0 =	vmul.f32 v21, v21;
	v6 =	vadd.f32 v43, v8;
	v8 =	vmul.f32 v9, v9;
	v21 =	vld.idx.msk [tilespmem:v56+s13+$0x0], $0xffff  }
0x87c: {  	v2 =	vadd.f32 v3, v2;
	v3 =	vld.idx.msk [tilespmem:v55+s13+$0x0], $0xffff;
	v42 =	vadd.f32 v58, v57;
	v10 =	vmul.f32 v10, v10  }
0x87d: {  	v4 =	vadd.f32 v4, v41;
	v12 =	vld [tilespmem:$0x1FF90];
	v40 =	vmul.f32 v53, v53;
	v39 =	vmul.f32 v39, v39  }
0x87e: {  	v5 =	vmul.f32 v5, v5;
	v48 =	vld.idx.msk [tilespmem:v59+s13+$0x0], $0xffff;
	v1 =	vmul.f32 v1, v1;
	v10 =	vadd.f32 v10, v42  }
0x87f: {  	v8 =	vadd.f32 v40, v8;
	v49 =	vld.idx.msk [tilespmem:v60+s13+$0x0], $0xffff;
	v7 =	vmul.f32 v7, v7;
	v60 =	vor.u32 v11, v37  }
0x880: {  	v1 =	vadd.f32 v1, v39;
	v50 =	vshra.s32 v10, $0x1;
	v52 =	vmul.f32 $5.000000000e-01, v10  }
0x881: {  	v9 =	vmul.f32 v21, v21;
	v3 =	vmul.f32 v3, v3;
	v45 =	vsub.s32 $0x5F3759DF, v50  }
0x882: {  	v5 =	vadd.f32 v5, v7;
	v39 =	vor.u32 v17, v23;
	v53 =	vmul.f32 v45, v52  }
0x883: {  	v42 =	vor.u32 v17, v22;
	v1 =	vadd.f32 v9, v1;
	v3 =	vadd.f32 v3, v8  }
0x884: {  	v21 =	vor.u32 v12, v37;
	v7 =	vmul.f32 v48, v48;
	v8 =	vmul.f32 v45, v53  }
0x885: {  	v55 =	vmul.f32 v49, v49;
	v57 =	vshra.s32 v1, $0x1;
	v56 =	vshra.s32 v3, $0x1  }
0x886: {  	v5 =	vadd.f32 v7, v5;
	v7 =	vsub.f32 $1.500000000e+00, v8;
	v8 =	vmul.f32 $5.000000000e-01, v3  }
0x887: {  	v58 =	vmul.f32 $5.000000000e-01, v1;
	v43 =	vsub.s32 $0x5F3759DF, v57;
	v40 =	vsub.s32 $0x5F3759DF, v56  }
0x888: {  	v0 =	vadd.f32 v55, v0;
	v55 =	vld.idx.msk [tilespmem:v42+s13+$0x0], $0xffff;
	v7 =	vmul.f32 v45, v7;
	v8 =	vmul.f32 v40, v8  }
0x889: {  	v52 =	vmul.f32 v43, v58;
	v59 =	vshra.s32 v5, $0x1;
	v53 =	vmul.f32 $5.000000000e-01, v5  }
0x88a: {  	v56 =	vsub.s32 $0x5F3759DF, v59;
	v7 =	vmul.f32 v7, v10;
	v8 =	vmul.f32 v40, v8  }
0x88b: {  	v47 =	vor.u32 v11, v34;
	v57 =	vor.u32 v63, v37;
	v58 =	vmul.f32 v56, v53  }
0x88c: {  	v0 =	vadd.f32 v0, v6;
	v10 =	vmul.f32 v43, v52;
	[tilespmem:s0+$0x40] =	vst v7;
	v7 =	vld.idx.msk [tilespmem:v39+s13+$0x0], $0xffff;
	v6 =	vsub.f32 $1.500000000e+00, v8  }
0x88d: {  	v48 =	vor.u32 v12, v36;
	v9 =	vmul.f32 v55, v55;
	v39 =	vmul.f32 v56, v58  }
0x88e: {  	v50 =	vor.u32 v63, v36;
	v10 =	vsub.f32 $1.500000000e+00, v10;
	v59 =	vld.idx.msk [tilespmem:v60+s13+$0x0], $0xffff;
	v6 =	vmul.f32 v40, v6  }
0x88f: {  	v2 =	vadd.f32 v2, v9;
	v8 =	vor.u32 v12, v34;
	v60 =	vld.idx.msk [tilespmem:v21+s13+$0x0], $0xffff;
	v39 =	vsub.f32 $1.500000000e+00, v39  }
0x890: {  	v21 =	vor.u32 v11, v33;
	v46 =	vld.idx.msk [tilespmem:v57+s13+$0x0], $0xffff;
	v10 =	vmul.f32 v43, v10;
	v3 =	vmul.f32 v6, v3  }
0x891: {  	v52 =	vor.u32 v12, v33;
	v42 =	vmul.f32 v56, v39;
	v7 =	vmul.f32 v7, v7  }
0x892: {  	v58 =	vmul.f32 $5.000000000e-01, v2;
	v40 =	vor.u32 v63, v33;
	v1 =	vmul.f32 v10, v1;
	[tilespmem:s29+$0x40] =	vst v3  }
0x893: {  	v6 =	vor.u32 v11, v36;
	v39 =	vadd.f32 v0, v7;
	v0 =	vmul.f32 v42, v5;
	v5 =	vld.idx.msk [tilespmem:v47+s13+$0x0], $0xffff  }
0x894: {  	v53 =	vmul.f32 v59, v59;
	v55 =	vmul.f32 v60, v60;
	[tilespmem:s28+$0x40] =	vst v1;
	v8 =	vld.idx.msk [tilespmem:v8+s13+$0x0], $0xffff  }
0x895: {  	v57 =	vmul.f32 $5.000000000e-01, v4;
	v3 =	vshra.s32 v4, $0x1;
	v56 =	vmul.f32 v46, v46;
	v41 =	vld.idx.msk [tilespmem:v21+s13+$0x0], $0xffff  }
0x896: {  	v7 =	vshra.s32 v2, $0x1;
	v3 =	vsub.s32 $0x5F3759DF, v3;
	v60 =	vld.idx.msk [tilespmem:v52+s13+$0x0], $0xffff;
	v1 =	vadd.f32 v55, v53  }
0x897: {  	v38 =	vld.idx.msk [tilespmem:v38+s13+$0x0], $0xffff;
	v7 =	vsub.s32 $0x5F3759DF, v7;
	[tilespmem:s30+$0x40] =	vst v0;
	v0 =	vmul.f32 v3, v57  }
0x898: {  	v40 =	vld.idx.msk [tilespmem:v40+s13+$0x0], $0xffff;
	v49 =	vmul.f32 v7, v58;
	v1 =	vadd.f32 v56, v1  }
0x899: {  	v59 =	vmul.f32 $5.000000000e-01, v39;
	v21 =	vshra.s32 v39, $0x1;
	v6 =	vld.idx.msk [tilespmem:v6+s13+$0x0], $0xffff;
	v0 =	vmul.f32 v3, v0  }
0x89a: {  	v55 =	vld.idx.msk [tilespmem:v48+s13+$0x0], $0xffff;
	v57 =	vmul.f32 v7, v49;
	v52 =	vshra.s32 v1, $0x1;
	v53 =	vmul.f32 $5.000000000e-01, v1  }
0x89b: {  	v58 =	vld.idx.msk [tilespmem:v50+s13+$0x0], $0xffff;
	v5 =	vmul.f32 v5, v5;
	v8 =	vmul.f32 v8, v8;
	v45 =	vsub.s32 $0x5F3759DF, v52  }
0x89c: {  	v43 =	vsub.s32 $0x5F3759DF, v21;
	v14 =	vld [tilespmem:$0x1FEB0];
	v41 =	vmul.f32 v41, v41;
	v46 =	vmul.f32 v45, v53  }
0x89d: {  	v9 =	vmul.f32 v60, v60;
	v38 =	vmul.f32 v38, v38;
	v0 =	vsub.f32 $1.500000000e+00, v0  }
0x89e: {  	v40 =	vmul.f32 v40, v40;
	v5 =	vadd.f32 v8, v5;
	v56 =	vmul.f32 v45, v46  }
0x89f: {  	v8 =	vmul.f32 v43, v59;
	v0 =	vmul.f32 v3, v0;
	v3 =	vadd.f32 v9, v41  }
0x8a0: {  	v6 =	vmul.f32 v6, v6;
	v60 =	vmul.f32 v55, v55;
	v46 =	vld [tilespmem:$0x1FFB0];
	v59 =	vsub.f32 $1.500000000e+00, v56  }
0x8a1: {  	v9 =	vsub.f32 $1.500000000e+00, v57;
	v10 =	vmul.f32 v58, v58;
	v48 =	vor.u32 v14, v37  }
0x8a2: {  	v6 =	vadd.f32 v60, v6;
	v3 =	vadd.f32 v40, v3;
	v41 =	vmul.f32 v45, v59;
	v45 =	vld [tilespmem:$0x1FFA0]  }
0x8a3: {  	v5 =	vadd.f32 v38, v5;
	v7 =	vmul.f32 v7, v9;
	v0 =	vmul.f32 v0, v4  }
0x8a4: {  	v6 =	vadd.f32 v10, v6;
	v52 =	vshra.s32 v3, $0x1;
	v55 =	vmul.f32 $5.000000000e-01, v3  }
0x8a5: {  	v50 =	vmul.f32 $5.000000000e-01, v5;
	v9 =	vsub.s32 $0x5F3759DF, v52;
	v47 =	vor.u32 v46, v37  }
0x8a6: {  	v56 =	vshra.s32 v6, $0x1;
	v57 =	vmul.f32 $5.000000000e-01, v6;
	v4 =	vmul.f32 v9, v55  }
0x8a7: {  	[tilespmem:s24+$0x400] =	vst v0;
	v1 =	vmul.f32 v41, v1;
	v58 =	vsub.s32 $0x5F3759DF, v56;
	v21 =	vor.u32 v45, v37  }
0x8a8: {  	v49 =	vshra.s32 v5, $0x1;
	v2 =	vmul.f32 v7, v2;
	v29 =	vld.idx.msk [tilespmem:v29+s13+$0x0], $0xffff;
	v7 =	vmul.f32 v58, v57  }
0x8a9: {  	v30 =	vld.idx.msk [tilespmem:v30+s13+$0x0], $0xffff;
	v4 =	vmul.f32 v9, v4;
	[tilespmem:s0+$0x50] =	vst v1;
	v1 =	vsub.s32 $0x5F3759DF, v49  }
0x8aa: {  	v31 =	vld.idx.msk [tilespmem:v31+s13+$0x0], $0xffff;
	v40 =	vmul.f32 v1, v50;
	v7 =	vmul.f32 v58, v7  }
0x8ab: {  	v4 =	vsub.f32 $1.500000000e+00, v4;
	v42 =	vld.idx.msk [tilespmem:v47+s13+$0x0], $0xffff  }
0x8ac: {  	v40 =	vmul.f32 v1, v40;
	v7 =	vsub.f32 $1.500000000e+00, v7;
	v53 =	vld.idx.msk [tilespmem:v21+s13+$0x0], $0xffff  }
0x8ad: {  	v38 =	vld.idx.msk [tilespmem:v48+s13+$0x0], $0xffff;
	v48 =	vor.u32 v45, v33;
	v4 =	vmul.f32 v9, v4  }
0x8ae: {  	v32 =	vld.idx.msk [tilespmem:v32+s13+$0x0], $0xffff;
	v52 =	vor.u32 v46, v36;
	v40 =	vsub.f32 $1.500000000e+00, v40;
	v7 =	vmul.f32 v58, v7  }
0x8af: {  	v55 =	vor.u32 v14, v36;
	v47 =	vld [tilespmem:$0x1FF60];
	v3 =	vmul.f32 v4, v3  }
0x8b0: {  	v60 =	vor.u32 v45, v34;
	v21 =	vld [tilespmem:$0x1FF70];
	[tilespmem:s25+$0x400] =	vst v2;
	v1 =	vmul.f32 v1, v40;
	v6 =	vmul.f32 v7, v6  }
0x8b1: {  	v2 =	vor.u32 v46, v34;
	v42 =	vmul.f32 v42, v42;
	[tilespmem:s28+$0x50] =	vst v3;
	v10 =	vmul.f32 v53, v53  }
0x8b2: {  	v1 =	vmul.f32 v1, v5;
	[tilespmem:s30+$0x50] =	vst v6;
	v6 =	vld.idx.msk [tilespmem:v48+s13+$0x0], $0xffff  }
0x8b3: {  	v38 =	vmul.f32 v38, v38;
	v41 =	vld.idx.msk [tilespmem:v52+s13+$0x0], $0xffff;
	v10 =	vadd.f32 v42, v10  }
0x8b4: {  	v8 =	vmul.f32 v43, v8;
	v9 =	vld.idx.msk [tilespmem:v55+s13+$0x0], $0xffff;
	[tilespmem:s29+$0x50] =	vst v1  }
0x8b5: {  	v7 =	vld.idx.msk [tilespmem:v60+s13+$0x0], $0xffff;
	v5 =	vadd.f32 v38, v10  }
0x8b6: {  	v8 =	vsub.f32 $1.500000000e+00, v8;
	v49 =	vor.u32 v46, v33;
	v2 =	vld.idx.msk [tilespmem:v2+s13+$0x0], $0xffff  }
0x8b7: {  	v20 =	vld [tilespmem:$0x1FF00];
	v1 =	vshra.s32 v5, $0x1;
	v4 =	vmul.f32 $5.000000000e-01, v5  }
0x8b8: {  	v8 =	vmul.f32 v43, v8;
	v50 =	vor.u32 v45, v36;
	v43 =	vld [tilespmem:$0x1FED0];
	v1 =	vsub.s32 $0x5F3759DF, v1  }
0x8b9: {  	v53 =	vor.u32 v14, v34;
	v19 =	vld [tilespmem:$0x1FF10];
	v3 =	vmul.f32 v1, v4  }
0x8ba: {  	v4 =	vor.u32 v14, v33;
	v14 =	vld [tilespmem:$0x1FEC0]  }
0x8bb: {  	v8 =	vmul.f32 v8, v39;
	v0 =	vor.u32 v47, v22;
	v10 =	vld.idx.msk [tilespmem:v49+s13+$0x0], $0xffff;
	v3 =	vmul.f32 v1, v3  }
0x8bc: {  	v29 =	vmul.f32 v29, v29;
	v30 =	vmul.f32 v30, v30;
	v59 =	vor.u32 v21, v22;
	v15 =	vld [tilespmem:$0x1FEE0]  }
0x8bd: {  	v31 =	vmul.f32 v31, v31;
	v32 =	vmul.f32 v32, v32;
	v38 =	vld.idx.msk [tilespmem:v50+s13+$0x0], $0xffff;
	v3 =	vsub.f32 $1.500000000e+00, v3  }
0x8be: {  	v29 =	vadd.f32 v30, v29;
	v57 =	vld.idx.msk [tilespmem:v53+s13+$0x0], $0xffff;
	v7 =	vmul.f32 v7, v7;
	v2 =	vmul.f32 v2, v2  }
0x8bf: {  	v6 =	vmul.f32 v6, v6;
	v4 =	vld.idx.msk [tilespmem:v4+s13+$0x0], $0xffff;
	v1 =	vmul.f32 v1, v3;
	v3 =	vor.u32 v14, v37  }
0x8c0: {  	v0 =	vld.idx.msk [tilespmem:v0+s13+$0x0], $0xffff;
	v58 =	vor.u32 v43, v37;
	v2 =	vadd.f32 v2, v7;
	v7 =	vmul.f32 v10, v10  }
0x8c1: {  	v31 =	vadd.f32 v32, v31;
	v41 =	vmul.f32 v41, v41;
	v40 =	vld.idx.msk [tilespmem:v59+s13+$0x0], $0xffff;
	v1 =	vmul.f32 v1, v5  }
0x8c2: {  	v9 =	vmul.f32 v9, v9;
	v6 =	vadd.f32 v7, v6;
	v7 =	vor.u32 v15, v37  }
0x8c3: {  	v60 =	vor.u32 v47, v23;
	v32 =	vmul.f32 v57, v57;
	v5 =	vmul.f32 v38, v38;
	[tilespmem:s0+$0x60] =	vst v1  }
0x8c4: {  	v56 =	vor.u32 v20, v22;
	v59 =	vor.u32 v19, v22;
	v4 =	vmul.f32 v4, v4;
	v3 =	vld.idx.msk [tilespmem:v3+s13+$0x0], $0xffff  }
0x8c5: {  	v0 =	vmul.f32 v0, v0;
	v2 =	vadd.f32 v32, v2;
	v5 =	vadd.f32 v41, v5;
	v10 =	vld.idx.msk [tilespmem:v58+s13+$0x0], $0xffff  }
0x8c6: {  	v53 =	vor.u32 v20, v23;
	v40 =	vmul.f32 v40, v40;
	v4 =	vadd.f32 v4, v6  }
0x8c7: {  	v32 =	vmul.f32 $5.000000000e-01, v2;
	v7 =	vld.idx.msk [tilespmem:v7+s13+$0x0], $0xffff;
	v6 =	vshra.s32 v2, $0x1;
	v5 =	vadd.f32 v9, v5  }
0x8c8: {  	v0 =	vadd.f32 v40, v0;
	v6 =	vsub.s32 $0x5F3759DF, v6;
	v49 =	vmul.f32 $5.000000000e-01, v4  }
0x8c9: {  	v48 =	vshra.s32 v4, $0x1;
	v50 =	vmul.f32 $5.000000000e-01, v5;
	v32 =	vmul.f32 v6, v32  }
0x8ca: {  	v9 =	vsub.s32 $0x5F3759DF, v48;
	v3 =	vmul.f32 v3, v3;
	v10 =	vmul.f32 v10, v10  }
0x8cb: {  	v1 =	vor.u32 v21, v23;
	v39 =	vmul.f32 v9, v49;
	v32 =	vmul.f32 v6, v32  }
0x8cc: {  	v52 =	vshra.s32 v5, $0x1;
	v7 =	vmul.f32 v7, v7;
	v3 =	vadd.f32 v10, v3  }
0x8cd: {  	v28 =	vld.idx.msk [tilespmem:v28+s13+$0x0], $0xffff;
	v41 =	vsub.s32 $0x5F3759DF, v52;
	v39 =	vmul.f32 v9, v39;
	v32 =	vsub.f32 $1.500000000e+00, v32  }
0x8ce: {  	v30 =	vld.idx.msk [tilespmem:v56+s13+$0x0], $0xffff;
	v40 =	vmul.f32 v41, v50;
	v3 =	vadd.f32 v7, v3;
	v7 =	vor.u32 v19, v23  }
0x8cf: {  	v24 =	vor.u32 v24, v25;
	[tilespmem:s26+$0x400] =	vst v8;
	v42 =	vld.idx.msk [tilespmem:v59+s13+$0x0], $0xffff;
	v6 =	vmul.f32 v6, v32;
	v55 =	vsub.f32 $1.500000000e+00, v39  }
0x8d0: {  	v29 =	vadd.f32 v31, v29;
	v8 =	vor.u32 v43, v34;
	v56 =	vld.idx.msk [tilespmem:v60+s13+$0x0], $0xffff;
	v40 =	vmul.f32 v41, v40  }
0x8d1: {  	v59 =	vor.u32 v14, v33;
	v1 =	vld.idx.msk [tilespmem:v1+s13+$0x0], $0xffff;
	v9 =	vmul.f32 v9, v55;
	v2 =	vmul.f32 v6, v2  }
0x8d2: {  	v58 =	vsub.f32 $1.500000000e+00, v40;
	v6 =	vld.idx.msk [tilespmem:v53+s13+$0x0], $0xffff;
	v60 =	vshra.s32 v3, $0x1;
	v44 =	vmul.f32 $5.000000000e-01, v3  }
0x8d3: {  	v30 =	vmul.f32 v30, v30;
	v10 =	vsub.s32 $0x5F3759DF, v60;
	v4 =	vmul.f32 v9, v4;
	[tilespmem:s29+$0x60] =	vst v2;
	v7 =	vld.idx.msk [tilespmem:v7+s13+$0x0], $0xffff  }
0x8d4: {  	v48 =	vor.u32 v43, v33;
	v39 =	vmul.f32 v41, v58;
	v40 =	vmul.f32 v10, v44;
	v27 =	vld.idx.msk [tilespmem:v27+s13+$0x0], $0xffff  }
0x8d5: {  	v57 =	vmul.f32 v42, v42;
	v53 =	vor.u32 v15, v33;
	v8 =	vld.idx.msk [tilespmem:v8+s13+$0x0], $0xffff;
	[tilespmem:s28+$0x60] =	vst v4  }
0x8d6: {  	v2 =	vor.u32 v14, v36;
	v5 =	vmul.f32 v39, v5;
	v49 =	vmul.f32 v10, v40;
	v14 =	vld [tilespmem:$0x1FF20]  }
0x8d7: {  	v34 =	vmul.f32 v56, v56;
	v30 =	vadd.f32 v57, v30;
	v26 =	vld.idx.msk [tilespmem:v26+s13+$0x0], $0xffff;
	v4 =	vor.u32 v43, v36  }
0x8d8: {  	v1 =	vmul.f32 v1, v1;
	v55 =	vor.u32 v15, v36;
	v52 =	vld.idx.msk [tilespmem:v59+s13+$0x0], $0xffff;
	[tilespmem:s30+$0x60] =	vst v5;
	v5 =	vsub.f32 $1.500000000e+00, v49  }
0x8d9: {  	v56 =	vor.u32 v18, v37;
	v9 =	vld.idx.msk [tilespmem:v48+s13+$0x0], $0xffff;
	v6 =	vmul.f32 v6, v6;
	v7 =	vmul.f32 v7, v7  }
0x8da: {  	v0 =	vadd.f32 v30, v0;
	v1 =	vadd.f32 v1, v34;
	v59 =	vld.idx.msk [tilespmem:v53+s13+$0x0], $0xffff;
	v5 =	vmul.f32 v10, v5  }
0x8db: {  	v58 =	vmul.f32 v28, v28;
	v2 =	vld.idx.msk [tilespmem:v2+s13+$0x0], $0xffff;
	v50 =	vor.u32 v14, v22;
	v6 =	vadd.f32 v7, v6  }
0x8dc: {  	v8 =	vmul.f32 v8, v8;
	v4 =	vld.idx.msk [tilespmem:v4+s13+$0x0], $0xffff;
	v7 =	vor.u32 v13, v37;
	v3 =	vmul.f32 v5, v3  }
0x8dd: {  	v39 =	vld.idx.msk [tilespmem:v55+s13+$0x0], $0xffff;
	v5 =	vor.u32 v62, v37;
	v1 =	vadd.f32 v6, v1;
	v6 =	vmul.f32 v27, v27  }
0x8de: {  	v41 =	vor.u32 v17, v37;
	v60 =	vor.u32 v61, v37;
	v40 =	vmul.f32 v26, v26;
	[tilespmem:s0+$0x70] =	vst v3  }
0x8df: {  	v23 =	vor.u32 v14, v23;
	v38 =	vmul.f32 v52, v52;
	v3 =	vadd.f32 v8, v6;
	v8 =	vld.idx.msk [tilespmem:v56+s13+$0x0], $0xffff  }
0x8e0: {  	v22 =	vadd.f32 v29, v58;
	v42 =	vmul.f32 v59, v59;
	v6 =	vmul.f32 v9, v9;
	v57 =	vld.idx.msk [tilespmem:v50+s13+$0x0], $0xffff  }
0x8e1: {  	v2 =	vmul.f32 v2, v2;
	v4 =	vmul.f32 v4, v4;
	v7 =	vld.idx.msk [tilespmem:v7+s13+$0x0], $0xffff;
	v3 =	vadd.f32 v40, v3  }
0x8e2: {  	v59 =	vor.u32 v62, v24;
	v43 =	vmul.f32 v39, v39;
	v5 =	vld.idx.msk [tilespmem:v5+s13+$0x0], $0xffff;
	v6 =	vadd.f32 v6, v38  }
0x8e3: {  	v2 =	vadd.f32 v4, v2;
	v44 =	vshra.s32 v3, $0x1;
	v48 =	vmul.f32 $5.000000000e-01, v3  }
0x8e4: {  	v4 =	vld.idx.msk [tilespmem:v60+s13+$0x0], $0xffff;
	v40 =	vor.u32 v13, v33;
	v6 =	vadd.f32 v42, v6;
	v49 =	vsub.s32 $0x5F3759DF, v44  }
0x8e5: {  	v2 =	vadd.f32 v43, v2;
	v8 =	vmul.f32 v8, v8;
	v50 =	vmul.f32 v49, v48  }
0x8e6: {  	v42 =	vor.u32 v62, v33;
	v10 =	vmul.f32 v57, v57;
	v7 =	vmul.f32 v7, v7  }
0x8e7: {  	v52 =	vshra.s32 v6, $0x1;
	v5 =	vmul.f32 v5, v5;
	v26 =	vmul.f32 v49, v50  }
0x8e8: {  	v9 =	vld.idx.msk [tilespmem:v41+s13+$0x0], $0xffff;
	v53 =	vshra.s32 v2, $0x1;
	v55 =	vmul.f32 $5.000000000e-01, v6;
	v56 =	vmul.f32 $5.000000000e-01, v2  }
0x8e9: {  	v4 =	vmul.f32 v4, v4;
	v27 =	vsub.s32 $0x5F3759DF, v52;
	v26 =	vsub.f32 $1.500000000e+00, v26  }
0x8ea: {  	v28 =	vsub.s32 $0x5F3759DF, v53;
	v29 =	vmul.f32 v27, v55;
	v7 =	vadd.f32 v7, v8  }
0x8eb: {  	v23 =	vld.idx.msk [tilespmem:v23+s13+$0x0], $0xffff;
	v8 =	vor.u32 v18, v24;
	v4 =	vadd.f32 v4, v5;
	v25 =	vmul.f32 v49, v26  }
0x8ec: {  	v57 =	vor.u32 v13, v24;
	v5 =	vmul.f32 v28, v56;
	v29 =	vmul.f32 v27, v29  }
0x8ed: {  	v4 =	vadd.f32 v4, v7;
	v7 =	vmul.f32 v9, v9;
	v3 =	vmul.f32 v25, v3  }
0x8ee: {  	v43 =	vor.u32 v61, v33;
	v50 =	vor.u32 v17, v24;
	v58 =	vsub.f32 $1.500000000e+00, v29  }
0x8ef: {  	v5 =	vmul.f32 v28, v5;
	v4 =	vadd.f32 v4, v7;
	v7 =	vor.u32 v61, v24;
	[tilespmem:s29+$0x70] =	vst v3  }
0x8f0: {  	v60 =	vmul.f32 v23, v23;
	v48 =	vshra.s32 v22, $0x1;
	v38 =	vmul.f32 v27, v58;
	v8 =	vld.idx.msk [tilespmem:v8+s13+$0x0], $0xffff  }
0x8f1: {  	v52 =	vor.u32 v13, v36;
	v53 =	vor.u32 v62, v36;
	v5 =	vsub.f32 $1.500000000e+00, v5;
	v9 =	vld.idx.msk [tilespmem:v57+s13+$0x0], $0xffff  }
0x8f2: {  	v23 =	vadd.f32 v0, v10;
	v49 =	vmul.f32 $5.000000000e-01, v22;
	v6 =	vmul.f32 v38, v6;
	v25 =	vld.idx.msk [tilespmem:v59+s13+$0x0], $0xffff  }
0x8f3: {  	v0 =	vsub.s32 $0x5F3759DF, v48;
	v5 =	vmul.f32 v28, v5;
	v3 =	vor.u32 v18, v33;
	v34 =	vld.idx.msk [tilespmem:v50+s13+$0x0], $0xffff  }
0x8f4: {  	v56 =	vmul.f32 v0, v49;
	v39 =	vshra.s32 v4, $0x1;
	v41 =	vmul.f32 $5.000000000e-01, v4;
	[tilespmem:s28+$0x70] =	vst v6;
	v6 =	vld.idx.msk [tilespmem:v7+s13+$0x0], $0xffff  }
0x8f5: {  	v58 =	vor.u32 v17, v33;
	v26 =	vsub.s32 $0x5F3759DF, v39;
	v2 =	vmul.f32 v5, v2;
	v27 =	vld.idx.msk [tilespmem:v40+s13+$0x0], $0xffff  }
0x8f6: {  	v39 =	vor.u32 v17, v36;
	v44 =	vmul.f32 v26, v41;
	v57 =	vor.u32 v61, v36;
	v55 =	vld.idx.msk [tilespmem:v42+s13+$0x0], $0xffff  }
0x8f7: {  	v41 =	vor.u32 v21, v37;
	v7 =	vor.u32 v18, v36;
	[tilespmem:s30+$0x70] =	vst v2;
	v2 =	vld.idx.msk [tilespmem:v43+s13+$0x0], $0xffff  }
0x8f8: {  	v50 =	vor.u32 v20, v37;
	v5 =	vmul.f32 v26, v44;
	v40 =	vshra.s32 v23, $0x1;
	v3 =	vld.idx.msk [tilespmem:v3+s13+$0x0], $0xffff  }
0x8f9: {  	v38 =	vld.idx.msk [tilespmem:v53+s13+$0x0], $0xffff;
	v29 =	vsub.s32 $0x5F3759DF, v40;
	v8 =	vmul.f32 v8, v8;
	v9 =	vmul.f32 v9, v9  }
0x8fa: {  	v59 =	vmul.f32 v25, v25;
	v25 =	vadd.f32 v1, v60;
	v60 =	vld.idx.msk [tilespmem:v52+s13+$0x0], $0xffff;
	v6 =	vmul.f32 v6, v6  }
0x8fb: {  	v53 =	vor.u32 v19, v37;
	v5 =	vsub.f32 $1.500000000e+00, v5;
	v28 =	vld.idx.msk [tilespmem:v57+s13+$0x0], $0xffff;
	v8 =	vadd.f32 v9, v8  }
0x8fc: {  	v7 =	vld.idx.msk [tilespmem:v7+s13+$0x0], $0xffff;
	v27 =	vmul.f32 v27, v27;
	v30 =	vmul.f32 v55, v55;
	v6 =	vadd.f32 v6, v59  }
0x8fd: {  	v32 =	vld.idx.msk [tilespmem:v58+s13+$0x0], $0xffff;
	v40 =	vor.u32 v19, v24;
	v2 =	vmul.f32 v2, v2;
	v3 =	vmul.f32 v3, v3  }
0x8fe: {  	v34 =	vmul.f32 v34, v34;
	v1 =	vmul.f32 v26, v5;
	v6 =	vadd.f32 v6, v8  }
0x8ff: {  	v5 =	vmul.f32 $5.000000000e-01, v23;
	v2 =	vadd.f32 v2, v30;
	v3 =	vadd.f32 v27, v3  }
0x900: {  	v10 =	vld.idx.msk [tilespmem:v39+s13+$0x0], $0xffff;
	v26 =	vmul.f32 v60, v60;
	v42 =	vmul.f32 v28, v28;
	v6 =	vadd.f32 v6, v34  }
0x901: {  	v7 =	vmul.f32 v7, v7;
	v2 =	vadd.f32 v2, v3;
	v3 =	vmul.f32 v38, v38  }
0x902: {  	v43 =	vmul.f32 v32, v32;
	v44 =	vshra.s32 v6, $0x1;
	v48 =	vmul.f32 $5.000000000e-01, v6  }
0x903: {  	v7 =	vadd.f32 v26, v7;
	v3 =	vadd.f32 v42, v3;
	v49 =	vsub.s32 $0x5F3759DF, v44  }
0x904: {  	v1 =	vmul.f32 v1, v4;
	v2 =	vadd.f32 v2, v43;
	v4 =	vmul.f32 v49, v48  }
0x905: {  	v55 =	vmul.f32 v0, v56;
	v3 =	vadd.f32 v3, v7;
	v7 =	vmul.f32 v10, v10  }
0x906: {  	v52 =	vshra.s32 v2, $0x1;
	v28 =	vmul.f32 $5.000000000e-01, v2;
	v4 =	vmul.f32 v49, v4  }
0x907: {  	v56 =	vor.u32 v47, v24;
	v3 =	vadd.f32 v3, v7;
	v7 =	vsub.s32 $0x5F3759DF, v52  }
0x908: {  	v8 =	vor.u32 v47, v37;
	v10 =	vmul.f32 v7, v28;
	v4 =	vsub.f32 $1.500000000e+00, v4  }
0x909: {  	v59 =	vor.u32 v21, v24;
	[tilespmem:s0+$0x400] =	vst v1;
	v1 =	vor.u32 v14, v37;
	v57 =	vmul.f32 $5.000000000e-01, v3  }
0x90a: {  	v27 =	vld.idx.msk [tilespmem:v41+s13+$0x0], $0xffff;
	v58 =	vshra.s32 v3, $0x1;
	v10 =	vmul.f32 v7, v10;
	v4 =	vmul.f32 v49, v4  }
0x90b: {  	v5 =	vmul.f32 v29, v5;
	v60 =	vor.u32 v20, v24;
	v30 =	vld.idx.msk [tilespmem:v53+s13+$0x0], $0xffff;
	v34 =	vsub.s32 $0x5F3759DF, v58  }
0x90c: {  	v26 =	vld.idx.msk [tilespmem:v50+s13+$0x0], $0xffff;
	v32 =	vmul.f32 v34, v57;
	v10 =	vsub.f32 $1.500000000e+00, v10;
	v4 =	vmul.f32 v4, v6  }
0x90d: {  	v41 =	vor.u32 v47, v33;
	v50 =	vor.u32 v21, v36;
	v8 =	vld.idx.msk [tilespmem:v8+s13+$0x0], $0xffff;
	v6 =	vsub.f32 $1.500000000e+00, v55  }
0x90e: {  	v1 =	vld.idx.msk [tilespmem:v1+s13+$0x0], $0xffff;
	v32 =	vmul.f32 v34, v32;
	v7 =	vmul.f32 v7, v10;
	[tilespmem:s29+$0x400] =	vst v4  }
0x90f: {  	v4 =	vmul.f32 v29, v5;
	v0 =	vmul.f32 v0, v6;
	v5 =	vor.u32 v21, v33;
	v6 =	vld.idx.msk [tilespmem:v56+s13+$0x0], $0xffff  }
0x910: {  	v42 =	vor.u32 v20, v33;
	v32 =	vsub.f32 $1.500000000e+00, v32;
	v37 =	vld.idx.msk [tilespmem:v60+s13+$0x0], $0xffff;
	v2 =	vmul.f32 v7, v2  }
0x911: {  	v44 =	vor.u32 v19, v33;
	v43 =	vmul.f32 v27, v27;
	v48 =	vor.u32 v47, v36;
	v7 =	vld.idx.msk [tilespmem:v59+s13+$0x0], $0xffff  }
0x912: {  	v8 =	vmul.f32 v8, v8;
	v32 =	vmul.f32 v34, v32;
	[tilespmem:s28+$0x400] =	vst v2;
	v2 =	vld.idx.msk [tilespmem:v40+s13+$0x0], $0xffff  }
0x913: {  	v26 =	vmul.f32 v26, v26;
	v52 =	vor.u32 v20, v36;
	v49 =	vmul.f32 v30, v30;
	v10 =	vld.idx.msk [tilespmem:v41+s13+$0x0], $0xffff  }
0x914: {  	v8 =	vadd.f32 v43, v8;
	v57 =	vshra.s32 v25, $0x1;
	v3 =	vmul.f32 v32, v3;
	v5 =	vld.idx.msk [tilespmem:v5+s13+$0x0], $0xffff  }
0x915: {  	v53 =	vadd.f32 v49, v26;
	v56 =	vor.u32 v19, v36;
	v4 =	vsub.f32 $1.500000000e+00, v4;
	v55 =	vld.idx.msk [tilespmem:v42+s13+$0x0], $0xffff  }
0x916: {  	v24 =	vor.u32 v14, v24;
	v1 =	vmul.f32 v1, v1;
	v58 =	vsub.s32 $0x5F3759DF, v57;
	v27 =	vld.idx.msk [tilespmem:v44+s13+$0x0], $0xffff;
	[tilespmem:s30+$0x400] =	vst v3  }
0x917: {  	v8 =	vadd.f32 v53, v8;
	v0 =	vmul.f32 v0, v22;
	v4 =	vmul.f32 v29, v4;
	v59 =	vld.idx.msk [tilespmem:v48+s13+$0x0], $0xffff  }
0x918: {  	v60 =	vor.u32 v14, v33;
	v6 =	vmul.f32 v6, v6;
	v3 =	vmul.f32 $5.000000000e-01, v25;
	v30 =	vld.idx.msk [tilespmem:v50+s13+$0x0], $0xffff  }
0x919: {  	v36 =	vor.u32 v14, v36;
	v38 =	vmul.f32 v37, v37;
	v7 =	vmul.f32 v7, v7;
	v32 =	vld.idx.msk [tilespmem:v52+s13+$0x0], $0xffff  }
0x91a: {  	v28 =	vld.idx.msk [tilespmem:v56+s13+$0x0], $0xffff;
	v3 =	vmul.f32 v58, v3;
	v2 =	vmul.f32 v2, v2  }
0x91b: {  	v39 =	vld.idx.msk [tilespmem:v24+s13+$0x0], $0xffff;
	v1 =	vadd.f32 v8, v1;
	v8 =	vmul.f32 v10, v10;
	v5 =	vmul.f32 v5, v5  }
0x91c: {  	v6 =	vadd.f32 v7, v6;
	v7 =	vmul.f32 v55, v55;
	v2 =	vadd.f32 v2, v38  }
0x91d: {  	v40 =	vld.idx.msk [tilespmem:v60+s13+$0x0], $0xffff;
	v3 =	vmul.f32 v58, v3;
	v5 =	vadd.f32 v5, v8;
	v8 =	vmul.f32 v27, v27  }
0x91e: {  	v42 =	vld.idx.msk [tilespmem:v36+s13+$0x0], $0xffff;
	v2 =	vadd.f32 v2, v6;
	v6 =	vmul.f32 v59, v59;
	v41 =	vmul.f32 v30, v30  }
0x91f: {  	v43 =	vmul.f32 v32, v32;
	v28 =	vmul.f32 v28, v28  }
0x920: {  	v10 =	vmul.f32 v39, v39;
	v3 =	vsub.f32 $1.500000000e+00, v3;
	v7 =	vadd.f32 v8, v7  }
0x921: {  	v44 =	vmul.f32 $5.000000000e-01, v1;
	v6 =	vadd.f32 v41, v6;
	v28 =	vadd.f32 v28, v43  }
0x922: {  	v2 =	vadd.f32 v2, v10;
	v5 =	vadd.f32 v7, v5;
	v7 =	vmul.f32 v40, v40  }
0x923: {  	v48 =	vmul.f32 v42, v42;
	v8 =	vshra.s32 v1, $0x1;
	v6 =	vadd.f32 v28, v6  }
0x924: {  	v49 =	vshra.s32 v2, $0x1;
	v50 =	vmul.f32 $5.000000000e-01, v2;
	v5 =	vadd.f32 v5, v7  }
0x925: {  	v8 =	vsub.s32 $0x5F3759DF, v8;
	v24 =	vsub.s32 $0x5F3759DF, v49;
	v6 =	vadd.f32 v6, v48  }
0x926: {  	v7 =	vmul.f32 v8, v44;
	v52 =	vmul.f32 v24, v50;
	v53 =	vshra.s32 v5, $0x1  }
0x927: {  	v55 =	vmul.f32 $5.000000000e-01, v5;
	v56 =	vshra.s32 v6, $0x1;
	v57 =	vmul.f32 $5.000000000e-01, v6  }
0x928: {  	v7 =	vmul.f32 v8, v7;
	v26 =	vsub.s32 $0x5F3759DF, v53;
	v28 =	vsub.s32 $0x5F3759DF, v56  }
0x929: {  	v27 =	vmul.f32 v26, v55;
	v29 =	vmul.f32 v28, v57  }
0x92a: {  	v3 =	vmul.f32 v58, v3;
	v10 =	vmul.f32 v24, v52;
	v7 =	vsub.f32 $1.500000000e+00, v7  }
0x92b: {  	v58 =	vmul.f32 v26, v27;
	v59 =	vmul.f32 v28, v29  }
0x92c: {  	v4 =	vmul.f32 v4, v23;
	v10 =	vsub.f32 $1.500000000e+00, v10;
	v7 =	vmul.f32 v8, v7  }
0x92d: {  	[tilespmem:s24+$0x410] =	vst v0;
	v3 =	vmul.f32 v3, v25;
	v8 =	vsub.f32 $1.500000000e+00, v58;
	v60 =	vsub.f32 $1.500000000e+00, v59  }
0x92e: {  	[tilespmem:s25+$0x410] =	vst v4;
	v0 =	vmul.f32 v24, v10;
	v1 =	vmul.f32 v7, v1  }
0x92f: {  	s21 =	sadd.s32 $0x1, s21;
	[tilespmem:s26+$0x410] =	vst v3;
	v4 =	vmul.f32 v26, v8;
	v3 =	vmul.f32 v28, v60  }
0x930: {  	p0 =	sne.s32 s21, $0x14;
	[tilespmem:s23+$0x410] =	vst v35;
	v0 =	vmul.f32 v0, v2  }
.Ltmp4:
0x931: {  	[tilespmem:s0+$0x410] =	vst v1;
	v1 =	vmul.f32 v4, v5;
	v2 =	vmul.f32 v3, v6;
	(pc) =	sbr.rel @p0 .LBB2_6-.Ltmp4, $4  }
0x932: {  	[tilespmem:s29+$0x410] =	vst v0;
	s29 =	smul.u32 $0xA00, s22  }
0x933: {  	[tilespmem:s28+$0x410] =	vst v1  }
0x934: {  	s31 =	simm.s32 $0x19000;
	v18 =	vmov v47;
	v7 =	vmov v46;
	s0 =	sadd.s32 s5, s29;
	[tilespmem:s30+$0x410] =	vst v2  }
0x935: {  	v5 =	vmovc v12;
	v12 =	vmovc v17;
	v4 =	vmov v21;
	[hbm4b:s0+s2] =	stream.linear.scatter [tilespmem:s31], [sflag:$0x4], $0x5000, $0x38;
	v1 =	vmov v11;
	v2 =	vmov v45;
	[tilespmem:$0x1E000] =	vst v63  }
0x936: {  	_ =	swait.ge [sflag:s14], $0xA000  }
0x937: {  	[sflag:s14] =	ssyncset.done $0x0  }
0x938: {  	[sflag:s14] =	ssyncadd.s32 $0xFFFF6000  }
0x939: {  	_ =	swait.ge [sflag:s18], $0x5000  }
0x93a: {  	[sflag:s18] =	ssyncset.done $0x0  }
0x93b: {  	[sflag:s18] =	ssyncadd.s32 $0xFFFFB000  }
0x93c: {  	_ =	swait.ge [sflag:s19], $0x5000  }
0x93d: {  	s1 =	rddreg [dreg:$0xa]  }
0x93e: {  	s0 =	rddreg [dreg:$0x9];
	s1 =	sadd.s32 $0x1, s1  }
0x93f: {  	p0 =	sne.s32 s1, s0  }
.Ltmp5:
0x940: {  	_ = 	snop;
	(pc) =	sbr.rel @p0 .LBB2_1-.Ltmp5, $3  }
0x941: {  	_ =	sdelay $0x1  }
0x942: {  	[sflag:s19] =	ssyncset.done $0x0  }
0x943: {  	[sflag:s19] =	ssyncadd.s32 $0xFFFFB000  }
0x944: {  	_ =	sfence.sel $0x180000  }
0x945: {  	[bflag:$0x0] =	sbarrier.arrive $0xFFFF  }
0x946: {  	_ =	strace $0x90000047  }
0x947: {  	s0 =	stileid.u32;
	[bflag:$0x2] =	sbarrier.arrive $0xFFFF  }
0x948: {  	p0 =	sne.s32 s0, $0x0;
	s0 =	rddreg [dreg:$0x1]  }
0x949: {  	s0 =	sadd.s32 @!p0 $0x100000, s0  }
0x94a: {  	[sflag:s0] =	ssyncadd.tile.s32 @!p0 $0x1;
	_ =	shalt  }
.Lfunc_end2:
_tile_overlayer_lowered:
.L_overlay_start_2:
0x94b: {  	(tag) =	ssettag $0x2  }
0x94c: {  	s0 =	rddreg [dreg:$0x0];
	s2 =	stileid.u32  }
0x94d: {  	s1 =	rddreg [dreg:$0x1];
	p0 =	sne.s32 s2, $0x0  }
0x94e: {  	s3 =	rddreg [dreg:$0x2];
	[bflag:$0x3] =	sbarrier.arrive $0xFFFF;
	s2 =	simm.s32 @!p0 $0x1C05  }
0x94f: {  	[timem:s3], [sflag:s2] =	dma.local @!p0 [hbm:s0], s1  }
0x950: {  	s0 =	simm.s32 @!p0 $0x5  }
0x951: {  	_ =	swait.ge @!p0 [sflag:s0], s1  }
0x952: {  	s1 =	ssub.s32 @!p0 $0x0, s1;
	[sflag:s0] =	ssyncset.done @!p0 $0x0  }
0x953: {  	[sflag:s0] =	ssyncadd.s32 @!p0 s1  }
0x954: {  	[bflag:$0x3] =	sbarrier.arrive $0xFFFF  }
0x955: {  	_ =	shalt  }

</sc_bundles>
